<compile_context>
chip_gen: v7x
topology: tpu7x:2x2x1
jax: 0.10.2.dev20260603
libtpu: 0.0.44.dev20260713+nightly
codegen_flags: <defaults>
</compile_context>

<pallas_src>
import functools

import jax
import jax.numpy as jnp
import numpy as np
from jax import lax
from jax.experimental import pallas as pl
from jax.experimental.pallas import tpu as pltpu
from jax.experimental.pallas import tpu_sc as plsc

_H = np.array([[1, 1, 1, 0, 0, 0, 0],
               [0, 0, 1, 1, 1, 0, 0],
               [0, 1, 0, 0, 1, 1, 0],
               [1, 0, 0, 1, 0, 0, 1]], dtype=np.int32)
_N_CHECK, _N_VAR = _H.shape
_ROWS_A = {j: tuple(np.nonzero(_H[j, :])[0]) for j in range(_N_CHECK)}
_ROWS_B = {j: tuple(np.nonzero(_H[:, j])[0]) for j in range(_N_VAR)}


def _piece(j_var, j_check):
    a, b, c = _ROWS_A[j_check]
    if j_var <= a:
        return 0
    if j_var <= b:
        return 1
    if j_var <= c:
        return 2
    return 3


_ATAN_COEFS = (0.9999999227775808, -0.3333223261884916,
               0.19974028577855146, -0.14047821231521532,
               0.10002205256155665, -0.060874482225883104,
               0.02533170106838392, -0.005021063912855652)


def _two_atan_exp(x):
    c0, c1, c2, c3, c4, c5, c6, c7 = (jnp.float32(c) for c in _ATAN_COEFS)
    t = jnp.exp(-jnp.abs(x))
    u = t * t
    u2 = u * u
    u4 = u2 * u2
    p = ((c0 + c1 * u) + u2 * (c2 + c3 * u)
         + u4 * ((c4 + c5 * u) + u2 * (c6 + c7 * u)))
    a = t * p
    return jnp.where(x <= 0, 2.0 * a, jnp.float32(np.pi) - 2.0 * a)


def _tanh(x):
    return 1.0 - 2.0 / (jnp.exp(2.0 * x) + 1.0)


_DNUMS = lax.GatherDimensionNumbers(
    offset_dims=(), collapsed_slice_dims=(0,), start_index_map=(0,))


def _shuf(x, idx):
    return lax.gather(x, idx[:, None], _DNUMS, (1,),
                      mode=lax.GatherScatterMode.PROMISE_IN_BOUNDS)


def _lane_sum(x, lane):
    for k in (1, 2, 4, 8):
        x = x + _shuf(x, jnp.bitwise_xor(lane, k))
    return x


def _sc_body(llr_hbm, n_hbm, out_hbm, llr_v, n_v, out_v):
    f32 = jnp.float32
    wid = lax.axis_index("s") * 2 + lax.axis_index("c")

    @pl.when(wid == 0)
    def _():
        pltpu.sync_copy(llr_hbm, llr_v)
        pltpu.sync_copy(n_hbm, n_v)
        lane = lax.iota(jnp.int32, 16)
        in7 = lane < _N_VAR
        zero = jnp.zeros((16,), f32)

        sgn = [jnp.sign(llr_v[j]) for j in range(_N_CHECK)]

        t0 = jnp.where(in7, f32(np.tanh(0.5)), 0.0)
        st0 = (t0,) * (3 * _N_CHECK) + (zero,) * (_N_CHECK * _N_VAR)

        def one_iter(_, st):
            ta = list(st[0:_N_CHECK])
            tb = list(st[_N_CHECK:2 * _N_CHECK])
            tc = list(st[2 * _N_CHECK:3 * _N_CHECK])
            mc = list(st[3 * _N_CHECK:])
            pieces = []
            for j in range(_N_CHECK):
                v_a = sgn[j] * (ta[j] * tb[j] * tc[j])
                ta[j] = _tanh(0.5 * v_a)
                v_b = sgn[j] * (ta[j] * tb[j] * tc[j])
                tb[j] = _tanh(0.5 * v_b)
                v_c = sgn[j] * (ta[j] * tb[j] * tc[j])
                tc[j] = _tanh(0.5 * v_c)
                v_d = sgn[j] * (ta[j] * tb[j] * tc[j])
                pieces.append((v_a, v_b, v_c, v_d))
            for i in range(_N_CHECK):
                s = [_lane_sum(mc[r * _N_VAR + i], lane)
                     for r in range(_N_CHECK)]
                for j in range(_N_VAR):
                    tot = zero
                    for r in _ROWS_B[j]:
                        tot = tot + s[r]
                    sm = tot - pieces[i][_piece(j, i)]
                    v = _two_atan_exp(0.5 * sm)
                    mc[i * _N_VAR + j] = jnp.where(in7, v, 0.0)
                    if j == i:
                        s[i] = _lane_sum(mc[i * _N_VAR + i], lane)
            return tuple(ta) + tuple(tb) + tuple(tc) + tuple(mc)

        n = n_v[...][0]
        st = lax.fori_loop(0, n, one_iter, st0)
        mc = st[3 * _N_CHECK:]

        w = jnp.full((16,), f32(1.0))
        for k in range(_N_CHECK * _N_VAR):
            w = w * jnp.where(in7, _tanh(0.5 * mc[k]), 1.0)
        for k in (1, 2, 4, 8):
            w = w * _shuf(w, jnp.bitwise_xor(lane, k))

        for j in range(_N_CHECK):
            out_v[j] = sgn[j] * w
        pltpu.sync_copy(out_v, out_hbm)


def kernel(llr, max_iter):
    C = llr.shape[2]
    llr_pad = jnp.pad(llr[:, 0, :], ((0, 0), (0, 16 - C)))
    mi = jnp.full((16,), jnp.asarray(max_iter, jnp.int32))
    mesh = plsc.VectorSubcoreMesh(core_axis_name="c", subcore_axis_name="s")
    fn = functools.partial(
        pl.kernel,
        mesh=mesh,
        out_type=jax.ShapeDtypeStruct((_N_CHECK, 16), jnp.float32),
        scratch_types=[
            pltpu.VMEM((_N_CHECK, 16), jnp.float32),
            pltpu.VMEM((16,), jnp.int32),
            pltpu.VMEM((_N_CHECK, 16), jnp.float32),
        ],
    )(_sc_body)
    out16 = fn(llr_pad, mi)
    return out16[:, :C].reshape(llr.shape).astype(llr.dtype)

# --- scband reference (transcript-rebuilt; emitter-appended) ---
"""Pipeline reference for scband-ldpcbelief-propagation-9844065042676 (READ-ONLY COPY).

The authoritative reference and input builder live on the scoring server;
editing this copy changes nothing except your own understanding.
"""

import jax, jax.numpy as jnp
import numpy as np

H_np = np.array([[1, 1, 1, 0, 0, 0, 0],
                 [0, 0, 1, 1, 1, 0, 0],
                 [0, 1, 0, 0, 1, 1, 0],
                 [1, 0, 0, 1, 0, 0, 1]], dtype=np.int32)


def setup_inputs() -> dict:
    llr = jnp.array([[[2.1, -1.3, 0.7, -2.5, 1.8, -0.4, 3.2]],
                     [[-1.1, 2.4, -0.6, 1.5, -2.2, 0.9, -1.7]],
                     [[1.9, -0.8, 2.6, -1.4, 0.5, -2.9, 1.2]],
                     [[-2.3, 1.6, -0.9, 2.8, -1.5, 0.3, -2.0]]], dtype=jnp.float32)
    return {"llr": llr, "max_iter": 5}


def reference(llr, max_iter):
    C = llr.shape[2]
    n_check, n_var = H_np.shape
    m_vc = jnp.ones((n_var, n_check, C), dtype=jnp.float32)
    m_cv = jnp.zeros((n_check, n_var, C), dtype=jnp.float32)

    def body(_, carry):
        m_vc, m_cv = carry
        # variable -> check message updates (sequential in-place semantics)
        for i in range(n_var):
            for j in range(n_check):
                rows = np.nonzero(H_np[j, :] == 1)[0]
                product = jnp.prod(jnp.tanh(0.5 * m_vc[rows, j, :]), axis=0)  # [C]
                val = (jnp.sign(llr[j]) * product)[0]  # [1,C] -> [C]
                m_vc = m_vc.at[i, j, :].set(val)
        # check -> variable message updates (sequential in-place semantics)
        for i in range(n_check):
            for j in range(n_var):
                rows = np.nonzero(H_np[:, j] == 1)[0]
                sum_msgs = jnp.sum(m_cv[rows, i, :]) - m_vc[j, i, :]  # scalar - [C] -> [C]
                m_cv = m_cv.at[i, j, :].set(2.0 * jnp.arctan(jnp.exp(0.5 * sum_msgs)))
        return (m_vc, m_cv)

    m_vc, m_cv = jax.lax.fori_loop(0, max_iter, body, (m_vc, m_cv))
    estimated_bits = jnp.sign(llr) * jnp.prod(jnp.tanh(0.5 * m_cv))
    return estimated_bits

if __name__ == "__main__":
    import jax
    _d = setup_inputs()
    print(jax.jit(kernel)(*tuple(_d.values())))

</pallas_src>

<mosaic_0001>
#map = affine_map<(d0, d1) -> (0, 0)>
#map1 = affine_map<(d0, d1) -> (0)>
module attributes {stable_mosaic.version = 14 : i64} {
  func.func @_sc_body(%arg0: i32, %arg1: i32, %arg2: memref<4x16xf32, #tpu.memory_space<hbm>>, %arg3: memref<16xi32, #tpu.memory_space<hbm>>, %arg4: memref<4x16xf32, #tpu.memory_space<hbm>>, %arg5: memref<4x16xf32, #tpu.memory_space<vmem>>, %arg6: memref<16xi32, #tpu.memory_space<vmem>>, %arg7: memref<4x16xf32, #tpu.memory_space<vmem>>) attributes {dimension_semantics = [#tpu.dimension_semantics<core_parallel>, #tpu.dimension_semantics<subcore_parallel>], iteration_bounds = array<i64: 2, 16>, scalar_prefetch = 0 : i64, scratch_operands = 3 : i64, tpu.core_type = #tpu.core_type<sc_vector_subcore>, window_params = [{transform_indices = #map}, {transform_indices = #map1}, {transform_indices = #map}]} {
    %mul3A = arith.constant 2 : i32
    %mul3A_0 = arith.muli %arg1, %mul3A : i32
    %add3A = arith.addi %mul3A_0, %arg0 : i32
    %eq3A = arith.constant 0 : i32
    %eq3A_1 = arith.cmpi eq, %add3A, %eq3A : i32
    %convert_element_type3A = arith.extui %eq3A_1 : i1 to i32
    %cond3A = arith.constant 0 : i32
    %cond3A_2 = arith.cmpi ne, %convert_element_type3A, %cond3A : i32
    scf.if %cond3A_2 {
      "tpu.region"() ({
        %run_scoped3A = tpu.sem_alloc : memref<!tpu.dma_semaphore, #tpu.memory_space<semaphore_mem>>
        tpu.enqueue_dma source(%arg2 : memref<4x16xf32, #tpu.memory_space<hbm>>) target(%arg5 : memref<4x16xf32, #tpu.memory_space<vmem>>) target_semaphore(%run_scoped3A : memref<!tpu.dma_semaphore, #tpu.memory_space<semaphore_mem>>)
        tpu.wait_dma2 semaphore(%run_scoped3A : memref<!tpu.dma_semaphore, #tpu.memory_space<semaphore_mem>>) src(%arg2 : memref<4x16xf32, #tpu.memory_space<hbm>>) dst(%arg5 : memref<4x16xf32, #tpu.memory_space<vmem>>)
        tpu.yield
      }) : () -> ()
      "tpu.region"() ({
        %run_scoped3A = tpu.sem_alloc : memref<!tpu.dma_semaphore, #tpu.memory_space<semaphore_mem>>
        tpu.enqueue_dma source(%arg3 : memref<16xi32, #tpu.memory_space<hbm>>) target(%arg6 : memref<16xi32, #tpu.memory_space<vmem>>) target_semaphore(%run_scoped3A : memref<!tpu.dma_semaphore, #tpu.memory_space<semaphore_mem>>)
        tpu.wait_dma2 semaphore(%run_scoped3A : memref<!tpu.dma_semaphore, #tpu.memory_space<semaphore_mem>>) src(%arg3 : memref<16xi32, #tpu.memory_space<hbm>>) dst(%arg6 : memref<16xi32, #tpu.memory_space<vmem>>)
        tpu.yield
      }) : () -> ()
      %iota3A = tpu.iota {dimensions = array<i32: 0>} : vector<16xi32>
      %lt3A = arith.constant 7 : i32
      %lt3A_3 = vector.broadcast %lt3A : i32 to vector<16xi32>
      %lt3A_4 = arith.cmpi slt, %iota3A, %lt3A_3 : vector<16xi32>
      %broadcast_in_dim3A = arith.constant 0.000000e+00 : f32
      %broadcast_in_dim3A_5 = vector.broadcast %broadcast_in_dim3A : f32 to vector<16xf32>
      %get3A = arith.constant 0 : i32
      %get3A_6 = arith.index_cast %get3A : i32 to index
      %get3A_7 = arith.constant 0 : index
      %get3A_8 = tpu.vector_load %arg5[%get3A_6, %get3A_7] {strides = array<i32>} : memref<4x16xf32, #tpu.memory_space<vmem>>, vector<1x16xf32>,
      %get3A_9 = vector.shape_cast %get3A_8 : vector<1x16xf32> to vector<16xf32>
      %sign3A = tpu.bitcast %get3A_9 : vector<16xf32> -> vector<16xi32>
      %sign3A_10 = arith.constant -2147483648 : i32
      %sign3A_11 = vector.broadcast %sign3A_10 : i32 to vector<16xi32>
      %sign3A_12 = arith.andi %sign3A, %sign3A_11 : vector<16xi32>
      %sign3A_13 = arith.constant 1065353216 : i32
      %sign3A_14 = vector.broadcast %sign3A_13 : i32 to vector<16xi32>
      %sign3A_15 = arith.ori %sign3A_14, %sign3A_12 : vector<16xi32>
      %sign3A_16 = tpu.bitcast %sign3A_15 : vector<16xi32> -> vector<16xf32>
      %sign3A_17 = math.absf %get3A_9 : vector<16xf32>
      %sign3A_18 = arith.constant 0.000000e+00 : f32
      %sign3A_19 = vector.broadcast %sign3A_18 : f32 to vector<16xf32>
      %sign3A_20 = arith.cmpf ogt, %sign3A_17, %sign3A_19 : vector<16xf32>
      %sign3A_21 = arith.select %sign3A_20, %sign3A_16, %get3A_9 : vector<16xi1>, vector<16xf32>
      %get3A_22 = arith.constant 1 : i32
      %get3A_23 = arith.index_cast %get3A_22 : i32 to index
      %get3A_24 = arith.constant 0 : index
      %get3A_25 = tpu.vector_load %arg5[%get3A_23, %get3A_24] {strides = array<i32>} : memref<4x16xf32, #tpu.memory_space<vmem>>, vector<1x16xf32>,
      %get3A_26 = vector.shape_cast %get3A_25 : vector<1x16xf32> to vector<16xf32>
      %sign3A_27 = tpu.bitcast %get3A_26 : vector<16xf32> -> vector<16xi32>
      %sign3A_28 = arith.constant -2147483648 : i32
      %sign3A_29 = vector.broadcast %sign3A_28 : i32 to vector<16xi32>
      %sign3A_30 = arith.andi %sign3A_27, %sign3A_29 : vector<16xi32>
      %sign3A_31 = arith.constant 1065353216 : i32
      %sign3A_32 = vector.broadcast %sign3A_31 : i32 to vector<16xi32>
      %sign3A_33 = arith.ori %sign3A_32, %sign3A_30 : vector<16xi32>
      %sign3A_34 = tpu.bitcast %sign3A_33 : vector<16xi32> -> vector<16xf32>
      %sign3A_35 = math.absf %get3A_26 : vector<16xf32>
      %sign3A_36 = arith.constant 0.000000e+00 : f32
      %sign3A_37 = vector.broadcast %sign3A_36 : f32 to vector<16xf32>
      %sign3A_38 = arith.cmpf ogt, %sign3A_35, %sign3A_37 : vector<16xf32>
      %sign3A_39 = arith.select %sign3A_38, %sign3A_34, %get3A_26 : vector<16xi1>, vector<16xf32>
      %get3A_40 = arith.constant 2 : i32
      %get3A_41 = arith.index_cast %get3A_40 : i32 to index
      %get3A_42 = arith.constant 0 : index
      %get3A_43 = tpu.vector_load %arg5[%get3A_41, %get3A_42] {strides = array<i32>} : memref<4x16xf32, #tpu.memory_space<vmem>>, vector<1x16xf32>,
      %get3A_44 = vector.shape_cast %get3A_43 : vector<1x16xf32> to vector<16xf32>
      %sign3A_45 = tpu.bitcast %get3A_44 : vector<16xf32> -> vector<16xi32>
      %sign3A_46 = arith.constant -2147483648 : i32
      %sign3A_47 = vector.broadcast %sign3A_46 : i32 to vector<16xi32>
      %sign3A_48 = arith.andi %sign3A_45, %sign3A_47 : vector<16xi32>
      %sign3A_49 = arith.constant 1065353216 : i32
      %sign3A_50 = vector.broadcast %sign3A_49 : i32 to vector<16xi32>
      %sign3A_51 = arith.ori %sign3A_50, %sign3A_48 : vector<16xi32>
      %sign3A_52 = tpu.bitcast %sign3A_51 : vector<16xi32> -> vector<16xf32>
      %sign3A_53 = math.absf %get3A_44 : vector<16xf32>
      %sign3A_54 = arith.constant 0.000000e+00 : f32
      %sign3A_55 = vector.broadcast %sign3A_54 : f32 to vector<16xf32>
      %sign3A_56 = arith.cmpf ogt, %sign3A_53, %sign3A_55 : vector<16xf32>
      %sign3A_57 = arith.select %sign3A_56, %sign3A_52, %get3A_44 : vector<16xi1>, vector<16xf32>
      %get3A_58 = arith.constant 3 : i32
      %get3A_59 = arith.index_cast %get3A_58 : i32 to index
      %get3A_60 = arith.constant 0 : index
      %get3A_61 = tpu.vector_load %arg5[%get3A_59, %get3A_60] {strides = array<i32>} : memref<4x16xf32, #tpu.memory_space<vmem>>, vector<1x16xf32>,
      %get3A_62 = vector.shape_cast %get3A_61 : vector<1x16xf32> to vector<16xf32>
      %sign3A_63 = tpu.bitcast %get3A_62 : vector<16xf32> -> vector<16xi32>
      %sign3A_64 = arith.constant -2147483648 : i32
      %sign3A_65 = vector.broadcast %sign3A_64 : i32 to vector<16xi32>
      %sign3A_66 = arith.andi %sign3A_63, %sign3A_65 : vector<16xi32>
      %sign3A_67 = arith.constant 1065353216 : i32
      %sign3A_68 = vector.broadcast %sign3A_67 : i32 to vector<16xi32>
      %sign3A_69 = arith.ori %sign3A_68, %sign3A_66 : vector<16xi32>
      %sign3A_70 = tpu.bitcast %sign3A_69 : vector<16xi32> -> vector<16xf32>
      %sign3A_71 = math.absf %get3A_62 : vector<16xf32>
      %sign3A_72 = arith.constant 0.000000e+00 : f32
      %sign3A_73 = vector.broadcast %sign3A_72 : f32 to vector<16xf32>
      %sign3A_74 = arith.cmpf ogt, %sign3A_71, %sign3A_73 : vector<16xf32>
      %sign3A_75 = arith.select %sign3A_74, %sign3A_70, %get3A_62 : vector<16xi1>, vector<16xf32>
      %jit3A = arith.constant 0.462117165 : f32
      %jit3A_76 = arith.constant 0.000000e+00 : f32
      %broadcast_in_dim3A_77 = vector.broadcast %jit3A : f32 to vector<16xf32>
      %broadcast_in_dim3A_78 = vector.broadcast %jit3A_76 : f32 to vector<16xf32>
      %select_n3A = arith.select %lt3A_4, %broadcast_in_dim3A_77, %broadcast_in_dim3A_78 : vector<16xi1>, vector<16xf32>
      %get3A_79 = arith.constant 0 : index
      %get3A_80 = tpu.vector_load %arg6[%get3A_79] {strides = array<i32>} : memref<16xi32, #tpu.memory_space<vmem>>, vector<16xi32>,
      %get3A_81 = vector.shape_cast %get3A_80 : vector<16xi32> to vector<16xi32>
      %slice3A = vector.extract_strided_slice %get3A_81 {offsets = [0], sizes = [1], strides = [1]} : vector<16xi32> to vector<1xi32>
      %squeeze3A = vector.extract %slice3A[0] : i32 from vector<1xi32>
      %while3A = arith.constant 0 : i32
      %while3A_82 = arith.subi %squeeze3A, %while3A : i32
      %while3A_83 = arith.addi %while3A, %while3A_82 : i32
      %while3A_84 = arith.constant 1 : i32
      %while3A_85 = arith.divsi %while3A_82, %while3A_84 : i32
      %while3A_86 = arith.muli %while3A_85, %while3A_84 : i32
      %while3A_87 = arith.addi %while3A, %while3A_86 : i32
      %while3A_88 = arith.constant 1 : i32
      %while3A_89:40 = scf.for %while3A_704 = %while3A to %while3A_87 step %while3A_88 iter_args(%while3A_705 = %select_n3A, %while3A_706 = %select_n3A, %while3A_707 = %select_n3A, %while3A_708 = %select_n3A, %while3A_709 = %select_n3A, %while3A_710 = %select_n3A, %while3A_711 = %select_n3A, %while3A_712 = %select_n3A, %while3A_713 = %select_n3A, %while3A_714 = %select_n3A, %while3A_715 = %select_n3A, %while3A_716 = %select_n3A, %while3A_717 = %broadcast_in_dim3A_5, %while3A_718 = %broadcast_in_dim3A_5, %while3A_719 = %broadcast_in_dim3A_5, %while3A_720 = %broadcast_in_dim3A_5, %while3A_721 = %broadcast_in_dim3A_5, %while3A_722 = %broadcast_in_dim3A_5, %while3A_723 = %broadcast_in_dim3A_5, %while3A_724 = %broadcast_in_dim3A_5, %while3A_725 = %broadcast_in_dim3A_5, %while3A_726 = %broadcast_in_dim3A_5, %while3A_727 = %broadcast_in_dim3A_5, %while3A_728 = %broadcast_in_dim3A_5, %while3A_729 = %broadcast_in_dim3A_5, %while3A_730 = %broadcast_in_dim3A_5, %while3A_731 = %broadcast_in_dim3A_5, %while3A_732 = %broadcast_in_dim3A_5, %while3A_733 = %broadcast_in_dim3A_5, %while3A_734 = %broadcast_in_dim3A_5, %while3A_735 = %broadcast_in_dim3A_5, %while3A_736 = %broadcast_in_dim3A_5, %while3A_737 = %broadcast_in_dim3A_5, %while3A_738 = %broadcast_in_dim3A_5, %while3A_739 = %broadcast_in_dim3A_5, %while3A_740 = %broadcast_in_dim3A_5, %while3A_741 = %broadcast_in_dim3A_5, %while3A_742 = %broadcast_in_dim3A_5, %while3A_743 = %broadcast_in_dim3A_5, %while3A_744 = %broadcast_in_dim3A_5) -> (vector<16xf32>, vector<16xf32>, vector<16xf32>, vector<16xf32>, vector<16xf32>, vector<16xf32>, vector<16xf32>, vector<16xf32>, vector<16xf32>, vector<16xf32>, vector<16xf32>, vector<16xf32>, vector<16xf32>, vector<16xf32>, vector<16xf32>, vector<16xf32>, vector<16xf32>, vector<16xf32>, vector<16xf32>, vector<16xf32>, vector<16xf32>, vector<16xf32>, vector<16xf32>, vector<16xf32>, vector<16xf32>, vector<16xf32>, vector<16xf32>, vector<16xf32>, vector<16xf32>, vector<16xf32>, vector<16xf32>, vector<16xf32>, vector<16xf32>, vector<16xf32>, vector<16xf32>, vector<16xf32>, vector<16xf32>, vector<16xf32>, vector<16xf32>, vector<16xf32>)  : i32 {
        %mul3A_745 = arith.mulf %while3A_705, %while3A_709 : vector<16xf32>
        %mul3A_746 = arith.mulf %mul3A_745, %while3A_713 : vector<16xf32>
        %mul3A_747 = arith.mulf %sign3A_21, %mul3A_746 : vector<16xf32>
        %mul3A_748 = arith.constant 5.000000e-01 : f32
        %mul3A_749 = vector.broadcast %mul3A_748 : f32 to vector<16xf32>
        %mul3A_750 = arith.mulf %mul3A_749, %mul3A_747 : vector<16xf32>
        %mul3A_751 = arith.constant 2.000000e+00 : f32
        %mul3A_752 = vector.broadcast %mul3A_751 : f32 to vector<16xf32>
        %mul3A_753 = arith.mulf %mul3A_752, %mul3A_750 : vector<16xf32>
        %exp3A_754 = math.exp %mul3A_753 : vector<16xf32>
        %add3A_755 = arith.constant 1.000000e+00 : f32
        %add3A_756 = vector.broadcast %add3A_755 : f32 to vector<16xf32>
        %add3A_757 = arith.addf %exp3A_754, %add3A_756 : vector<16xf32>
        %div3A_758 = arith.constant 2.000000e+00 : f32
        %div3A_759 = vector.broadcast %div3A_758 : f32 to vector<16xf32>
        %div3A_760 = arith.divf %div3A_759, %add3A_757 : vector<16xf32>
        %sub3A_761 = arith.constant 1.000000e+00 : f32
        %sub3A_762 = vector.broadcast %sub3A_761 : f32 to vector<16xf32>
        %sub3A_763 = arith.subf %sub3A_762, %div3A_760 : vector<16xf32>
        %mul3A_764 = arith.mulf %sub3A_763, %while3A_709 : vector<16xf32>
        %mul3A_765 = arith.mulf %mul3A_764, %while3A_713 : vector<16xf32>
        %mul3A_766 = arith.mulf %sign3A_21, %mul3A_765 : vector<16xf32>
        %mul3A_767 = arith.constant 5.000000e-01 : f32
        %mul3A_768 = vector.broadcast %mul3A_767 : f32 to vector<16xf32>
        %mul3A_769 = arith.mulf %mul3A_768, %mul3A_766 : vector<16xf32>
        %mul3A_770 = arith.constant 2.000000e+00 : f32
        %mul3A_771 = vector.broadcast %mul3A_770 : f32 to vector<16xf32>
        %mul3A_772 = arith.mulf %mul3A_771, %mul3A_769 : vector<16xf32>
        %exp3A_773 = math.exp %mul3A_772 : vector<16xf32>
        %add3A_774 = arith.constant 1.000000e+00 : f32
        %add3A_775 = vector.broadcast %add3A_774 : f32 to vector<16xf32>
        %add3A_776 = arith.addf %exp3A_773, %add3A_775 : vector<16xf32>
        %div3A_777 = arith.constant 2.000000e+00 : f32
        %div3A_778 = vector.broadcast %div3A_777 : f32 to vector<16xf32>
        %div3A_779 = arith.divf %div3A_778, %add3A_776 : vector<16xf32>
        %sub3A_780 = arith.constant 1.000000e+00 : f32
        %sub3A_781 = vector.broadcast %sub3A_780 : f32 to vector<16xf32>
        %sub3A_782 = arith.subf %sub3A_781, %div3A_779 : vector<16xf32>
        %mul3A_783 = arith.mulf %sub3A_763, %sub3A_782 : vector<16xf32>
        %mul3A_784 = arith.mulf %mul3A_783, %while3A_713 : vector<16xf32>
        %mul3A_785 = arith.mulf %sign3A_21, %mul3A_784 : vector<16xf32>
        %mul3A_786 = arith.constant 5.000000e-01 : f32
        %mul3A_787 = vector.broadcast %mul3A_786 : f32 to vector<16xf32>
        %mul3A_788 = arith.mulf %mul3A_787, %mul3A_785 : vector<16xf32>
        %mul3A_789 = arith.constant 2.000000e+00 : f32
        %mul3A_790 = vector.broadcast %mul3A_789 : f32 to vector<16xf32>
        %mul3A_791 = arith.mulf %mul3A_790, %mul3A_788 : vector<16xf32>
        %exp3A_792 = math.exp %mul3A_791 : vector<16xf32>
        %add3A_793 = arith.constant 1.000000e+00 : f32
        %add3A_794 = vector.broadcast %add3A_793 : f32 to vector<16xf32>
        %add3A_795 = arith.addf %exp3A_792, %add3A_794 : vector<16xf32>
        %div3A_796 = arith.constant 2.000000e+00 : f32
        %div3A_797 = vector.broadcast %div3A_796 : f32 to vector<16xf32>
        %div3A_798 = arith.divf %div3A_797, %add3A_795 : vector<16xf32>
        %sub3A_799 = arith.constant 1.000000e+00 : f32
        %sub3A_800 = vector.broadcast %sub3A_799 : f32 to vector<16xf32>
        %sub3A_801 = arith.subf %sub3A_800, %div3A_798 : vector<16xf32>
        %mul3A_802 = arith.mulf %sub3A_763, %sub3A_782 : vector<16xf32>
        %mul3A_803 = arith.mulf %mul3A_802, %sub3A_801 : vector<16xf32>
        %mul3A_804 = arith.mulf %sign3A_21, %mul3A_803 : vector<16xf32>
        %mul3A_805 = arith.mulf %while3A_706, %while3A_710 : vector<16xf32>
        %mul3A_806 = arith.mulf %mul3A_805, %while3A_714 : vector<16xf32>
        %mul3A_807 = arith.mulf %sign3A_39, %mul3A_806 : vector<16xf32>
        %mul3A_808 = arith.constant 5.000000e-01 : f32
        %mul3A_809 = vector.broadcast %mul3A_808 : f32 to vector<16xf32>
        %mul3A_810 = arith.mulf %mul3A_809, %mul3A_807 : vector<16xf32>
        %mul3A_811 = arith.constant 2.000000e+00 : f32
        %mul3A_812 = vector.broadcast %mul3A_811 : f32 to vector<16xf32>
        %mul3A_813 = arith.mulf %mul3A_812, %mul3A_810 : vector<16xf32>
        %exp3A_814 = math.exp %mul3A_813 : vector<16xf32>
        %add3A_815 = arith.constant 1.000000e+00 : f32
        %add3A_816 = vector.broadcast %add3A_815 : f32 to vector<16xf32>
        %add3A_817 = arith.addf %exp3A_814, %add3A_816 : vector<16xf32>
        %div3A_818 = arith.constant 2.000000e+00 : f32
        %div3A_819 = vector.broadcast %div3A_818 : f32 to vector<16xf32>
        %div3A_820 = arith.divf %div3A_819, %add3A_817 : vector<16xf32>
        %sub3A_821 = arith.constant 1.000000e+00 : f32
        %sub3A_822 = vector.broadcast %sub3A_821 : f32 to vector<16xf32>
        %sub3A_823 = arith.subf %sub3A_822, %div3A_820 : vector<16xf32>
        %mul3A_824 = arith.mulf %sub3A_823, %while3A_710 : vector<16xf32>
        %mul3A_825 = arith.mulf %mul3A_824, %while3A_714 : vector<16xf32>
        %mul3A_826 = arith.mulf %sign3A_39, %mul3A_825 : vector<16xf32>
        %mul3A_827 = arith.constant 5.000000e-01 : f32
        %mul3A_828 = vector.broadcast %mul3A_827 : f32 to vector<16xf32>
        %mul3A_829 = arith.mulf %mul3A_828, %mul3A_826 : vector<16xf32>
        %mul3A_830 = arith.constant 2.000000e+00 : f32
        %mul3A_831 = vector.broadcast %mul3A_830 : f32 to vector<16xf32>
        %mul3A_832 = arith.mulf %mul3A_831, %mul3A_829 : vector<16xf32>
        %exp3A_833 = math.exp %mul3A_832 : vector<16xf32>
        %add3A_834 = arith.constant 1.000000e+00 : f32
        %add3A_835 = vector.broadcast %add3A_834 : f32 to vector<16xf32>
        %add3A_836 = arith.addf %exp3A_833, %add3A_835 : vector<16xf32>
        %div3A_837 = arith.constant 2.000000e+00 : f32
        %div3A_838 = vector.broadcast %div3A_837 : f32 to vector<16xf32>
        %div3A_839 = arith.divf %div3A_838, %add3A_836 : vector<16xf32>
        %sub3A_840 = arith.constant 1.000000e+00 : f32
        %sub3A_841 = vector.broadcast %sub3A_840 : f32 to vector<16xf32>
        %sub3A_842 = arith.subf %sub3A_841, %div3A_839 : vector<16xf32>
        %mul3A_843 = arith.mulf %sub3A_823, %sub3A_842 : vector<16xf32>
        %mul3A_844 = arith.mulf %mul3A_843, %while3A_714 : vector<16xf32>
        %mul3A_845 = arith.mulf %sign3A_39, %mul3A_844 : vector<16xf32>
        %mul3A_846 = arith.constant 5.000000e-01 : f32
        %mul3A_847 = vector.broadcast %mul3A_846 : f32 to vector<16xf32>
        %mul3A_848 = arith.mulf %mul3A_847, %mul3A_845 : vector<16xf32>
        %mul3A_849 = arith.constant 2.000000e+00 : f32
        %mul3A_850 = vector.broadcast %mul3A_849 : f32 to vector<16xf32>
        %mul3A_851 = arith.mulf %mul3A_850, %mul3A_848 : vector<16xf32>
        %exp3A_852 = math.exp %mul3A_851 : vector<16xf32>
        %add3A_853 = arith.constant 1.000000e+00 : f32
        %add3A_854 = vector.broadcast %add3A_853 : f32 to vector<16xf32>
        %add3A_855 = arith.addf %exp3A_852, %add3A_854 : vector<16xf32>
        %div3A_856 = arith.constant 2.000000e+00 : f32
        %div3A_857 = vector.broadcast %div3A_856 : f32 to vector<16xf32>
        %div3A_858 = arith.divf %div3A_857, %add3A_855 : vector<16xf32>
        %sub3A_859 = arith.constant 1.000000e+00 : f32
        %sub3A_860 = vector.broadcast %sub3A_859 : f32 to vector<16xf32>
        %sub3A_861 = arith.subf %sub3A_860, %div3A_858 : vector<16xf32>
        %mul3A_862 = arith.mulf %sub3A_823, %sub3A_842 : vector<16xf32>
        %mul3A_863 = arith.mulf %mul3A_862, %sub3A_861 : vector<16xf32>
        %mul3A_864 = arith.mulf %sign3A_39, %mul3A_863 : vector<16xf32>
        %mul3A_865 = arith.mulf %while3A_707, %while3A_711 : vector<16xf32>
        %mul3A_866 = arith.mulf %mul3A_865, %while3A_715 : vector<16xf32>
        %mul3A_867 = arith.mulf %sign3A_57, %mul3A_866 : vector<16xf32>
        %mul3A_868 = arith.constant 5.000000e-01 : f32
        %mul3A_869 = vector.broadcast %mul3A_868 : f32 to vector<16xf32>
        %mul3A_870 = arith.mulf %mul3A_869, %mul3A_867 : vector<16xf32>
        %mul3A_871 = arith.constant 2.000000e+00 : f32
        %mul3A_872 = vector.broadcast %mul3A_871 : f32 to vector<16xf32>
        %mul3A_873 = arith.mulf %mul3A_872, %mul3A_870 : vector<16xf32>
        %exp3A_874 = math.exp %mul3A_873 : vector<16xf32>
        %add3A_875 = arith.constant 1.000000e+00 : f32
        %add3A_876 = vector.broadcast %add3A_875 : f32 to vector<16xf32>
        %add3A_877 = arith.addf %exp3A_874, %add3A_876 : vector<16xf32>
        %div3A_878 = arith.constant 2.000000e+00 : f32
        %div3A_879 = vector.broadcast %div3A_878 : f32 to vector<16xf32>
        %div3A_880 = arith.divf %div3A_879, %add3A_877 : vector<16xf32>
        %sub3A_881 = arith.constant 1.000000e+00 : f32
        %sub3A_882 = vector.broadcast %sub3A_881 : f32 to vector<16xf32>
        %sub3A_883 = arith.subf %sub3A_882, %div3A_880 : vector<16xf32>
        %mul3A_884 = arith.mulf %sub3A_883, %while3A_711 : vector<16xf32>
        %mul3A_885 = arith.mulf %mul3A_884, %while3A_715 : vector<16xf32>
        %mul3A_886 = arith.mulf %sign3A_57, %mul3A_885 : vector<16xf32>
        %mul3A_887 = arith.constant 5.000000e-01 : f32
        %mul3A_888 = vector.broadcast %mul3A_887 : f32 to vector<16xf32>
        %mul3A_889 = arith.mulf %mul3A_888, %mul3A_886 : vector<16xf32>
        %mul3A_890 = arith.constant 2.000000e+00 : f32
        %mul3A_891 = vector.broadcast %mul3A_890 : f32 to vector<16xf32>
        %mul3A_892 = arith.mulf %mul3A_891, %mul3A_889 : vector<16xf32>
        %exp3A_893 = math.exp %mul3A_892 : vector<16xf32>
        %add3A_894 = arith.constant 1.000000e+00 : f32
        %add3A_895 = vector.broadcast %add3A_894 : f32 to vector<16xf32>
        %add3A_896 = arith.addf %exp3A_893, %add3A_895 : vector<16xf32>
        %div3A_897 = arith.constant 2.000000e+00 : f32
        %div3A_898 = vector.broadcast %div3A_897 : f32 to vector<16xf32>
        %div3A_899 = arith.divf %div3A_898, %add3A_896 : vector<16xf32>
        %sub3A_900 = arith.constant 1.000000e+00 : f32
        %sub3A_901 = vector.broadcast %sub3A_900 : f32 to vector<16xf32>
        %sub3A_902 = arith.subf %sub3A_901, %div3A_899 : vector<16xf32>
        %mul3A_903 = arith.mulf %sub3A_883, %sub3A_902 : vector<16xf32>
        %mul3A_904 = arith.mulf %mul3A_903, %while3A_715 : vector<16xf32>
        %mul3A_905 = arith.mulf %sign3A_57, %mul3A_904 : vector<16xf32>
        %mul3A_906 = arith.constant 5.000000e-01 : f32
        %mul3A_907 = vector.broadcast %mul3A_906 : f32 to vector<16xf32>
        %mul3A_908 = arith.mulf %mul3A_907, %mul3A_905 : vector<16xf32>
        %mul3A_909 = arith.constant 2.000000e+00 : f32
        %mul3A_910 = vector.broadcast %mul3A_909 : f32 to vector<16xf32>
        %mul3A_911 = arith.mulf %mul3A_910, %mul3A_908 : vector<16xf32>
        %exp3A_912 = math.exp %mul3A_911 : vector<16xf32>
        %add3A_913 = arith.constant 1.000000e+00 : f32
        %add3A_914 = vector.broadcast %add3A_913 : f32 to vector<16xf32>
        %add3A_915 = arith.addf %exp3A_912, %add3A_914 : vector<16xf32>
        %div3A_916 = arith.constant 2.000000e+00 : f32
        %div3A_917 = vector.broadcast %div3A_916 : f32 to vector<16xf32>
        %div3A_918 = arith.divf %div3A_917, %add3A_915 : vector<16xf32>
        %sub3A_919 = arith.constant 1.000000e+00 : f32
        %sub3A_920 = vector.broadcast %sub3A_919 : f32 to vector<16xf32>
        %sub3A_921 = arith.subf %sub3A_920, %div3A_918 : vector<16xf32>
        %mul3A_922 = arith.mulf %sub3A_883, %sub3A_902 : vector<16xf32>
        %mul3A_923 = arith.mulf %mul3A_922, %sub3A_921 : vector<16xf32>
        %mul3A_924 = arith.mulf %sign3A_57, %mul3A_923 : vector<16xf32>
        %mul3A_925 = arith.mulf %while3A_708, %while3A_712 : vector<16xf32>
        %mul3A_926 = arith.mulf %mul3A_925, %while3A_716 : vector<16xf32>
        %mul3A_927 = arith.mulf %sign3A_75, %mul3A_926 : vector<16xf32>
        %mul3A_928 = arith.constant 5.000000e-01 : f32
        %mul3A_929 = vector.broadcast %mul3A_928 : f32 to vector<16xf32>
        %mul3A_930 = arith.mulf %mul3A_929, %mul3A_927 : vector<16xf32>
        %mul3A_931 = arith.constant 2.000000e+00 : f32
        %mul3A_932 = vector.broadcast %mul3A_931 : f32 to vector<16xf32>
        %mul3A_933 = arith.mulf %mul3A_932, %mul3A_930 : vector<16xf32>
        %exp3A_934 = math.exp %mul3A_933 : vector<16xf32>
        %add3A_935 = arith.constant 1.000000e+00 : f32
        %add3A_936 = vector.broadcast %add3A_935 : f32 to vector<16xf32>
        %add3A_937 = arith.addf %exp3A_934, %add3A_936 : vector<16xf32>
        %div3A_938 = arith.constant 2.000000e+00 : f32
        %div3A_939 = vector.broadcast %div3A_938 : f32 to vector<16xf32>
        %div3A_940 = arith.divf %div3A_939, %add3A_937 : vector<16xf32>
        %sub3A_941 = arith.constant 1.000000e+00 : f32
        %sub3A_942 = vector.broadcast %sub3A_941 : f32 to vector<16xf32>
        %sub3A_943 = arith.subf %sub3A_942, %div3A_940 : vector<16xf32>
        %mul3A_944 = arith.mulf %sub3A_943, %while3A_712 : vector<16xf32>
        %mul3A_945 = arith.mulf %mul3A_944, %while3A_716 : vector<16xf32>
        %mul3A_946 = arith.mulf %sign3A_75, %mul3A_945 : vector<16xf32>
        %mul3A_947 = arith.constant 5.000000e-01 : f32
        %mul3A_948 = vector.broadcast %mul3A_947 : f32 to vector<16xf32>
        %mul3A_949 = arith.mulf %mul3A_948, %mul3A_946 : vector<16xf32>
        %mul3A_950 = arith.constant 2.000000e+00 : f32
        %mul3A_951 = vector.broadcast %mul3A_950 : f32 to vector<16xf32>
        %mul3A_952 = arith.mulf %mul3A_951, %mul3A_949 : vector<16xf32>
        %exp3A_953 = math.exp %mul3A_952 : vector<16xf32>
        %add3A_954 = arith.constant 1.000000e+00 : f32
        %add3A_955 = vector.broadcast %add3A_954 : f32 to vector<16xf32>
        %add3A_956 = arith.addf %exp3A_953, %add3A_955 : vector<16xf32>
        %div3A_957 = arith.constant 2.000000e+00 : f32
        %div3A_958 = vector.broadcast %div3A_957 : f32 to vector<16xf32>
        %div3A_959 = arith.divf %div3A_958, %add3A_956 : vector<16xf32>
        %sub3A_960 = arith.constant 1.000000e+00 : f32
        %sub3A_961 = vector.broadcast %sub3A_960 : f32 to vector<16xf32>
        %sub3A_962 = arith.subf %sub3A_961, %div3A_959 : vector<16xf32>
        %mul3A_963 = arith.mulf %sub3A_943, %sub3A_962 : vector<16xf32>
        %mul3A_964 = arith.mulf %mul3A_963, %while3A_716 : vector<16xf32>
        %mul3A_965 = arith.mulf %sign3A_75, %mul3A_964 : vector<16xf32>
        %mul3A_966 = arith.constant 5.000000e-01 : f32
        %mul3A_967 = vector.broadcast %mul3A_966 : f32 to vector<16xf32>
        %mul3A_968 = arith.mulf %mul3A_967, %mul3A_965 : vector<16xf32>
        %mul3A_969 = arith.constant 2.000000e+00 : f32
        %mul3A_970 = vector.broadcast %mul3A_969 : f32 to vector<16xf32>
        %mul3A_971 = arith.mulf %mul3A_970, %mul3A_968 : vector<16xf32>
        %exp3A_972 = math.exp %mul3A_971 : vector<16xf32>
        %add3A_973 = arith.constant 1.000000e+00 : f32
        %add3A_974 = vector.broadcast %add3A_973 : f32 to vector<16xf32>
        %add3A_975 = arith.addf %exp3A_972, %add3A_974 : vector<16xf32>
        %div3A_976 = arith.constant 2.000000e+00 : f32
        %div3A_977 = vector.broadcast %div3A_976 : f32 to vector<16xf32>
        %div3A_978 = arith.divf %div3A_977, %add3A_975 : vector<16xf32>
        %sub3A_979 = arith.constant 1.000000e+00 : f32
        %sub3A_980 = vector.broadcast %sub3A_979 : f32 to vector<16xf32>
        %sub3A_981 = arith.subf %sub3A_980, %div3A_978 : vector<16xf32>
        %mul3A_982 = arith.mulf %sub3A_943, %sub3A_962 : vector<16xf32>
        %mul3A_983 = arith.mulf %mul3A_982, %sub3A_981 : vector<16xf32>
        %mul3A_984 = arith.mulf %sign3A_75, %mul3A_983 : vector<16xf32>
        %xor3A_985 = arith.constant 1 : i32
        %xor3A_986 = vector.broadcast %xor3A_985 : i32 to vector<16xi32>
        %xor3A_987 = arith.xori %iota3A, %xor3A_986 : vector<16xi32>
        %broadcast_in_dim3A_988 = vector.shape_cast %xor3A_987 : vector<16xi32> to vector<16x1xi32>
        %gather3A_989 = vector.shape_cast %broadcast_in_dim3A_988 : vector<16x1xi32> to vector<16xi32>
        %gather3A_990 = tpu.dynamic_gather %while3A_717[%gather3A_989] in [0] : vector<16xf32>, vector<16xi32> -> vector<16xf32>
        %add3A_991 = arith.addf %while3A_717, %gather3A_990 : vector<16xf32>
        %xor3A_992 = arith.constant 2 : i32
        %xor3A_993 = vector.broadcast %xor3A_992 : i32 to vector<16xi32>
        %xor3A_994 = arith.xori %iota3A, %xor3A_993 : vector<16xi32>
        %broadcast_in_dim3A_995 = vector.shape_cast %xor3A_994 : vector<16xi32> to vector<16x1xi32>
        %gather3A_996 = vector.shape_cast %broadcast_in_dim3A_995 : vector<16x1xi32> to vector<16xi32>
        %gather3A_997 = tpu.dynamic_gather %add3A_991[%gather3A_996] in [0] : vector<16xf32>, vector<16xi32> -> vector<16xf32>
        %add3A_998 = arith.addf %add3A_991, %gather3A_997 : vector<16xf32>
        %xor3A_999 = arith.constant 4 : i32
        %xor3A_1000 = vector.broadcast %xor3A_999 : i32 to vector<16xi32>
        %xor3A_1001 = arith.xori %iota3A, %xor3A_1000 : vector<16xi32>
        %broadcast_in_dim3A_1002 = vector.shape_cast %xor3A_1001 : vector<16xi32> to vector<16x1xi32>
        %gather3A_1003 = vector.shape_cast %broadcast_in_dim3A_1002 : vector<16x1xi32> to vector<16xi32>
        %gather3A_1004 = tpu.dynamic_gather %add3A_998[%gather3A_1003] in [0] : vector<16xf32>, vector<16xi32> -> vector<16xf32>
        %add3A_1005 = arith.addf %add3A_998, %gather3A_1004 : vector<16xf32>
        %xor3A_1006 = arith.constant 8 : i32
        %xor3A_1007 = vector.broadcast %xor3A_1006 : i32 to vector<16xi32>
        %xor3A_1008 = arith.xori %iota3A, %xor3A_1007 : vector<16xi32>
        %broadcast_in_dim3A_1009 = vector.shape_cast %xor3A_1008 : vector<16xi32> to vector<16x1xi32>
        %gather3A_1010 = vector.shape_cast %broadcast_in_dim3A_1009 : vector<16x1xi32> to vector<16xi32>
        %gather3A_1011 = tpu.dynamic_gather %add3A_1005[%gather3A_1010] in [0] : vector<16xf32>, vector<16xi32> -> vector<16xf32>
        %add3A_1012 = arith.addf %add3A_1005, %gather3A_1011 : vector<16xf32>
        %xor3A_1013 = arith.constant 1 : i32
        %xor3A_1014 = vector.broadcast %xor3A_1013 : i32 to vector<16xi32>
        %xor3A_1015 = arith.xori %iota3A, %xor3A_1014 : vector<16xi32>
        %broadcast_in_dim3A_1016 = vector.shape_cast %xor3A_1015 : vector<16xi32> to vector<16x1xi32>
        %gather3A_1017 = vector.shape_cast %broadcast_in_dim3A_1016 : vector<16x1xi32> to vector<16xi32>
        %gather3A_1018 = tpu.dynamic_gather %while3A_724[%gather3A_1017] in [0] : vector<16xf32>, vector<16xi32> -> vector<16xf32>
        %add3A_1019 = arith.addf %while3A_724, %gather3A_1018 : vector<16xf32>
        %xor3A_1020 = arith.constant 2 : i32
        %xor3A_1021 = vector.broadcast %xor3A_1020 : i32 to vector<16xi32>
        %xor3A_1022 = arith.xori %iota3A, %xor3A_1021 : vector<16xi32>
        %broadcast_in_dim3A_1023 = vector.shape_cast %xor3A_1022 : vector<16xi32> to vector<16x1xi32>
        %gather3A_1024 = vector.shape_cast %broadcast_in_dim3A_1023 : vector<16x1xi32> to vector<16xi32>
        %gather3A_1025 = tpu.dynamic_gather %add3A_1019[%gather3A_1024] in [0] : vector<16xf32>, vector<16xi32> -> vector<16xf32>
        %add3A_1026 = arith.addf %add3A_1019, %gather3A_1025 : vector<16xf32>
        %xor3A_1027 = arith.constant 4 : i32
        %xor3A_1028 = vector.broadcast %xor3A_1027 : i32 to vector<16xi32>
        %xor3A_1029 = arith.xori %iota3A, %xor3A_1028 : vector<16xi32>
        %broadcast_in_dim3A_1030 = vector.shape_cast %xor3A_1029 : vector<16xi32> to vector<16x1xi32>
        %gather3A_1031 = vector.shape_cast %broadcast_in_dim3A_1030 : vector<16x1xi32> to vector<16xi32>
        %gather3A_1032 = tpu.dynamic_gather %add3A_1026[%gather3A_1031] in [0] : vector<16xf32>, vector<16xi32> -> vector<16xf32>
        %add3A_1033 = arith.addf %add3A_1026, %gather3A_1032 : vector<16xf32>
        %xor3A_1034 = arith.constant 8 : i32
        %xor3A_1035 = vector.broadcast %xor3A_1034 : i32 to vector<16xi32>
        %xor3A_1036 = arith.xori %iota3A, %xor3A_1035 : vector<16xi32>
        %broadcast_in_dim3A_1037 = vector.shape_cast %xor3A_1036 : vector<16xi32> to vector<16x1xi32>
        %gather3A_1038 = vector.shape_cast %broadcast_in_dim3A_1037 : vector<16x1xi32> to vector<16xi32>
        %gather3A_1039 = tpu.dynamic_gather %add3A_1033[%gather3A_1038] in [0] : vector<16xf32>, vector<16xi32> -> vector<16xf32>
        %add3A_1040 = arith.addf %add3A_1033, %gather3A_1039 : vector<16xf32>
        %xor3A_1041 = arith.constant 1 : i32
        %xor3A_1042 = vector.broadcast %xor3A_1041 : i32 to vector<16xi32>
        %xor3A_1043 = arith.xori %iota3A, %xor3A_1042 : vector<16xi32>
        %broadcast_in_dim3A_1044 = vector.shape_cast %xor3A_1043 : vector<16xi32> to vector<16x1xi32>
        %gather3A_1045 = vector.shape_cast %broadcast_in_dim3A_1044 : vector<16x1xi32> to vector<16xi32>
        %gather3A_1046 = tpu.dynamic_gather %while3A_731[%gather3A_1045] in [0] : vector<16xf32>, vector<16xi32> -> vector<16xf32>
        %add3A_1047 = arith.addf %while3A_731, %gather3A_1046 : vector<16xf32>
        %xor3A_1048 = arith.constant 2 : i32
        %xor3A_1049 = vector.broadcast %xor3A_1048 : i32 to vector<16xi32>
        %xor3A_1050 = arith.xori %iota3A, %xor3A_1049 : vector<16xi32>
        %broadcast_in_dim3A_1051 = vector.shape_cast %xor3A_1050 : vector<16xi32> to vector<16x1xi32>
        %gather3A_1052 = vector.shape_cast %broadcast_in_dim3A_1051 : vector<16x1xi32> to vector<16xi32>
        %gather3A_1053 = tpu.dynamic_gather %add3A_1047[%gather3A_1052] in [0] : vector<16xf32>, vector<16xi32> -> vector<16xf32>
        %add3A_1054 = arith.addf %add3A_1047, %gather3A_1053 : vector<16xf32>
        %xor3A_1055 = arith.constant 4 : i32
        %xor3A_1056 = vector.broadcast %xor3A_1055 : i32 to vector<16xi32>
        %xor3A_1057 = arith.xori %iota3A, %xor3A_1056 : vector<16xi32>
        %broadcast_in_dim3A_1058 = vector.shape_cast %xor3A_1057 : vector<16xi32> to vector<16x1xi32>
        %gather3A_1059 = vector.shape_cast %broadcast_in_dim3A_1058 : vector<16x1xi32> to vector<16xi32>
        %gather3A_1060 = tpu.dynamic_gather %add3A_1054[%gather3A_1059] in [0] : vector<16xf32>, vector<16xi32> -> vector<16xf32>
        %add3A_1061 = arith.addf %add3A_1054, %gather3A_1060 : vector<16xf32>
        %xor3A_1062 = arith.constant 8 : i32
        %xor3A_1063 = vector.broadcast %xor3A_1062 : i32 to vector<16xi32>
        %xor3A_1064 = arith.xori %iota3A, %xor3A_1063 : vector<16xi32>
        %broadcast_in_dim3A_1065 = vector.shape_cast %xor3A_1064 : vector<16xi32> to vector<16x1xi32>
        %gather3A_1066 = vector.shape_cast %broadcast_in_dim3A_1065 : vector<16x1xi32> to vector<16xi32>
        %gather3A_1067 = tpu.dynamic_gather %add3A_1061[%gather3A_1066] in [0] : vector<16xf32>, vector<16xi32> -> vector<16xf32>
        %add3A_1068 = arith.addf %add3A_1061, %gather3A_1067 : vector<16xf32>
        %xor3A_1069 = arith.constant 1 : i32
        %xor3A_1070 = vector.broadcast %xor3A_1069 : i32 to vector<16xi32>
        %xor3A_1071 = arith.xori %iota3A, %xor3A_1070 : vector<16xi32>
        %broadcast_in_dim3A_1072 = vector.shape_cast %xor3A_1071 : vector<16xi32> to vector<16x1xi32>
        %gather3A_1073 = vector.shape_cast %broadcast_in_dim3A_1072 : vector<16x1xi32> to vector<16xi32>
        %gather3A_1074 = tpu.dynamic_gather %while3A_738[%gather3A_1073] in [0] : vector<16xf32>, vector<16xi32> -> vector<16xf32>
        %add3A_1075 = arith.addf %while3A_738, %gather3A_1074 : vector<16xf32>
        %xor3A_1076 = arith.constant 2 : i32
        %xor3A_1077 = vector.broadcast %xor3A_1076 : i32 to vector<16xi32>
        %xor3A_1078 = arith.xori %iota3A, %xor3A_1077 : vector<16xi32>
        %broadcast_in_dim3A_1079 = vector.shape_cast %xor3A_1078 : vector<16xi32> to vector<16x1xi32>
        %gather3A_1080 = vector.shape_cast %broadcast_in_dim3A_1079 : vector<16x1xi32> to vector<16xi32>
        %gather3A_1081 = tpu.dynamic_gather %add3A_1075[%gather3A_1080] in [0] : vector<16xf32>, vector<16xi32> -> vector<16xf32>
        %add3A_1082 = arith.addf %add3A_1075, %gather3A_1081 : vector<16xf32>
        %xor3A_1083 = arith.constant 4 : i32
        %xor3A_1084 = vector.broadcast %xor3A_1083 : i32 to vector<16xi32>
        %xor3A_1085 = arith.xori %iota3A, %xor3A_1084 : vector<16xi32>
        %broadcast_in_dim3A_1086 = vector.shape_cast %xor3A_1085 : vector<16xi32> to vector<16x1xi32>
        %gather3A_1087 = vector.shape_cast %broadcast_in_dim3A_1086 : vector<16x1xi32> to vector<16xi32>
        %gather3A_1088 = tpu.dynamic_gather %add3A_1082[%gather3A_1087] in [0] : vector<16xf32>, vector<16xi32> -> vector<16xf32>
        %add3A_1089 = arith.addf %add3A_1082, %gather3A_1088 : vector<16xf32>
        %xor3A_1090 = arith.constant 8 : i32
        %xor3A_1091 = vector.broadcast %xor3A_1090 : i32 to vector<16xi32>
        %xor3A_1092 = arith.xori %iota3A, %xor3A_1091 : vector<16xi32>
        %broadcast_in_dim3A_1093 = vector.shape_cast %xor3A_1092 : vector<16xi32> to vector<16x1xi32>
        %gather3A_1094 = vector.shape_cast %broadcast_in_dim3A_1093 : vector<16x1xi32> to vector<16xi32>
        %gather3A_1095 = tpu.dynamic_gather %add3A_1089[%gather3A_1094] in [0] : vector<16xf32>, vector<16xi32> -> vector<16xf32>
        %add3A_1096 = arith.addf %add3A_1089, %gather3A_1095 : vector<16xf32>
        %add3A_1097 = arith.addf %broadcast_in_dim3A_5, %add3A_1012 : vector<16xf32>
        %add3A_1098 = arith.addf %add3A_1097, %add3A_1096 : vector<16xf32>
        %sub3A_1099 = arith.subf %add3A_1098, %mul3A_747 : vector<16xf32>
        %mul3A_1100 = arith.constant 5.000000e-01 : f32
        %mul3A_1101 = vector.broadcast %mul3A_1100 : f32 to vector<16xf32>
        %mul3A_1102 = arith.mulf %mul3A_1101, %sub3A_1099 : vector<16xf32>
        %abs3A = math.absf %mul3A_1102 : vector<16xf32>
        %neg3A = arith.constant 0.000000e+00 : f32
        %neg3A_1103 = vector.broadcast %neg3A : f32 to vector<16xf32>
        %neg3A_1104 = arith.subf %neg3A_1103, %abs3A : vector<16xf32>
        %exp3A_1105 = math.exp %neg3A_1104 : vector<16xf32>
        %mul3A_1106 = arith.mulf %exp3A_1105, %exp3A_1105 : vector<16xf32>
        %mul3A_1107 = arith.mulf %mul3A_1106, %mul3A_1106 : vector<16xf32>
        %mul3A_1108 = arith.mulf %mul3A_1107, %mul3A_1107 : vector<16xf32>
        %mul3A_1109 = arith.constant -0.333322316 : f32
        %mul3A_1110 = vector.broadcast %mul3A_1109 : f32 to vector<16xf32>
        %mul3A_1111 = arith.mulf %mul3A_1110, %mul3A_1106 : vector<16xf32>
        %add3A_1112 = arith.constant 0.99999994 : f32
        %add3A_1113 = vector.broadcast %add3A_1112 : f32 to vector<16xf32>
        %add3A_1114 = arith.addf %add3A_1113, %mul3A_1111 : vector<16xf32>
        %mul3A_1115 = arith.constant -0.140478209 : f32
        %mul3A_1116 = vector.broadcast %mul3A_1115 : f32 to vector<16xf32>
        %mul3A_1117 = arith.mulf %mul3A_1116, %mul3A_1106 : vector<16xf32>
        %add3A_1118 = arith.constant 0.199740291 : f32
        %add3A_1119 = vector.broadcast %add3A_1118 : f32 to vector<16xf32>
        %add3A_1120 = arith.addf %add3A_1119, %mul3A_1117 : vector<16xf32>
        %mul3A_1121 = arith.mulf %mul3A_1107, %add3A_1120 : vector<16xf32>
        %add3A_1122 = arith.addf %add3A_1114, %mul3A_1121 : vector<16xf32>
        %mul3A_1123 = arith.constant -0.0608744808 : f32
        %mul3A_1124 = vector.broadcast %mul3A_1123 : f32 to vector<16xf32>
        %mul3A_1125 = arith.mulf %mul3A_1124, %mul3A_1106 : vector<16xf32>
        %add3A_1126 = arith.constant 0.100022055 : f32
        %add3A_1127 = vector.broadcast %add3A_1126 : f32 to vector<16xf32>
        %add3A_1128 = arith.addf %add3A_1127, %mul3A_1125 : vector<16xf32>
        %mul3A_1129 = arith.constant -0.00502106408 : f32
        %mul3A_1130 = vector.broadcast %mul3A_1129 : f32 to vector<16xf32>
        %mul3A_1131 = arith.mulf %mul3A_1130, %mul3A_1106 : vector<16xf32>
        %add3A_1132 = arith.constant 2.533170e-02 : f32
        %add3A_1133 = vector.broadcast %add3A_1132 : f32 to vector<16xf32>
        %add3A_1134 = arith.addf %add3A_1133, %mul3A_1131 : vector<16xf32>
        %mul3A_1135 = arith.mulf %mul3A_1107, %add3A_1134 : vector<16xf32>
        %add3A_1136 = arith.addf %add3A_1128, %mul3A_1135 : vector<16xf32>
        %mul3A_1137 = arith.mulf %mul3A_1108, %add3A_1136 : vector<16xf32>
        %add3A_1138 = arith.addf %add3A_1122, %mul3A_1137 : vector<16xf32>
        %mul3A_1139 = arith.mulf %exp3A_1105, %add3A_1138 : vector<16xf32>
        %le3A = arith.constant 0.000000e+00 : f32
        %le3A_1140 = vector.broadcast %le3A : f32 to vector<16xf32>
        %le3A_1141 = arith.cmpf ole, %mul3A_1102, %le3A_1140 : vector<16xf32>
        %mul3A_1142 = arith.constant 2.000000e+00 : f32
        %mul3A_1143 = vector.broadcast %mul3A_1142 : f32 to vector<16xf32>
        %mul3A_1144 = arith.mulf %mul3A_1143, %mul3A_1139 : vector<16xf32>
        %mul3A_1145 = arith.constant 2.000000e+00 : f32
        %mul3A_1146 = vector.broadcast %mul3A_1145 : f32 to vector<16xf32>
        %mul3A_1147 = arith.mulf %mul3A_1146, %mul3A_1139 : vector<16xf32>
        %sub3A_1148 = arith.constant 3.14159274 : f32
        %sub3A_1149 = vector.broadcast %sub3A_1148 : f32 to vector<16xf32>
        %sub3A_1150 = arith.subf %sub3A_1149, %mul3A_1147 : vector<16xf32>
        %select_n3A_1151 = arith.select %le3A_1141, %mul3A_1144, %sub3A_1150 : vector<16xi1>, vector<16xf32>
        %jit3A_1152 = arith.constant 0.000000e+00 : f32
        %broadcast_in_dim3A_1153 = vector.broadcast %jit3A_1152 : f32 to vector<16xf32>
        %select_n3A_1154 = arith.select %lt3A_4, %select_n3A_1151, %broadcast_in_dim3A_1153 : vector<16xi1>, vector<16xf32>
        %xor3A_1155 = arith.constant 1 : i32
        %xor3A_1156 = vector.broadcast %xor3A_1155 : i32 to vector<16xi32>
        %xor3A_1157 = arith.xori %iota3A, %xor3A_1156 : vector<16xi32>
        %broadcast_in_dim3A_1158 = vector.shape_cast %xor3A_1157 : vector<16xi32> to vector<16x1xi32>
        %gather3A_1159 = vector.shape_cast %broadcast_in_dim3A_1158 : vector<16x1xi32> to vector<16xi32>
        %gather3A_1160 = tpu.dynamic_gather %select_n3A_1154[%gather3A_1159] in [0] : vector<16xf32>, vector<16xi32> -> vector<16xf32>
        %add3A_1161 = arith.addf %select_n3A_1154, %gather3A_1160 : vector<16xf32>
        %xor3A_1162 = arith.constant 2 : i32
        %xor3A_1163 = vector.broadcast %xor3A_1162 : i32 to vector<16xi32>
        %xor3A_1164 = arith.xori %iota3A, %xor3A_1163 : vector<16xi32>
        %broadcast_in_dim3A_1165 = vector.shape_cast %xor3A_1164 : vector<16xi32> to vector<16x1xi32>
        %gather3A_1166 = vector.shape_cast %broadcast_in_dim3A_1165 : vector<16x1xi32> to vector<16xi32>
        %gather3A_1167 = tpu.dynamic_gather %add3A_1161[%gather3A_1166] in [0] : vector<16xf32>, vector<16xi32> -> vector<16xf32>
        %add3A_1168 = arith.addf %add3A_1161, %gather3A_1167 : vector<16xf32>
        %xor3A_1169 = arith.constant 4 : i32
        %xor3A_1170 = vector.broadcast %xor3A_1169 : i32 to vector<16xi32>
        %xor3A_1171 = arith.xori %iota3A, %xor3A_1170 : vector<16xi32>
        %broadcast_in_dim3A_1172 = vector.shape_cast %xor3A_1171 : vector<16xi32> to vector<16x1xi32>
        %gather3A_1173 = vector.shape_cast %broadcast_in_dim3A_1172 : vector<16x1xi32> to vector<16xi32>
        %gather3A_1174 = tpu.dynamic_gather %add3A_1168[%gather3A_1173] in [0] : vector<16xf32>, vector<16xi32> -> vector<16xf32>
        %add3A_1175 = arith.addf %add3A_1168, %gather3A_1174 : vector<16xf32>
        %xor3A_1176 = arith.constant 8 : i32
        %xor3A_1177 = vector.broadcast %xor3A_1176 : i32 to vector<16xi32>
        %xor3A_1178 = arith.xori %iota3A, %xor3A_1177 : vector<16xi32>
        %broadcast_in_dim3A_1179 = vector.shape_cast %xor3A_1178 : vector<16xi32> to vector<16x1xi32>
        %gather3A_1180 = vector.shape_cast %broadcast_in_dim3A_1179 : vector<16x1xi32> to vector<16xi32>
        %gather3A_1181 = tpu.dynamic_gather %add3A_1175[%gather3A_1180] in [0] : vector<16xf32>, vector<16xi32> -> vector<16xf32>
        %add3A_1182 = arith.addf %add3A_1175, %gather3A_1181 : vector<16xf32>
        %add3A_1183 = arith.addf %broadcast_in_dim3A_5, %add3A_1182 : vector<16xf32>
        %add3A_1184 = arith.addf %add3A_1183, %add3A_1068 : vector<16xf32>
        %sub3A_1185 = arith.subf %add3A_1184, %mul3A_766 : vector<16xf32>
        %mul3A_1186 = arith.constant 5.000000e-01 : f32
        %mul3A_1187 = vector.broadcast %mul3A_1186 : f32 to vector<16xf32>
        %mul3A_1188 = arith.mulf %mul3A_1187, %sub3A_1185 : vector<16xf32>
        %abs3A_1189 = math.absf %mul3A_1188 : vector<16xf32>
        %neg3A_1190 = arith.constant 0.000000e+00 : f32
        %neg3A_1191 = vector.broadcast %neg3A_1190 : f32 to vector<16xf32>
        %neg3A_1192 = arith.subf %neg3A_1191, %abs3A_1189 : vector<16xf32>
        %exp3A_1193 = math.exp %neg3A_1192 : vector<16xf32>
        %mul3A_1194 = arith.mulf %exp3A_1193, %exp3A_1193 : vector<16xf32>
        %mul3A_1195 = arith.mulf %mul3A_1194, %mul3A_1194 : vector<16xf32>
        %mul3A_1196 = arith.mulf %mul3A_1195, %mul3A_1195 : vector<16xf32>
        %mul3A_1197 = arith.constant -0.333322316 : f32
        %mul3A_1198 = vector.broadcast %mul3A_1197 : f32 to vector<16xf32>
        %mul3A_1199 = arith.mulf %mul3A_1198, %mul3A_1194 : vector<16xf32>
        %add3A_1200 = arith.constant 0.99999994 : f32
        %add3A_1201 = vector.broadcast %add3A_1200 : f32 to vector<16xf32>
        %add3A_1202 = arith.addf %add3A_1201, %mul3A_1199 : vector<16xf32>
        %mul3A_1203 = arith.constant -0.140478209 : f32
        %mul3A_1204 = vector.broadcast %mul3A_1203 : f32 to vector<16xf32>
        %mul3A_1205 = arith.mulf %mul3A_1204, %mul3A_1194 : vector<16xf32>
        %add3A_1206 = arith.constant 0.199740291 : f32
        %add3A_1207 = vector.broadcast %add3A_1206 : f32 to vector<16xf32>
        %add3A_1208 = arith.addf %add3A_1207, %mul3A_1205 : vector<16xf32>
        %mul3A_1209 = arith.mulf %mul3A_1195, %add3A_1208 : vector<16xf32>
        %add3A_1210 = arith.addf %add3A_1202, %mul3A_1209 : vector<16xf32>
        %mul3A_1211 = arith.constant -0.0608744808 : f32
        %mul3A_1212 = vector.broadcast %mul3A_1211 : f32 to vector<16xf32>
        %mul3A_1213 = arith.mulf %mul3A_1212, %mul3A_1194 : vector<16xf32>
        %add3A_1214 = arith.constant 0.100022055 : f32
        %add3A_1215 = vector.broadcast %add3A_1214 : f32 to vector<16xf32>
        %add3A_1216 = arith.addf %add3A_1215, %mul3A_1213 : vector<16xf32>
        %mul3A_1217 = arith.constant -0.00502106408 : f32
        %mul3A_1218 = vector.broadcast %mul3A_1217 : f32 to vector<16xf32>
        %mul3A_1219 = arith.mulf %mul3A_1218, %mul3A_1194 : vector<16xf32>
        %add3A_1220 = arith.constant 2.533170e-02 : f32
        %add3A_1221 = vector.broadcast %add3A_1220 : f32 to vector<16xf32>
        %add3A_1222 = arith.addf %add3A_1221, %mul3A_1219 : vector<16xf32>
        %mul3A_1223 = arith.mulf %mul3A_1195, %add3A_1222 : vector<16xf32>
        %add3A_1224 = arith.addf %add3A_1216, %mul3A_1223 : vector<16xf32>
        %mul3A_1225 = arith.mulf %mul3A_1196, %add3A_1224 : vector<16xf32>
        %add3A_1226 = arith.addf %add3A_1210, %mul3A_1225 : vector<16xf32>
        %mul3A_1227 = arith.mulf %exp3A_1193, %add3A_1226 : vector<16xf32>
        %le3A_1228 = arith.constant 0.000000e+00 : f32
        %le3A_1229 = vector.broadcast %le3A_1228 : f32 to vector<16xf32>
        %le3A_1230 = arith.cmpf ole, %mul3A_1188, %le3A_1229 : vector<16xf32>
        %mul3A_1231 = arith.constant 2.000000e+00 : f32
        %mul3A_1232 = vector.broadcast %mul3A_1231 : f32 to vector<16xf32>
        %mul3A_1233 = arith.mulf %mul3A_1232, %mul3A_1227 : vector<16xf32>
        %mul3A_1234 = arith.constant 2.000000e+00 : f32
        %mul3A_1235 = vector.broadcast %mul3A_1234 : f32 to vector<16xf32>
        %mul3A_1236 = arith.mulf %mul3A_1235, %mul3A_1227 : vector<16xf32>
        %sub3A_1237 = arith.constant 3.14159274 : f32
        %sub3A_1238 = vector.broadcast %sub3A_1237 : f32 to vector<16xf32>
        %sub3A_1239 = arith.subf %sub3A_1238, %mul3A_1236 : vector<16xf32>
        %select_n3A_1240 = arith.select %le3A_1230, %mul3A_1233, %sub3A_1239 : vector<16xi1>, vector<16xf32>
        %jit3A_1241 = arith.constant 0.000000e+00 : f32
        %broadcast_in_dim3A_1242 = vector.broadcast %jit3A_1241 : f32 to vector<16xf32>
        %select_n3A_1243 = arith.select %lt3A_4, %select_n3A_1240, %broadcast_in_dim3A_1242 : vector<16xi1>, vector<16xf32>
        %add3A_1244 = arith.addf %broadcast_in_dim3A_5, %add3A_1182 : vector<16xf32>
        %add3A_1245 = arith.addf %add3A_1244, %add3A_1040 : vector<16xf32>
        %sub3A_1246 = arith.subf %add3A_1245, %mul3A_785 : vector<16xf32>
        %mul3A_1247 = arith.constant 5.000000e-01 : f32
        %mul3A_1248 = vector.broadcast %mul3A_1247 : f32 to vector<16xf32>
        %mul3A_1249 = arith.mulf %mul3A_1248, %sub3A_1246 : vector<16xf32>
        %abs3A_1250 = math.absf %mul3A_1249 : vector<16xf32>
        %neg3A_1251 = arith.constant 0.000000e+00 : f32
        %neg3A_1252 = vector.broadcast %neg3A_1251 : f32 to vector<16xf32>
        %neg3A_1253 = arith.subf %neg3A_1252, %abs3A_1250 : vector<16xf32>
        %exp3A_1254 = math.exp %neg3A_1253 : vector<16xf32>
        %mul3A_1255 = arith.mulf %exp3A_1254, %exp3A_1254 : vector<16xf32>
        %mul3A_1256 = arith.mulf %mul3A_1255, %mul3A_1255 : vector<16xf32>
        %mul3A_1257 = arith.mulf %mul3A_1256, %mul3A_1256 : vector<16xf32>
        %mul3A_1258 = arith.constant -0.333322316 : f32
        %mul3A_1259 = vector.broadcast %mul3A_1258 : f32 to vector<16xf32>
        %mul3A_1260 = arith.mulf %mul3A_1259, %mul3A_1255 : vector<16xf32>
        %add3A_1261 = arith.constant 0.99999994 : f32
        %add3A_1262 = vector.broadcast %add3A_1261 : f32 to vector<16xf32>
        %add3A_1263 = arith.addf %add3A_1262, %mul3A_1260 : vector<16xf32>
        %mul3A_1264 = arith.constant -0.140478209 : f32
        %mul3A_1265 = vector.broadcast %mul3A_1264 : f32 to vector<16xf32>
        %mul3A_1266 = arith.mulf %mul3A_1265, %mul3A_1255 : vector<16xf32>
        %add3A_1267 = arith.constant 0.199740291 : f32
        %add3A_1268 = vector.broadcast %add3A_1267 : f32 to vector<16xf32>
        %add3A_1269 = arith.addf %add3A_1268, %mul3A_1266 : vector<16xf32>
        %mul3A_1270 = arith.mulf %mul3A_1256, %add3A_1269 : vector<16xf32>
        %add3A_1271 = arith.addf %add3A_1263, %mul3A_1270 : vector<16xf32>
        %mul3A_1272 = arith.constant -0.0608744808 : f32
        %mul3A_1273 = vector.broadcast %mul3A_1272 : f32 to vector<16xf32>
        %mul3A_1274 = arith.mulf %mul3A_1273, %mul3A_1255 : vector<16xf32>
        %add3A_1275 = arith.constant 0.100022055 : f32
        %add3A_1276 = vector.broadcast %add3A_1275 : f32 to vector<16xf32>
        %add3A_1277 = arith.addf %add3A_1276, %mul3A_1274 : vector<16xf32>
        %mul3A_1278 = arith.constant -0.00502106408 : f32
        %mul3A_1279 = vector.broadcast %mul3A_1278 : f32 to vector<16xf32>
        %mul3A_1280 = arith.mulf %mul3A_1279, %mul3A_1255 : vector<16xf32>
        %add3A_1281 = arith.constant 2.533170e-02 : f32
        %add3A_1282 = vector.broadcast %add3A_1281 : f32 to vector<16xf32>
        %add3A_1283 = arith.addf %add3A_1282, %mul3A_1280 : vector<16xf32>
        %mul3A_1284 = arith.mulf %mul3A_1256, %add3A_1283 : vector<16xf32>
        %add3A_1285 = arith.addf %add3A_1277, %mul3A_1284 : vector<16xf32>
        %mul3A_1286 = arith.mulf %mul3A_1257, %add3A_1285 : vector<16xf32>
        %add3A_1287 = arith.addf %add3A_1271, %mul3A_1286 : vector<16xf32>
        %mul3A_1288 = arith.mulf %exp3A_1254, %add3A_1287 : vector<16xf32>
        %le3A_1289 = arith.constant 0.000000e+00 : f32
        %le3A_1290 = vector.broadcast %le3A_1289 : f32 to vector<16xf32>
        %le3A_1291 = arith.cmpf ole, %mul3A_1249, %le3A_1290 : vector<16xf32>
        %mul3A_1292 = arith.constant 2.000000e+00 : f32
        %mul3A_1293 = vector.broadcast %mul3A_1292 : f32 to vector<16xf32>
        %mul3A_1294 = arith.mulf %mul3A_1293, %mul3A_1288 : vector<16xf32>
        %mul3A_1295 = arith.constant 2.000000e+00 : f32
        %mul3A_1296 = vector.broadcast %mul3A_1295 : f32 to vector<16xf32>
        %mul3A_1297 = arith.mulf %mul3A_1296, %mul3A_1288 : vector<16xf32>
        %sub3A_1298 = arith.constant 3.14159274 : f32
        %sub3A_1299 = vector.broadcast %sub3A_1298 : f32 to vector<16xf32>
        %sub3A_1300 = arith.subf %sub3A_1299, %mul3A_1297 : vector<16xf32>
        %select_n3A_1301 = arith.select %le3A_1291, %mul3A_1294, %sub3A_1300 : vector<16xi1>, vector<16xf32>
        %jit3A_1302 = arith.constant 0.000000e+00 : f32
        %broadcast_in_dim3A_1303 = vector.broadcast %jit3A_1302 : f32 to vector<16xf32>
        %select_n3A_1304 = arith.select %lt3A_4, %select_n3A_1301, %broadcast_in_dim3A_1303 : vector<16xi1>, vector<16xf32>
        %add3A_1305 = arith.addf %broadcast_in_dim3A_5, %add3A_1040 : vector<16xf32>
        %add3A_1306 = arith.addf %add3A_1305, %add3A_1096 : vector<16xf32>
        %sub3A_1307 = arith.subf %add3A_1306, %mul3A_804 : vector<16xf32>
        %mul3A_1308 = arith.constant 5.000000e-01 : f32
        %mul3A_1309 = vector.broadcast %mul3A_1308 : f32 to vector<16xf32>
        %mul3A_1310 = arith.mulf %mul3A_1309, %sub3A_1307 : vector<16xf32>
        %abs3A_1311 = math.absf %mul3A_1310 : vector<16xf32>
        %neg3A_1312 = arith.constant 0.000000e+00 : f32
        %neg3A_1313 = vector.broadcast %neg3A_1312 : f32 to vector<16xf32>
        %neg3A_1314 = arith.subf %neg3A_1313, %abs3A_1311 : vector<16xf32>
        %exp3A_1315 = math.exp %neg3A_1314 : vector<16xf32>
        %mul3A_1316 = arith.mulf %exp3A_1315, %exp3A_1315 : vector<16xf32>
        %mul3A_1317 = arith.mulf %mul3A_1316, %mul3A_1316 : vector<16xf32>
        %mul3A_1318 = arith.mulf %mul3A_1317, %mul3A_1317 : vector<16xf32>
        %mul3A_1319 = arith.constant -0.333322316 : f32
        %mul3A_1320 = vector.broadcast %mul3A_1319 : f32 to vector<16xf32>
        %mul3A_1321 = arith.mulf %mul3A_1320, %mul3A_1316 : vector<16xf32>
        %add3A_1322 = arith.constant 0.99999994 : f32
        %add3A_1323 = vector.broadcast %add3A_1322 : f32 to vector<16xf32>
        %add3A_1324 = arith.addf %add3A_1323, %mul3A_1321 : vector<16xf32>
        %mul3A_1325 = arith.constant -0.140478209 : f32
        %mul3A_1326 = vector.broadcast %mul3A_1325 : f32 to vector<16xf32>
        %mul3A_1327 = arith.mulf %mul3A_1326, %mul3A_1316 : vector<16xf32>
        %add3A_1328 = arith.constant 0.199740291 : f32
        %add3A_1329 = vector.broadcast %add3A_1328 : f32 to vector<16xf32>
        %add3A_1330 = arith.addf %add3A_1329, %mul3A_1327 : vector<16xf32>
        %mul3A_1331 = arith.mulf %mul3A_1317, %add3A_1330 : vector<16xf32>
        %add3A_1332 = arith.addf %add3A_1324, %mul3A_1331 : vector<16xf32>
        %mul3A_1333 = arith.constant -0.0608744808 : f32
        %mul3A_1334 = vector.broadcast %mul3A_1333 : f32 to vector<16xf32>
        %mul3A_1335 = arith.mulf %mul3A_1334, %mul3A_1316 : vector<16xf32>
        %add3A_1336 = arith.constant 0.100022055 : f32
        %add3A_1337 = vector.broadcast %add3A_1336 : f32 to vector<16xf32>
        %add3A_1338 = arith.addf %add3A_1337, %mul3A_1335 : vector<16xf32>
        %mul3A_1339 = arith.constant -0.00502106408 : f32
        %mul3A_1340 = vector.broadcast %mul3A_1339 : f32 to vector<16xf32>
        %mul3A_1341 = arith.mulf %mul3A_1340, %mul3A_1316 : vector<16xf32>
        %add3A_1342 = arith.constant 2.533170e-02 : f32
        %add3A_1343 = vector.broadcast %add3A_1342 : f32 to vector<16xf32>
        %add3A_1344 = arith.addf %add3A_1343, %mul3A_1341 : vector<16xf32>
        %mul3A_1345 = arith.mulf %mul3A_1317, %add3A_1344 : vector<16xf32>
        %add3A_1346 = arith.addf %add3A_1338, %mul3A_1345 : vector<16xf32>
        %mul3A_1347 = arith.mulf %mul3A_1318, %add3A_1346 : vector<16xf32>
        %add3A_1348 = arith.addf %add3A_1332, %mul3A_1347 : vector<16xf32>
        %mul3A_1349 = arith.mulf %exp3A_1315, %add3A_1348 : vector<16xf32>
        %le3A_1350 = arith.constant 0.000000e+00 : f32
        %le3A_1351 = vector.broadcast %le3A_1350 : f32 to vector<16xf32>
        %le3A_1352 = arith.cmpf ole, %mul3A_1310, %le3A_1351 : vector<16xf32>
        %mul3A_1353 = arith.constant 2.000000e+00 : f32
        %mul3A_1354 = vector.broadcast %mul3A_1353 : f32 to vector<16xf32>
        %mul3A_1355 = arith.mulf %mul3A_1354, %mul3A_1349 : vector<16xf32>
        %mul3A_1356 = arith.constant 2.000000e+00 : f32
        %mul3A_1357 = vector.broadcast %mul3A_1356 : f32 to vector<16xf32>
        %mul3A_1358 = arith.mulf %mul3A_1357, %mul3A_1349 : vector<16xf32>
        %sub3A_1359 = arith.constant 3.14159274 : f32
        %sub3A_1360 = vector.broadcast %sub3A_1359 : f32 to vector<16xf32>
        %sub3A_1361 = arith.subf %sub3A_1360, %mul3A_1358 : vector<16xf32>
        %select_n3A_1362 = arith.select %le3A_1352, %mul3A_1355, %sub3A_1361 : vector<16xi1>, vector<16xf32>
        %jit3A_1363 = arith.constant 0.000000e+00 : f32
        %broadcast_in_dim3A_1364 = vector.broadcast %jit3A_1363 : f32 to vector<16xf32>
        %select_n3A_1365 = arith.select %lt3A_4, %select_n3A_1362, %broadcast_in_dim3A_1364 : vector<16xi1>, vector<16xf32>
        %add3A_1366 = arith.addf %broadcast_in_dim3A_5, %add3A_1040 : vector<16xf32>
        %add3A_1367 = arith.addf %add3A_1366, %add3A_1068 : vector<16xf32>
        %sub3A_1368 = arith.subf %add3A_1367, %mul3A_804 : vector<16xf32>
        %mul3A_1369 = arith.constant 5.000000e-01 : f32
        %mul3A_1370 = vector.broadcast %mul3A_1369 : f32 to vector<16xf32>
        %mul3A_1371 = arith.mulf %mul3A_1370, %sub3A_1368 : vector<16xf32>
        %abs3A_1372 = math.absf %mul3A_1371 : vector<16xf32>
        %neg3A_1373 = arith.constant 0.000000e+00 : f32
        %neg3A_1374 = vector.broadcast %neg3A_1373 : f32 to vector<16xf32>
        %neg3A_1375 = arith.subf %neg3A_1374, %abs3A_1372 : vector<16xf32>
        %exp3A_1376 = math.exp %neg3A_1375 : vector<16xf32>
        %mul3A_1377 = arith.mulf %exp3A_1376, %exp3A_1376 : vector<16xf32>
        %mul3A_1378 = arith.mulf %mul3A_1377, %mul3A_1377 : vector<16xf32>
        %mul3A_1379 = arith.mulf %mul3A_1378, %mul3A_1378 : vector<16xf32>
        %mul3A_1380 = arith.constant -0.333322316 : f32
        %mul3A_1381 = vector.broadcast %mul3A_1380 : f32 to vector<16xf32>
        %mul3A_1382 = arith.mulf %mul3A_1381, %mul3A_1377 : vector<16xf32>
        %add3A_1383 = arith.constant 0.99999994 : f32
        %add3A_1384 = vector.broadcast %add3A_1383 : f32 to vector<16xf32>
        %add3A_1385 = arith.addf %add3A_1384, %mul3A_1382 : vector<16xf32>
        %mul3A_1386 = arith.constant -0.140478209 : f32
        %mul3A_1387 = vector.broadcast %mul3A_1386 : f32 to vector<16xf32>
        %mul3A_1388 = arith.mulf %mul3A_1387, %mul3A_1377 : vector<16xf32>
        %add3A_1389 = arith.constant 0.199740291 : f32
        %add3A_1390 = vector.broadcast %add3A_1389 : f32 to vector<16xf32>
        %add3A_1391 = arith.addf %add3A_1390, %mul3A_1388 : vector<16xf32>
        %mul3A_1392 = arith.mulf %mul3A_1378, %add3A_1391 : vector<16xf32>
        %add3A_1393 = arith.addf %add3A_1385, %mul3A_1392 : vector<16xf32>
        %mul3A_1394 = arith.constant -0.0608744808 : f32
        %mul3A_1395 = vector.broadcast %mul3A_1394 : f32 to vector<16xf32>
        %mul3A_1396 = arith.mulf %mul3A_1395, %mul3A_1377 : vector<16xf32>
        %add3A_1397 = arith.constant 0.100022055 : f32
        %add3A_1398 = vector.broadcast %add3A_1397 : f32 to vector<16xf32>
        %add3A_1399 = arith.addf %add3A_1398, %mul3A_1396 : vector<16xf32>
        %mul3A_1400 = arith.constant -0.00502106408 : f32
        %mul3A_1401 = vector.broadcast %mul3A_1400 : f32 to vector<16xf32>
        %mul3A_1402 = arith.mulf %mul3A_1401, %mul3A_1377 : vector<16xf32>
        %add3A_1403 = arith.constant 2.533170e-02 : f32
        %add3A_1404 = vector.broadcast %add3A_1403 : f32 to vector<16xf32>
        %add3A_1405 = arith.addf %add3A_1404, %mul3A_1402 : vector<16xf32>
        %mul3A_1406 = arith.mulf %mul3A_1378, %add3A_1405 : vector<16xf32>
        %add3A_1407 = arith.addf %add3A_1399, %mul3A_1406 : vector<16xf32>
        %mul3A_1408 = arith.mulf %mul3A_1379, %add3A_1407 : vector<16xf32>
        %add3A_1409 = arith.addf %add3A_1393, %mul3A_1408 : vector<16xf32>
        %mul3A_1410 = arith.mulf %exp3A_1376, %add3A_1409 : vector<16xf32>
        %le3A_1411 = arith.constant 0.000000e+00 : f32
        %le3A_1412 = vector.broadcast %le3A_1411 : f32 to vector<16xf32>
        %le3A_1413 = arith.cmpf ole, %mul3A_1371, %le3A_1412 : vector<16xf32>
        %mul3A_1414 = arith.constant 2.000000e+00 : f32
        %mul3A_1415 = vector.broadcast %mul3A_1414 : f32 to vector<16xf32>
        %mul3A_1416 = arith.mulf %mul3A_1415, %mul3A_1410 : vector<16xf32>
        %mul3A_1417 = arith.constant 2.000000e+00 : f32
        %mul3A_1418 = vector.broadcast %mul3A_1417 : f32 to vector<16xf32>
        %mul3A_1419 = arith.mulf %mul3A_1418, %mul3A_1410 : vector<16xf32>
        %sub3A_1420 = arith.constant 3.14159274 : f32
        %sub3A_1421 = vector.broadcast %sub3A_1420 : f32 to vector<16xf32>
        %sub3A_1422 = arith.subf %sub3A_1421, %mul3A_1419 : vector<16xf32>
        %select_n3A_1423 = arith.select %le3A_1413, %mul3A_1416, %sub3A_1422 : vector<16xi1>, vector<16xf32>
        %jit3A_1424 = arith.constant 0.000000e+00 : f32
        %broadcast_in_dim3A_1425 = vector.broadcast %jit3A_1424 : f32 to vector<16xf32>
        %select_n3A_1426 = arith.select %lt3A_4, %select_n3A_1423, %broadcast_in_dim3A_1425 : vector<16xi1>, vector<16xf32>
        %add3A_1427 = arith.addf %broadcast_in_dim3A_5, %add3A_1068 : vector<16xf32>
        %sub3A_1428 = arith.subf %add3A_1427, %mul3A_804 : vector<16xf32>
        %mul3A_1429 = arith.constant 5.000000e-01 : f32
        %mul3A_1430 = vector.broadcast %mul3A_1429 : f32 to vector<16xf32>
        %mul3A_1431 = arith.mulf %mul3A_1430, %sub3A_1428 : vector<16xf32>
        %abs3A_1432 = math.absf %mul3A_1431 : vector<16xf32>
        %neg3A_1433 = arith.constant 0.000000e+00 : f32
        %neg3A_1434 = vector.broadcast %neg3A_1433 : f32 to vector<16xf32>
        %neg3A_1435 = arith.subf %neg3A_1434, %abs3A_1432 : vector<16xf32>
        %exp3A_1436 = math.exp %neg3A_1435 : vector<16xf32>
        %mul3A_1437 = arith.mulf %exp3A_1436, %exp3A_1436 : vector<16xf32>
        %mul3A_1438 = arith.mulf %mul3A_1437, %mul3A_1437 : vector<16xf32>
        %mul3A_1439 = arith.mulf %mul3A_1438, %mul3A_1438 : vector<16xf32>
        %mul3A_1440 = arith.constant -0.333322316 : f32
        %mul3A_1441 = vector.broadcast %mul3A_1440 : f32 to vector<16xf32>
        %mul3A_1442 = arith.mulf %mul3A_1441, %mul3A_1437 : vector<16xf32>
        %add3A_1443 = arith.constant 0.99999994 : f32
        %add3A_1444 = vector.broadcast %add3A_1443 : f32 to vector<16xf32>
        %add3A_1445 = arith.addf %add3A_1444, %mul3A_1442 : vector<16xf32>
        %mul3A_1446 = arith.constant -0.140478209 : f32
        %mul3A_1447 = vector.broadcast %mul3A_1446 : f32 to vector<16xf32>
        %mul3A_1448 = arith.mulf %mul3A_1447, %mul3A_1437 : vector<16xf32>
        %add3A_1449 = arith.constant 0.199740291 : f32
        %add3A_1450 = vector.broadcast %add3A_1449 : f32 to vector<16xf32>
        %add3A_1451 = arith.addf %add3A_1450, %mul3A_1448 : vector<16xf32>
        %mul3A_1452 = arith.mulf %mul3A_1438, %add3A_1451 : vector<16xf32>
        %add3A_1453 = arith.addf %add3A_1445, %mul3A_1452 : vector<16xf32>
        %mul3A_1454 = arith.constant -0.0608744808 : f32
        %mul3A_1455 = vector.broadcast %mul3A_1454 : f32 to vector<16xf32>
        %mul3A_1456 = arith.mulf %mul3A_1455, %mul3A_1437 : vector<16xf32>
        %add3A_1457 = arith.constant 0.100022055 : f32
        %add3A_1458 = vector.broadcast %add3A_1457 : f32 to vector<16xf32>
        %add3A_1459 = arith.addf %add3A_1458, %mul3A_1456 : vector<16xf32>
        %mul3A_1460 = arith.constant -0.00502106408 : f32
        %mul3A_1461 = vector.broadcast %mul3A_1460 : f32 to vector<16xf32>
        %mul3A_1462 = arith.mulf %mul3A_1461, %mul3A_1437 : vector<16xf32>
        %add3A_1463 = arith.constant 2.533170e-02 : f32
        %add3A_1464 = vector.broadcast %add3A_1463 : f32 to vector<16xf32>
        %add3A_1465 = arith.addf %add3A_1464, %mul3A_1462 : vector<16xf32>
        %mul3A_1466 = arith.mulf %mul3A_1438, %add3A_1465 : vector<16xf32>
        %add3A_1467 = arith.addf %add3A_1459, %mul3A_1466 : vector<16xf32>
        %mul3A_1468 = arith.mulf %mul3A_1439, %add3A_1467 : vector<16xf32>
        %add3A_1469 = arith.addf %add3A_1453, %mul3A_1468 : vector<16xf32>
        %mul3A_1470 = arith.mulf %exp3A_1436, %add3A_1469 : vector<16xf32>
        %le3A_1471 = arith.constant 0.000000e+00 : f32
        %le3A_1472 = vector.broadcast %le3A_1471 : f32 to vector<16xf32>
        %le3A_1473 = arith.cmpf ole, %mul3A_1431, %le3A_1472 : vector<16xf32>
        %mul3A_1474 = arith.constant 2.000000e+00 : f32
        %mul3A_1475 = vector.broadcast %mul3A_1474 : f32 to vector<16xf32>
        %mul3A_1476 = arith.mulf %mul3A_1475, %mul3A_1470 : vector<16xf32>
        %mul3A_1477 = arith.constant 2.000000e+00 : f32
        %mul3A_1478 = vector.broadcast %mul3A_1477 : f32 to vector<16xf32>
        %mul3A_1479 = arith.mulf %mul3A_1478, %mul3A_1470 : vector<16xf32>
        %sub3A_1480 = arith.constant 3.14159274 : f32
        %sub3A_1481 = vector.broadcast %sub3A_1480 : f32 to vector<16xf32>
        %sub3A_1482 = arith.subf %sub3A_1481, %mul3A_1479 : vector<16xf32>
        %select_n3A_1483 = arith.select %le3A_1473, %mul3A_1476, %sub3A_1482 : vector<16xi1>, vector<16xf32>
        %jit3A_1484 = arith.constant 0.000000e+00 : f32
        %broadcast_in_dim3A_1485 = vector.broadcast %jit3A_1484 : f32 to vector<16xf32>
        %select_n3A_1486 = arith.select %lt3A_4, %select_n3A_1483, %broadcast_in_dim3A_1485 : vector<16xi1>, vector<16xf32>
        %add3A_1487 = arith.addf %broadcast_in_dim3A_5, %add3A_1096 : vector<16xf32>
        %sub3A_1488 = arith.subf %add3A_1487, %mul3A_804 : vector<16xf32>
        %mul3A_1489 = arith.constant 5.000000e-01 : f32
        %mul3A_1490 = vector.broadcast %mul3A_1489 : f32 to vector<16xf32>
        %mul3A_1491 = arith.mulf %mul3A_1490, %sub3A_1488 : vector<16xf32>
        %abs3A_1492 = math.absf %mul3A_1491 : vector<16xf32>
        %neg3A_1493 = arith.constant 0.000000e+00 : f32
        %neg3A_1494 = vector.broadcast %neg3A_1493 : f32 to vector<16xf32>
        %neg3A_1495 = arith.subf %neg3A_1494, %abs3A_1492 : vector<16xf32>
        %exp3A_1496 = math.exp %neg3A_1495 : vector<16xf32>
        %mul3A_1497 = arith.mulf %exp3A_1496, %exp3A_1496 : vector<16xf32>
        %mul3A_1498 = arith.mulf %mul3A_1497, %mul3A_1497 : vector<16xf32>
        %mul3A_1499 = arith.mulf %mul3A_1498, %mul3A_1498 : vector<16xf32>
        %mul3A_1500 = arith.constant -0.333322316 : f32
        %mul3A_1501 = vector.broadcast %mul3A_1500 : f32 to vector<16xf32>
        %mul3A_1502 = arith.mulf %mul3A_1501, %mul3A_1497 : vector<16xf32>
        %add3A_1503 = arith.constant 0.99999994 : f32
        %add3A_1504 = vector.broadcast %add3A_1503 : f32 to vector<16xf32>
        %add3A_1505 = arith.addf %add3A_1504, %mul3A_1502 : vector<16xf32>
        %mul3A_1506 = arith.constant -0.140478209 : f32
        %mul3A_1507 = vector.broadcast %mul3A_1506 : f32 to vector<16xf32>
        %mul3A_1508 = arith.mulf %mul3A_1507, %mul3A_1497 : vector<16xf32>
        %add3A_1509 = arith.constant 0.199740291 : f32
        %add3A_1510 = vector.broadcast %add3A_1509 : f32 to vector<16xf32>
        %add3A_1511 = arith.addf %add3A_1510, %mul3A_1508 : vector<16xf32>
        %mul3A_1512 = arith.mulf %mul3A_1498, %add3A_1511 : vector<16xf32>
        %add3A_1513 = arith.addf %add3A_1505, %mul3A_1512 : vector<16xf32>
        %mul3A_1514 = arith.constant -0.0608744808 : f32
        %mul3A_1515 = vector.broadcast %mul3A_1514 : f32 to vector<16xf32>
        %mul3A_1516 = arith.mulf %mul3A_1515, %mul3A_1497 : vector<16xf32>
        %add3A_1517 = arith.constant 0.100022055 : f32
        %add3A_1518 = vector.broadcast %add3A_1517 : f32 to vector<16xf32>
        %add3A_1519 = arith.addf %add3A_1518, %mul3A_1516 : vector<16xf32>
        %mul3A_1520 = arith.constant -0.00502106408 : f32
        %mul3A_1521 = vector.broadcast %mul3A_1520 : f32 to vector<16xf32>
        %mul3A_1522 = arith.mulf %mul3A_1521, %mul3A_1497 : vector<16xf32>
        %add3A_1523 = arith.constant 2.533170e-02 : f32
        %add3A_1524 = vector.broadcast %add3A_1523 : f32 to vector<16xf32>
        %add3A_1525 = arith.addf %add3A_1524, %mul3A_1522 : vector<16xf32>
        %mul3A_1526 = arith.mulf %mul3A_1498, %add3A_1525 : vector<16xf32>
        %add3A_1527 = arith.addf %add3A_1519, %mul3A_1526 : vector<16xf32>
        %mul3A_1528 = arith.mulf %mul3A_1499, %add3A_1527 : vector<16xf32>
        %add3A_1529 = arith.addf %add3A_1513, %mul3A_1528 : vector<16xf32>
        %mul3A_1530 = arith.mulf %exp3A_1496, %add3A_1529 : vector<16xf32>
        %le3A_1531 = arith.constant 0.000000e+00 : f32
        %le3A_1532 = vector.broadcast %le3A_1531 : f32 to vector<16xf32>
        %le3A_1533 = arith.cmpf ole, %mul3A_1491, %le3A_1532 : vector<16xf32>
        %mul3A_1534 = arith.constant 2.000000e+00 : f32
        %mul3A_1535 = vector.broadcast %mul3A_1534 : f32 to vector<16xf32>
        %mul3A_1536 = arith.mulf %mul3A_1535, %mul3A_1530 : vector<16xf32>
        %mul3A_1537 = arith.constant 2.000000e+00 : f32
        %mul3A_1538 = vector.broadcast %mul3A_1537 : f32 to vector<16xf32>
        %mul3A_1539 = arith.mulf %mul3A_1538, %mul3A_1530 : vector<16xf32>
        %sub3A_1540 = arith.constant 3.14159274 : f32
        %sub3A_1541 = vector.broadcast %sub3A_1540 : f32 to vector<16xf32>
        %sub3A_1542 = arith.subf %sub3A_1541, %mul3A_1539 : vector<16xf32>
        %select_n3A_1543 = arith.select %le3A_1533, %mul3A_1536, %sub3A_1542 : vector<16xi1>, vector<16xf32>
        %jit3A_1544 = arith.constant 0.000000e+00 : f32
        %broadcast_in_dim3A_1545 = vector.broadcast %jit3A_1544 : f32 to vector<16xf32>
        %select_n3A_1546 = arith.select %lt3A_4, %select_n3A_1543, %broadcast_in_dim3A_1545 : vector<16xi1>, vector<16xf32>
        %xor3A_1547 = arith.constant 1 : i32
        %xor3A_1548 = vector.broadcast %xor3A_1547 : i32 to vector<16xi32>
        %xor3A_1549 = arith.xori %iota3A, %xor3A_1548 : vector<16xi32>
        %broadcast_in_dim3A_1550 = vector.shape_cast %xor3A_1549 : vector<16xi32> to vector<16x1xi32>
        %gather3A_1551 = vector.shape_cast %broadcast_in_dim3A_1550 : vector<16x1xi32> to vector<16xi32>
        %gather3A_1552 = tpu.dynamic_gather %select_n3A_1243[%gather3A_1551] in [0] : vector<16xf32>, vector<16xi32> -> vector<16xf32>
        %add3A_1553 = arith.addf %select_n3A_1243, %gather3A_1552 : vector<16xf32>
        %xor3A_1554 = arith.constant 2 : i32
        %xor3A_1555 = vector.broadcast %xor3A_1554 : i32 to vector<16xi32>
        %xor3A_1556 = arith.xori %iota3A, %xor3A_1555 : vector<16xi32>
        %broadcast_in_dim3A_1557 = vector.shape_cast %xor3A_1556 : vector<16xi32> to vector<16x1xi32>
        %gather3A_1558 = vector.shape_cast %broadcast_in_dim3A_1557 : vector<16x1xi32> to vector<16xi32>
        %gather3A_1559 = tpu.dynamic_gather %add3A_1553[%gather3A_1558] in [0] : vector<16xf32>, vector<16xi32> -> vector<16xf32>
        %add3A_1560 = arith.addf %add3A_1553, %gather3A_1559 : vector<16xf32>
        %xor3A_1561 = arith.constant 4 : i32
        %xor3A_1562 = vector.broadcast %xor3A_1561 : i32 to vector<16xi32>
        %xor3A_1563 = arith.xori %iota3A, %xor3A_1562 : vector<16xi32>
        %broadcast_in_dim3A_1564 = vector.shape_cast %xor3A_1563 : vector<16xi32> to vector<16x1xi32>
        %gather3A_1565 = vector.shape_cast %broadcast_in_dim3A_1564 : vector<16x1xi32> to vector<16xi32>
        %gather3A_1566 = tpu.dynamic_gather %add3A_1560[%gather3A_1565] in [0] : vector<16xf32>, vector<16xi32> -> vector<16xf32>
        %add3A_1567 = arith.addf %add3A_1560, %gather3A_1566 : vector<16xf32>
        %xor3A_1568 = arith.constant 8 : i32
        %xor3A_1569 = vector.broadcast %xor3A_1568 : i32 to vector<16xi32>
        %xor3A_1570 = arith.xori %iota3A, %xor3A_1569 : vector<16xi32>
        %broadcast_in_dim3A_1571 = vector.shape_cast %xor3A_1570 : vector<16xi32> to vector<16x1xi32>
        %gather3A_1572 = vector.shape_cast %broadcast_in_dim3A_1571 : vector<16x1xi32> to vector<16xi32>
        %gather3A_1573 = tpu.dynamic_gather %add3A_1567[%gather3A_1572] in [0] : vector<16xf32>, vector<16xi32> -> vector<16xf32>
        %add3A_1574 = arith.addf %add3A_1567, %gather3A_1573 : vector<16xf32>
        %xor3A_1575 = arith.constant 1 : i32
        %xor3A_1576 = vector.broadcast %xor3A_1575 : i32 to vector<16xi32>
        %xor3A_1577 = arith.xori %iota3A, %xor3A_1576 : vector<16xi32>
        %broadcast_in_dim3A_1578 = vector.shape_cast %xor3A_1577 : vector<16xi32> to vector<16x1xi32>
        %gather3A_1579 = vector.shape_cast %broadcast_in_dim3A_1578 : vector<16x1xi32> to vector<16xi32>
        %gather3A_1580 = tpu.dynamic_gather %while3A_725[%gather3A_1579] in [0] : vector<16xf32>, vector<16xi32> -> vector<16xf32>
        %add3A_1581 = arith.addf %while3A_725, %gather3A_1580 : vector<16xf32>
        %xor3A_1582 = arith.constant 2 : i32
        %xor3A_1583 = vector.broadcast %xor3A_1582 : i32 to vector<16xi32>
        %xor3A_1584 = arith.xori %iota3A, %xor3A_1583 : vector<16xi32>
        %broadcast_in_dim3A_1585 = vector.shape_cast %xor3A_1584 : vector<16xi32> to vector<16x1xi32>
        %gather3A_1586 = vector.shape_cast %broadcast_in_dim3A_1585 : vector<16x1xi32> to vector<16xi32>
        %gather3A_1587 = tpu.dynamic_gather %add3A_1581[%gather3A_1586] in [0] : vector<16xf32>, vector<16xi32> -> vector<16xf32>
        %add3A_1588 = arith.addf %add3A_1581, %gather3A_1587 : vector<16xf32>
        %xor3A_1589 = arith.constant 4 : i32
        %xor3A_1590 = vector.broadcast %xor3A_1589 : i32 to vector<16xi32>
        %xor3A_1591 = arith.xori %iota3A, %xor3A_1590 : vector<16xi32>
        %broadcast_in_dim3A_1592 = vector.shape_cast %xor3A_1591 : vector<16xi32> to vector<16x1xi32>
        %gather3A_1593 = vector.shape_cast %broadcast_in_dim3A_1592 : vector<16x1xi32> to vector<16xi32>
        %gather3A_1594 = tpu.dynamic_gather %add3A_1588[%gather3A_1593] in [0] : vector<16xf32>, vector<16xi32> -> vector<16xf32>
        %add3A_1595 = arith.addf %add3A_1588, %gather3A_1594 : vector<16xf32>
        %xor3A_1596 = arith.constant 8 : i32
        %xor3A_1597 = vector.broadcast %xor3A_1596 : i32 to vector<16xi32>
        %xor3A_1598 = arith.xori %iota3A, %xor3A_1597 : vector<16xi32>
        %broadcast_in_dim3A_1599 = vector.shape_cast %xor3A_1598 : vector<16xi32> to vector<16x1xi32>
        %gather3A_1600 = vector.shape_cast %broadcast_in_dim3A_1599 : vector<16x1xi32> to vector<16xi32>
        %gather3A_1601 = tpu.dynamic_gather %add3A_1595[%gather3A_1600] in [0] : vector<16xf32>, vector<16xi32> -> vector<16xf32>
        %add3A_1602 = arith.addf %add3A_1595, %gather3A_1601 : vector<16xf32>
        %xor3A_1603 = arith.constant 1 : i32
        %xor3A_1604 = vector.broadcast %xor3A_1603 : i32 to vector<16xi32>
        %xor3A_1605 = arith.xori %iota3A, %xor3A_1604 : vector<16xi32>
        %broadcast_in_dim3A_1606 = vector.shape_cast %xor3A_1605 : vector<16xi32> to vector<16x1xi32>
        %gather3A_1607 = vector.shape_cast %broadcast_in_dim3A_1606 : vector<16x1xi32> to vector<16xi32>
        %gather3A_1608 = tpu.dynamic_gather %while3A_732[%gather3A_1607] in [0] : vector<16xf32>, vector<16xi32> -> vector<16xf32>
        %add3A_1609 = arith.addf %while3A_732, %gather3A_1608 : vector<16xf32>
        %xor3A_1610 = arith.constant 2 : i32
        %xor3A_1611 = vector.broadcast %xor3A_1610 : i32 to vector<16xi32>
        %xor3A_1612 = arith.xori %iota3A, %xor3A_1611 : vector<16xi32>
        %broadcast_in_dim3A_1613 = vector.shape_cast %xor3A_1612 : vector<16xi32> to vector<16x1xi32>
        %gather3A_1614 = vector.shape_cast %broadcast_in_dim3A_1613 : vector<16x1xi32> to vector<16xi32>
        %gather3A_1615 = tpu.dynamic_gather %add3A_1609[%gather3A_1614] in [0] : vector<16xf32>, vector<16xi32> -> vector<16xf32>
        %add3A_1616 = arith.addf %add3A_1609, %gather3A_1615 : vector<16xf32>
        %xor3A_1617 = arith.constant 4 : i32
        %xor3A_1618 = vector.broadcast %xor3A_1617 : i32 to vector<16xi32>
        %xor3A_1619 = arith.xori %iota3A, %xor3A_1618 : vector<16xi32>
        %broadcast_in_dim3A_1620 = vector.shape_cast %xor3A_1619 : vector<16xi32> to vector<16x1xi32>
        %gather3A_1621 = vector.shape_cast %broadcast_in_dim3A_1620 : vector<16x1xi32> to vector<16xi32>
        %gather3A_1622 = tpu.dynamic_gather %add3A_1616[%gather3A_1621] in [0] : vector<16xf32>, vector<16xi32> -> vector<16xf32>
        %add3A_1623 = arith.addf %add3A_1616, %gather3A_1622 : vector<16xf32>
        %xor3A_1624 = arith.constant 8 : i32
        %xor3A_1625 = vector.broadcast %xor3A_1624 : i32 to vector<16xi32>
        %xor3A_1626 = arith.xori %iota3A, %xor3A_1625 : vector<16xi32>
        %broadcast_in_dim3A_1627 = vector.shape_cast %xor3A_1626 : vector<16xi32> to vector<16x1xi32>
        %gather3A_1628 = vector.shape_cast %broadcast_in_dim3A_1627 : vector<16x1xi32> to vector<16xi32>
        %gather3A_1629 = tpu.dynamic_gather %add3A_1623[%gather3A_1628] in [0] : vector<16xf32>, vector<16xi32> -> vector<16xf32>
        %add3A_1630 = arith.addf %add3A_1623, %gather3A_1629 : vector<16xf32>
        %xor3A_1631 = arith.constant 1 : i32
        %xor3A_1632 = vector.broadcast %xor3A_1631 : i32 to vector<16xi32>
        %xor3A_1633 = arith.xori %iota3A, %xor3A_1632 : vector<16xi32>
        %broadcast_in_dim3A_1634 = vector.shape_cast %xor3A_1633 : vector<16xi32> to vector<16x1xi32>
        %gather3A_1635 = vector.shape_cast %broadcast_in_dim3A_1634 : vector<16x1xi32> to vector<16xi32>
        %gather3A_1636 = tpu.dynamic_gather %while3A_739[%gather3A_1635] in [0] : vector<16xf32>, vector<16xi32> -> vector<16xf32>
        %add3A_1637 = arith.addf %while3A_739, %gather3A_1636 : vector<16xf32>
        %xor3A_1638 = arith.constant 2 : i32
        %xor3A_1639 = vector.broadcast %xor3A_1638 : i32 to vector<16xi32>
        %xor3A_1640 = arith.xori %iota3A, %xor3A_1639 : vector<16xi32>
        %broadcast_in_dim3A_1641 = vector.shape_cast %xor3A_1640 : vector<16xi32> to vector<16x1xi32>
        %gather3A_1642 = vector.shape_cast %broadcast_in_dim3A_1641 : vector<16x1xi32> to vector<16xi32>
        %gather3A_1643 = tpu.dynamic_gather %add3A_1637[%gather3A_1642] in [0] : vector<16xf32>, vector<16xi32> -> vector<16xf32>
        %add3A_1644 = arith.addf %add3A_1637, %gather3A_1643 : vector<16xf32>
        %xor3A_1645 = arith.constant 4 : i32
        %xor3A_1646 = vector.broadcast %xor3A_1645 : i32 to vector<16xi32>
        %xor3A_1647 = arith.xori %iota3A, %xor3A_1646 : vector<16xi32>
        %broadcast_in_dim3A_1648 = vector.shape_cast %xor3A_1647 : vector<16xi32> to vector<16x1xi32>
        %gather3A_1649 = vector.shape_cast %broadcast_in_dim3A_1648 : vector<16x1xi32> to vector<16xi32>
        %gather3A_1650 = tpu.dynamic_gather %add3A_1644[%gather3A_1649] in [0] : vector<16xf32>, vector<16xi32> -> vector<16xf32>
        %add3A_1651 = arith.addf %add3A_1644, %gather3A_1650 : vector<16xf32>
        %xor3A_1652 = arith.constant 8 : i32
        %xor3A_1653 = vector.broadcast %xor3A_1652 : i32 to vector<16xi32>
        %xor3A_1654 = arith.xori %iota3A, %xor3A_1653 : vector<16xi32>
        %broadcast_in_dim3A_1655 = vector.shape_cast %xor3A_1654 : vector<16xi32> to vector<16x1xi32>
        %gather3A_1656 = vector.shape_cast %broadcast_in_dim3A_1655 : vector<16x1xi32> to vector<16xi32>
        %gather3A_1657 = tpu.dynamic_gather %add3A_1651[%gather3A_1656] in [0] : vector<16xf32>, vector<16xi32> -> vector<16xf32>
        %add3A_1658 = arith.addf %add3A_1651, %gather3A_1657 : vector<16xf32>
        %add3A_1659 = arith.addf %broadcast_in_dim3A_5, %add3A_1574 : vector<16xf32>
        %add3A_1660 = arith.addf %add3A_1659, %add3A_1658 : vector<16xf32>
        %sub3A_1661 = arith.subf %add3A_1660, %mul3A_807 : vector<16xf32>
        %mul3A_1662 = arith.constant 5.000000e-01 : f32
        %mul3A_1663 = vector.broadcast %mul3A_1662 : f32 to vector<16xf32>
        %mul3A_1664 = arith.mulf %mul3A_1663, %sub3A_1661 : vector<16xf32>
        %abs3A_1665 = math.absf %mul3A_1664 : vector<16xf32>
        %neg3A_1666 = arith.constant 0.000000e+00 : f32
        %neg3A_1667 = vector.broadcast %neg3A_1666 : f32 to vector<16xf32>
        %neg3A_1668 = arith.subf %neg3A_1667, %abs3A_1665 : vector<16xf32>
        %exp3A_1669 = math.exp %neg3A_1668 : vector<16xf32>
        %mul3A_1670 = arith.mulf %exp3A_1669, %exp3A_1669 : vector<16xf32>
        %mul3A_1671 = arith.mulf %mul3A_1670, %mul3A_1670 : vector<16xf32>
        %mul3A_1672 = arith.mulf %mul3A_1671, %mul3A_1671 : vector<16xf32>
        %mul3A_1673 = arith.constant -0.333322316 : f32
        %mul3A_1674 = vector.broadcast %mul3A_1673 : f32 to vector<16xf32>
        %mul3A_1675 = arith.mulf %mul3A_1674, %mul3A_1670 : vector<16xf32>
        %add3A_1676 = arith.constant 0.99999994 : f32
        %add3A_1677 = vector.broadcast %add3A_1676 : f32 to vector<16xf32>
        %add3A_1678 = arith.addf %add3A_1677, %mul3A_1675 : vector<16xf32>
        %mul3A_1679 = arith.constant -0.140478209 : f32
        %mul3A_1680 = vector.broadcast %mul3A_1679 : f32 to vector<16xf32>
        %mul3A_1681 = arith.mulf %mul3A_1680, %mul3A_1670 : vector<16xf32>
        %add3A_1682 = arith.constant 0.199740291 : f32
        %add3A_1683 = vector.broadcast %add3A_1682 : f32 to vector<16xf32>
        %add3A_1684 = arith.addf %add3A_1683, %mul3A_1681 : vector<16xf32>
        %mul3A_1685 = arith.mulf %mul3A_1671, %add3A_1684 : vector<16xf32>
        %add3A_1686 = arith.addf %add3A_1678, %mul3A_1685 : vector<16xf32>
        %mul3A_1687 = arith.constant -0.0608744808 : f32
        %mul3A_1688 = vector.broadcast %mul3A_1687 : f32 to vector<16xf32>
        %mul3A_1689 = arith.mulf %mul3A_1688, %mul3A_1670 : vector<16xf32>
        %add3A_1690 = arith.constant 0.100022055 : f32
        %add3A_1691 = vector.broadcast %add3A_1690 : f32 to vector<16xf32>
        %add3A_1692 = arith.addf %add3A_1691, %mul3A_1689 : vector<16xf32>
        %mul3A_1693 = arith.constant -0.00502106408 : f32
        %mul3A_1694 = vector.broadcast %mul3A_1693 : f32 to vector<16xf32>
        %mul3A_1695 = arith.mulf %mul3A_1694, %mul3A_1670 : vector<16xf32>
        %add3A_1696 = arith.constant 2.533170e-02 : f32
        %add3A_1697 = vector.broadcast %add3A_1696 : f32 to vector<16xf32>
        %add3A_1698 = arith.addf %add3A_1697, %mul3A_1695 : vector<16xf32>
        %mul3A_1699 = arith.mulf %mul3A_1671, %add3A_1698 : vector<16xf32>
        %add3A_1700 = arith.addf %add3A_1692, %mul3A_1699 : vector<16xf32>
        %mul3A_1701 = arith.mulf %mul3A_1672, %add3A_1700 : vector<16xf32>
        %add3A_1702 = arith.addf %add3A_1686, %mul3A_1701 : vector<16xf32>
        %mul3A_1703 = arith.mulf %exp3A_1669, %add3A_1702 : vector<16xf32>
        %le3A_1704 = arith.constant 0.000000e+00 : f32
        %le3A_1705 = vector.broadcast %le3A_1704 : f32 to vector<16xf32>
        %le3A_1706 = arith.cmpf ole, %mul3A_1664, %le3A_1705 : vector<16xf32>
        %mul3A_1707 = arith.constant 2.000000e+00 : f32
        %mul3A_1708 = vector.broadcast %mul3A_1707 : f32 to vector<16xf32>
        %mul3A_1709 = arith.mulf %mul3A_1708, %mul3A_1703 : vector<16xf32>
        %mul3A_1710 = arith.constant 2.000000e+00 : f32
        %mul3A_1711 = vector.broadcast %mul3A_1710 : f32 to vector<16xf32>
        %mul3A_1712 = arith.mulf %mul3A_1711, %mul3A_1703 : vector<16xf32>
        %sub3A_1713 = arith.constant 3.14159274 : f32
        %sub3A_1714 = vector.broadcast %sub3A_1713 : f32 to vector<16xf32>
        %sub3A_1715 = arith.subf %sub3A_1714, %mul3A_1712 : vector<16xf32>
        %select_n3A_1716 = arith.select %le3A_1706, %mul3A_1709, %sub3A_1715 : vector<16xi1>, vector<16xf32>
        %jit3A_1717 = arith.constant 0.000000e+00 : f32
        %broadcast_in_dim3A_1718 = vector.broadcast %jit3A_1717 : f32 to vector<16xf32>
        %select_n3A_1719 = arith.select %lt3A_4, %select_n3A_1716, %broadcast_in_dim3A_1718 : vector<16xi1>, vector<16xf32>
        %add3A_1720 = arith.addf %broadcast_in_dim3A_5, %add3A_1574 : vector<16xf32>
        %add3A_1721 = arith.addf %add3A_1720, %add3A_1630 : vector<16xf32>
        %sub3A_1722 = arith.subf %add3A_1721, %mul3A_807 : vector<16xf32>
        %mul3A_1723 = arith.constant 5.000000e-01 : f32
        %mul3A_1724 = vector.broadcast %mul3A_1723 : f32 to vector<16xf32>
        %mul3A_1725 = arith.mulf %mul3A_1724, %sub3A_1722 : vector<16xf32>
        %abs3A_1726 = math.absf %mul3A_1725 : vector<16xf32>
        %neg3A_1727 = arith.constant 0.000000e+00 : f32
        %neg3A_1728 = vector.broadcast %neg3A_1727 : f32 to vector<16xf32>
        %neg3A_1729 = arith.subf %neg3A_1728, %abs3A_1726 : vector<16xf32>
        %exp3A_1730 = math.exp %neg3A_1729 : vector<16xf32>
        %mul3A_1731 = arith.mulf %exp3A_1730, %exp3A_1730 : vector<16xf32>
        %mul3A_1732 = arith.mulf %mul3A_1731, %mul3A_1731 : vector<16xf32>
        %mul3A_1733 = arith.mulf %mul3A_1732, %mul3A_1732 : vector<16xf32>
        %mul3A_1734 = arith.constant -0.333322316 : f32
        %mul3A_1735 = vector.broadcast %mul3A_1734 : f32 to vector<16xf32>
        %mul3A_1736 = arith.mulf %mul3A_1735, %mul3A_1731 : vector<16xf32>
        %add3A_1737 = arith.constant 0.99999994 : f32
        %add3A_1738 = vector.broadcast %add3A_1737 : f32 to vector<16xf32>
        %add3A_1739 = arith.addf %add3A_1738, %mul3A_1736 : vector<16xf32>
        %mul3A_1740 = arith.constant -0.140478209 : f32
        %mul3A_1741 = vector.broadcast %mul3A_1740 : f32 to vector<16xf32>
        %mul3A_1742 = arith.mulf %mul3A_1741, %mul3A_1731 : vector<16xf32>
        %add3A_1743 = arith.constant 0.199740291 : f32
        %add3A_1744 = vector.broadcast %add3A_1743 : f32 to vector<16xf32>
        %add3A_1745 = arith.addf %add3A_1744, %mul3A_1742 : vector<16xf32>
        %mul3A_1746 = arith.mulf %mul3A_1732, %add3A_1745 : vector<16xf32>
        %add3A_1747 = arith.addf %add3A_1739, %mul3A_1746 : vector<16xf32>
        %mul3A_1748 = arith.constant -0.0608744808 : f32
        %mul3A_1749 = vector.broadcast %mul3A_1748 : f32 to vector<16xf32>
        %mul3A_1750 = arith.mulf %mul3A_1749, %mul3A_1731 : vector<16xf32>
        %add3A_1751 = arith.constant 0.100022055 : f32
        %add3A_1752 = vector.broadcast %add3A_1751 : f32 to vector<16xf32>
        %add3A_1753 = arith.addf %add3A_1752, %mul3A_1750 : vector<16xf32>
        %mul3A_1754 = arith.constant -0.00502106408 : f32
        %mul3A_1755 = vector.broadcast %mul3A_1754 : f32 to vector<16xf32>
        %mul3A_1756 = arith.mulf %mul3A_1755, %mul3A_1731 : vector<16xf32>
        %add3A_1757 = arith.constant 2.533170e-02 : f32
        %add3A_1758 = vector.broadcast %add3A_1757 : f32 to vector<16xf32>
        %add3A_1759 = arith.addf %add3A_1758, %mul3A_1756 : vector<16xf32>
        %mul3A_1760 = arith.mulf %mul3A_1732, %add3A_1759 : vector<16xf32>
        %add3A_1761 = arith.addf %add3A_1753, %mul3A_1760 : vector<16xf32>
        %mul3A_1762 = arith.mulf %mul3A_1733, %add3A_1761 : vector<16xf32>
        %add3A_1763 = arith.addf %add3A_1747, %mul3A_1762 : vector<16xf32>
        %mul3A_1764 = arith.mulf %exp3A_1730, %add3A_1763 : vector<16xf32>
        %le3A_1765 = arith.constant 0.000000e+00 : f32
        %le3A_1766 = vector.broadcast %le3A_1765 : f32 to vector<16xf32>
        %le3A_1767 = arith.cmpf ole, %mul3A_1725, %le3A_1766 : vector<16xf32>
        %mul3A_1768 = arith.constant 2.000000e+00 : f32
        %mul3A_1769 = vector.broadcast %mul3A_1768 : f32 to vector<16xf32>
        %mul3A_1770 = arith.mulf %mul3A_1769, %mul3A_1764 : vector<16xf32>
        %mul3A_1771 = arith.constant 2.000000e+00 : f32
        %mul3A_1772 = vector.broadcast %mul3A_1771 : f32 to vector<16xf32>
        %mul3A_1773 = arith.mulf %mul3A_1772, %mul3A_1764 : vector<16xf32>
        %sub3A_1774 = arith.constant 3.14159274 : f32
        %sub3A_1775 = vector.broadcast %sub3A_1774 : f32 to vector<16xf32>
        %sub3A_1776 = arith.subf %sub3A_1775, %mul3A_1773 : vector<16xf32>
        %select_n3A_1777 = arith.select %le3A_1767, %mul3A_1770, %sub3A_1776 : vector<16xi1>, vector<16xf32>
        %jit3A_1778 = arith.constant 0.000000e+00 : f32
        %broadcast_in_dim3A_1779 = vector.broadcast %jit3A_1778 : f32 to vector<16xf32>
        %select_n3A_1780 = arith.select %lt3A_4, %select_n3A_1777, %broadcast_in_dim3A_1779 : vector<16xi1>, vector<16xf32>
        %xor3A_1781 = arith.constant 1 : i32
        %xor3A_1782 = vector.broadcast %xor3A_1781 : i32 to vector<16xi32>
        %xor3A_1783 = arith.xori %iota3A, %xor3A_1782 : vector<16xi32>
        %broadcast_in_dim3A_1784 = vector.shape_cast %xor3A_1783 : vector<16xi32> to vector<16x1xi32>
        %gather3A_1785 = vector.shape_cast %broadcast_in_dim3A_1784 : vector<16x1xi32> to vector<16xi32>
        %gather3A_1786 = tpu.dynamic_gather %select_n3A_1780[%gather3A_1785] in [0] : vector<16xf32>, vector<16xi32> -> vector<16xf32>
        %add3A_1787 = arith.addf %select_n3A_1780, %gather3A_1786 : vector<16xf32>
        %xor3A_1788 = arith.constant 2 : i32
        %xor3A_1789 = vector.broadcast %xor3A_1788 : i32 to vector<16xi32>
        %xor3A_1790 = arith.xori %iota3A, %xor3A_1789 : vector<16xi32>
        %broadcast_in_dim3A_1791 = vector.shape_cast %xor3A_1790 : vector<16xi32> to vector<16x1xi32>
        %gather3A_1792 = vector.shape_cast %broadcast_in_dim3A_1791 : vector<16x1xi32> to vector<16xi32>
        %gather3A_1793 = tpu.dynamic_gather %add3A_1787[%gather3A_1792] in [0] : vector<16xf32>, vector<16xi32> -> vector<16xf32>
        %add3A_1794 = arith.addf %add3A_1787, %gather3A_1793 : vector<16xf32>
        %xor3A_1795 = arith.constant 4 : i32
        %xor3A_1796 = vector.broadcast %xor3A_1795 : i32 to vector<16xi32>
        %xor3A_1797 = arith.xori %iota3A, %xor3A_1796 : vector<16xi32>
        %broadcast_in_dim3A_1798 = vector.shape_cast %xor3A_1797 : vector<16xi32> to vector<16x1xi32>
        %gather3A_1799 = vector.shape_cast %broadcast_in_dim3A_1798 : vector<16x1xi32> to vector<16xi32>
        %gather3A_1800 = tpu.dynamic_gather %add3A_1794[%gather3A_1799] in [0] : vector<16xf32>, vector<16xi32> -> vector<16xf32>
        %add3A_1801 = arith.addf %add3A_1794, %gather3A_1800 : vector<16xf32>
        %xor3A_1802 = arith.constant 8 : i32
        %xor3A_1803 = vector.broadcast %xor3A_1802 : i32 to vector<16xi32>
        %xor3A_1804 = arith.xori %iota3A, %xor3A_1803 : vector<16xi32>
        %broadcast_in_dim3A_1805 = vector.shape_cast %xor3A_1804 : vector<16xi32> to vector<16x1xi32>
        %gather3A_1806 = vector.shape_cast %broadcast_in_dim3A_1805 : vector<16x1xi32> to vector<16xi32>
        %gather3A_1807 = tpu.dynamic_gather %add3A_1801[%gather3A_1806] in [0] : vector<16xf32>, vector<16xi32> -> vector<16xf32>
        %add3A_1808 = arith.addf %add3A_1801, %gather3A_1807 : vector<16xf32>
        %add3A_1809 = arith.addf %broadcast_in_dim3A_5, %add3A_1574 : vector<16xf32>
        %add3A_1810 = arith.addf %add3A_1809, %add3A_1808 : vector<16xf32>
        %sub3A_1811 = arith.subf %add3A_1810, %mul3A_807 : vector<16xf32>
        %mul3A_1812 = arith.constant 5.000000e-01 : f32
        %mul3A_1813 = vector.broadcast %mul3A_1812 : f32 to vector<16xf32>
        %mul3A_1814 = arith.mulf %mul3A_1813, %sub3A_1811 : vector<16xf32>
        %abs3A_1815 = math.absf %mul3A_1814 : vector<16xf32>
        %neg3A_1816 = arith.constant 0.000000e+00 : f32
        %neg3A_1817 = vector.broadcast %neg3A_1816 : f32 to vector<16xf32>
        %neg3A_1818 = arith.subf %neg3A_1817, %abs3A_1815 : vector<16xf32>
        %exp3A_1819 = math.exp %neg3A_1818 : vector<16xf32>
        %mul3A_1820 = arith.mulf %exp3A_1819, %exp3A_1819 : vector<16xf32>
        %mul3A_1821 = arith.mulf %mul3A_1820, %mul3A_1820 : vector<16xf32>
        %mul3A_1822 = arith.mulf %mul3A_1821, %mul3A_1821 : vector<16xf32>
        %mul3A_1823 = arith.constant -0.333322316 : f32
        %mul3A_1824 = vector.broadcast %mul3A_1823 : f32 to vector<16xf32>
        %mul3A_1825 = arith.mulf %mul3A_1824, %mul3A_1820 : vector<16xf32>
        %add3A_1826 = arith.constant 0.99999994 : f32
        %add3A_1827 = vector.broadcast %add3A_1826 : f32 to vector<16xf32>
        %add3A_1828 = arith.addf %add3A_1827, %mul3A_1825 : vector<16xf32>
        %mul3A_1829 = arith.constant -0.140478209 : f32
        %mul3A_1830 = vector.broadcast %mul3A_1829 : f32 to vector<16xf32>
        %mul3A_1831 = arith.mulf %mul3A_1830, %mul3A_1820 : vector<16xf32>
        %add3A_1832 = arith.constant 0.199740291 : f32
        %add3A_1833 = vector.broadcast %add3A_1832 : f32 to vector<16xf32>
        %add3A_1834 = arith.addf %add3A_1833, %mul3A_1831 : vector<16xf32>
        %mul3A_1835 = arith.mulf %mul3A_1821, %add3A_1834 : vector<16xf32>
        %add3A_1836 = arith.addf %add3A_1828, %mul3A_1835 : vector<16xf32>
        %mul3A_1837 = arith.constant -0.0608744808 : f32
        %mul3A_1838 = vector.broadcast %mul3A_1837 : f32 to vector<16xf32>
        %mul3A_1839 = arith.mulf %mul3A_1838, %mul3A_1820 : vector<16xf32>
        %add3A_1840 = arith.constant 0.100022055 : f32
        %add3A_1841 = vector.broadcast %add3A_1840 : f32 to vector<16xf32>
        %add3A_1842 = arith.addf %add3A_1841, %mul3A_1839 : vector<16xf32>
        %mul3A_1843 = arith.constant -0.00502106408 : f32
        %mul3A_1844 = vector.broadcast %mul3A_1843 : f32 to vector<16xf32>
        %mul3A_1845 = arith.mulf %mul3A_1844, %mul3A_1820 : vector<16xf32>
        %add3A_1846 = arith.constant 2.533170e-02 : f32
        %add3A_1847 = vector.broadcast %add3A_1846 : f32 to vector<16xf32>
        %add3A_1848 = arith.addf %add3A_1847, %mul3A_1845 : vector<16xf32>
        %mul3A_1849 = arith.mulf %mul3A_1821, %add3A_1848 : vector<16xf32>
        %add3A_1850 = arith.addf %add3A_1842, %mul3A_1849 : vector<16xf32>
        %mul3A_1851 = arith.mulf %mul3A_1822, %add3A_1850 : vector<16xf32>
        %add3A_1852 = arith.addf %add3A_1836, %mul3A_1851 : vector<16xf32>
        %mul3A_1853 = arith.mulf %exp3A_1819, %add3A_1852 : vector<16xf32>
        %le3A_1854 = arith.constant 0.000000e+00 : f32
        %le3A_1855 = vector.broadcast %le3A_1854 : f32 to vector<16xf32>
        %le3A_1856 = arith.cmpf ole, %mul3A_1814, %le3A_1855 : vector<16xf32>
        %mul3A_1857 = arith.constant 2.000000e+00 : f32
        %mul3A_1858 = vector.broadcast %mul3A_1857 : f32 to vector<16xf32>
        %mul3A_1859 = arith.mulf %mul3A_1858, %mul3A_1853 : vector<16xf32>
        %mul3A_1860 = arith.constant 2.000000e+00 : f32
        %mul3A_1861 = vector.broadcast %mul3A_1860 : f32 to vector<16xf32>
        %mul3A_1862 = arith.mulf %mul3A_1861, %mul3A_1853 : vector<16xf32>
        %sub3A_1863 = arith.constant 3.14159274 : f32
        %sub3A_1864 = vector.broadcast %sub3A_1863 : f32 to vector<16xf32>
        %sub3A_1865 = arith.subf %sub3A_1864, %mul3A_1862 : vector<16xf32>
        %select_n3A_1866 = arith.select %le3A_1856, %mul3A_1859, %sub3A_1865 : vector<16xi1>, vector<16xf32>
        %jit3A_1867 = arith.constant 0.000000e+00 : f32
        %broadcast_in_dim3A_1868 = vector.broadcast %jit3A_1867 : f32 to vector<16xf32>
        %select_n3A_1869 = arith.select %lt3A_4, %select_n3A_1866, %broadcast_in_dim3A_1868 : vector<16xi1>, vector<16xf32>
        %add3A_1870 = arith.addf %broadcast_in_dim3A_5, %add3A_1808 : vector<16xf32>
        %add3A_1871 = arith.addf %add3A_1870, %add3A_1658 : vector<16xf32>
        %sub3A_1872 = arith.subf %add3A_1871, %mul3A_826 : vector<16xf32>
        %mul3A_1873 = arith.constant 5.000000e-01 : f32
        %mul3A_1874 = vector.broadcast %mul3A_1873 : f32 to vector<16xf32>
        %mul3A_1875 = arith.mulf %mul3A_1874, %sub3A_1872 : vector<16xf32>
        %abs3A_1876 = math.absf %mul3A_1875 : vector<16xf32>
        %neg3A_1877 = arith.constant 0.000000e+00 : f32
        %neg3A_1878 = vector.broadcast %neg3A_1877 : f32 to vector<16xf32>
        %neg3A_1879 = arith.subf %neg3A_1878, %abs3A_1876 : vector<16xf32>
        %exp3A_1880 = math.exp %neg3A_1879 : vector<16xf32>
        %mul3A_1881 = arith.mulf %exp3A_1880, %exp3A_1880 : vector<16xf32>
        %mul3A_1882 = arith.mulf %mul3A_1881, %mul3A_1881 : vector<16xf32>
        %mul3A_1883 = arith.mulf %mul3A_1882, %mul3A_1882 : vector<16xf32>
        %mul3A_1884 = arith.constant -0.333322316 : f32
        %mul3A_1885 = vector.broadcast %mul3A_1884 : f32 to vector<16xf32>
        %mul3A_1886 = arith.mulf %mul3A_1885, %mul3A_1881 : vector<16xf32>
        %add3A_1887 = arith.constant 0.99999994 : f32
        %add3A_1888 = vector.broadcast %add3A_1887 : f32 to vector<16xf32>
        %add3A_1889 = arith.addf %add3A_1888, %mul3A_1886 : vector<16xf32>
        %mul3A_1890 = arith.constant -0.140478209 : f32
        %mul3A_1891 = vector.broadcast %mul3A_1890 : f32 to vector<16xf32>
        %mul3A_1892 = arith.mulf %mul3A_1891, %mul3A_1881 : vector<16xf32>
        %add3A_1893 = arith.constant 0.199740291 : f32
        %add3A_1894 = vector.broadcast %add3A_1893 : f32 to vector<16xf32>
        %add3A_1895 = arith.addf %add3A_1894, %mul3A_1892 : vector<16xf32>
        %mul3A_1896 = arith.mulf %mul3A_1882, %add3A_1895 : vector<16xf32>
        %add3A_1897 = arith.addf %add3A_1889, %mul3A_1896 : vector<16xf32>
        %mul3A_1898 = arith.constant -0.0608744808 : f32
        %mul3A_1899 = vector.broadcast %mul3A_1898 : f32 to vector<16xf32>
        %mul3A_1900 = arith.mulf %mul3A_1899, %mul3A_1881 : vector<16xf32>
        %add3A_1901 = arith.constant 0.100022055 : f32
        %add3A_1902 = vector.broadcast %add3A_1901 : f32 to vector<16xf32>
        %add3A_1903 = arith.addf %add3A_1902, %mul3A_1900 : vector<16xf32>
        %mul3A_1904 = arith.constant -0.00502106408 : f32
        %mul3A_1905 = vector.broadcast %mul3A_1904 : f32 to vector<16xf32>
        %mul3A_1906 = arith.mulf %mul3A_1905, %mul3A_1881 : vector<16xf32>
        %add3A_1907 = arith.constant 2.533170e-02 : f32
        %add3A_1908 = vector.broadcast %add3A_1907 : f32 to vector<16xf32>
        %add3A_1909 = arith.addf %add3A_1908, %mul3A_1906 : vector<16xf32>
        %mul3A_1910 = arith.mulf %mul3A_1882, %add3A_1909 : vector<16xf32>
        %add3A_1911 = arith.addf %add3A_1903, %mul3A_1910 : vector<16xf32>
        %mul3A_1912 = arith.mulf %mul3A_1883, %add3A_1911 : vector<16xf32>
        %add3A_1913 = arith.addf %add3A_1897, %mul3A_1912 : vector<16xf32>
        %mul3A_1914 = arith.mulf %exp3A_1880, %add3A_1913 : vector<16xf32>
        %le3A_1915 = arith.constant 0.000000e+00 : f32
        %le3A_1916 = vector.broadcast %le3A_1915 : f32 to vector<16xf32>
        %le3A_1917 = arith.cmpf ole, %mul3A_1875, %le3A_1916 : vector<16xf32>
        %mul3A_1918 = arith.constant 2.000000e+00 : f32
        %mul3A_1919 = vector.broadcast %mul3A_1918 : f32 to vector<16xf32>
        %mul3A_1920 = arith.mulf %mul3A_1919, %mul3A_1914 : vector<16xf32>
        %mul3A_1921 = arith.constant 2.000000e+00 : f32
        %mul3A_1922 = vector.broadcast %mul3A_1921 : f32 to vector<16xf32>
        %mul3A_1923 = arith.mulf %mul3A_1922, %mul3A_1914 : vector<16xf32>
        %sub3A_1924 = arith.constant 3.14159274 : f32
        %sub3A_1925 = vector.broadcast %sub3A_1924 : f32 to vector<16xf32>
        %sub3A_1926 = arith.subf %sub3A_1925, %mul3A_1923 : vector<16xf32>
        %select_n3A_1927 = arith.select %le3A_1917, %mul3A_1920, %sub3A_1926 : vector<16xi1>, vector<16xf32>
        %jit3A_1928 = arith.constant 0.000000e+00 : f32
        %broadcast_in_dim3A_1929 = vector.broadcast %jit3A_1928 : f32 to vector<16xf32>
        %select_n3A_1930 = arith.select %lt3A_4, %select_n3A_1927, %broadcast_in_dim3A_1929 : vector<16xi1>, vector<16xf32>
        %add3A_1931 = arith.addf %broadcast_in_dim3A_5, %add3A_1808 : vector<16xf32>
        %add3A_1932 = arith.addf %add3A_1931, %add3A_1630 : vector<16xf32>
        %sub3A_1933 = arith.subf %add3A_1932, %mul3A_845 : vector<16xf32>
        %mul3A_1934 = arith.constant 5.000000e-01 : f32
        %mul3A_1935 = vector.broadcast %mul3A_1934 : f32 to vector<16xf32>
        %mul3A_1936 = arith.mulf %mul3A_1935, %sub3A_1933 : vector<16xf32>
        %abs3A_1937 = math.absf %mul3A_1936 : vector<16xf32>
        %neg3A_1938 = arith.constant 0.000000e+00 : f32
        %neg3A_1939 = vector.broadcast %neg3A_1938 : f32 to vector<16xf32>
        %neg3A_1940 = arith.subf %neg3A_1939, %abs3A_1937 : vector<16xf32>
        %exp3A_1941 = math.exp %neg3A_1940 : vector<16xf32>
        %mul3A_1942 = arith.mulf %exp3A_1941, %exp3A_1941 : vector<16xf32>
        %mul3A_1943 = arith.mulf %mul3A_1942, %mul3A_1942 : vector<16xf32>
        %mul3A_1944 = arith.mulf %mul3A_1943, %mul3A_1943 : vector<16xf32>
        %mul3A_1945 = arith.constant -0.333322316 : f32
        %mul3A_1946 = vector.broadcast %mul3A_1945 : f32 to vector<16xf32>
        %mul3A_1947 = arith.mulf %mul3A_1946, %mul3A_1942 : vector<16xf32>
        %add3A_1948 = arith.constant 0.99999994 : f32
        %add3A_1949 = vector.broadcast %add3A_1948 : f32 to vector<16xf32>
        %add3A_1950 = arith.addf %add3A_1949, %mul3A_1947 : vector<16xf32>
        %mul3A_1951 = arith.constant -0.140478209 : f32
        %mul3A_1952 = vector.broadcast %mul3A_1951 : f32 to vector<16xf32>
        %mul3A_1953 = arith.mulf %mul3A_1952, %mul3A_1942 : vector<16xf32>
        %add3A_1954 = arith.constant 0.199740291 : f32
        %add3A_1955 = vector.broadcast %add3A_1954 : f32 to vector<16xf32>
        %add3A_1956 = arith.addf %add3A_1955, %mul3A_1953 : vector<16xf32>
        %mul3A_1957 = arith.mulf %mul3A_1943, %add3A_1956 : vector<16xf32>
        %add3A_1958 = arith.addf %add3A_1950, %mul3A_1957 : vector<16xf32>
        %mul3A_1959 = arith.constant -0.0608744808 : f32
        %mul3A_1960 = vector.broadcast %mul3A_1959 : f32 to vector<16xf32>
        %mul3A_1961 = arith.mulf %mul3A_1960, %mul3A_1942 : vector<16xf32>
        %add3A_1962 = arith.constant 0.100022055 : f32
        %add3A_1963 = vector.broadcast %add3A_1962 : f32 to vector<16xf32>
        %add3A_1964 = arith.addf %add3A_1963, %mul3A_1961 : vector<16xf32>
        %mul3A_1965 = arith.constant -0.00502106408 : f32
        %mul3A_1966 = vector.broadcast %mul3A_1965 : f32 to vector<16xf32>
        %mul3A_1967 = arith.mulf %mul3A_1966, %mul3A_1942 : vector<16xf32>
        %add3A_1968 = arith.constant 2.533170e-02 : f32
        %add3A_1969 = vector.broadcast %add3A_1968 : f32 to vector<16xf32>
        %add3A_1970 = arith.addf %add3A_1969, %mul3A_1967 : vector<16xf32>
        %mul3A_1971 = arith.mulf %mul3A_1943, %add3A_1970 : vector<16xf32>
        %add3A_1972 = arith.addf %add3A_1964, %mul3A_1971 : vector<16xf32>
        %mul3A_1973 = arith.mulf %mul3A_1944, %add3A_1972 : vector<16xf32>
        %add3A_1974 = arith.addf %add3A_1958, %mul3A_1973 : vector<16xf32>
        %mul3A_1975 = arith.mulf %exp3A_1941, %add3A_1974 : vector<16xf32>
        %le3A_1976 = arith.constant 0.000000e+00 : f32
        %le3A_1977 = vector.broadcast %le3A_1976 : f32 to vector<16xf32>
        %le3A_1978 = arith.cmpf ole, %mul3A_1936, %le3A_1977 : vector<16xf32>
        %mul3A_1979 = arith.constant 2.000000e+00 : f32
        %mul3A_1980 = vector.broadcast %mul3A_1979 : f32 to vector<16xf32>
        %mul3A_1981 = arith.mulf %mul3A_1980, %mul3A_1975 : vector<16xf32>
        %mul3A_1982 = arith.constant 2.000000e+00 : f32
        %mul3A_1983 = vector.broadcast %mul3A_1982 : f32 to vector<16xf32>
        %mul3A_1984 = arith.mulf %mul3A_1983, %mul3A_1975 : vector<16xf32>
        %sub3A_1985 = arith.constant 3.14159274 : f32
        %sub3A_1986 = vector.broadcast %sub3A_1985 : f32 to vector<16xf32>
        %sub3A_1987 = arith.subf %sub3A_1986, %mul3A_1984 : vector<16xf32>
        %select_n3A_1988 = arith.select %le3A_1978, %mul3A_1981, %sub3A_1987 : vector<16xi1>, vector<16xf32>
        %jit3A_1989 = arith.constant 0.000000e+00 : f32
        %broadcast_in_dim3A_1990 = vector.broadcast %jit3A_1989 : f32 to vector<16xf32>
        %select_n3A_1991 = arith.select %lt3A_4, %select_n3A_1988, %broadcast_in_dim3A_1990 : vector<16xi1>, vector<16xf32>
        %add3A_1992 = arith.addf %broadcast_in_dim3A_5, %add3A_1630 : vector<16xf32>
        %sub3A_1993 = arith.subf %add3A_1992, %mul3A_864 : vector<16xf32>
        %mul3A_1994 = arith.constant 5.000000e-01 : f32
        %mul3A_1995 = vector.broadcast %mul3A_1994 : f32 to vector<16xf32>
        %mul3A_1996 = arith.mulf %mul3A_1995, %sub3A_1993 : vector<16xf32>
        %abs3A_1997 = math.absf %mul3A_1996 : vector<16xf32>
        %neg3A_1998 = arith.constant 0.000000e+00 : f32
        %neg3A_1999 = vector.broadcast %neg3A_1998 : f32 to vector<16xf32>
        %neg3A_2000 = arith.subf %neg3A_1999, %abs3A_1997 : vector<16xf32>
        %exp3A_2001 = math.exp %neg3A_2000 : vector<16xf32>
        %mul3A_2002 = arith.mulf %exp3A_2001, %exp3A_2001 : vector<16xf32>
        %mul3A_2003 = arith.mulf %mul3A_2002, %mul3A_2002 : vector<16xf32>
        %mul3A_2004 = arith.mulf %mul3A_2003, %mul3A_2003 : vector<16xf32>
        %mul3A_2005 = arith.constant -0.333322316 : f32
        %mul3A_2006 = vector.broadcast %mul3A_2005 : f32 to vector<16xf32>
        %mul3A_2007 = arith.mulf %mul3A_2006, %mul3A_2002 : vector<16xf32>
        %add3A_2008 = arith.constant 0.99999994 : f32
        %add3A_2009 = vector.broadcast %add3A_2008 : f32 to vector<16xf32>
        %add3A_2010 = arith.addf %add3A_2009, %mul3A_2007 : vector<16xf32>
        %mul3A_2011 = arith.constant -0.140478209 : f32
        %mul3A_2012 = vector.broadcast %mul3A_2011 : f32 to vector<16xf32>
        %mul3A_2013 = arith.mulf %mul3A_2012, %mul3A_2002 : vector<16xf32>
        %add3A_2014 = arith.constant 0.199740291 : f32
        %add3A_2015 = vector.broadcast %add3A_2014 : f32 to vector<16xf32>
        %add3A_2016 = arith.addf %add3A_2015, %mul3A_2013 : vector<16xf32>
        %mul3A_2017 = arith.mulf %mul3A_2003, %add3A_2016 : vector<16xf32>
        %add3A_2018 = arith.addf %add3A_2010, %mul3A_2017 : vector<16xf32>
        %mul3A_2019 = arith.constant -0.0608744808 : f32
        %mul3A_2020 = vector.broadcast %mul3A_2019 : f32 to vector<16xf32>
        %mul3A_2021 = arith.mulf %mul3A_2020, %mul3A_2002 : vector<16xf32>
        %add3A_2022 = arith.constant 0.100022055 : f32
        %add3A_2023 = vector.broadcast %add3A_2022 : f32 to vector<16xf32>
        %add3A_2024 = arith.addf %add3A_2023, %mul3A_2021 : vector<16xf32>
        %mul3A_2025 = arith.constant -0.00502106408 : f32
        %mul3A_2026 = vector.broadcast %mul3A_2025 : f32 to vector<16xf32>
        %mul3A_2027 = arith.mulf %mul3A_2026, %mul3A_2002 : vector<16xf32>
        %add3A_2028 = arith.constant 2.533170e-02 : f32
        %add3A_2029 = vector.broadcast %add3A_2028 : f32 to vector<16xf32>
        %add3A_2030 = arith.addf %add3A_2029, %mul3A_2027 : vector<16xf32>
        %mul3A_2031 = arith.mulf %mul3A_2003, %add3A_2030 : vector<16xf32>
        %add3A_2032 = arith.addf %add3A_2024, %mul3A_2031 : vector<16xf32>
        %mul3A_2033 = arith.mulf %mul3A_2004, %add3A_2032 : vector<16xf32>
        %add3A_2034 = arith.addf %add3A_2018, %mul3A_2033 : vector<16xf32>
        %mul3A_2035 = arith.mulf %exp3A_2001, %add3A_2034 : vector<16xf32>
        %le3A_2036 = arith.constant 0.000000e+00 : f32
        %le3A_2037 = vector.broadcast %le3A_2036 : f32 to vector<16xf32>
        %le3A_2038 = arith.cmpf ole, %mul3A_1996, %le3A_2037 : vector<16xf32>
        %mul3A_2039 = arith.constant 2.000000e+00 : f32
        %mul3A_2040 = vector.broadcast %mul3A_2039 : f32 to vector<16xf32>
        %mul3A_2041 = arith.mulf %mul3A_2040, %mul3A_2035 : vector<16xf32>
        %mul3A_2042 = arith.constant 2.000000e+00 : f32
        %mul3A_2043 = vector.broadcast %mul3A_2042 : f32 to vector<16xf32>
        %mul3A_2044 = arith.mulf %mul3A_2043, %mul3A_2035 : vector<16xf32>
        %sub3A_2045 = arith.constant 3.14159274 : f32
        %sub3A_2046 = vector.broadcast %sub3A_2045 : f32 to vector<16xf32>
        %sub3A_2047 = arith.subf %sub3A_2046, %mul3A_2044 : vector<16xf32>
        %select_n3A_2048 = arith.select %le3A_2038, %mul3A_2041, %sub3A_2047 : vector<16xi1>, vector<16xf32>
        %jit3A_2049 = arith.constant 0.000000e+00 : f32
        %broadcast_in_dim3A_2050 = vector.broadcast %jit3A_2049 : f32 to vector<16xf32>
        %select_n3A_2051 = arith.select %lt3A_4, %select_n3A_2048, %broadcast_in_dim3A_2050 : vector<16xi1>, vector<16xf32>
        %add3A_2052 = arith.addf %broadcast_in_dim3A_5, %add3A_1658 : vector<16xf32>
        %sub3A_2053 = arith.subf %add3A_2052, %mul3A_864 : vector<16xf32>
        %mul3A_2054 = arith.constant 5.000000e-01 : f32
        %mul3A_2055 = vector.broadcast %mul3A_2054 : f32 to vector<16xf32>
        %mul3A_2056 = arith.mulf %mul3A_2055, %sub3A_2053 : vector<16xf32>
        %abs3A_2057 = math.absf %mul3A_2056 : vector<16xf32>
        %neg3A_2058 = arith.constant 0.000000e+00 : f32
        %neg3A_2059 = vector.broadcast %neg3A_2058 : f32 to vector<16xf32>
        %neg3A_2060 = arith.subf %neg3A_2059, %abs3A_2057 : vector<16xf32>
        %exp3A_2061 = math.exp %neg3A_2060 : vector<16xf32>
        %mul3A_2062 = arith.mulf %exp3A_2061, %exp3A_2061 : vector<16xf32>
        %mul3A_2063 = arith.mulf %mul3A_2062, %mul3A_2062 : vector<16xf32>
        %mul3A_2064 = arith.mulf %mul3A_2063, %mul3A_2063 : vector<16xf32>
        %mul3A_2065 = arith.constant -0.333322316 : f32
        %mul3A_2066 = vector.broadcast %mul3A_2065 : f32 to vector<16xf32>
        %mul3A_2067 = arith.mulf %mul3A_2066, %mul3A_2062 : vector<16xf32>
        %add3A_2068 = arith.constant 0.99999994 : f32
        %add3A_2069 = vector.broadcast %add3A_2068 : f32 to vector<16xf32>
        %add3A_2070 = arith.addf %add3A_2069, %mul3A_2067 : vector<16xf32>
        %mul3A_2071 = arith.constant -0.140478209 : f32
        %mul3A_2072 = vector.broadcast %mul3A_2071 : f32 to vector<16xf32>
        %mul3A_2073 = arith.mulf %mul3A_2072, %mul3A_2062 : vector<16xf32>
        %add3A_2074 = arith.constant 0.199740291 : f32
        %add3A_2075 = vector.broadcast %add3A_2074 : f32 to vector<16xf32>
        %add3A_2076 = arith.addf %add3A_2075, %mul3A_2073 : vector<16xf32>
        %mul3A_2077 = arith.mulf %mul3A_2063, %add3A_2076 : vector<16xf32>
        %add3A_2078 = arith.addf %add3A_2070, %mul3A_2077 : vector<16xf32>
        %mul3A_2079 = arith.constant -0.0608744808 : f32
        %mul3A_2080 = vector.broadcast %mul3A_2079 : f32 to vector<16xf32>
        %mul3A_2081 = arith.mulf %mul3A_2080, %mul3A_2062 : vector<16xf32>
        %add3A_2082 = arith.constant 0.100022055 : f32
        %add3A_2083 = vector.broadcast %add3A_2082 : f32 to vector<16xf32>
        %add3A_2084 = arith.addf %add3A_2083, %mul3A_2081 : vector<16xf32>
        %mul3A_2085 = arith.constant -0.00502106408 : f32
        %mul3A_2086 = vector.broadcast %mul3A_2085 : f32 to vector<16xf32>
        %mul3A_2087 = arith.mulf %mul3A_2086, %mul3A_2062 : vector<16xf32>
        %add3A_2088 = arith.constant 2.533170e-02 : f32
        %add3A_2089 = vector.broadcast %add3A_2088 : f32 to vector<16xf32>
        %add3A_2090 = arith.addf %add3A_2089, %mul3A_2087 : vector<16xf32>
        %mul3A_2091 = arith.mulf %mul3A_2063, %add3A_2090 : vector<16xf32>
        %add3A_2092 = arith.addf %add3A_2084, %mul3A_2091 : vector<16xf32>
        %mul3A_2093 = arith.mulf %mul3A_2064, %add3A_2092 : vector<16xf32>
        %add3A_2094 = arith.addf %add3A_2078, %mul3A_2093 : vector<16xf32>
        %mul3A_2095 = arith.mulf %exp3A_2061, %add3A_2094 : vector<16xf32>
        %le3A_2096 = arith.constant 0.000000e+00 : f32
        %le3A_2097 = vector.broadcast %le3A_2096 : f32 to vector<16xf32>
        %le3A_2098 = arith.cmpf ole, %mul3A_2056, %le3A_2097 : vector<16xf32>
        %mul3A_2099 = arith.constant 2.000000e+00 : f32
        %mul3A_2100 = vector.broadcast %mul3A_2099 : f32 to vector<16xf32>
        %mul3A_2101 = arith.mulf %mul3A_2100, %mul3A_2095 : vector<16xf32>
        %mul3A_2102 = arith.constant 2.000000e+00 : f32
        %mul3A_2103 = vector.broadcast %mul3A_2102 : f32 to vector<16xf32>
        %mul3A_2104 = arith.mulf %mul3A_2103, %mul3A_2095 : vector<16xf32>
        %sub3A_2105 = arith.constant 3.14159274 : f32
        %sub3A_2106 = vector.broadcast %sub3A_2105 : f32 to vector<16xf32>
        %sub3A_2107 = arith.subf %sub3A_2106, %mul3A_2104 : vector<16xf32>
        %select_n3A_2108 = arith.select %le3A_2098, %mul3A_2101, %sub3A_2107 : vector<16xi1>, vector<16xf32>
        %jit3A_2109 = arith.constant 0.000000e+00 : f32
        %broadcast_in_dim3A_2110 = vector.broadcast %jit3A_2109 : f32 to vector<16xf32>
        %select_n3A_2111 = arith.select %lt3A_4, %select_n3A_2108, %broadcast_in_dim3A_2110 : vector<16xi1>, vector<16xf32>
        %xor3A_2112 = arith.constant 1 : i32
        %xor3A_2113 = vector.broadcast %xor3A_2112 : i32 to vector<16xi32>
        %xor3A_2114 = arith.xori %iota3A, %xor3A_2113 : vector<16xi32>
        %broadcast_in_dim3A_2115 = vector.shape_cast %xor3A_2114 : vector<16xi32> to vector<16x1xi32>
        %gather3A_2116 = vector.shape_cast %broadcast_in_dim3A_2115 : vector<16x1xi32> to vector<16xi32>
        %gather3A_2117 = tpu.dynamic_gather %select_n3A_1304[%gather3A_2116] in [0] : vector<16xf32>, vector<16xi32> -> vector<16xf32>
        %add3A_2118 = arith.addf %select_n3A_1304, %gather3A_2117 : vector<16xf32>
        %xor3A_2119 = arith.constant 2 : i32
        %xor3A_2120 = vector.broadcast %xor3A_2119 : i32 to vector<16xi32>
        %xor3A_2121 = arith.xori %iota3A, %xor3A_2120 : vector<16xi32>
        %broadcast_in_dim3A_2122 = vector.shape_cast %xor3A_2121 : vector<16xi32> to vector<16x1xi32>
        %gather3A_2123 = vector.shape_cast %broadcast_in_dim3A_2122 : vector<16x1xi32> to vector<16xi32>
        %gather3A_2124 = tpu.dynamic_gather %add3A_2118[%gather3A_2123] in [0] : vector<16xf32>, vector<16xi32> -> vector<16xf32>
        %add3A_2125 = arith.addf %add3A_2118, %gather3A_2124 : vector<16xf32>
        %xor3A_2126 = arith.constant 4 : i32
        %xor3A_2127 = vector.broadcast %xor3A_2126 : i32 to vector<16xi32>
        %xor3A_2128 = arith.xori %iota3A, %xor3A_2127 : vector<16xi32>
        %broadcast_in_dim3A_2129 = vector.shape_cast %xor3A_2128 : vector<16xi32> to vector<16x1xi32>
        %gather3A_2130 = vector.shape_cast %broadcast_in_dim3A_2129 : vector<16x1xi32> to vector<16xi32>
        %gather3A_2131 = tpu.dynamic_gather %add3A_2125[%gather3A_2130] in [0] : vector<16xf32>, vector<16xi32> -> vector<16xf32>
        %add3A_2132 = arith.addf %add3A_2125, %gather3A_2131 : vector<16xf32>
        %xor3A_2133 = arith.constant 8 : i32
        %xor3A_2134 = vector.broadcast %xor3A_2133 : i32 to vector<16xi32>
        %xor3A_2135 = arith.xori %iota3A, %xor3A_2134 : vector<16xi32>
        %broadcast_in_dim3A_2136 = vector.shape_cast %xor3A_2135 : vector<16xi32> to vector<16x1xi32>
        %gather3A_2137 = vector.shape_cast %broadcast_in_dim3A_2136 : vector<16x1xi32> to vector<16xi32>
        %gather3A_2138 = tpu.dynamic_gather %add3A_2132[%gather3A_2137] in [0] : vector<16xf32>, vector<16xi32> -> vector<16xf32>
        %add3A_2139 = arith.addf %add3A_2132, %gather3A_2138 : vector<16xf32>
        %xor3A_2140 = arith.constant 1 : i32
        %xor3A_2141 = vector.broadcast %xor3A_2140 : i32 to vector<16xi32>
        %xor3A_2142 = arith.xori %iota3A, %xor3A_2141 : vector<16xi32>
        %broadcast_in_dim3A_2143 = vector.shape_cast %xor3A_2142 : vector<16xi32> to vector<16x1xi32>
        %gather3A_2144 = vector.shape_cast %broadcast_in_dim3A_2143 : vector<16x1xi32> to vector<16xi32>
        %gather3A_2145 = tpu.dynamic_gather %select_n3A_1869[%gather3A_2144] in [0] : vector<16xf32>, vector<16xi32> -> vector<16xf32>
        %add3A_2146 = arith.addf %select_n3A_1869, %gather3A_2145 : vector<16xf32>
        %xor3A_2147 = arith.constant 2 : i32
        %xor3A_2148 = vector.broadcast %xor3A_2147 : i32 to vector<16xi32>
        %xor3A_2149 = arith.xori %iota3A, %xor3A_2148 : vector<16xi32>
        %broadcast_in_dim3A_2150 = vector.shape_cast %xor3A_2149 : vector<16xi32> to vector<16x1xi32>
        %gather3A_2151 = vector.shape_cast %broadcast_in_dim3A_2150 : vector<16x1xi32> to vector<16xi32>
        %gather3A_2152 = tpu.dynamic_gather %add3A_2146[%gather3A_2151] in [0] : vector<16xf32>, vector<16xi32> -> vector<16xf32>
        %add3A_2153 = arith.addf %add3A_2146, %gather3A_2152 : vector<16xf32>
        %xor3A_2154 = arith.constant 4 : i32
        %xor3A_2155 = vector.broadcast %xor3A_2154 : i32 to vector<16xi32>
        %xor3A_2156 = arith.xori %iota3A, %xor3A_2155 : vector<16xi32>
        %broadcast_in_dim3A_2157 = vector.shape_cast %xor3A_2156 : vector<16xi32> to vector<16x1xi32>
        %gather3A_2158 = vector.shape_cast %broadcast_in_dim3A_2157 : vector<16x1xi32> to vector<16xi32>
        %gather3A_2159 = tpu.dynamic_gather %add3A_2153[%gather3A_2158] in [0] : vector<16xf32>, vector<16xi32> -> vector<16xf32>
        %add3A_2160 = arith.addf %add3A_2153, %gather3A_2159 : vector<16xf32>
        %xor3A_2161 = arith.constant 8 : i32
        %xor3A_2162 = vector.broadcast %xor3A_2161 : i32 to vector<16xi32>
        %xor3A_2163 = arith.xori %iota3A, %xor3A_2162 : vector<16xi32>
        %broadcast_in_dim3A_2164 = vector.shape_cast %xor3A_2163 : vector<16xi32> to vector<16x1xi32>
        %gather3A_2165 = vector.shape_cast %broadcast_in_dim3A_2164 : vector<16x1xi32> to vector<16xi32>
        %gather3A_2166 = tpu.dynamic_gather %add3A_2160[%gather3A_2165] in [0] : vector<16xf32>, vector<16xi32> -> vector<16xf32>
        %add3A_2167 = arith.addf %add3A_2160, %gather3A_2166 : vector<16xf32>
        %xor3A_2168 = arith.constant 1 : i32
        %xor3A_2169 = vector.broadcast %xor3A_2168 : i32 to vector<16xi32>
        %xor3A_2170 = arith.xori %iota3A, %xor3A_2169 : vector<16xi32>
        %broadcast_in_dim3A_2171 = vector.shape_cast %xor3A_2170 : vector<16xi32> to vector<16x1xi32>
        %gather3A_2172 = vector.shape_cast %broadcast_in_dim3A_2171 : vector<16x1xi32> to vector<16xi32>
        %gather3A_2173 = tpu.dynamic_gather %while3A_733[%gather3A_2172] in [0] : vector<16xf32>, vector<16xi32> -> vector<16xf32>
        %add3A_2174 = arith.addf %while3A_733, %gather3A_2173 : vector<16xf32>
        %xor3A_2175 = arith.constant 2 : i32
        %xor3A_2176 = vector.broadcast %xor3A_2175 : i32 to vector<16xi32>
        %xor3A_2177 = arith.xori %iota3A, %xor3A_2176 : vector<16xi32>
        %broadcast_in_dim3A_2178 = vector.shape_cast %xor3A_2177 : vector<16xi32> to vector<16x1xi32>
        %gather3A_2179 = vector.shape_cast %broadcast_in_dim3A_2178 : vector<16x1xi32> to vector<16xi32>
        %gather3A_2180 = tpu.dynamic_gather %add3A_2174[%gather3A_2179] in [0] : vector<16xf32>, vector<16xi32> -> vector<16xf32>
        %add3A_2181 = arith.addf %add3A_2174, %gather3A_2180 : vector<16xf32>
        %xor3A_2182 = arith.constant 4 : i32
        %xor3A_2183 = vector.broadcast %xor3A_2182 : i32 to vector<16xi32>
        %xor3A_2184 = arith.xori %iota3A, %xor3A_2183 : vector<16xi32>
        %broadcast_in_dim3A_2185 = vector.shape_cast %xor3A_2184 : vector<16xi32> to vector<16x1xi32>
        %gather3A_2186 = vector.shape_cast %broadcast_in_dim3A_2185 : vector<16x1xi32> to vector<16xi32>
        %gather3A_2187 = tpu.dynamic_gather %add3A_2181[%gather3A_2186] in [0] : vector<16xf32>, vector<16xi32> -> vector<16xf32>
        %add3A_2188 = arith.addf %add3A_2181, %gather3A_2187 : vector<16xf32>
        %xor3A_2189 = arith.constant 8 : i32
        %xor3A_2190 = vector.broadcast %xor3A_2189 : i32 to vector<16xi32>
        %xor3A_2191 = arith.xori %iota3A, %xor3A_2190 : vector<16xi32>
        %broadcast_in_dim3A_2192 = vector.shape_cast %xor3A_2191 : vector<16xi32> to vector<16x1xi32>
        %gather3A_2193 = vector.shape_cast %broadcast_in_dim3A_2192 : vector<16x1xi32> to vector<16xi32>
        %gather3A_2194 = tpu.dynamic_gather %add3A_2188[%gather3A_2193] in [0] : vector<16xf32>, vector<16xi32> -> vector<16xf32>
        %add3A_2195 = arith.addf %add3A_2188, %gather3A_2194 : vector<16xf32>
        %xor3A_2196 = arith.constant 1 : i32
        %xor3A_2197 = vector.broadcast %xor3A_2196 : i32 to vector<16xi32>
        %xor3A_2198 = arith.xori %iota3A, %xor3A_2197 : vector<16xi32>
        %broadcast_in_dim3A_2199 = vector.shape_cast %xor3A_2198 : vector<16xi32> to vector<16x1xi32>
        %gather3A_2200 = vector.shape_cast %broadcast_in_dim3A_2199 : vector<16x1xi32> to vector<16xi32>
        %gather3A_2201 = tpu.dynamic_gather %while3A_740[%gather3A_2200] in [0] : vector<16xf32>, vector<16xi32> -> vector<16xf32>
        %add3A_2202 = arith.addf %while3A_740, %gather3A_2201 : vector<16xf32>
        %xor3A_2203 = arith.constant 2 : i32
        %xor3A_2204 = vector.broadcast %xor3A_2203 : i32 to vector<16xi32>
        %xor3A_2205 = arith.xori %iota3A, %xor3A_2204 : vector<16xi32>
        %broadcast_in_dim3A_2206 = vector.shape_cast %xor3A_2205 : vector<16xi32> to vector<16x1xi32>
        %gather3A_2207 = vector.shape_cast %broadcast_in_dim3A_2206 : vector<16x1xi32> to vector<16xi32>
        %gather3A_2208 = tpu.dynamic_gather %add3A_2202[%gather3A_2207] in [0] : vector<16xf32>, vector<16xi32> -> vector<16xf32>
        %add3A_2209 = arith.addf %add3A_2202, %gather3A_2208 : vector<16xf32>
        %xor3A_2210 = arith.constant 4 : i32
        %xor3A_2211 = vector.broadcast %xor3A_2210 : i32 to vector<16xi32>
        %xor3A_2212 = arith.xori %iota3A, %xor3A_2211 : vector<16xi32>
        %broadcast_in_dim3A_2213 = vector.shape_cast %xor3A_2212 : vector<16xi32> to vector<16x1xi32>
        %gather3A_2214 = vector.shape_cast %broadcast_in_dim3A_2213 : vector<16x1xi32> to vector<16xi32>
        %gather3A_2215 = tpu.dynamic_gather %add3A_2209[%gather3A_2214] in [0] : vector<16xf32>, vector<16xi32> -> vector<16xf32>
        %add3A_2216 = arith.addf %add3A_2209, %gather3A_2215 : vector<16xf32>
        %xor3A_2217 = arith.constant 8 : i32
        %xor3A_2218 = vector.broadcast %xor3A_2217 : i32 to vector<16xi32>
        %xor3A_2219 = arith.xori %iota3A, %xor3A_2218 : vector<16xi32>
        %broadcast_in_dim3A_2220 = vector.shape_cast %xor3A_2219 : vector<16xi32> to vector<16x1xi32>
        %gather3A_2221 = vector.shape_cast %broadcast_in_dim3A_2220 : vector<16x1xi32> to vector<16xi32>
        %gather3A_2222 = tpu.dynamic_gather %add3A_2216[%gather3A_2221] in [0] : vector<16xf32>, vector<16xi32> -> vector<16xf32>
        %add3A_2223 = arith.addf %add3A_2216, %gather3A_2222 : vector<16xf32>
        %add3A_2224 = arith.addf %broadcast_in_dim3A_5, %add3A_2139 : vector<16xf32>
        %add3A_2225 = arith.addf %add3A_2224, %add3A_2223 : vector<16xf32>
        %sub3A_2226 = arith.subf %add3A_2225, %mul3A_867 : vector<16xf32>
        %mul3A_2227 = arith.constant 5.000000e-01 : f32
        %mul3A_2228 = vector.broadcast %mul3A_2227 : f32 to vector<16xf32>
        %mul3A_2229 = arith.mulf %mul3A_2228, %sub3A_2226 : vector<16xf32>
        %abs3A_2230 = math.absf %mul3A_2229 : vector<16xf32>
        %neg3A_2231 = arith.constant 0.000000e+00 : f32
        %neg3A_2232 = vector.broadcast %neg3A_2231 : f32 to vector<16xf32>
        %neg3A_2233 = arith.subf %neg3A_2232, %abs3A_2230 : vector<16xf32>
        %exp3A_2234 = math.exp %neg3A_2233 : vector<16xf32>
        %mul3A_2235 = arith.mulf %exp3A_2234, %exp3A_2234 : vector<16xf32>
        %mul3A_2236 = arith.mulf %mul3A_2235, %mul3A_2235 : vector<16xf32>
        %mul3A_2237 = arith.mulf %mul3A_2236, %mul3A_2236 : vector<16xf32>
        %mul3A_2238 = arith.constant -0.333322316 : f32
        %mul3A_2239 = vector.broadcast %mul3A_2238 : f32 to vector<16xf32>
        %mul3A_2240 = arith.mulf %mul3A_2239, %mul3A_2235 : vector<16xf32>
        %add3A_2241 = arith.constant 0.99999994 : f32
        %add3A_2242 = vector.broadcast %add3A_2241 : f32 to vector<16xf32>
        %add3A_2243 = arith.addf %add3A_2242, %mul3A_2240 : vector<16xf32>
        %mul3A_2244 = arith.constant -0.140478209 : f32
        %mul3A_2245 = vector.broadcast %mul3A_2244 : f32 to vector<16xf32>
        %mul3A_2246 = arith.mulf %mul3A_2245, %mul3A_2235 : vector<16xf32>
        %add3A_2247 = arith.constant 0.199740291 : f32
        %add3A_2248 = vector.broadcast %add3A_2247 : f32 to vector<16xf32>
        %add3A_2249 = arith.addf %add3A_2248, %mul3A_2246 : vector<16xf32>
        %mul3A_2250 = arith.mulf %mul3A_2236, %add3A_2249 : vector<16xf32>
        %add3A_2251 = arith.addf %add3A_2243, %mul3A_2250 : vector<16xf32>
        %mul3A_2252 = arith.constant -0.0608744808 : f32
        %mul3A_2253 = vector.broadcast %mul3A_2252 : f32 to vector<16xf32>
        %mul3A_2254 = arith.mulf %mul3A_2253, %mul3A_2235 : vector<16xf32>
        %add3A_2255 = arith.constant 0.100022055 : f32
        %add3A_2256 = vector.broadcast %add3A_2255 : f32 to vector<16xf32>
        %add3A_2257 = arith.addf %add3A_2256, %mul3A_2254 : vector<16xf32>
        %mul3A_2258 = arith.constant -0.00502106408 : f32
        %mul3A_2259 = vector.broadcast %mul3A_2258 : f32 to vector<16xf32>
        %mul3A_2260 = arith.mulf %mul3A_2259, %mul3A_2235 : vector<16xf32>
        %add3A_2261 = arith.constant 2.533170e-02 : f32
        %add3A_2262 = vector.broadcast %add3A_2261 : f32 to vector<16xf32>
        %add3A_2263 = arith.addf %add3A_2262, %mul3A_2260 : vector<16xf32>
        %mul3A_2264 = arith.mulf %mul3A_2236, %add3A_2263 : vector<16xf32>
        %add3A_2265 = arith.addf %add3A_2257, %mul3A_2264 : vector<16xf32>
        %mul3A_2266 = arith.mulf %mul3A_2237, %add3A_2265 : vector<16xf32>
        %add3A_2267 = arith.addf %add3A_2251, %mul3A_2266 : vector<16xf32>
        %mul3A_2268 = arith.mulf %exp3A_2234, %add3A_2267 : vector<16xf32>
        %le3A_2269 = arith.constant 0.000000e+00 : f32
        %le3A_2270 = vector.broadcast %le3A_2269 : f32 to vector<16xf32>
        %le3A_2271 = arith.cmpf ole, %mul3A_2229, %le3A_2270 : vector<16xf32>
        %mul3A_2272 = arith.constant 2.000000e+00 : f32
        %mul3A_2273 = vector.broadcast %mul3A_2272 : f32 to vector<16xf32>
        %mul3A_2274 = arith.mulf %mul3A_2273, %mul3A_2268 : vector<16xf32>
        %mul3A_2275 = arith.constant 2.000000e+00 : f32
        %mul3A_2276 = vector.broadcast %mul3A_2275 : f32 to vector<16xf32>
        %mul3A_2277 = arith.mulf %mul3A_2276, %mul3A_2268 : vector<16xf32>
        %sub3A_2278 = arith.constant 3.14159274 : f32
        %sub3A_2279 = vector.broadcast %sub3A_2278 : f32 to vector<16xf32>
        %sub3A_2280 = arith.subf %sub3A_2279, %mul3A_2277 : vector<16xf32>
        %select_n3A_2281 = arith.select %le3A_2271, %mul3A_2274, %sub3A_2280 : vector<16xi1>, vector<16xf32>
        %jit3A_2282 = arith.constant 0.000000e+00 : f32
        %broadcast_in_dim3A_2283 = vector.broadcast %jit3A_2282 : f32 to vector<16xf32>
        %select_n3A_2284 = arith.select %lt3A_4, %select_n3A_2281, %broadcast_in_dim3A_2283 : vector<16xi1>, vector<16xf32>
        %add3A_2285 = arith.addf %broadcast_in_dim3A_5, %add3A_2139 : vector<16xf32>
        %add3A_2286 = arith.addf %add3A_2285, %add3A_2195 : vector<16xf32>
        %sub3A_2287 = arith.subf %add3A_2286, %mul3A_867 : vector<16xf32>
        %mul3A_2288 = arith.constant 5.000000e-01 : f32
        %mul3A_2289 = vector.broadcast %mul3A_2288 : f32 to vector<16xf32>
        %mul3A_2290 = arith.mulf %mul3A_2289, %sub3A_2287 : vector<16xf32>
        %abs3A_2291 = math.absf %mul3A_2290 : vector<16xf32>
        %neg3A_2292 = arith.constant 0.000000e+00 : f32
        %neg3A_2293 = vector.broadcast %neg3A_2292 : f32 to vector<16xf32>
        %neg3A_2294 = arith.subf %neg3A_2293, %abs3A_2291 : vector<16xf32>
        %exp3A_2295 = math.exp %neg3A_2294 : vector<16xf32>
        %mul3A_2296 = arith.mulf %exp3A_2295, %exp3A_2295 : vector<16xf32>
        %mul3A_2297 = arith.mulf %mul3A_2296, %mul3A_2296 : vector<16xf32>
        %mul3A_2298 = arith.mulf %mul3A_2297, %mul3A_2297 : vector<16xf32>
        %mul3A_2299 = arith.constant -0.333322316 : f32
        %mul3A_2300 = vector.broadcast %mul3A_2299 : f32 to vector<16xf32>
        %mul3A_2301 = arith.mulf %mul3A_2300, %mul3A_2296 : vector<16xf32>
        %add3A_2302 = arith.constant 0.99999994 : f32
        %add3A_2303 = vector.broadcast %add3A_2302 : f32 to vector<16xf32>
        %add3A_2304 = arith.addf %add3A_2303, %mul3A_2301 : vector<16xf32>
        %mul3A_2305 = arith.constant -0.140478209 : f32
        %mul3A_2306 = vector.broadcast %mul3A_2305 : f32 to vector<16xf32>
        %mul3A_2307 = arith.mulf %mul3A_2306, %mul3A_2296 : vector<16xf32>
        %add3A_2308 = arith.constant 0.199740291 : f32
        %add3A_2309 = vector.broadcast %add3A_2308 : f32 to vector<16xf32>
        %add3A_2310 = arith.addf %add3A_2309, %mul3A_2307 : vector<16xf32>
        %mul3A_2311 = arith.mulf %mul3A_2297, %add3A_2310 : vector<16xf32>
        %add3A_2312 = arith.addf %add3A_2304, %mul3A_2311 : vector<16xf32>
        %mul3A_2313 = arith.constant -0.0608744808 : f32
        %mul3A_2314 = vector.broadcast %mul3A_2313 : f32 to vector<16xf32>
        %mul3A_2315 = arith.mulf %mul3A_2314, %mul3A_2296 : vector<16xf32>
        %add3A_2316 = arith.constant 0.100022055 : f32
        %add3A_2317 = vector.broadcast %add3A_2316 : f32 to vector<16xf32>
        %add3A_2318 = arith.addf %add3A_2317, %mul3A_2315 : vector<16xf32>
        %mul3A_2319 = arith.constant -0.00502106408 : f32
        %mul3A_2320 = vector.broadcast %mul3A_2319 : f32 to vector<16xf32>
        %mul3A_2321 = arith.mulf %mul3A_2320, %mul3A_2296 : vector<16xf32>
        %add3A_2322 = arith.constant 2.533170e-02 : f32
        %add3A_2323 = vector.broadcast %add3A_2322 : f32 to vector<16xf32>
        %add3A_2324 = arith.addf %add3A_2323, %mul3A_2321 : vector<16xf32>
        %mul3A_2325 = arith.mulf %mul3A_2297, %add3A_2324 : vector<16xf32>
        %add3A_2326 = arith.addf %add3A_2318, %mul3A_2325 : vector<16xf32>
        %mul3A_2327 = arith.mulf %mul3A_2298, %add3A_2326 : vector<16xf32>
        %add3A_2328 = arith.addf %add3A_2312, %mul3A_2327 : vector<16xf32>
        %mul3A_2329 = arith.mulf %exp3A_2295, %add3A_2328 : vector<16xf32>
        %le3A_2330 = arith.constant 0.000000e+00 : f32
        %le3A_2331 = vector.broadcast %le3A_2330 : f32 to vector<16xf32>
        %le3A_2332 = arith.cmpf ole, %mul3A_2290, %le3A_2331 : vector<16xf32>
        %mul3A_2333 = arith.constant 2.000000e+00 : f32
        %mul3A_2334 = vector.broadcast %mul3A_2333 : f32 to vector<16xf32>
        %mul3A_2335 = arith.mulf %mul3A_2334, %mul3A_2329 : vector<16xf32>
        %mul3A_2336 = arith.constant 2.000000e+00 : f32
        %mul3A_2337 = vector.broadcast %mul3A_2336 : f32 to vector<16xf32>
        %mul3A_2338 = arith.mulf %mul3A_2337, %mul3A_2329 : vector<16xf32>
        %sub3A_2339 = arith.constant 3.14159274 : f32
        %sub3A_2340 = vector.broadcast %sub3A_2339 : f32 to vector<16xf32>
        %sub3A_2341 = arith.subf %sub3A_2340, %mul3A_2338 : vector<16xf32>
        %select_n3A_2342 = arith.select %le3A_2332, %mul3A_2335, %sub3A_2341 : vector<16xi1>, vector<16xf32>
        %jit3A_2343 = arith.constant 0.000000e+00 : f32
        %broadcast_in_dim3A_2344 = vector.broadcast %jit3A_2343 : f32 to vector<16xf32>
        %select_n3A_2345 = arith.select %lt3A_4, %select_n3A_2342, %broadcast_in_dim3A_2344 : vector<16xi1>, vector<16xf32>
        %add3A_2346 = arith.addf %broadcast_in_dim3A_5, %add3A_2139 : vector<16xf32>
        %add3A_2347 = arith.addf %add3A_2346, %add3A_2167 : vector<16xf32>
        %sub3A_2348 = arith.subf %add3A_2347, %mul3A_886 : vector<16xf32>
        %mul3A_2349 = arith.constant 5.000000e-01 : f32
        %mul3A_2350 = vector.broadcast %mul3A_2349 : f32 to vector<16xf32>
        %mul3A_2351 = arith.mulf %mul3A_2350, %sub3A_2348 : vector<16xf32>
        %abs3A_2352 = math.absf %mul3A_2351 : vector<16xf32>
        %neg3A_2353 = arith.constant 0.000000e+00 : f32
        %neg3A_2354 = vector.broadcast %neg3A_2353 : f32 to vector<16xf32>
        %neg3A_2355 = arith.subf %neg3A_2354, %abs3A_2352 : vector<16xf32>
        %exp3A_2356 = math.exp %neg3A_2355 : vector<16xf32>
        %mul3A_2357 = arith.mulf %exp3A_2356, %exp3A_2356 : vector<16xf32>
        %mul3A_2358 = arith.mulf %mul3A_2357, %mul3A_2357 : vector<16xf32>
        %mul3A_2359 = arith.mulf %mul3A_2358, %mul3A_2358 : vector<16xf32>
        %mul3A_2360 = arith.constant -0.333322316 : f32
        %mul3A_2361 = vector.broadcast %mul3A_2360 : f32 to vector<16xf32>
        %mul3A_2362 = arith.mulf %mul3A_2361, %mul3A_2357 : vector<16xf32>
        %add3A_2363 = arith.constant 0.99999994 : f32
        %add3A_2364 = vector.broadcast %add3A_2363 : f32 to vector<16xf32>
        %add3A_2365 = arith.addf %add3A_2364, %mul3A_2362 : vector<16xf32>
        %mul3A_2366 = arith.constant -0.140478209 : f32
        %mul3A_2367 = vector.broadcast %mul3A_2366 : f32 to vector<16xf32>
        %mul3A_2368 = arith.mulf %mul3A_2367, %mul3A_2357 : vector<16xf32>
        %add3A_2369 = arith.constant 0.199740291 : f32
        %add3A_2370 = vector.broadcast %add3A_2369 : f32 to vector<16xf32>
        %add3A_2371 = arith.addf %add3A_2370, %mul3A_2368 : vector<16xf32>
        %mul3A_2372 = arith.mulf %mul3A_2358, %add3A_2371 : vector<16xf32>
        %add3A_2373 = arith.addf %add3A_2365, %mul3A_2372 : vector<16xf32>
        %mul3A_2374 = arith.constant -0.0608744808 : f32
        %mul3A_2375 = vector.broadcast %mul3A_2374 : f32 to vector<16xf32>
        %mul3A_2376 = arith.mulf %mul3A_2375, %mul3A_2357 : vector<16xf32>
        %add3A_2377 = arith.constant 0.100022055 : f32
        %add3A_2378 = vector.broadcast %add3A_2377 : f32 to vector<16xf32>
        %add3A_2379 = arith.addf %add3A_2378, %mul3A_2376 : vector<16xf32>
        %mul3A_2380 = arith.constant -0.00502106408 : f32
        %mul3A_2381 = vector.broadcast %mul3A_2380 : f32 to vector<16xf32>
        %mul3A_2382 = arith.mulf %mul3A_2381, %mul3A_2357 : vector<16xf32>
        %add3A_2383 = arith.constant 2.533170e-02 : f32
        %add3A_2384 = vector.broadcast %add3A_2383 : f32 to vector<16xf32>
        %add3A_2385 = arith.addf %add3A_2384, %mul3A_2382 : vector<16xf32>
        %mul3A_2386 = arith.mulf %mul3A_2358, %add3A_2385 : vector<16xf32>
        %add3A_2387 = arith.addf %add3A_2379, %mul3A_2386 : vector<16xf32>
        %mul3A_2388 = arith.mulf %mul3A_2359, %add3A_2387 : vector<16xf32>
        %add3A_2389 = arith.addf %add3A_2373, %mul3A_2388 : vector<16xf32>
        %mul3A_2390 = arith.mulf %exp3A_2356, %add3A_2389 : vector<16xf32>
        %le3A_2391 = arith.constant 0.000000e+00 : f32
        %le3A_2392 = vector.broadcast %le3A_2391 : f32 to vector<16xf32>
        %le3A_2393 = arith.cmpf ole, %mul3A_2351, %le3A_2392 : vector<16xf32>
        %mul3A_2394 = arith.constant 2.000000e+00 : f32
        %mul3A_2395 = vector.broadcast %mul3A_2394 : f32 to vector<16xf32>
        %mul3A_2396 = arith.mulf %mul3A_2395, %mul3A_2390 : vector<16xf32>
        %mul3A_2397 = arith.constant 2.000000e+00 : f32
        %mul3A_2398 = vector.broadcast %mul3A_2397 : f32 to vector<16xf32>
        %mul3A_2399 = arith.mulf %mul3A_2398, %mul3A_2390 : vector<16xf32>
        %sub3A_2400 = arith.constant 3.14159274 : f32
        %sub3A_2401 = vector.broadcast %sub3A_2400 : f32 to vector<16xf32>
        %sub3A_2402 = arith.subf %sub3A_2401, %mul3A_2399 : vector<16xf32>
        %select_n3A_2403 = arith.select %le3A_2393, %mul3A_2396, %sub3A_2402 : vector<16xi1>, vector<16xf32>
        %jit3A_2404 = arith.constant 0.000000e+00 : f32
        %broadcast_in_dim3A_2405 = vector.broadcast %jit3A_2404 : f32 to vector<16xf32>
        %select_n3A_2406 = arith.select %lt3A_4, %select_n3A_2403, %broadcast_in_dim3A_2405 : vector<16xi1>, vector<16xf32>
        %xor3A_2407 = arith.constant 1 : i32
        %xor3A_2408 = vector.broadcast %xor3A_2407 : i32 to vector<16xi32>
        %xor3A_2409 = arith.xori %iota3A, %xor3A_2408 : vector<16xi32>
        %broadcast_in_dim3A_2410 = vector.shape_cast %xor3A_2409 : vector<16xi32> to vector<16x1xi32>
        %gather3A_2411 = vector.shape_cast %broadcast_in_dim3A_2410 : vector<16x1xi32> to vector<16xi32>
        %gather3A_2412 = tpu.dynamic_gather %select_n3A_2406[%gather3A_2411] in [0] : vector<16xf32>, vector<16xi32> -> vector<16xf32>
        %add3A_2413 = arith.addf %select_n3A_2406, %gather3A_2412 : vector<16xf32>
        %xor3A_2414 = arith.constant 2 : i32
        %xor3A_2415 = vector.broadcast %xor3A_2414 : i32 to vector<16xi32>
        %xor3A_2416 = arith.xori %iota3A, %xor3A_2415 : vector<16xi32>
        %broadcast_in_dim3A_2417 = vector.shape_cast %xor3A_2416 : vector<16xi32> to vector<16x1xi32>
        %gather3A_2418 = vector.shape_cast %broadcast_in_dim3A_2417 : vector<16x1xi32> to vector<16xi32>
        %gather3A_2419 = tpu.dynamic_gather %add3A_2413[%gather3A_2418] in [0] : vector<16xf32>, vector<16xi32> -> vector<16xf32>
        %add3A_2420 = arith.addf %add3A_2413, %gather3A_2419 : vector<16xf32>
        %xor3A_2421 = arith.constant 4 : i32
        %xor3A_2422 = vector.broadcast %xor3A_2421 : i32 to vector<16xi32>
        %xor3A_2423 = arith.xori %iota3A, %xor3A_2422 : vector<16xi32>
        %broadcast_in_dim3A_2424 = vector.shape_cast %xor3A_2423 : vector<16xi32> to vector<16x1xi32>
        %gather3A_2425 = vector.shape_cast %broadcast_in_dim3A_2424 : vector<16x1xi32> to vector<16xi32>
        %gather3A_2426 = tpu.dynamic_gather %add3A_2420[%gather3A_2425] in [0] : vector<16xf32>, vector<16xi32> -> vector<16xf32>
        %add3A_2427 = arith.addf %add3A_2420, %gather3A_2426 : vector<16xf32>
        %xor3A_2428 = arith.constant 8 : i32
        %xor3A_2429 = vector.broadcast %xor3A_2428 : i32 to vector<16xi32>
        %xor3A_2430 = arith.xori %iota3A, %xor3A_2429 : vector<16xi32>
        %broadcast_in_dim3A_2431 = vector.shape_cast %xor3A_2430 : vector<16xi32> to vector<16x1xi32>
        %gather3A_2432 = vector.shape_cast %broadcast_in_dim3A_2431 : vector<16x1xi32> to vector<16xi32>
        %gather3A_2433 = tpu.dynamic_gather %add3A_2427[%gather3A_2432] in [0] : vector<16xf32>, vector<16xi32> -> vector<16xf32>
        %add3A_2434 = arith.addf %add3A_2427, %gather3A_2433 : vector<16xf32>
        %add3A_2435 = arith.addf %broadcast_in_dim3A_5, %add3A_2167 : vector<16xf32>
        %add3A_2436 = arith.addf %add3A_2435, %add3A_2223 : vector<16xf32>
        %sub3A_2437 = arith.subf %add3A_2436, %mul3A_886 : vector<16xf32>
        %mul3A_2438 = arith.constant 5.000000e-01 : f32
        %mul3A_2439 = vector.broadcast %mul3A_2438 : f32 to vector<16xf32>
        %mul3A_2440 = arith.mulf %mul3A_2439, %sub3A_2437 : vector<16xf32>
        %abs3A_2441 = math.absf %mul3A_2440 : vector<16xf32>
        %neg3A_2442 = arith.constant 0.000000e+00 : f32
        %neg3A_2443 = vector.broadcast %neg3A_2442 : f32 to vector<16xf32>
        %neg3A_2444 = arith.subf %neg3A_2443, %abs3A_2441 : vector<16xf32>
        %exp3A_2445 = math.exp %neg3A_2444 : vector<16xf32>
        %mul3A_2446 = arith.mulf %exp3A_2445, %exp3A_2445 : vector<16xf32>
        %mul3A_2447 = arith.mulf %mul3A_2446, %mul3A_2446 : vector<16xf32>
        %mul3A_2448 = arith.mulf %mul3A_2447, %mul3A_2447 : vector<16xf32>
        %mul3A_2449 = arith.constant -0.333322316 : f32
        %mul3A_2450 = vector.broadcast %mul3A_2449 : f32 to vector<16xf32>
        %mul3A_2451 = arith.mulf %mul3A_2450, %mul3A_2446 : vector<16xf32>
        %add3A_2452 = arith.constant 0.99999994 : f32
        %add3A_2453 = vector.broadcast %add3A_2452 : f32 to vector<16xf32>
        %add3A_2454 = arith.addf %add3A_2453, %mul3A_2451 : vector<16xf32>
        %mul3A_2455 = arith.constant -0.140478209 : f32
        %mul3A_2456 = vector.broadcast %mul3A_2455 : f32 to vector<16xf32>
        %mul3A_2457 = arith.mulf %mul3A_2456, %mul3A_2446 : vector<16xf32>
        %add3A_2458 = arith.constant 0.199740291 : f32
        %add3A_2459 = vector.broadcast %add3A_2458 : f32 to vector<16xf32>
        %add3A_2460 = arith.addf %add3A_2459, %mul3A_2457 : vector<16xf32>
        %mul3A_2461 = arith.mulf %mul3A_2447, %add3A_2460 : vector<16xf32>
        %add3A_2462 = arith.addf %add3A_2454, %mul3A_2461 : vector<16xf32>
        %mul3A_2463 = arith.constant -0.0608744808 : f32
        %mul3A_2464 = vector.broadcast %mul3A_2463 : f32 to vector<16xf32>
        %mul3A_2465 = arith.mulf %mul3A_2464, %mul3A_2446 : vector<16xf32>
        %add3A_2466 = arith.constant 0.100022055 : f32
        %add3A_2467 = vector.broadcast %add3A_2466 : f32 to vector<16xf32>
        %add3A_2468 = arith.addf %add3A_2467, %mul3A_2465 : vector<16xf32>
        %mul3A_2469 = arith.constant -0.00502106408 : f32
        %mul3A_2470 = vector.broadcast %mul3A_2469 : f32 to vector<16xf32>
        %mul3A_2471 = arith.mulf %mul3A_2470, %mul3A_2446 : vector<16xf32>
        %add3A_2472 = arith.constant 2.533170e-02 : f32
        %add3A_2473 = vector.broadcast %add3A_2472 : f32 to vector<16xf32>
        %add3A_2474 = arith.addf %add3A_2473, %mul3A_2471 : vector<16xf32>
        %mul3A_2475 = arith.mulf %mul3A_2447, %add3A_2474 : vector<16xf32>
        %add3A_2476 = arith.addf %add3A_2468, %mul3A_2475 : vector<16xf32>
        %mul3A_2477 = arith.mulf %mul3A_2448, %add3A_2476 : vector<16xf32>
        %add3A_2478 = arith.addf %add3A_2462, %mul3A_2477 : vector<16xf32>
        %mul3A_2479 = arith.mulf %exp3A_2445, %add3A_2478 : vector<16xf32>
        %le3A_2480 = arith.constant 0.000000e+00 : f32
        %le3A_2481 = vector.broadcast %le3A_2480 : f32 to vector<16xf32>
        %le3A_2482 = arith.cmpf ole, %mul3A_2440, %le3A_2481 : vector<16xf32>
        %mul3A_2483 = arith.constant 2.000000e+00 : f32
        %mul3A_2484 = vector.broadcast %mul3A_2483 : f32 to vector<16xf32>
        %mul3A_2485 = arith.mulf %mul3A_2484, %mul3A_2479 : vector<16xf32>
        %mul3A_2486 = arith.constant 2.000000e+00 : f32
        %mul3A_2487 = vector.broadcast %mul3A_2486 : f32 to vector<16xf32>
        %mul3A_2488 = arith.mulf %mul3A_2487, %mul3A_2479 : vector<16xf32>
        %sub3A_2489 = arith.constant 3.14159274 : f32
        %sub3A_2490 = vector.broadcast %sub3A_2489 : f32 to vector<16xf32>
        %sub3A_2491 = arith.subf %sub3A_2490, %mul3A_2488 : vector<16xf32>
        %select_n3A_2492 = arith.select %le3A_2482, %mul3A_2485, %sub3A_2491 : vector<16xi1>, vector<16xf32>
        %jit3A_2493 = arith.constant 0.000000e+00 : f32
        %broadcast_in_dim3A_2494 = vector.broadcast %jit3A_2493 : f32 to vector<16xf32>
        %select_n3A_2495 = arith.select %lt3A_4, %select_n3A_2492, %broadcast_in_dim3A_2494 : vector<16xi1>, vector<16xf32>
        %add3A_2496 = arith.addf %broadcast_in_dim3A_5, %add3A_2167 : vector<16xf32>
        %add3A_2497 = arith.addf %add3A_2496, %add3A_2434 : vector<16xf32>
        %sub3A_2498 = arith.subf %add3A_2497, %mul3A_886 : vector<16xf32>
        %mul3A_2499 = arith.constant 5.000000e-01 : f32
        %mul3A_2500 = vector.broadcast %mul3A_2499 : f32 to vector<16xf32>
        %mul3A_2501 = arith.mulf %mul3A_2500, %sub3A_2498 : vector<16xf32>
        %abs3A_2502 = math.absf %mul3A_2501 : vector<16xf32>
        %neg3A_2503 = arith.constant 0.000000e+00 : f32
        %neg3A_2504 = vector.broadcast %neg3A_2503 : f32 to vector<16xf32>
        %neg3A_2505 = arith.subf %neg3A_2504, %abs3A_2502 : vector<16xf32>
        %exp3A_2506 = math.exp %neg3A_2505 : vector<16xf32>
        %mul3A_2507 = arith.mulf %exp3A_2506, %exp3A_2506 : vector<16xf32>
        %mul3A_2508 = arith.mulf %mul3A_2507, %mul3A_2507 : vector<16xf32>
        %mul3A_2509 = arith.mulf %mul3A_2508, %mul3A_2508 : vector<16xf32>
        %mul3A_2510 = arith.constant -0.333322316 : f32
        %mul3A_2511 = vector.broadcast %mul3A_2510 : f32 to vector<16xf32>
        %mul3A_2512 = arith.mulf %mul3A_2511, %mul3A_2507 : vector<16xf32>
        %add3A_2513 = arith.constant 0.99999994 : f32
        %add3A_2514 = vector.broadcast %add3A_2513 : f32 to vector<16xf32>
        %add3A_2515 = arith.addf %add3A_2514, %mul3A_2512 : vector<16xf32>
        %mul3A_2516 = arith.constant -0.140478209 : f32
        %mul3A_2517 = vector.broadcast %mul3A_2516 : f32 to vector<16xf32>
        %mul3A_2518 = arith.mulf %mul3A_2517, %mul3A_2507 : vector<16xf32>
        %add3A_2519 = arith.constant 0.199740291 : f32
        %add3A_2520 = vector.broadcast %add3A_2519 : f32 to vector<16xf32>
        %add3A_2521 = arith.addf %add3A_2520, %mul3A_2518 : vector<16xf32>
        %mul3A_2522 = arith.mulf %mul3A_2508, %add3A_2521 : vector<16xf32>
        %add3A_2523 = arith.addf %add3A_2515, %mul3A_2522 : vector<16xf32>
        %mul3A_2524 = arith.constant -0.0608744808 : f32
        %mul3A_2525 = vector.broadcast %mul3A_2524 : f32 to vector<16xf32>
        %mul3A_2526 = arith.mulf %mul3A_2525, %mul3A_2507 : vector<16xf32>
        %add3A_2527 = arith.constant 0.100022055 : f32
        %add3A_2528 = vector.broadcast %add3A_2527 : f32 to vector<16xf32>
        %add3A_2529 = arith.addf %add3A_2528, %mul3A_2526 : vector<16xf32>
        %mul3A_2530 = arith.constant -0.00502106408 : f32
        %mul3A_2531 = vector.broadcast %mul3A_2530 : f32 to vector<16xf32>
        %mul3A_2532 = arith.mulf %mul3A_2531, %mul3A_2507 : vector<16xf32>
        %add3A_2533 = arith.constant 2.533170e-02 : f32
        %add3A_2534 = vector.broadcast %add3A_2533 : f32 to vector<16xf32>
        %add3A_2535 = arith.addf %add3A_2534, %mul3A_2532 : vector<16xf32>
        %mul3A_2536 = arith.mulf %mul3A_2508, %add3A_2535 : vector<16xf32>
        %add3A_2537 = arith.addf %add3A_2529, %mul3A_2536 : vector<16xf32>
        %mul3A_2538 = arith.mulf %mul3A_2509, %add3A_2537 : vector<16xf32>
        %add3A_2539 = arith.addf %add3A_2523, %mul3A_2538 : vector<16xf32>
        %mul3A_2540 = arith.mulf %exp3A_2506, %add3A_2539 : vector<16xf32>
        %le3A_2541 = arith.constant 0.000000e+00 : f32
        %le3A_2542 = vector.broadcast %le3A_2541 : f32 to vector<16xf32>
        %le3A_2543 = arith.cmpf ole, %mul3A_2501, %le3A_2542 : vector<16xf32>
        %mul3A_2544 = arith.constant 2.000000e+00 : f32
        %mul3A_2545 = vector.broadcast %mul3A_2544 : f32 to vector<16xf32>
        %mul3A_2546 = arith.mulf %mul3A_2545, %mul3A_2540 : vector<16xf32>
        %mul3A_2547 = arith.constant 2.000000e+00 : f32
        %mul3A_2548 = vector.broadcast %mul3A_2547 : f32 to vector<16xf32>
        %mul3A_2549 = arith.mulf %mul3A_2548, %mul3A_2540 : vector<16xf32>
        %sub3A_2550 = arith.constant 3.14159274 : f32
        %sub3A_2551 = vector.broadcast %sub3A_2550 : f32 to vector<16xf32>
        %sub3A_2552 = arith.subf %sub3A_2551, %mul3A_2549 : vector<16xf32>
        %select_n3A_2553 = arith.select %le3A_2543, %mul3A_2546, %sub3A_2552 : vector<16xi1>, vector<16xf32>
        %jit3A_2554 = arith.constant 0.000000e+00 : f32
        %broadcast_in_dim3A_2555 = vector.broadcast %jit3A_2554 : f32 to vector<16xf32>
        %select_n3A_2556 = arith.select %lt3A_4, %select_n3A_2553, %broadcast_in_dim3A_2555 : vector<16xi1>, vector<16xf32>
        %add3A_2557 = arith.addf %broadcast_in_dim3A_5, %add3A_2434 : vector<16xf32>
        %sub3A_2558 = arith.subf %add3A_2557, %mul3A_905 : vector<16xf32>
        %mul3A_2559 = arith.constant 5.000000e-01 : f32
        %mul3A_2560 = vector.broadcast %mul3A_2559 : f32 to vector<16xf32>
        %mul3A_2561 = arith.mulf %mul3A_2560, %sub3A_2558 : vector<16xf32>
        %abs3A_2562 = math.absf %mul3A_2561 : vector<16xf32>
        %neg3A_2563 = arith.constant 0.000000e+00 : f32
        %neg3A_2564 = vector.broadcast %neg3A_2563 : f32 to vector<16xf32>
        %neg3A_2565 = arith.subf %neg3A_2564, %abs3A_2562 : vector<16xf32>
        %exp3A_2566 = math.exp %neg3A_2565 : vector<16xf32>
        %mul3A_2567 = arith.mulf %exp3A_2566, %exp3A_2566 : vector<16xf32>
        %mul3A_2568 = arith.mulf %mul3A_2567, %mul3A_2567 : vector<16xf32>
        %mul3A_2569 = arith.mulf %mul3A_2568, %mul3A_2568 : vector<16xf32>
        %mul3A_2570 = arith.constant -0.333322316 : f32
        %mul3A_2571 = vector.broadcast %mul3A_2570 : f32 to vector<16xf32>
        %mul3A_2572 = arith.mulf %mul3A_2571, %mul3A_2567 : vector<16xf32>
        %add3A_2573 = arith.constant 0.99999994 : f32
        %add3A_2574 = vector.broadcast %add3A_2573 : f32 to vector<16xf32>
        %add3A_2575 = arith.addf %add3A_2574, %mul3A_2572 : vector<16xf32>
        %mul3A_2576 = arith.constant -0.140478209 : f32
        %mul3A_2577 = vector.broadcast %mul3A_2576 : f32 to vector<16xf32>
        %mul3A_2578 = arith.mulf %mul3A_2577, %mul3A_2567 : vector<16xf32>
        %add3A_2579 = arith.constant 0.199740291 : f32
        %add3A_2580 = vector.broadcast %add3A_2579 : f32 to vector<16xf32>
        %add3A_2581 = arith.addf %add3A_2580, %mul3A_2578 : vector<16xf32>
        %mul3A_2582 = arith.mulf %mul3A_2568, %add3A_2581 : vector<16xf32>
        %add3A_2583 = arith.addf %add3A_2575, %mul3A_2582 : vector<16xf32>
        %mul3A_2584 = arith.constant -0.0608744808 : f32
        %mul3A_2585 = vector.broadcast %mul3A_2584 : f32 to vector<16xf32>
        %mul3A_2586 = arith.mulf %mul3A_2585, %mul3A_2567 : vector<16xf32>
        %add3A_2587 = arith.constant 0.100022055 : f32
        %add3A_2588 = vector.broadcast %add3A_2587 : f32 to vector<16xf32>
        %add3A_2589 = arith.addf %add3A_2588, %mul3A_2586 : vector<16xf32>
        %mul3A_2590 = arith.constant -0.00502106408 : f32
        %mul3A_2591 = vector.broadcast %mul3A_2590 : f32 to vector<16xf32>
        %mul3A_2592 = arith.mulf %mul3A_2591, %mul3A_2567 : vector<16xf32>
        %add3A_2593 = arith.constant 2.533170e-02 : f32
        %add3A_2594 = vector.broadcast %add3A_2593 : f32 to vector<16xf32>
        %add3A_2595 = arith.addf %add3A_2594, %mul3A_2592 : vector<16xf32>
        %mul3A_2596 = arith.mulf %mul3A_2568, %add3A_2595 : vector<16xf32>
        %add3A_2597 = arith.addf %add3A_2589, %mul3A_2596 : vector<16xf32>
        %mul3A_2598 = arith.mulf %mul3A_2569, %add3A_2597 : vector<16xf32>
        %add3A_2599 = arith.addf %add3A_2583, %mul3A_2598 : vector<16xf32>
        %mul3A_2600 = arith.mulf %exp3A_2566, %add3A_2599 : vector<16xf32>
        %le3A_2601 = arith.constant 0.000000e+00 : f32
        %le3A_2602 = vector.broadcast %le3A_2601 : f32 to vector<16xf32>
        %le3A_2603 = arith.cmpf ole, %mul3A_2561, %le3A_2602 : vector<16xf32>
        %mul3A_2604 = arith.constant 2.000000e+00 : f32
        %mul3A_2605 = vector.broadcast %mul3A_2604 : f32 to vector<16xf32>
        %mul3A_2606 = arith.mulf %mul3A_2605, %mul3A_2600 : vector<16xf32>
        %mul3A_2607 = arith.constant 2.000000e+00 : f32
        %mul3A_2608 = vector.broadcast %mul3A_2607 : f32 to vector<16xf32>
        %mul3A_2609 = arith.mulf %mul3A_2608, %mul3A_2600 : vector<16xf32>
        %sub3A_2610 = arith.constant 3.14159274 : f32
        %sub3A_2611 = vector.broadcast %sub3A_2610 : f32 to vector<16xf32>
        %sub3A_2612 = arith.subf %sub3A_2611, %mul3A_2609 : vector<16xf32>
        %select_n3A_2613 = arith.select %le3A_2603, %mul3A_2606, %sub3A_2612 : vector<16xi1>, vector<16xf32>
        %jit3A_2614 = arith.constant 0.000000e+00 : f32
        %broadcast_in_dim3A_2615 = vector.broadcast %jit3A_2614 : f32 to vector<16xf32>
        %select_n3A_2616 = arith.select %lt3A_4, %select_n3A_2613, %broadcast_in_dim3A_2615 : vector<16xi1>, vector<16xf32>
        %add3A_2617 = arith.addf %broadcast_in_dim3A_5, %add3A_2223 : vector<16xf32>
        %sub3A_2618 = arith.subf %add3A_2617, %mul3A_924 : vector<16xf32>
        %mul3A_2619 = arith.constant 5.000000e-01 : f32
        %mul3A_2620 = vector.broadcast %mul3A_2619 : f32 to vector<16xf32>
        %mul3A_2621 = arith.mulf %mul3A_2620, %sub3A_2618 : vector<16xf32>
        %abs3A_2622 = math.absf %mul3A_2621 : vector<16xf32>
        %neg3A_2623 = arith.constant 0.000000e+00 : f32
        %neg3A_2624 = vector.broadcast %neg3A_2623 : f32 to vector<16xf32>
        %neg3A_2625 = arith.subf %neg3A_2624, %abs3A_2622 : vector<16xf32>
        %exp3A_2626 = math.exp %neg3A_2625 : vector<16xf32>
        %mul3A_2627 = arith.mulf %exp3A_2626, %exp3A_2626 : vector<16xf32>
        %mul3A_2628 = arith.mulf %mul3A_2627, %mul3A_2627 : vector<16xf32>
        %mul3A_2629 = arith.mulf %mul3A_2628, %mul3A_2628 : vector<16xf32>
        %mul3A_2630 = arith.constant -0.333322316 : f32
        %mul3A_2631 = vector.broadcast %mul3A_2630 : f32 to vector<16xf32>
        %mul3A_2632 = arith.mulf %mul3A_2631, %mul3A_2627 : vector<16xf32>
        %add3A_2633 = arith.constant 0.99999994 : f32
        %add3A_2634 = vector.broadcast %add3A_2633 : f32 to vector<16xf32>
        %add3A_2635 = arith.addf %add3A_2634, %mul3A_2632 : vector<16xf32>
        %mul3A_2636 = arith.constant -0.140478209 : f32
        %mul3A_2637 = vector.broadcast %mul3A_2636 : f32 to vector<16xf32>
        %mul3A_2638 = arith.mulf %mul3A_2637, %mul3A_2627 : vector<16xf32>
        %add3A_2639 = arith.constant 0.199740291 : f32
        %add3A_2640 = vector.broadcast %add3A_2639 : f32 to vector<16xf32>
        %add3A_2641 = arith.addf %add3A_2640, %mul3A_2638 : vector<16xf32>
        %mul3A_2642 = arith.mulf %mul3A_2628, %add3A_2641 : vector<16xf32>
        %add3A_2643 = arith.addf %add3A_2635, %mul3A_2642 : vector<16xf32>
        %mul3A_2644 = arith.constant -0.0608744808 : f32
        %mul3A_2645 = vector.broadcast %mul3A_2644 : f32 to vector<16xf32>
        %mul3A_2646 = arith.mulf %mul3A_2645, %mul3A_2627 : vector<16xf32>
        %add3A_2647 = arith.constant 0.100022055 : f32
        %add3A_2648 = vector.broadcast %add3A_2647 : f32 to vector<16xf32>
        %add3A_2649 = arith.addf %add3A_2648, %mul3A_2646 : vector<16xf32>
        %mul3A_2650 = arith.constant -0.00502106408 : f32
        %mul3A_2651 = vector.broadcast %mul3A_2650 : f32 to vector<16xf32>
        %mul3A_2652 = arith.mulf %mul3A_2651, %mul3A_2627 : vector<16xf32>
        %add3A_2653 = arith.constant 2.533170e-02 : f32
        %add3A_2654 = vector.broadcast %add3A_2653 : f32 to vector<16xf32>
        %add3A_2655 = arith.addf %add3A_2654, %mul3A_2652 : vector<16xf32>
        %mul3A_2656 = arith.mulf %mul3A_2628, %add3A_2655 : vector<16xf32>
        %add3A_2657 = arith.addf %add3A_2649, %mul3A_2656 : vector<16xf32>
        %mul3A_2658 = arith.mulf %mul3A_2629, %add3A_2657 : vector<16xf32>
        %add3A_2659 = arith.addf %add3A_2643, %mul3A_2658 : vector<16xf32>
        %mul3A_2660 = arith.mulf %exp3A_2626, %add3A_2659 : vector<16xf32>
        %le3A_2661 = arith.constant 0.000000e+00 : f32
        %le3A_2662 = vector.broadcast %le3A_2661 : f32 to vector<16xf32>
        %le3A_2663 = arith.cmpf ole, %mul3A_2621, %le3A_2662 : vector<16xf32>
        %mul3A_2664 = arith.constant 2.000000e+00 : f32
        %mul3A_2665 = vector.broadcast %mul3A_2664 : f32 to vector<16xf32>
        %mul3A_2666 = arith.mulf %mul3A_2665, %mul3A_2660 : vector<16xf32>
        %mul3A_2667 = arith.constant 2.000000e+00 : f32
        %mul3A_2668 = vector.broadcast %mul3A_2667 : f32 to vector<16xf32>
        %mul3A_2669 = arith.mulf %mul3A_2668, %mul3A_2660 : vector<16xf32>
        %sub3A_2670 = arith.constant 3.14159274 : f32
        %sub3A_2671 = vector.broadcast %sub3A_2670 : f32 to vector<16xf32>
        %sub3A_2672 = arith.subf %sub3A_2671, %mul3A_2669 : vector<16xf32>
        %select_n3A_2673 = arith.select %le3A_2663, %mul3A_2666, %sub3A_2672 : vector<16xi1>, vector<16xf32>
        %jit3A_2674 = arith.constant 0.000000e+00 : f32
        %broadcast_in_dim3A_2675 = vector.broadcast %jit3A_2674 : f32 to vector<16xf32>
        %select_n3A_2676 = arith.select %lt3A_4, %select_n3A_2673, %broadcast_in_dim3A_2675 : vector<16xi1>, vector<16xf32>
        %xor3A_2677 = arith.constant 1 : i32
        %xor3A_2678 = vector.broadcast %xor3A_2677 : i32 to vector<16xi32>
        %xor3A_2679 = arith.xori %iota3A, %xor3A_2678 : vector<16xi32>
        %broadcast_in_dim3A_2680 = vector.shape_cast %xor3A_2679 : vector<16xi32> to vector<16x1xi32>
        %gather3A_2681 = vector.shape_cast %broadcast_in_dim3A_2680 : vector<16x1xi32> to vector<16xi32>
        %gather3A_2682 = tpu.dynamic_gather %select_n3A_1365[%gather3A_2681] in [0] : vector<16xf32>, vector<16xi32> -> vector<16xf32>
        %add3A_2683 = arith.addf %select_n3A_1365, %gather3A_2682 : vector<16xf32>
        %xor3A_2684 = arith.constant 2 : i32
        %xor3A_2685 = vector.broadcast %xor3A_2684 : i32 to vector<16xi32>
        %xor3A_2686 = arith.xori %iota3A, %xor3A_2685 : vector<16xi32>
        %broadcast_in_dim3A_2687 = vector.shape_cast %xor3A_2686 : vector<16xi32> to vector<16x1xi32>
        %gather3A_2688 = vector.shape_cast %broadcast_in_dim3A_2687 : vector<16x1xi32> to vector<16xi32>
        %gather3A_2689 = tpu.dynamic_gather %add3A_2683[%gather3A_2688] in [0] : vector<16xf32>, vector<16xi32> -> vector<16xf32>
        %add3A_2690 = arith.addf %add3A_2683, %gather3A_2689 : vector<16xf32>
        %xor3A_2691 = arith.constant 4 : i32
        %xor3A_2692 = vector.broadcast %xor3A_2691 : i32 to vector<16xi32>
        %xor3A_2693 = arith.xori %iota3A, %xor3A_2692 : vector<16xi32>
        %broadcast_in_dim3A_2694 = vector.shape_cast %xor3A_2693 : vector<16xi32> to vector<16x1xi32>
        %gather3A_2695 = vector.shape_cast %broadcast_in_dim3A_2694 : vector<16x1xi32> to vector<16xi32>
        %gather3A_2696 = tpu.dynamic_gather %add3A_2690[%gather3A_2695] in [0] : vector<16xf32>, vector<16xi32> -> vector<16xf32>
        %add3A_2697 = arith.addf %add3A_2690, %gather3A_2696 : vector<16xf32>
        %xor3A_2698 = arith.constant 8 : i32
        %xor3A_2699 = vector.broadcast %xor3A_2698 : i32 to vector<16xi32>
        %xor3A_2700 = arith.xori %iota3A, %xor3A_2699 : vector<16xi32>
        %broadcast_in_dim3A_2701 = vector.shape_cast %xor3A_2700 : vector<16xi32> to vector<16x1xi32>
        %gather3A_2702 = vector.shape_cast %broadcast_in_dim3A_2701 : vector<16x1xi32> to vector<16xi32>
        %gather3A_2703 = tpu.dynamic_gather %add3A_2697[%gather3A_2702] in [0] : vector<16xf32>, vector<16xi32> -> vector<16xf32>
        %add3A_2704 = arith.addf %add3A_2697, %gather3A_2703 : vector<16xf32>
        %xor3A_2705 = arith.constant 1 : i32
        %xor3A_2706 = vector.broadcast %xor3A_2705 : i32 to vector<16xi32>
        %xor3A_2707 = arith.xori %iota3A, %xor3A_2706 : vector<16xi32>
        %broadcast_in_dim3A_2708 = vector.shape_cast %xor3A_2707 : vector<16xi32> to vector<16x1xi32>
        %gather3A_2709 = vector.shape_cast %broadcast_in_dim3A_2708 : vector<16x1xi32> to vector<16xi32>
        %gather3A_2710 = tpu.dynamic_gather %select_n3A_1930[%gather3A_2709] in [0] : vector<16xf32>, vector<16xi32> -> vector<16xf32>
        %add3A_2711 = arith.addf %select_n3A_1930, %gather3A_2710 : vector<16xf32>
        %xor3A_2712 = arith.constant 2 : i32
        %xor3A_2713 = vector.broadcast %xor3A_2712 : i32 to vector<16xi32>
        %xor3A_2714 = arith.xori %iota3A, %xor3A_2713 : vector<16xi32>
        %broadcast_in_dim3A_2715 = vector.shape_cast %xor3A_2714 : vector<16xi32> to vector<16x1xi32>
        %gather3A_2716 = vector.shape_cast %broadcast_in_dim3A_2715 : vector<16x1xi32> to vector<16xi32>
        %gather3A_2717 = tpu.dynamic_gather %add3A_2711[%gather3A_2716] in [0] : vector<16xf32>, vector<16xi32> -> vector<16xf32>
        %add3A_2718 = arith.addf %add3A_2711, %gather3A_2717 : vector<16xf32>
        %xor3A_2719 = arith.constant 4 : i32
        %xor3A_2720 = vector.broadcast %xor3A_2719 : i32 to vector<16xi32>
        %xor3A_2721 = arith.xori %iota3A, %xor3A_2720 : vector<16xi32>
        %broadcast_in_dim3A_2722 = vector.shape_cast %xor3A_2721 : vector<16xi32> to vector<16x1xi32>
        %gather3A_2723 = vector.shape_cast %broadcast_in_dim3A_2722 : vector<16x1xi32> to vector<16xi32>
        %gather3A_2724 = tpu.dynamic_gather %add3A_2718[%gather3A_2723] in [0] : vector<16xf32>, vector<16xi32> -> vector<16xf32>
        %add3A_2725 = arith.addf %add3A_2718, %gather3A_2724 : vector<16xf32>
        %xor3A_2726 = arith.constant 8 : i32
        %xor3A_2727 = vector.broadcast %xor3A_2726 : i32 to vector<16xi32>
        %xor3A_2728 = arith.xori %iota3A, %xor3A_2727 : vector<16xi32>
        %broadcast_in_dim3A_2729 = vector.shape_cast %xor3A_2728 : vector<16xi32> to vector<16x1xi32>
        %gather3A_2730 = vector.shape_cast %broadcast_in_dim3A_2729 : vector<16x1xi32> to vector<16xi32>
        %gather3A_2731 = tpu.dynamic_gather %add3A_2725[%gather3A_2730] in [0] : vector<16xf32>, vector<16xi32> -> vector<16xf32>
        %add3A_2732 = arith.addf %add3A_2725, %gather3A_2731 : vector<16xf32>
        %xor3A_2733 = arith.constant 1 : i32
        %xor3A_2734 = vector.broadcast %xor3A_2733 : i32 to vector<16xi32>
        %xor3A_2735 = arith.xori %iota3A, %xor3A_2734 : vector<16xi32>
        %broadcast_in_dim3A_2736 = vector.shape_cast %xor3A_2735 : vector<16xi32> to vector<16x1xi32>
        %gather3A_2737 = vector.shape_cast %broadcast_in_dim3A_2736 : vector<16x1xi32> to vector<16xi32>
        %gather3A_2738 = tpu.dynamic_gather %select_n3A_2495[%gather3A_2737] in [0] : vector<16xf32>, vector<16xi32> -> vector<16xf32>
        %add3A_2739 = arith.addf %select_n3A_2495, %gather3A_2738 : vector<16xf32>
        %xor3A_2740 = arith.constant 2 : i32
        %xor3A_2741 = vector.broadcast %xor3A_2740 : i32 to vector<16xi32>
        %xor3A_2742 = arith.xori %iota3A, %xor3A_2741 : vector<16xi32>
        %broadcast_in_dim3A_2743 = vector.shape_cast %xor3A_2742 : vector<16xi32> to vector<16x1xi32>
        %gather3A_2744 = vector.shape_cast %broadcast_in_dim3A_2743 : vector<16x1xi32> to vector<16xi32>
        %gather3A_2745 = tpu.dynamic_gather %add3A_2739[%gather3A_2744] in [0] : vector<16xf32>, vector<16xi32> -> vector<16xf32>
        %add3A_2746 = arith.addf %add3A_2739, %gather3A_2745 : vector<16xf32>
        %xor3A_2747 = arith.constant 4 : i32
        %xor3A_2748 = vector.broadcast %xor3A_2747 : i32 to vector<16xi32>
        %xor3A_2749 = arith.xori %iota3A, %xor3A_2748 : vector<16xi32>
        %broadcast_in_dim3A_2750 = vector.shape_cast %xor3A_2749 : vector<16xi32> to vector<16x1xi32>
        %gather3A_2751 = vector.shape_cast %broadcast_in_dim3A_2750 : vector<16x1xi32> to vector<16xi32>
        %gather3A_2752 = tpu.dynamic_gather %add3A_2746[%gather3A_2751] in [0] : vector<16xf32>, vector<16xi32> -> vector<16xf32>
        %add3A_2753 = arith.addf %add3A_2746, %gather3A_2752 : vector<16xf32>
        %xor3A_2754 = arith.constant 8 : i32
        %xor3A_2755 = vector.broadcast %xor3A_2754 : i32 to vector<16xi32>
        %xor3A_2756 = arith.xori %iota3A, %xor3A_2755 : vector<16xi32>
        %broadcast_in_dim3A_2757 = vector.shape_cast %xor3A_2756 : vector<16xi32> to vector<16x1xi32>
        %gather3A_2758 = vector.shape_cast %broadcast_in_dim3A_2757 : vector<16x1xi32> to vector<16xi32>
        %gather3A_2759 = tpu.dynamic_gather %add3A_2753[%gather3A_2758] in [0] : vector<16xf32>, vector<16xi32> -> vector<16xf32>
        %add3A_2760 = arith.addf %add3A_2753, %gather3A_2759 : vector<16xf32>
        %xor3A_2761 = arith.constant 1 : i32
        %xor3A_2762 = vector.broadcast %xor3A_2761 : i32 to vector<16xi32>
        %xor3A_2763 = arith.xori %iota3A, %xor3A_2762 : vector<16xi32>
        %broadcast_in_dim3A_2764 = vector.shape_cast %xor3A_2763 : vector<16xi32> to vector<16x1xi32>
        %gather3A_2765 = vector.shape_cast %broadcast_in_dim3A_2764 : vector<16x1xi32> to vector<16xi32>
        %gather3A_2766 = tpu.dynamic_gather %while3A_741[%gather3A_2765] in [0] : vector<16xf32>, vector<16xi32> -> vector<16xf32>
        %add3A_2767 = arith.addf %while3A_741, %gather3A_2766 : vector<16xf32>
        %xor3A_2768 = arith.constant 2 : i32
        %xor3A_2769 = vector.broadcast %xor3A_2768 : i32 to vector<16xi32>
        %xor3A_2770 = arith.xori %iota3A, %xor3A_2769 : vector<16xi32>
        %broadcast_in_dim3A_2771 = vector.shape_cast %xor3A_2770 : vector<16xi32> to vector<16x1xi32>
        %gather3A_2772 = vector.shape_cast %broadcast_in_dim3A_2771 : vector<16x1xi32> to vector<16xi32>
        %gather3A_2773 = tpu.dynamic_gather %add3A_2767[%gather3A_2772] in [0] : vector<16xf32>, vector<16xi32> -> vector<16xf32>
        %add3A_2774 = arith.addf %add3A_2767, %gather3A_2773 : vector<16xf32>
        %xor3A_2775 = arith.constant 4 : i32
        %xor3A_2776 = vector.broadcast %xor3A_2775 : i32 to vector<16xi32>
        %xor3A_2777 = arith.xori %iota3A, %xor3A_2776 : vector<16xi32>
        %broadcast_in_dim3A_2778 = vector.shape_cast %xor3A_2777 : vector<16xi32> to vector<16x1xi32>
        %gather3A_2779 = vector.shape_cast %broadcast_in_dim3A_2778 : vector<16x1xi32> to vector<16xi32>
        %gather3A_2780 = tpu.dynamic_gather %add3A_2774[%gather3A_2779] in [0] : vector<16xf32>, vector<16xi32> -> vector<16xf32>
        %add3A_2781 = arith.addf %add3A_2774, %gather3A_2780 : vector<16xf32>
        %xor3A_2782 = arith.constant 8 : i32
        %xor3A_2783 = vector.broadcast %xor3A_2782 : i32 to vector<16xi32>
        %xor3A_2784 = arith.xori %iota3A, %xor3A_2783 : vector<16xi32>
        %broadcast_in_dim3A_2785 = vector.shape_cast %xor3A_2784 : vector<16xi32> to vector<16x1xi32>
        %gather3A_2786 = vector.shape_cast %broadcast_in_dim3A_2785 : vector<16x1xi32> to vector<16xi32>
        %gather3A_2787 = tpu.dynamic_gather %add3A_2781[%gather3A_2786] in [0] : vector<16xf32>, vector<16xi32> -> vector<16xf32>
        %add3A_2788 = arith.addf %add3A_2781, %gather3A_2787 : vector<16xf32>
        %add3A_2789 = arith.addf %broadcast_in_dim3A_5, %add3A_2704 : vector<16xf32>
        %add3A_2790 = arith.addf %add3A_2789, %add3A_2788 : vector<16xf32>
        %sub3A_2791 = arith.subf %add3A_2790, %mul3A_927 : vector<16xf32>
        %mul3A_2792 = arith.constant 5.000000e-01 : f32
        %mul3A_2793 = vector.broadcast %mul3A_2792 : f32 to vector<16xf32>
        %mul3A_2794 = arith.mulf %mul3A_2793, %sub3A_2791 : vector<16xf32>
        %abs3A_2795 = math.absf %mul3A_2794 : vector<16xf32>
        %neg3A_2796 = arith.constant 0.000000e+00 : f32
        %neg3A_2797 = vector.broadcast %neg3A_2796 : f32 to vector<16xf32>
        %neg3A_2798 = arith.subf %neg3A_2797, %abs3A_2795 : vector<16xf32>
        %exp3A_2799 = math.exp %neg3A_2798 : vector<16xf32>
        %mul3A_2800 = arith.mulf %exp3A_2799, %exp3A_2799 : vector<16xf32>
        %mul3A_2801 = arith.mulf %mul3A_2800, %mul3A_2800 : vector<16xf32>
        %mul3A_2802 = arith.mulf %mul3A_2801, %mul3A_2801 : vector<16xf32>
        %mul3A_2803 = arith.constant -0.333322316 : f32
        %mul3A_2804 = vector.broadcast %mul3A_2803 : f32 to vector<16xf32>
        %mul3A_2805 = arith.mulf %mul3A_2804, %mul3A_2800 : vector<16xf32>
        %add3A_2806 = arith.constant 0.99999994 : f32
        %add3A_2807 = vector.broadcast %add3A_2806 : f32 to vector<16xf32>
        %add3A_2808 = arith.addf %add3A_2807, %mul3A_2805 : vector<16xf32>
        %mul3A_2809 = arith.constant -0.140478209 : f32
        %mul3A_2810 = vector.broadcast %mul3A_2809 : f32 to vector<16xf32>
        %mul3A_2811 = arith.mulf %mul3A_2810, %mul3A_2800 : vector<16xf32>
        %add3A_2812 = arith.constant 0.199740291 : f32
        %add3A_2813 = vector.broadcast %add3A_2812 : f32 to vector<16xf32>
        %add3A_2814 = arith.addf %add3A_2813, %mul3A_2811 : vector<16xf32>
        %mul3A_2815 = arith.mulf %mul3A_2801, %add3A_2814 : vector<16xf32>
        %add3A_2816 = arith.addf %add3A_2808, %mul3A_2815 : vector<16xf32>
        %mul3A_2817 = arith.constant -0.0608744808 : f32
        %mul3A_2818 = vector.broadcast %mul3A_2817 : f32 to vector<16xf32>
        %mul3A_2819 = arith.mulf %mul3A_2818, %mul3A_2800 : vector<16xf32>
        %add3A_2820 = arith.constant 0.100022055 : f32
        %add3A_2821 = vector.broadcast %add3A_2820 : f32 to vector<16xf32>
        %add3A_2822 = arith.addf %add3A_2821, %mul3A_2819 : vector<16xf32>
        %mul3A_2823 = arith.constant -0.00502106408 : f32
        %mul3A_2824 = vector.broadcast %mul3A_2823 : f32 to vector<16xf32>
        %mul3A_2825 = arith.mulf %mul3A_2824, %mul3A_2800 : vector<16xf32>
        %add3A_2826 = arith.constant 2.533170e-02 : f32
        %add3A_2827 = vector.broadcast %add3A_2826 : f32 to vector<16xf32>
        %add3A_2828 = arith.addf %add3A_2827, %mul3A_2825 : vector<16xf32>
        %mul3A_2829 = arith.mulf %mul3A_2801, %add3A_2828 : vector<16xf32>
        %add3A_2830 = arith.addf %add3A_2822, %mul3A_2829 : vector<16xf32>
        %mul3A_2831 = arith.mulf %mul3A_2802, %add3A_2830 : vector<16xf32>
        %add3A_2832 = arith.addf %add3A_2816, %mul3A_2831 : vector<16xf32>
        %mul3A_2833 = arith.mulf %exp3A_2799, %add3A_2832 : vector<16xf32>
        %le3A_2834 = arith.constant 0.000000e+00 : f32
        %le3A_2835 = vector.broadcast %le3A_2834 : f32 to vector<16xf32>
        %le3A_2836 = arith.cmpf ole, %mul3A_2794, %le3A_2835 : vector<16xf32>
        %mul3A_2837 = arith.constant 2.000000e+00 : f32
        %mul3A_2838 = vector.broadcast %mul3A_2837 : f32 to vector<16xf32>
        %mul3A_2839 = arith.mulf %mul3A_2838, %mul3A_2833 : vector<16xf32>
        %mul3A_2840 = arith.constant 2.000000e+00 : f32
        %mul3A_2841 = vector.broadcast %mul3A_2840 : f32 to vector<16xf32>
        %mul3A_2842 = arith.mulf %mul3A_2841, %mul3A_2833 : vector<16xf32>
        %sub3A_2843 = arith.constant 3.14159274 : f32
        %sub3A_2844 = vector.broadcast %sub3A_2843 : f32 to vector<16xf32>
        %sub3A_2845 = arith.subf %sub3A_2844, %mul3A_2842 : vector<16xf32>
        %select_n3A_2846 = arith.select %le3A_2836, %mul3A_2839, %sub3A_2845 : vector<16xi1>, vector<16xf32>
        %jit3A_2847 = arith.constant 0.000000e+00 : f32
        %broadcast_in_dim3A_2848 = vector.broadcast %jit3A_2847 : f32 to vector<16xf32>
        %select_n3A_2849 = arith.select %lt3A_4, %select_n3A_2846, %broadcast_in_dim3A_2848 : vector<16xi1>, vector<16xf32>
        %add3A_2850 = arith.addf %broadcast_in_dim3A_5, %add3A_2704 : vector<16xf32>
        %add3A_2851 = arith.addf %add3A_2850, %add3A_2760 : vector<16xf32>
        %sub3A_2852 = arith.subf %add3A_2851, %mul3A_946 : vector<16xf32>
        %mul3A_2853 = arith.constant 5.000000e-01 : f32
        %mul3A_2854 = vector.broadcast %mul3A_2853 : f32 to vector<16xf32>
        %mul3A_2855 = arith.mulf %mul3A_2854, %sub3A_2852 : vector<16xf32>
        %abs3A_2856 = math.absf %mul3A_2855 : vector<16xf32>
        %neg3A_2857 = arith.constant 0.000000e+00 : f32
        %neg3A_2858 = vector.broadcast %neg3A_2857 : f32 to vector<16xf32>
        %neg3A_2859 = arith.subf %neg3A_2858, %abs3A_2856 : vector<16xf32>
        %exp3A_2860 = math.exp %neg3A_2859 : vector<16xf32>
        %mul3A_2861 = arith.mulf %exp3A_2860, %exp3A_2860 : vector<16xf32>
        %mul3A_2862 = arith.mulf %mul3A_2861, %mul3A_2861 : vector<16xf32>
        %mul3A_2863 = arith.mulf %mul3A_2862, %mul3A_2862 : vector<16xf32>
        %mul3A_2864 = arith.constant -0.333322316 : f32
        %mul3A_2865 = vector.broadcast %mul3A_2864 : f32 to vector<16xf32>
        %mul3A_2866 = arith.mulf %mul3A_2865, %mul3A_2861 : vector<16xf32>
        %add3A_2867 = arith.constant 0.99999994 : f32
        %add3A_2868 = vector.broadcast %add3A_2867 : f32 to vector<16xf32>
        %add3A_2869 = arith.addf %add3A_2868, %mul3A_2866 : vector<16xf32>
        %mul3A_2870 = arith.constant -0.140478209 : f32
        %mul3A_2871 = vector.broadcast %mul3A_2870 : f32 to vector<16xf32>
        %mul3A_2872 = arith.mulf %mul3A_2871, %mul3A_2861 : vector<16xf32>
        %add3A_2873 = arith.constant 0.199740291 : f32
        %add3A_2874 = vector.broadcast %add3A_2873 : f32 to vector<16xf32>
        %add3A_2875 = arith.addf %add3A_2874, %mul3A_2872 : vector<16xf32>
        %mul3A_2876 = arith.mulf %mul3A_2862, %add3A_2875 : vector<16xf32>
        %add3A_2877 = arith.addf %add3A_2869, %mul3A_2876 : vector<16xf32>
        %mul3A_2878 = arith.constant -0.0608744808 : f32
        %mul3A_2879 = vector.broadcast %mul3A_2878 : f32 to vector<16xf32>
        %mul3A_2880 = arith.mulf %mul3A_2879, %mul3A_2861 : vector<16xf32>
        %add3A_2881 = arith.constant 0.100022055 : f32
        %add3A_2882 = vector.broadcast %add3A_2881 : f32 to vector<16xf32>
        %add3A_2883 = arith.addf %add3A_2882, %mul3A_2880 : vector<16xf32>
        %mul3A_2884 = arith.constant -0.00502106408 : f32
        %mul3A_2885 = vector.broadcast %mul3A_2884 : f32 to vector<16xf32>
        %mul3A_2886 = arith.mulf %mul3A_2885, %mul3A_2861 : vector<16xf32>
        %add3A_2887 = arith.constant 2.533170e-02 : f32
        %add3A_2888 = vector.broadcast %add3A_2887 : f32 to vector<16xf32>
        %add3A_2889 = arith.addf %add3A_2888, %mul3A_2886 : vector<16xf32>
        %mul3A_2890 = arith.mulf %mul3A_2862, %add3A_2889 : vector<16xf32>
        %add3A_2891 = arith.addf %add3A_2883, %mul3A_2890 : vector<16xf32>
        %mul3A_2892 = arith.mulf %mul3A_2863, %add3A_2891 : vector<16xf32>
        %add3A_2893 = arith.addf %add3A_2877, %mul3A_2892 : vector<16xf32>
        %mul3A_2894 = arith.mulf %exp3A_2860, %add3A_2893 : vector<16xf32>
        %le3A_2895 = arith.constant 0.000000e+00 : f32
        %le3A_2896 = vector.broadcast %le3A_2895 : f32 to vector<16xf32>
        %le3A_2897 = arith.cmpf ole, %mul3A_2855, %le3A_2896 : vector<16xf32>
        %mul3A_2898 = arith.constant 2.000000e+00 : f32
        %mul3A_2899 = vector.broadcast %mul3A_2898 : f32 to vector<16xf32>
        %mul3A_2900 = arith.mulf %mul3A_2899, %mul3A_2894 : vector<16xf32>
        %mul3A_2901 = arith.constant 2.000000e+00 : f32
        %mul3A_2902 = vector.broadcast %mul3A_2901 : f32 to vector<16xf32>
        %mul3A_2903 = arith.mulf %mul3A_2902, %mul3A_2894 : vector<16xf32>
        %sub3A_2904 = arith.constant 3.14159274 : f32
        %sub3A_2905 = vector.broadcast %sub3A_2904 : f32 to vector<16xf32>
        %sub3A_2906 = arith.subf %sub3A_2905, %mul3A_2903 : vector<16xf32>
        %select_n3A_2907 = arith.select %le3A_2897, %mul3A_2900, %sub3A_2906 : vector<16xi1>, vector<16xf32>
        %jit3A_2908 = arith.constant 0.000000e+00 : f32
        %broadcast_in_dim3A_2909 = vector.broadcast %jit3A_2908 : f32 to vector<16xf32>
        %select_n3A_2910 = arith.select %lt3A_4, %select_n3A_2907, %broadcast_in_dim3A_2909 : vector<16xi1>, vector<16xf32>
        %add3A_2911 = arith.addf %broadcast_in_dim3A_5, %add3A_2704 : vector<16xf32>
        %add3A_2912 = arith.addf %add3A_2911, %add3A_2732 : vector<16xf32>
        %sub3A_2913 = arith.subf %add3A_2912, %mul3A_946 : vector<16xf32>
        %mul3A_2914 = arith.constant 5.000000e-01 : f32
        %mul3A_2915 = vector.broadcast %mul3A_2914 : f32 to vector<16xf32>
        %mul3A_2916 = arith.mulf %mul3A_2915, %sub3A_2913 : vector<16xf32>
        %abs3A_2917 = math.absf %mul3A_2916 : vector<16xf32>
        %neg3A_2918 = arith.constant 0.000000e+00 : f32
        %neg3A_2919 = vector.broadcast %neg3A_2918 : f32 to vector<16xf32>
        %neg3A_2920 = arith.subf %neg3A_2919, %abs3A_2917 : vector<16xf32>
        %exp3A_2921 = math.exp %neg3A_2920 : vector<16xf32>
        %mul3A_2922 = arith.mulf %exp3A_2921, %exp3A_2921 : vector<16xf32>
        %mul3A_2923 = arith.mulf %mul3A_2922, %mul3A_2922 : vector<16xf32>
        %mul3A_2924 = arith.mulf %mul3A_2923, %mul3A_2923 : vector<16xf32>
        %mul3A_2925 = arith.constant -0.333322316 : f32
        %mul3A_2926 = vector.broadcast %mul3A_2925 : f32 to vector<16xf32>
        %mul3A_2927 = arith.mulf %mul3A_2926, %mul3A_2922 : vector<16xf32>
        %add3A_2928 = arith.constant 0.99999994 : f32
        %add3A_2929 = vector.broadcast %add3A_2928 : f32 to vector<16xf32>
        %add3A_2930 = arith.addf %add3A_2929, %mul3A_2927 : vector<16xf32>
        %mul3A_2931 = arith.constant -0.140478209 : f32
        %mul3A_2932 = vector.broadcast %mul3A_2931 : f32 to vector<16xf32>
        %mul3A_2933 = arith.mulf %mul3A_2932, %mul3A_2922 : vector<16xf32>
        %add3A_2934 = arith.constant 0.199740291 : f32
        %add3A_2935 = vector.broadcast %add3A_2934 : f32 to vector<16xf32>
        %add3A_2936 = arith.addf %add3A_2935, %mul3A_2933 : vector<16xf32>
        %mul3A_2937 = arith.mulf %mul3A_2923, %add3A_2936 : vector<16xf32>
        %add3A_2938 = arith.addf %add3A_2930, %mul3A_2937 : vector<16xf32>
        %mul3A_2939 = arith.constant -0.0608744808 : f32
        %mul3A_2940 = vector.broadcast %mul3A_2939 : f32 to vector<16xf32>
        %mul3A_2941 = arith.mulf %mul3A_2940, %mul3A_2922 : vector<16xf32>
        %add3A_2942 = arith.constant 0.100022055 : f32
        %add3A_2943 = vector.broadcast %add3A_2942 : f32 to vector<16xf32>
        %add3A_2944 = arith.addf %add3A_2943, %mul3A_2941 : vector<16xf32>
        %mul3A_2945 = arith.constant -0.00502106408 : f32
        %mul3A_2946 = vector.broadcast %mul3A_2945 : f32 to vector<16xf32>
        %mul3A_2947 = arith.mulf %mul3A_2946, %mul3A_2922 : vector<16xf32>
        %add3A_2948 = arith.constant 2.533170e-02 : f32
        %add3A_2949 = vector.broadcast %add3A_2948 : f32 to vector<16xf32>
        %add3A_2950 = arith.addf %add3A_2949, %mul3A_2947 : vector<16xf32>
        %mul3A_2951 = arith.mulf %mul3A_2923, %add3A_2950 : vector<16xf32>
        %add3A_2952 = arith.addf %add3A_2944, %mul3A_2951 : vector<16xf32>
        %mul3A_2953 = arith.mulf %mul3A_2924, %add3A_2952 : vector<16xf32>
        %add3A_2954 = arith.addf %add3A_2938, %mul3A_2953 : vector<16xf32>
        %mul3A_2955 = arith.mulf %exp3A_2921, %add3A_2954 : vector<16xf32>
        %le3A_2956 = arith.constant 0.000000e+00 : f32
        %le3A_2957 = vector.broadcast %le3A_2956 : f32 to vector<16xf32>
        %le3A_2958 = arith.cmpf ole, %mul3A_2916, %le3A_2957 : vector<16xf32>
        %mul3A_2959 = arith.constant 2.000000e+00 : f32
        %mul3A_2960 = vector.broadcast %mul3A_2959 : f32 to vector<16xf32>
        %mul3A_2961 = arith.mulf %mul3A_2960, %mul3A_2955 : vector<16xf32>
        %mul3A_2962 = arith.constant 2.000000e+00 : f32
        %mul3A_2963 = vector.broadcast %mul3A_2962 : f32 to vector<16xf32>
        %mul3A_2964 = arith.mulf %mul3A_2963, %mul3A_2955 : vector<16xf32>
        %sub3A_2965 = arith.constant 3.14159274 : f32
        %sub3A_2966 = vector.broadcast %sub3A_2965 : f32 to vector<16xf32>
        %sub3A_2967 = arith.subf %sub3A_2966, %mul3A_2964 : vector<16xf32>
        %select_n3A_2968 = arith.select %le3A_2958, %mul3A_2961, %sub3A_2967 : vector<16xi1>, vector<16xf32>
        %jit3A_2969 = arith.constant 0.000000e+00 : f32
        %broadcast_in_dim3A_2970 = vector.broadcast %jit3A_2969 : f32 to vector<16xf32>
        %select_n3A_2971 = arith.select %lt3A_4, %select_n3A_2968, %broadcast_in_dim3A_2970 : vector<16xi1>, vector<16xf32>
        %add3A_2972 = arith.addf %broadcast_in_dim3A_5, %add3A_2732 : vector<16xf32>
        %add3A_2973 = arith.addf %add3A_2972, %add3A_2788 : vector<16xf32>
        %sub3A_2974 = arith.subf %add3A_2973, %mul3A_946 : vector<16xf32>
        %mul3A_2975 = arith.constant 5.000000e-01 : f32
        %mul3A_2976 = vector.broadcast %mul3A_2975 : f32 to vector<16xf32>
        %mul3A_2977 = arith.mulf %mul3A_2976, %sub3A_2974 : vector<16xf32>
        %abs3A_2978 = math.absf %mul3A_2977 : vector<16xf32>
        %neg3A_2979 = arith.constant 0.000000e+00 : f32
        %neg3A_2980 = vector.broadcast %neg3A_2979 : f32 to vector<16xf32>
        %neg3A_2981 = arith.subf %neg3A_2980, %abs3A_2978 : vector<16xf32>
        %exp3A_2982 = math.exp %neg3A_2981 : vector<16xf32>
        %mul3A_2983 = arith.mulf %exp3A_2982, %exp3A_2982 : vector<16xf32>
        %mul3A_2984 = arith.mulf %mul3A_2983, %mul3A_2983 : vector<16xf32>
        %mul3A_2985 = arith.mulf %mul3A_2984, %mul3A_2984 : vector<16xf32>
        %mul3A_2986 = arith.constant -0.333322316 : f32
        %mul3A_2987 = vector.broadcast %mul3A_2986 : f32 to vector<16xf32>
        %mul3A_2988 = arith.mulf %mul3A_2987, %mul3A_2983 : vector<16xf32>
        %add3A_2989 = arith.constant 0.99999994 : f32
        %add3A_2990 = vector.broadcast %add3A_2989 : f32 to vector<16xf32>
        %add3A_2991 = arith.addf %add3A_2990, %mul3A_2988 : vector<16xf32>
        %mul3A_2992 = arith.constant -0.140478209 : f32
        %mul3A_2993 = vector.broadcast %mul3A_2992 : f32 to vector<16xf32>
        %mul3A_2994 = arith.mulf %mul3A_2993, %mul3A_2983 : vector<16xf32>
        %add3A_2995 = arith.constant 0.199740291 : f32
        %add3A_2996 = vector.broadcast %add3A_2995 : f32 to vector<16xf32>
        %add3A_2997 = arith.addf %add3A_2996, %mul3A_2994 : vector<16xf32>
        %mul3A_2998 = arith.mulf %mul3A_2984, %add3A_2997 : vector<16xf32>
        %add3A_2999 = arith.addf %add3A_2991, %mul3A_2998 : vector<16xf32>
        %mul3A_3000 = arith.constant -0.0608744808 : f32
        %mul3A_3001 = vector.broadcast %mul3A_3000 : f32 to vector<16xf32>
        %mul3A_3002 = arith.mulf %mul3A_3001, %mul3A_2983 : vector<16xf32>
        %add3A_3003 = arith.constant 0.100022055 : f32
        %add3A_3004 = vector.broadcast %add3A_3003 : f32 to vector<16xf32>
        %add3A_3005 = arith.addf %add3A_3004, %mul3A_3002 : vector<16xf32>
        %mul3A_3006 = arith.constant -0.00502106408 : f32
        %mul3A_3007 = vector.broadcast %mul3A_3006 : f32 to vector<16xf32>
        %mul3A_3008 = arith.mulf %mul3A_3007, %mul3A_2983 : vector<16xf32>
        %add3A_3009 = arith.constant 2.533170e-02 : f32
        %add3A_3010 = vector.broadcast %add3A_3009 : f32 to vector<16xf32>
        %add3A_3011 = arith.addf %add3A_3010, %mul3A_3008 : vector<16xf32>
        %mul3A_3012 = arith.mulf %mul3A_2984, %add3A_3011 : vector<16xf32>
        %add3A_3013 = arith.addf %add3A_3005, %mul3A_3012 : vector<16xf32>
        %mul3A_3014 = arith.mulf %mul3A_2985, %add3A_3013 : vector<16xf32>
        %add3A_3015 = arith.addf %add3A_2999, %mul3A_3014 : vector<16xf32>
        %mul3A_3016 = arith.mulf %exp3A_2982, %add3A_3015 : vector<16xf32>
        %le3A_3017 = arith.constant 0.000000e+00 : f32
        %le3A_3018 = vector.broadcast %le3A_3017 : f32 to vector<16xf32>
        %le3A_3019 = arith.cmpf ole, %mul3A_2977, %le3A_3018 : vector<16xf32>
        %mul3A_3020 = arith.constant 2.000000e+00 : f32
        %mul3A_3021 = vector.broadcast %mul3A_3020 : f32 to vector<16xf32>
        %mul3A_3022 = arith.mulf %mul3A_3021, %mul3A_3016 : vector<16xf32>
        %mul3A_3023 = arith.constant 2.000000e+00 : f32
        %mul3A_3024 = vector.broadcast %mul3A_3023 : f32 to vector<16xf32>
        %mul3A_3025 = arith.mulf %mul3A_3024, %mul3A_3016 : vector<16xf32>
        %sub3A_3026 = arith.constant 3.14159274 : f32
        %sub3A_3027 = vector.broadcast %sub3A_3026 : f32 to vector<16xf32>
        %sub3A_3028 = arith.subf %sub3A_3027, %mul3A_3025 : vector<16xf32>
        %select_n3A_3029 = arith.select %le3A_3019, %mul3A_3022, %sub3A_3028 : vector<16xi1>, vector<16xf32>
        %jit3A_3030 = arith.constant 0.000000e+00 : f32
        %broadcast_in_dim3A_3031 = vector.broadcast %jit3A_3030 : f32 to vector<16xf32>
        %select_n3A_3032 = arith.select %lt3A_4, %select_n3A_3029, %broadcast_in_dim3A_3031 : vector<16xi1>, vector<16xf32>
        %xor3A_3033 = arith.constant 1 : i32
        %xor3A_3034 = vector.broadcast %xor3A_3033 : i32 to vector<16xi32>
        %xor3A_3035 = arith.xori %iota3A, %xor3A_3034 : vector<16xi32>
        %broadcast_in_dim3A_3036 = vector.shape_cast %xor3A_3035 : vector<16xi32> to vector<16x1xi32>
        %gather3A_3037 = vector.shape_cast %broadcast_in_dim3A_3036 : vector<16x1xi32> to vector<16xi32>
        %gather3A_3038 = tpu.dynamic_gather %select_n3A_3032[%gather3A_3037] in [0] : vector<16xf32>, vector<16xi32> -> vector<16xf32>
        %add3A_3039 = arith.addf %select_n3A_3032, %gather3A_3038 : vector<16xf32>
        %xor3A_3040 = arith.constant 2 : i32
        %xor3A_3041 = vector.broadcast %xor3A_3040 : i32 to vector<16xi32>
        %xor3A_3042 = arith.xori %iota3A, %xor3A_3041 : vector<16xi32>
        %broadcast_in_dim3A_3043 = vector.shape_cast %xor3A_3042 : vector<16xi32> to vector<16x1xi32>
        %gather3A_3044 = vector.shape_cast %broadcast_in_dim3A_3043 : vector<16x1xi32> to vector<16xi32>
        %gather3A_3045 = tpu.dynamic_gather %add3A_3039[%gather3A_3044] in [0] : vector<16xf32>, vector<16xi32> -> vector<16xf32>
        %add3A_3046 = arith.addf %add3A_3039, %gather3A_3045 : vector<16xf32>
        %xor3A_3047 = arith.constant 4 : i32
        %xor3A_3048 = vector.broadcast %xor3A_3047 : i32 to vector<16xi32>
        %xor3A_3049 = arith.xori %iota3A, %xor3A_3048 : vector<16xi32>
        %broadcast_in_dim3A_3050 = vector.shape_cast %xor3A_3049 : vector<16xi32> to vector<16x1xi32>
        %gather3A_3051 = vector.shape_cast %broadcast_in_dim3A_3050 : vector<16x1xi32> to vector<16xi32>
        %gather3A_3052 = tpu.dynamic_gather %add3A_3046[%gather3A_3051] in [0] : vector<16xf32>, vector<16xi32> -> vector<16xf32>
        %add3A_3053 = arith.addf %add3A_3046, %gather3A_3052 : vector<16xf32>
        %xor3A_3054 = arith.constant 8 : i32
        %xor3A_3055 = vector.broadcast %xor3A_3054 : i32 to vector<16xi32>
        %xor3A_3056 = arith.xori %iota3A, %xor3A_3055 : vector<16xi32>
        %broadcast_in_dim3A_3057 = vector.shape_cast %xor3A_3056 : vector<16xi32> to vector<16x1xi32>
        %gather3A_3058 = vector.shape_cast %broadcast_in_dim3A_3057 : vector<16x1xi32> to vector<16xi32>
        %gather3A_3059 = tpu.dynamic_gather %add3A_3053[%gather3A_3058] in [0] : vector<16xf32>, vector<16xi32> -> vector<16xf32>
        %add3A_3060 = arith.addf %add3A_3053, %gather3A_3059 : vector<16xf32>
        %add3A_3061 = arith.addf %broadcast_in_dim3A_5, %add3A_2732 : vector<16xf32>
        %add3A_3062 = arith.addf %add3A_3061, %add3A_2760 : vector<16xf32>
        %sub3A_3063 = arith.subf %add3A_3062, %mul3A_965 : vector<16xf32>
        %mul3A_3064 = arith.constant 5.000000e-01 : f32
        %mul3A_3065 = vector.broadcast %mul3A_3064 : f32 to vector<16xf32>
        %mul3A_3066 = arith.mulf %mul3A_3065, %sub3A_3063 : vector<16xf32>
        %abs3A_3067 = math.absf %mul3A_3066 : vector<16xf32>
        %neg3A_3068 = arith.constant 0.000000e+00 : f32
        %neg3A_3069 = vector.broadcast %neg3A_3068 : f32 to vector<16xf32>
        %neg3A_3070 = arith.subf %neg3A_3069, %abs3A_3067 : vector<16xf32>
        %exp3A_3071 = math.exp %neg3A_3070 : vector<16xf32>
        %mul3A_3072 = arith.mulf %exp3A_3071, %exp3A_3071 : vector<16xf32>
        %mul3A_3073 = arith.mulf %mul3A_3072, %mul3A_3072 : vector<16xf32>
        %mul3A_3074 = arith.mulf %mul3A_3073, %mul3A_3073 : vector<16xf32>
        %mul3A_3075 = arith.constant -0.333322316 : f32
        %mul3A_3076 = vector.broadcast %mul3A_3075 : f32 to vector<16xf32>
        %mul3A_3077 = arith.mulf %mul3A_3076, %mul3A_3072 : vector<16xf32>
        %add3A_3078 = arith.constant 0.99999994 : f32
        %add3A_3079 = vector.broadcast %add3A_3078 : f32 to vector<16xf32>
        %add3A_3080 = arith.addf %add3A_3079, %mul3A_3077 : vector<16xf32>
        %mul3A_3081 = arith.constant -0.140478209 : f32
        %mul3A_3082 = vector.broadcast %mul3A_3081 : f32 to vector<16xf32>
        %mul3A_3083 = arith.mulf %mul3A_3082, %mul3A_3072 : vector<16xf32>
        %add3A_3084 = arith.constant 0.199740291 : f32
        %add3A_3085 = vector.broadcast %add3A_3084 : f32 to vector<16xf32>
        %add3A_3086 = arith.addf %add3A_3085, %mul3A_3083 : vector<16xf32>
        %mul3A_3087 = arith.mulf %mul3A_3073, %add3A_3086 : vector<16xf32>
        %add3A_3088 = arith.addf %add3A_3080, %mul3A_3087 : vector<16xf32>
        %mul3A_3089 = arith.constant -0.0608744808 : f32
        %mul3A_3090 = vector.broadcast %mul3A_3089 : f32 to vector<16xf32>
        %mul3A_3091 = arith.mulf %mul3A_3090, %mul3A_3072 : vector<16xf32>
        %add3A_3092 = arith.constant 0.100022055 : f32
        %add3A_3093 = vector.broadcast %add3A_3092 : f32 to vector<16xf32>
        %add3A_3094 = arith.addf %add3A_3093, %mul3A_3091 : vector<16xf32>
        %mul3A_3095 = arith.constant -0.00502106408 : f32
        %mul3A_3096 = vector.broadcast %mul3A_3095 : f32 to vector<16xf32>
        %mul3A_3097 = arith.mulf %mul3A_3096, %mul3A_3072 : vector<16xf32>
        %add3A_3098 = arith.constant 2.533170e-02 : f32
        %add3A_3099 = vector.broadcast %add3A_3098 : f32 to vector<16xf32>
        %add3A_3100 = arith.addf %add3A_3099, %mul3A_3097 : vector<16xf32>
        %mul3A_3101 = arith.mulf %mul3A_3073, %add3A_3100 : vector<16xf32>
        %add3A_3102 = arith.addf %add3A_3094, %mul3A_3101 : vector<16xf32>
        %mul3A_3103 = arith.mulf %mul3A_3074, %add3A_3102 : vector<16xf32>
        %add3A_3104 = arith.addf %add3A_3088, %mul3A_3103 : vector<16xf32>
        %mul3A_3105 = arith.mulf %exp3A_3071, %add3A_3104 : vector<16xf32>
        %le3A_3106 = arith.constant 0.000000e+00 : f32
        %le3A_3107 = vector.broadcast %le3A_3106 : f32 to vector<16xf32>
        %le3A_3108 = arith.cmpf ole, %mul3A_3066, %le3A_3107 : vector<16xf32>
        %mul3A_3109 = arith.constant 2.000000e+00 : f32
        %mul3A_3110 = vector.broadcast %mul3A_3109 : f32 to vector<16xf32>
        %mul3A_3111 = arith.mulf %mul3A_3110, %mul3A_3105 : vector<16xf32>
        %mul3A_3112 = arith.constant 2.000000e+00 : f32
        %mul3A_3113 = vector.broadcast %mul3A_3112 : f32 to vector<16xf32>
        %mul3A_3114 = arith.mulf %mul3A_3113, %mul3A_3105 : vector<16xf32>
        %sub3A_3115 = arith.constant 3.14159274 : f32
        %sub3A_3116 = vector.broadcast %sub3A_3115 : f32 to vector<16xf32>
        %sub3A_3117 = arith.subf %sub3A_3116, %mul3A_3114 : vector<16xf32>
        %select_n3A_3118 = arith.select %le3A_3108, %mul3A_3111, %sub3A_3117 : vector<16xi1>, vector<16xf32>
        %jit3A_3119 = arith.constant 0.000000e+00 : f32
        %broadcast_in_dim3A_3120 = vector.broadcast %jit3A_3119 : f32 to vector<16xf32>
        %select_n3A_3121 = arith.select %lt3A_4, %select_n3A_3118, %broadcast_in_dim3A_3120 : vector<16xi1>, vector<16xf32>
        %add3A_3122 = arith.addf %broadcast_in_dim3A_5, %add3A_2760 : vector<16xf32>
        %sub3A_3123 = arith.subf %add3A_3122, %mul3A_965 : vector<16xf32>
        %mul3A_3124 = arith.constant 5.000000e-01 : f32
        %mul3A_3125 = vector.broadcast %mul3A_3124 : f32 to vector<16xf32>
        %mul3A_3126 = arith.mulf %mul3A_3125, %sub3A_3123 : vector<16xf32>
        %abs3A_3127 = math.absf %mul3A_3126 : vector<16xf32>
        %neg3A_3128 = arith.constant 0.000000e+00 : f32
        %neg3A_3129 = vector.broadcast %neg3A_3128 : f32 to vector<16xf32>
        %neg3A_3130 = arith.subf %neg3A_3129, %abs3A_3127 : vector<16xf32>
        %exp3A_3131 = math.exp %neg3A_3130 : vector<16xf32>
        %mul3A_3132 = arith.mulf %exp3A_3131, %exp3A_3131 : vector<16xf32>
        %mul3A_3133 = arith.mulf %mul3A_3132, %mul3A_3132 : vector<16xf32>
        %mul3A_3134 = arith.mulf %mul3A_3133, %mul3A_3133 : vector<16xf32>
        %mul3A_3135 = arith.constant -0.333322316 : f32
        %mul3A_3136 = vector.broadcast %mul3A_3135 : f32 to vector<16xf32>
        %mul3A_3137 = arith.mulf %mul3A_3136, %mul3A_3132 : vector<16xf32>
        %add3A_3138 = arith.constant 0.99999994 : f32
        %add3A_3139 = vector.broadcast %add3A_3138 : f32 to vector<16xf32>
        %add3A_3140 = arith.addf %add3A_3139, %mul3A_3137 : vector<16xf32>
        %mul3A_3141 = arith.constant -0.140478209 : f32
        %mul3A_3142 = vector.broadcast %mul3A_3141 : f32 to vector<16xf32>
        %mul3A_3143 = arith.mulf %mul3A_3142, %mul3A_3132 : vector<16xf32>
        %add3A_3144 = arith.constant 0.199740291 : f32
        %add3A_3145 = vector.broadcast %add3A_3144 : f32 to vector<16xf32>
        %add3A_3146 = arith.addf %add3A_3145, %mul3A_3143 : vector<16xf32>
        %mul3A_3147 = arith.mulf %mul3A_3133, %add3A_3146 : vector<16xf32>
        %add3A_3148 = arith.addf %add3A_3140, %mul3A_3147 : vector<16xf32>
        %mul3A_3149 = arith.constant -0.0608744808 : f32
        %mul3A_3150 = vector.broadcast %mul3A_3149 : f32 to vector<16xf32>
        %mul3A_3151 = arith.mulf %mul3A_3150, %mul3A_3132 : vector<16xf32>
        %add3A_3152 = arith.constant 0.100022055 : f32
        %add3A_3153 = vector.broadcast %add3A_3152 : f32 to vector<16xf32>
        %add3A_3154 = arith.addf %add3A_3153, %mul3A_3151 : vector<16xf32>
        %mul3A_3155 = arith.constant -0.00502106408 : f32
        %mul3A_3156 = vector.broadcast %mul3A_3155 : f32 to vector<16xf32>
        %mul3A_3157 = arith.mulf %mul3A_3156, %mul3A_3132 : vector<16xf32>
        %add3A_3158 = arith.constant 2.533170e-02 : f32
        %add3A_3159 = vector.broadcast %add3A_3158 : f32 to vector<16xf32>
        %add3A_3160 = arith.addf %add3A_3159, %mul3A_3157 : vector<16xf32>
        %mul3A_3161 = arith.mulf %mul3A_3133, %add3A_3160 : vector<16xf32>
        %add3A_3162 = arith.addf %add3A_3154, %mul3A_3161 : vector<16xf32>
        %mul3A_3163 = arith.mulf %mul3A_3134, %add3A_3162 : vector<16xf32>
        %add3A_3164 = arith.addf %add3A_3148, %mul3A_3163 : vector<16xf32>
        %mul3A_3165 = arith.mulf %exp3A_3131, %add3A_3164 : vector<16xf32>
        %le3A_3166 = arith.constant 0.000000e+00 : f32
        %le3A_3167 = vector.broadcast %le3A_3166 : f32 to vector<16xf32>
        %le3A_3168 = arith.cmpf ole, %mul3A_3126, %le3A_3167 : vector<16xf32>
        %mul3A_3169 = arith.constant 2.000000e+00 : f32
        %mul3A_3170 = vector.broadcast %mul3A_3169 : f32 to vector<16xf32>
        %mul3A_3171 = arith.mulf %mul3A_3170, %mul3A_3165 : vector<16xf32>
        %mul3A_3172 = arith.constant 2.000000e+00 : f32
        %mul3A_3173 = vector.broadcast %mul3A_3172 : f32 to vector<16xf32>
        %mul3A_3174 = arith.mulf %mul3A_3173, %mul3A_3165 : vector<16xf32>
        %sub3A_3175 = arith.constant 3.14159274 : f32
        %sub3A_3176 = vector.broadcast %sub3A_3175 : f32 to vector<16xf32>
        %sub3A_3177 = arith.subf %sub3A_3176, %mul3A_3174 : vector<16xf32>
        %select_n3A_3178 = arith.select %le3A_3168, %mul3A_3171, %sub3A_3177 : vector<16xi1>, vector<16xf32>
        %jit3A_3179 = arith.constant 0.000000e+00 : f32
        %broadcast_in_dim3A_3180 = vector.broadcast %jit3A_3179 : f32 to vector<16xf32>
        %select_n3A_3181 = arith.select %lt3A_4, %select_n3A_3178, %broadcast_in_dim3A_3180 : vector<16xi1>, vector<16xf32>
        %add3A_3182 = arith.addf %broadcast_in_dim3A_5, %add3A_3060 : vector<16xf32>
        %sub3A_3183 = arith.subf %add3A_3182, %mul3A_965 : vector<16xf32>
        %mul3A_3184 = arith.constant 5.000000e-01 : f32
        %mul3A_3185 = vector.broadcast %mul3A_3184 : f32 to vector<16xf32>
        %mul3A_3186 = arith.mulf %mul3A_3185, %sub3A_3183 : vector<16xf32>
        %abs3A_3187 = math.absf %mul3A_3186 : vector<16xf32>
        %neg3A_3188 = arith.constant 0.000000e+00 : f32
        %neg3A_3189 = vector.broadcast %neg3A_3188 : f32 to vector<16xf32>
        %neg3A_3190 = arith.subf %neg3A_3189, %abs3A_3187 : vector<16xf32>
        %exp3A_3191 = math.exp %neg3A_3190 : vector<16xf32>
        %mul3A_3192 = arith.mulf %exp3A_3191, %exp3A_3191 : vector<16xf32>
        %mul3A_3193 = arith.mulf %mul3A_3192, %mul3A_3192 : vector<16xf32>
        %mul3A_3194 = arith.mulf %mul3A_3193, %mul3A_3193 : vector<16xf32>
        %mul3A_3195 = arith.constant -0.333322316 : f32
        %mul3A_3196 = vector.broadcast %mul3A_3195 : f32 to vector<16xf32>
        %mul3A_3197 = arith.mulf %mul3A_3196, %mul3A_3192 : vector<16xf32>
        %add3A_3198 = arith.constant 0.99999994 : f32
        %add3A_3199 = vector.broadcast %add3A_3198 : f32 to vector<16xf32>
        %add3A_3200 = arith.addf %add3A_3199, %mul3A_3197 : vector<16xf32>
        %mul3A_3201 = arith.constant -0.140478209 : f32
        %mul3A_3202 = vector.broadcast %mul3A_3201 : f32 to vector<16xf32>
        %mul3A_3203 = arith.mulf %mul3A_3202, %mul3A_3192 : vector<16xf32>
        %add3A_3204 = arith.constant 0.199740291 : f32
        %add3A_3205 = vector.broadcast %add3A_3204 : f32 to vector<16xf32>
        %add3A_3206 = arith.addf %add3A_3205, %mul3A_3203 : vector<16xf32>
        %mul3A_3207 = arith.mulf %mul3A_3193, %add3A_3206 : vector<16xf32>
        %add3A_3208 = arith.addf %add3A_3200, %mul3A_3207 : vector<16xf32>
        %mul3A_3209 = arith.constant -0.0608744808 : f32
        %mul3A_3210 = vector.broadcast %mul3A_3209 : f32 to vector<16xf32>
        %mul3A_3211 = arith.mulf %mul3A_3210, %mul3A_3192 : vector<16xf32>
        %add3A_3212 = arith.constant 0.100022055 : f32
        %add3A_3213 = vector.broadcast %add3A_3212 : f32 to vector<16xf32>
        %add3A_3214 = arith.addf %add3A_3213, %mul3A_3211 : vector<16xf32>
        %mul3A_3215 = arith.constant -0.00502106408 : f32
        %mul3A_3216 = vector.broadcast %mul3A_3215 : f32 to vector<16xf32>
        %mul3A_3217 = arith.mulf %mul3A_3216, %mul3A_3192 : vector<16xf32>
        %add3A_3218 = arith.constant 2.533170e-02 : f32
        %add3A_3219 = vector.broadcast %add3A_3218 : f32 to vector<16xf32>
        %add3A_3220 = arith.addf %add3A_3219, %mul3A_3217 : vector<16xf32>
        %mul3A_3221 = arith.mulf %mul3A_3193, %add3A_3220 : vector<16xf32>
        %add3A_3222 = arith.addf %add3A_3214, %mul3A_3221 : vector<16xf32>
        %mul3A_3223 = arith.mulf %mul3A_3194, %add3A_3222 : vector<16xf32>
        %add3A_3224 = arith.addf %add3A_3208, %mul3A_3223 : vector<16xf32>
        %mul3A_3225 = arith.mulf %exp3A_3191, %add3A_3224 : vector<16xf32>
        %le3A_3226 = arith.constant 0.000000e+00 : f32
        %le3A_3227 = vector.broadcast %le3A_3226 : f32 to vector<16xf32>
        %le3A_3228 = arith.cmpf ole, %mul3A_3186, %le3A_3227 : vector<16xf32>
        %mul3A_3229 = arith.constant 2.000000e+00 : f32
        %mul3A_3230 = vector.broadcast %mul3A_3229 : f32 to vector<16xf32>
        %mul3A_3231 = arith.mulf %mul3A_3230, %mul3A_3225 : vector<16xf32>
        %mul3A_3232 = arith.constant 2.000000e+00 : f32
        %mul3A_3233 = vector.broadcast %mul3A_3232 : f32 to vector<16xf32>
        %mul3A_3234 = arith.mulf %mul3A_3233, %mul3A_3225 : vector<16xf32>
        %sub3A_3235 = arith.constant 3.14159274 : f32
        %sub3A_3236 = vector.broadcast %sub3A_3235 : f32 to vector<16xf32>
        %sub3A_3237 = arith.subf %sub3A_3236, %mul3A_3234 : vector<16xf32>
        %select_n3A_3238 = arith.select %le3A_3228, %mul3A_3231, %sub3A_3237 : vector<16xi1>, vector<16xf32>
        %jit3A_3239 = arith.constant 0.000000e+00 : f32
        %broadcast_in_dim3A_3240 = vector.broadcast %jit3A_3239 : f32 to vector<16xf32>
        %select_n3A_3241 = arith.select %lt3A_4, %select_n3A_3238, %broadcast_in_dim3A_3240 : vector<16xi1>, vector<16xf32>
        scf.yield %sub3A_763, %sub3A_823, %sub3A_883, %sub3A_943, %sub3A_782, %sub3A_842, %sub3A_902, %sub3A_962, %sub3A_801, %sub3A_861, %sub3A_921, %sub3A_981, %select_n3A_1154, %select_n3A_1243, %select_n3A_1304, %select_n3A_1365, %select_n3A_1426, %select_n3A_1486, %select_n3A_1546, %select_n3A_1719, %select_n3A_1780, %select_n3A_1869, %select_n3A_1930, %select_n3A_1991, %select_n3A_2051, %select_n3A_2111, %select_n3A_2284, %select_n3A_2345, %select_n3A_2406, %select_n3A_2495, %select_n3A_2556, %select_n3A_2616, %select_n3A_2676, %select_n3A_2849, %select_n3A_2910, %select_n3A_2971, %select_n3A_3032, %select_n3A_3121, %select_n3A_3181, %select_n3A_3241 : vector<16xf32>, vector<16xf32>, vector<16xf32>, vector<16xf32>, vector<16xf32>, vector<16xf32>, vector<16xf32>, vector<16xf32>, vector<16xf32>, vector<16xf32>, vector<16xf32>, vector<16xf32>, vector<16xf32>, vector<16xf32>, vector<16xf32>, vector<16xf32>, vector<16xf32>, vector<16xf32>, vector<16xf32>, vector<16xf32>, vector<16xf32>, vector<16xf32>, vector<16xf32>, vector<16xf32>, vector<16xf32>, vector<16xf32>, vector<16xf32>, vector<16xf32>, vector<16xf32>, vector<16xf32>, vector<16xf32>, vector<16xf32>, vector<16xf32>, vector<16xf32>, vector<16xf32>, vector<16xf32>, vector<16xf32>, vector<16xf32>, vector<16xf32>, vector<16xf32>
      }
      %while3A_90 = arith.constant 1 : i32
      %while3A_91:40 = scf.for %while3A_704 = %while3A_87 to %while3A_83 step %while3A_90 iter_args(%while3A_705 = %while3A_89#0, %while3A_706 = %while3A_89#1, %while3A_707 = %while3A_89#2, %while3A_708 = %while3A_89#3, %while3A_709 = %while3A_89#4, %while3A_710 = %while3A_89#5, %while3A_711 = %while3A_89#6, %while3A_712 = %while3A_89#7, %while3A_713 = %while3A_89#8, %while3A_714 = %while3A_89#9, %while3A_715 = %while3A_89#10, %while3A_716 = %while3A_89#11, %while3A_717 = %while3A_89#12, %while3A_718 = %while3A_89#13, %while3A_719 = %while3A_89#14, %while3A_720 = %while3A_89#15, %while3A_721 = %while3A_89#16, %while3A_722 = %while3A_89#17, %while3A_723 = %while3A_89#18, %while3A_724 = %while3A_89#19, %while3A_725 = %while3A_89#20, %while3A_726 = %while3A_89#21, %while3A_727 = %while3A_89#22, %while3A_728 = %while3A_89#23, %while3A_729 = %while3A_89#24, %while3A_730 = %while3A_89#25, %while3A_731 = %while3A_89#26, %while3A_732 = %while3A_89#27, %while3A_733 = %while3A_89#28, %while3A_734 = %while3A_89#29, %while3A_735 = %while3A_89#30, %while3A_736 = %while3A_89#31, %while3A_737 = %while3A_89#32, %while3A_738 = %while3A_89#33, %while3A_739 = %while3A_89#34, %while3A_740 = %while3A_89#35, %while3A_741 = %while3A_89#36, %while3A_742 = %while3A_89#37, %while3A_743 = %while3A_89#38, %while3A_744 = %while3A_89#39) -> (vector<16xf32>, vector<16xf32>, vector<16xf32>, vector<16xf32>, vector<16xf32>, vector<16xf32>, vector<16xf32>, vector<16xf32>, vector<16xf32>, vector<16xf32>, vector<16xf32>, vector<16xf32>, vector<16xf32>, vector<16xf32>, vector<16xf32>, vector<16xf32>, vector<16xf32>, vector<16xf32>, vector<16xf32>, vector<16xf32>, vector<16xf32>, vector<16xf32>, vector<16xf32>, vector<16xf32>, vector<16xf32>, vector<16xf32>, vector<16xf32>, vector<16xf32>, vector<16xf32>, vector<16xf32>, vector<16xf32>, vector<16xf32>, vector<16xf32>, vector<16xf32>, vector<16xf32>, vector<16xf32>, vector<16xf32>, vector<16xf32>, vector<16xf32>, vector<16xf32>)  : i32 {
        %mul3A_745 = arith.mulf %while3A_705, %while3A_709 : vector<16xf32>
        %mul3A_746 = arith.mulf %mul3A_745, %while3A_713 : vector<16xf32>
        %mul3A_747 = arith.mulf %sign3A_21, %mul3A_746 : vector<16xf32>
        %mul3A_748 = arith.constant 5.000000e-01 : f32
        %mul3A_749 = vector.broadcast %mul3A_748 : f32 to vector<16xf32>
        %mul3A_750 = arith.mulf %mul3A_749, %mul3A_747 : vector<16xf32>
        %mul3A_751 = arith.constant 2.000000e+00 : f32
        %mul3A_752 = vector.broadcast %mul3A_751 : f32 to vector<16xf32>
        %mul3A_753 = arith.mulf %mul3A_752, %mul3A_750 : vector<16xf32>
        %exp3A_754 = math.exp %mul3A_753 : vector<16xf32>
        %add3A_755 = arith.constant 1.000000e+00 : f32
        %add3A_756 = vector.broadcast %add3A_755 : f32 to vector<16xf32>
        %add3A_757 = arith.addf %exp3A_754, %add3A_756 : vector<16xf32>
        %div3A_758 = arith.constant 2.000000e+00 : f32
        %div3A_759 = vector.broadcast %div3A_758 : f32 to vector<16xf32>
        %div3A_760 = arith.divf %div3A_759, %add3A_757 : vector<16xf32>
        %sub3A_761 = arith.constant 1.000000e+00 : f32
        %sub3A_762 = vector.broadcast %sub3A_761 : f32 to vector<16xf32>
        %sub3A_763 = arith.subf %sub3A_762, %div3A_760 : vector<16xf32>
        %mul3A_764 = arith.mulf %sub3A_763, %while3A_709 : vector<16xf32>
        %mul3A_765 = arith.mulf %mul3A_764, %while3A_713 : vector<16xf32>
        %mul3A_766 = arith.mulf %sign3A_21, %mul3A_765 : vector<16xf32>
        %mul3A_767 = arith.constant 5.000000e-01 : f32
        %mul3A_768 = vector.broadcast %mul3A_767 : f32 to vector<16xf32>
        %mul3A_769 = arith.mulf %mul3A_768, %mul3A_766 : vector<16xf32>
        %mul3A_770 = arith.constant 2.000000e+00 : f32
        %mul3A_771 = vector.broadcast %mul3A_770 : f32 to vector<16xf32>
        %mul3A_772 = arith.mulf %mul3A_771, %mul3A_769 : vector<16xf32>
        %exp3A_773 = math.exp %mul3A_772 : vector<16xf32>
        %add3A_774 = arith.constant 1.000000e+00 : f32
        %add3A_775 = vector.broadcast %add3A_774 : f32 to vector<16xf32>
        %add3A_776 = arith.addf %exp3A_773, %add3A_775 : vector<16xf32>
        %div3A_777 = arith.constant 2.000000e+00 : f32
        %div3A_778 = vector.broadcast %div3A_777 : f32 to vector<16xf32>
        %div3A_779 = arith.divf %div3A_778, %add3A_776 : vector<16xf32>
        %sub3A_780 = arith.constant 1.000000e+00 : f32
        %sub3A_781 = vector.broadcast %sub3A_780 : f32 to vector<16xf32>
        %sub3A_782 = arith.subf %sub3A_781, %div3A_779 : vector<16xf32>
        %mul3A_783 = arith.mulf %sub3A_763, %sub3A_782 : vector<16xf32>
        %mul3A_784 = arith.mulf %mul3A_783, %while3A_713 : vector<16xf32>
        %mul3A_785 = arith.mulf %sign3A_21, %mul3A_784 : vector<16xf32>
        %mul3A_786 = arith.constant 5.000000e-01 : f32
        %mul3A_787 = vector.broadcast %mul3A_786 : f32 to vector<16xf32>
        %mul3A_788 = arith.mulf %mul3A_787, %mul3A_785 : vector<16xf32>
        %mul3A_789 = arith.constant 2.000000e+00 : f32
        %mul3A_790 = vector.broadcast %mul3A_789 : f32 to vector<16xf32>
        %mul3A_791 = arith.mulf %mul3A_790, %mul3A_788 : vector<16xf32>
        %exp3A_792 = math.exp %mul3A_791 : vector<16xf32>
        %add3A_793 = arith.constant 1.000000e+00 : f32
        %add3A_794 = vector.broadcast %add3A_793 : f32 to vector<16xf32>
        %add3A_795 = arith.addf %exp3A_792, %add3A_794 : vector<16xf32>
        %div3A_796 = arith.constant 2.000000e+00 : f32
        %div3A_797 = vector.broadcast %div3A_796 : f32 to vector<16xf32>
        %div3A_798 = arith.divf %div3A_797, %add3A_795 : vector<16xf32>
        %sub3A_799 = arith.constant 1.000000e+00 : f32
        %sub3A_800 = vector.broadcast %sub3A_799 : f32 to vector<16xf32>
        %sub3A_801 = arith.subf %sub3A_800, %div3A_798 : vector<16xf32>
        %mul3A_802 = arith.mulf %sub3A_763, %sub3A_782 : vector<16xf32>
        %mul3A_803 = arith.mulf %mul3A_802, %sub3A_801 : vector<16xf32>
        %mul3A_804 = arith.mulf %sign3A_21, %mul3A_803 : vector<16xf32>
        %mul3A_805 = arith.mulf %while3A_706, %while3A_710 : vector<16xf32>
        %mul3A_806 = arith.mulf %mul3A_805, %while3A_714 : vector<16xf32>
        %mul3A_807 = arith.mulf %sign3A_39, %mul3A_806 : vector<16xf32>
        %mul3A_808 = arith.constant 5.000000e-01 : f32
        %mul3A_809 = vector.broadcast %mul3A_808 : f32 to vector<16xf32>
        %mul3A_810 = arith.mulf %mul3A_809, %mul3A_807 : vector<16xf32>
        %mul3A_811 = arith.constant 2.000000e+00 : f32
        %mul3A_812 = vector.broadcast %mul3A_811 : f32 to vector<16xf32>
        %mul3A_813 = arith.mulf %mul3A_812, %mul3A_810 : vector<16xf32>
        %exp3A_814 = math.exp %mul3A_813 : vector<16xf32>
        %add3A_815 = arith.constant 1.000000e+00 : f32
        %add3A_816 = vector.broadcast %add3A_815 : f32 to vector<16xf32>
        %add3A_817 = arith.addf %exp3A_814, %add3A_816 : vector<16xf32>
        %div3A_818 = arith.constant 2.000000e+00 : f32
        %div3A_819 = vector.broadcast %div3A_818 : f32 to vector<16xf32>
        %div3A_820 = arith.divf %div3A_819, %add3A_817 : vector<16xf32>
        %sub3A_821 = arith.constant 1.000000e+00 : f32
        %sub3A_822 = vector.broadcast %sub3A_821 : f32 to vector<16xf32>
        %sub3A_823 = arith.subf %sub3A_822, %div3A_820 : vector<16xf32>
        %mul3A_824 = arith.mulf %sub3A_823, %while3A_710 : vector<16xf32>
        %mul3A_825 = arith.mulf %mul3A_824, %while3A_714 : vector<16xf32>
        %mul3A_826 = arith.mulf %sign3A_39, %mul3A_825 : vector<16xf32>
        %mul3A_827 = arith.constant 5.000000e-01 : f32
        %mul3A_828 = vector.broadcast %mul3A_827 : f32 to vector<16xf32>
        %mul3A_829 = arith.mulf %mul3A_828, %mul3A_826 : vector<16xf32>
        %mul3A_830 = arith.constant 2.000000e+00 : f32
        %mul3A_831 = vector.broadcast %mul3A_830 : f32 to vector<16xf32>
        %mul3A_832 = arith.mulf %mul3A_831, %mul3A_829 : vector<16xf32>
        %exp3A_833 = math.exp %mul3A_832 : vector<16xf32>
        %add3A_834 = arith.constant 1.000000e+00 : f32
        %add3A_835 = vector.broadcast %add3A_834 : f32 to vector<16xf32>
        %add3A_836 = arith.addf %exp3A_833, %add3A_835 : vector<16xf32>
        %div3A_837 = arith.constant 2.000000e+00 : f32
        %div3A_838 = vector.broadcast %div3A_837 : f32 to vector<16xf32>
        %div3A_839 = arith.divf %div3A_838, %add3A_836 : vector<16xf32>
        %sub3A_840 = arith.constant 1.000000e+00 : f32
        %sub3A_841 = vector.broadcast %sub3A_840 : f32 to vector<16xf32>
        %sub3A_842 = arith.subf %sub3A_841, %div3A_839 : vector<16xf32>
        %mul3A_843 = arith.mulf %sub3A_823, %sub3A_842 : vector<16xf32>
        %mul3A_844 = arith.mulf %mul3A_843, %while3A_714 : vector<16xf32>
        %mul3A_845 = arith.mulf %sign3A_39, %mul3A_844 : vector<16xf32>
        %mul3A_846 = arith.constant 5.000000e-01 : f32
        %mul3A_847 = vector.broadcast %mul3A_846 : f32 to vector<16xf32>
        %mul3A_848 = arith.mulf %mul3A_847, %mul3A_845 : vector<16xf32>
        %mul3A_849 = arith.constant 2.000000e+00 : f32
        %mul3A_850 = vector.broadcast %mul3A_849 : f32 to vector<16xf32>
        %mul3A_851 = arith.mulf %mul3A_850, %mul3A_848 : vector<16xf32>
        %exp3A_852 = math.exp %mul3A_851 : vector<16xf32>
        %add3A_853 = arith.constant 1.000000e+00 : f32
        %add3A_854 = vector.broadcast %add3A_853 : f32 to vector<16xf32>
        %add3A_855 = arith.addf %exp3A_852, %add3A_854 : vector<16xf32>
        %div3A_856 = arith.constant 2.000000e+00 : f32
        %div3A_857 = vector.broadcast %div3A_856 : f32 to vector<16xf32>
        %div3A_858 = arith.divf %div3A_857, %add3A_855 : vector<16xf32>
        %sub3A_859 = arith.constant 1.000000e+00 : f32
        %sub3A_860 = vector.broadcast %sub3A_859 : f32 to vector<16xf32>
        %sub3A_861 = arith.subf %sub3A_860, %div3A_858 : vector<16xf32>
        %mul3A_862 = arith.mulf %sub3A_823, %sub3A_842 : vector<16xf32>
        %mul3A_863 = arith.mulf %mul3A_862, %sub3A_861 : vector<16xf32>
        %mul3A_864 = arith.mulf %sign3A_39, %mul3A_863 : vector<16xf32>
        %mul3A_865 = arith.mulf %while3A_707, %while3A_711 : vector<16xf32>
        %mul3A_866 = arith.mulf %mul3A_865, %while3A_715 : vector<16xf32>
        %mul3A_867 = arith.mulf %sign3A_57, %mul3A_866 : vector<16xf32>
        %mul3A_868 = arith.constant 5.000000e-01 : f32
        %mul3A_869 = vector.broadcast %mul3A_868 : f32 to vector<16xf32>
        %mul3A_870 = arith.mulf %mul3A_869, %mul3A_867 : vector<16xf32>
        %mul3A_871 = arith.constant 2.000000e+00 : f32
        %mul3A_872 = vector.broadcast %mul3A_871 : f32 to vector<16xf32>
        %mul3A_873 = arith.mulf %mul3A_872, %mul3A_870 : vector<16xf32>
        %exp3A_874 = math.exp %mul3A_873 : vector<16xf32>
        %add3A_875 = arith.constant 1.000000e+00 : f32
        %add3A_876 = vector.broadcast %add3A_875 : f32 to vector<16xf32>
        %add3A_877 = arith.addf %exp3A_874, %add3A_876 : vector<16xf32>
        %div3A_878 = arith.constant 2.000000e+00 : f32
        %div3A_879 = vector.broadcast %div3A_878 : f32 to vector<16xf32>
        %div3A_880 = arith.divf %div3A_879, %add3A_877 : vector<16xf32>
        %sub3A_881 = arith.constant 1.000000e+00 : f32
        %sub3A_882 = vector.broadcast %sub3A_881 : f32 to vector<16xf32>
        %sub3A_883 = arith.subf %sub3A_882, %div3A_880 : vector<16xf32>
        %mul3A_884 = arith.mulf %sub3A_883, %while3A_711 : vector<16xf32>
        %mul3A_885 = arith.mulf %mul3A_884, %while3A_715 : vector<16xf32>
        %mul3A_886 = arith.mulf %sign3A_57, %mul3A_885 : vector<16xf32>
        %mul3A_887 = arith.constant 5.000000e-01 : f32
        %mul3A_888 = vector.broadcast %mul3A_887 : f32 to vector<16xf32>
        %mul3A_889 = arith.mulf %mul3A_888, %mul3A_886 : vector<16xf32>
        %mul3A_890 = arith.constant 2.000000e+00 : f32
        %mul3A_891 = vector.broadcast %mul3A_890 : f32 to vector<16xf32>
        %mul3A_892 = arith.mulf %mul3A_891, %mul3A_889 : vector<16xf32>
        %exp3A_893 = math.exp %mul3A_892 : vector<16xf32>
        %add3A_894 = arith.constant 1.000000e+00 : f32
        %add3A_895 = vector.broadcast %add3A_894 : f32 to vector<16xf32>
        %add3A_896 = arith.addf %exp3A_893, %add3A_895 : vector<16xf32>
        %div3A_897 = arith.constant 2.000000e+00 : f32
        %div3A_898 = vector.broadcast %div3A_897 : f32 to vector<16xf32>
        %div3A_899 = arith.divf %div3A_898, %add3A_896 : vector<16xf32>
        %sub3A_900 = arith.constant 1.000000e+00 : f32
        %sub3A_901 = vector.broadcast %sub3A_900 : f32 to vector<16xf32>
        %sub3A_902 = arith.subf %sub3A_901, %div3A_899 : vector<16xf32>
        %mul3A_903 = arith.mulf %sub3A_883, %sub3A_902 : vector<16xf32>
        %mul3A_904 = arith.mulf %mul3A_903, %while3A_715 : vector<16xf32>
        %mul3A_905 = arith.mulf %sign3A_57, %mul3A_904 : vector<16xf32>
        %mul3A_906 = arith.constant 5.000000e-01 : f32
        %mul3A_907 = vector.broadcast %mul3A_906 : f32 to vector<16xf32>
        %mul3A_908 = arith.mulf %mul3A_907, %mul3A_905 : vector<16xf32>
        %mul3A_909 = arith.constant 2.000000e+00 : f32
        %mul3A_910 = vector.broadcast %mul3A_909 : f32 to vector<16xf32>
        %mul3A_911 = arith.mulf %mul3A_910, %mul3A_908 : vector<16xf32>
        %exp3A_912 = math.exp %mul3A_911 : vector<16xf32>
        %add3A_913 = arith.constant 1.000000e+00 : f32
        %add3A_914 = vector.broadcast %add3A_913 : f32 to vector<16xf32>
        %add3A_915 = arith.addf %exp3A_912, %add3A_914 : vector<16xf32>
        %div3A_916 = arith.constant 2.000000e+00 : f32
        %div3A_917 = vector.broadcast %div3A_916 : f32 to vector<16xf32>
        %div3A_918 = arith.divf %div3A_917, %add3A_915 : vector<16xf32>
        %sub3A_919 = arith.constant 1.000000e+00 : f32
        %sub3A_920 = vector.broadcast %sub3A_919 : f32 to vector<16xf32>
        %sub3A_921 = arith.subf %sub3A_920, %div3A_918 : vector<16xf32>
        %mul3A_922 = arith.mulf %sub3A_883, %sub3A_902 : vector<16xf32>
        %mul3A_923 = arith.mulf %mul3A_922, %sub3A_921 : vector<16xf32>
        %mul3A_924 = arith.mulf %sign3A_57, %mul3A_923 : vector<16xf32>
        %mul3A_925 = arith.mulf %while3A_708, %while3A_712 : vector<16xf32>
        %mul3A_926 = arith.mulf %mul3A_925, %while3A_716 : vector<16xf32>
        %mul3A_927 = arith.mulf %sign3A_75, %mul3A_926 : vector<16xf32>
        %mul3A_928 = arith.constant 5.000000e-01 : f32
        %mul3A_929 = vector.broadcast %mul3A_928 : f32 to vector<16xf32>
        %mul3A_930 = arith.mulf %mul3A_929, %mul3A_927 : vector<16xf32>
        %mul3A_931 = arith.constant 2.000000e+00 : f32
        %mul3A_932 = vector.broadcast %mul3A_931 : f32 to vector<16xf32>
        %mul3A_933 = arith.mulf %mul3A_932, %mul3A_930 : vector<16xf32>
        %exp3A_934 = math.exp %mul3A_933 : vector<16xf32>
        %add3A_935 = arith.constant 1.000000e+00 : f32
        %add3A_936 = vector.broadcast %add3A_935 : f32 to vector<16xf32>
        %add3A_937 = arith.addf %exp3A_934, %add3A_936 : vector<16xf32>
        %div3A_938 = arith.constant 2.000000e+00 : f32
        %div3A_939 = vector.broadcast %div3A_938 : f32 to vector<16xf32>
        %div3A_940 = arith.divf %div3A_939, %add3A_937 : vector<16xf32>
        %sub3A_941 = arith.constant 1.000000e+00 : f32
        %sub3A_942 = vector.broadcast %sub3A_941 : f32 to vector<16xf32>
        %sub3A_943 = arith.subf %sub3A_942, %div3A_940 : vector<16xf32>
        %mul3A_944 = arith.mulf %sub3A_943, %while3A_712 : vector<16xf32>
        %mul3A_945 = arith.mulf %mul3A_944, %while3A_716 : vector<16xf32>
        %mul3A_946 = arith.mulf %sign3A_75, %mul3A_945 : vector<16xf32>
        %mul3A_947 = arith.constant 5.000000e-01 : f32
        %mul3A_948 = vector.broadcast %mul3A_947 : f32 to vector<16xf32>
        %mul3A_949 = arith.mulf %mul3A_948, %mul3A_946 : vector<16xf32>
        %mul3A_950 = arith.constant 2.000000e+00 : f32
        %mul3A_951 = vector.broadcast %mul3A_950 : f32 to vector<16xf32>
        %mul3A_952 = arith.mulf %mul3A_951, %mul3A_949 : vector<16xf32>
        %exp3A_953 = math.exp %mul3A_952 : vector<16xf32>
        %add3A_954 = arith.constant 1.000000e+00 : f32
        %add3A_955 = vector.broadcast %add3A_954 : f32 to vector<16xf32>
        %add3A_956 = arith.addf %exp3A_953, %add3A_955 : vector<16xf32>
        %div3A_957 = arith.constant 2.000000e+00 : f32
        %div3A_958 = vector.broadcast %div3A_957 : f32 to vector<16xf32>
        %div3A_959 = arith.divf %div3A_958, %add3A_956 : vector<16xf32>
        %sub3A_960 = arith.constant 1.000000e+00 : f32
        %sub3A_961 = vector.broadcast %sub3A_960 : f32 to vector<16xf32>
        %sub3A_962 = arith.subf %sub3A_961, %div3A_959 : vector<16xf32>
        %mul3A_963 = arith.mulf %sub3A_943, %sub3A_962 : vector<16xf32>
        %mul3A_964 = arith.mulf %mul3A_963, %while3A_716 : vector<16xf32>
        %mul3A_965 = arith.mulf %sign3A_75, %mul3A_964 : vector<16xf32>
        %mul3A_966 = arith.constant 5.000000e-01 : f32
        %mul3A_967 = vector.broadcast %mul3A_966 : f32 to vector<16xf32>
        %mul3A_968 = arith.mulf %mul3A_967, %mul3A_965 : vector<16xf32>
        %mul3A_969 = arith.constant 2.000000e+00 : f32
        %mul3A_970 = vector.broadcast %mul3A_969 : f32 to vector<16xf32>
        %mul3A_971 = arith.mulf %mul3A_970, %mul3A_968 : vector<16xf32>
        %exp3A_972 = math.exp %mul3A_971 : vector<16xf32>
        %add3A_973 = arith.constant 1.000000e+00 : f32
        %add3A_974 = vector.broadcast %add3A_973 : f32 to vector<16xf32>
        %add3A_975 = arith.addf %exp3A_972, %add3A_974 : vector<16xf32>
        %div3A_976 = arith.constant 2.000000e+00 : f32
        %div3A_977 = vector.broadcast %div3A_976 : f32 to vector<16xf32>
        %div3A_978 = arith.divf %div3A_977, %add3A_975 : vector<16xf32>
        %sub3A_979 = arith.constant 1.000000e+00 : f32
        %sub3A_980 = vector.broadcast %sub3A_979 : f32 to vector<16xf32>
        %sub3A_981 = arith.subf %sub3A_980, %div3A_978 : vector<16xf32>
        %mul3A_982 = arith.mulf %sub3A_943, %sub3A_962 : vector<16xf32>
        %mul3A_983 = arith.mulf %mul3A_982, %sub3A_981 : vector<16xf32>
        %mul3A_984 = arith.mulf %sign3A_75, %mul3A_983 : vector<16xf32>
        %xor3A_985 = arith.constant 1 : i32
        %xor3A_986 = vector.broadcast %xor3A_985 : i32 to vector<16xi32>
        %xor3A_987 = arith.xori %iota3A, %xor3A_986 : vector<16xi32>
        %broadcast_in_dim3A_988 = vector.shape_cast %xor3A_987 : vector<16xi32> to vector<16x1xi32>
        %gather3A_989 = vector.shape_cast %broadcast_in_dim3A_988 : vector<16x1xi32> to vector<16xi32>
        %gather3A_990 = tpu.dynamic_gather %while3A_717[%gather3A_989] in [0] : vector<16xf32>, vector<16xi32> -> vector<16xf32>
        %add3A_991 = arith.addf %while3A_717, %gather3A_990 : vector<16xf32>
        %xor3A_992 = arith.constant 2 : i32
        %xor3A_993 = vector.broadcast %xor3A_992 : i32 to vector<16xi32>
        %xor3A_994 = arith.xori %iota3A, %xor3A_993 : vector<16xi32>
        %broadcast_in_dim3A_995 = vector.shape_cast %xor3A_994 : vector<16xi32> to vector<16x1xi32>
        %gather3A_996 = vector.shape_cast %broadcast_in_dim3A_995 : vector<16x1xi32> to vector<16xi32>
        %gather3A_997 = tpu.dynamic_gather %add3A_991[%gather3A_996] in [0] : vector<16xf32>, vector<16xi32> -> vector<16xf32>
        %add3A_998 = arith.addf %add3A_991, %gather3A_997 : vector<16xf32>
        %xor3A_999 = arith.constant 4 : i32
        %xor3A_1000 = vector.broadcast %xor3A_999 : i32 to vector<16xi32>
        %xor3A_1001 = arith.xori %iota3A, %xor3A_1000 : vector<16xi32>
        %broadcast_in_dim3A_1002 = vector.shape_cast %xor3A_1001 : vector<16xi32> to vector<16x1xi32>
        %gather3A_1003 = vector.shape_cast %broadcast_in_dim3A_1002 : vector<16x1xi32> to vector<16xi32>
        %gather3A_1004 = tpu.dynamic_gather %add3A_998[%gather3A_1003] in [0] : vector<16xf32>, vector<16xi32> -> vector<16xf32>
        %add3A_1005 = arith.addf %add3A_998, %gather3A_1004 : vector<16xf32>
        %xor3A_1006 = arith.constant 8 : i32
        %xor3A_1007 = vector.broadcast %xor3A_1006 : i32 to vector<16xi32>
        %xor3A_1008 = arith.xori %iota3A, %xor3A_1007 : vector<16xi32>
        %broadcast_in_dim3A_1009 = vector.shape_cast %xor3A_1008 : vector<16xi32> to vector<16x1xi32>
        %gather3A_1010 = vector.shape_cast %broadcast_in_dim3A_1009 : vector<16x1xi32> to vector<16xi32>
        %gather3A_1011 = tpu.dynamic_gather %add3A_1005[%gather3A_1010] in [0] : vector<16xf32>, vector<16xi32> -> vector<16xf32>
        %add3A_1012 = arith.addf %add3A_1005, %gather3A_1011 : vector<16xf32>
        %xor3A_1013 = arith.constant 1 : i32
        %xor3A_1014 = vector.broadcast %xor3A_1013 : i32 to vector<16xi32>
        %xor3A_1015 = arith.xori %iota3A, %xor3A_1014 : vector<16xi32>
        %broadcast_in_dim3A_1016 = vector.shape_cast %xor3A_1015 : vector<16xi32> to vector<16x1xi32>
        %gather3A_1017 = vector.shape_cast %broadcast_in_dim3A_1016 : vector<16x1xi32> to vector<16xi32>
        %gather3A_1018 = tpu.dynamic_gather %while3A_724[%gather3A_1017] in [0] : vector<16xf32>, vector<16xi32> -> vector<16xf32>
        %add3A_1019 = arith.addf %while3A_724, %gather3A_1018 : vector<16xf32>
        %xor3A_1020 = arith.constant 2 : i32
        %xor3A_1021 = vector.broadcast %xor3A_1020 : i32 to vector<16xi32>
        %xor3A_1022 = arith.xori %iota3A, %xor3A_1021 : vector<16xi32>
        %broadcast_in_dim3A_1023 = vector.shape_cast %xor3A_1022 : vector<16xi32> to vector<16x1xi32>
        %gather3A_1024 = vector.shape_cast %broadcast_in_dim3A_1023 : vector<16x1xi32> to vector<16xi32>
        %gather3A_1025 = tpu.dynamic_gather %add3A_1019[%gather3A_1024] in [0] : vector<16xf32>, vector<16xi32> -> vector<16xf32>
        %add3A_1026 = arith.addf %add3A_1019, %gather3A_1025 : vector<16xf32>
        %xor3A_1027 = arith.constant 4 : i32
        %xor3A_1028 = vector.broadcast %xor3A_1027 : i32 to vector<16xi32>
        %xor3A_1029 = arith.xori %iota3A, %xor3A_1028 : vector<16xi32>
        %broadcast_in_dim3A_1030 = vector.shape_cast %xor3A_1029 : vector<16xi32> to vector<16x1xi32>
        %gather3A_1031 = vector.shape_cast %broadcast_in_dim3A_1030 : vector<16x1xi32> to vector<16xi32>
        %gather3A_1032 = tpu.dynamic_gather %add3A_1026[%gather3A_1031] in [0] : vector<16xf32>, vector<16xi32> -> vector<16xf32>
        %add3A_1033 = arith.addf %add3A_1026, %gather3A_1032 : vector<16xf32>
        %xor3A_1034 = arith.constant 8 : i32
        %xor3A_1035 = vector.broadcast %xor3A_1034 : i32 to vector<16xi32>
        %xor3A_1036 = arith.xori %iota3A, %xor3A_1035 : vector<16xi32>
        %broadcast_in_dim3A_1037 = vector.shape_cast %xor3A_1036 : vector<16xi32> to vector<16x1xi32>
        %gather3A_1038 = vector.shape_cast %broadcast_in_dim3A_1037 : vector<16x1xi32> to vector<16xi32>
        %gather3A_1039 = tpu.dynamic_gather %add3A_1033[%gather3A_1038] in [0] : vector<16xf32>, vector<16xi32> -> vector<16xf32>
        %add3A_1040 = arith.addf %add3A_1033, %gather3A_1039 : vector<16xf32>
        %xor3A_1041 = arith.constant 1 : i32
        %xor3A_1042 = vector.broadcast %xor3A_1041 : i32 to vector<16xi32>
        %xor3A_1043 = arith.xori %iota3A, %xor3A_1042 : vector<16xi32>
        %broadcast_in_dim3A_1044 = vector.shape_cast %xor3A_1043 : vector<16xi32> to vector<16x1xi32>
        %gather3A_1045 = vector.shape_cast %broadcast_in_dim3A_1044 : vector<16x1xi32> to vector<16xi32>
        %gather3A_1046 = tpu.dynamic_gather %while3A_731[%gather3A_1045] in [0] : vector<16xf32>, vector<16xi32> -> vector<16xf32>
        %add3A_1047 = arith.addf %while3A_731, %gather3A_1046 : vector<16xf32>
        %xor3A_1048 = arith.constant 2 : i32
        %xor3A_1049 = vector.broadcast %xor3A_1048 : i32 to vector<16xi32>
        %xor3A_1050 = arith.xori %iota3A, %xor3A_1049 : vector<16xi32>
        %broadcast_in_dim3A_1051 = vector.shape_cast %xor3A_1050 : vector<16xi32> to vector<16x1xi32>
        %gather3A_1052 = vector.shape_cast %broadcast_in_dim3A_1051 : vector<16x1xi32> to vector<16xi32>
        %gather3A_1053 = tpu.dynamic_gather %add3A_1047[%gather3A_1052] in [0] : vector<16xf32>, vector<16xi32> -> vector<16xf32>
        %add3A_1054 = arith.addf %add3A_1047, %gather3A_1053 : vector<16xf32>
        %xor3A_1055 = arith.constant 4 : i32
        %xor3A_1056 = vector.broadcast %xor3A_1055 : i32 to vector<16xi32>
        %xor3A_1057 = arith.xori %iota3A, %xor3A_1056 : vector<16xi32>
        %broadcast_in_dim3A_1058 = vector.shape_cast %xor3A_1057 : vector<16xi32> to vector<16x1xi32>
        %gather3A_1059 = vector.shape_cast %broadcast_in_dim3A_1058 : vector<16x1xi32> to vector<16xi32>
        %gather3A_1060 = tpu.dynamic_gather %add3A_1054[%gather3A_1059] in [0] : vector<16xf32>, vector<16xi32> -> vector<16xf32>
        %add3A_1061 = arith.addf %add3A_1054, %gather3A_1060 : vector<16xf32>
        %xor3A_1062 = arith.constant 8 : i32
        %xor3A_1063 = vector.broadcast %xor3A_1062 : i32 to vector<16xi32>
        %xor3A_1064 = arith.xori %iota3A, %xor3A_1063 : vector<16xi32>
        %broadcast_in_dim3A_1065 = vector.shape_cast %xor3A_1064 : vector<16xi32> to vector<16x1xi32>
        %gather3A_1066 = vector.shape_cast %broadcast_in_dim3A_1065 : vector<16x1xi32> to vector<16xi32>
        %gather3A_1067 = tpu.dynamic_gather %add3A_1061[%gather3A_1066] in [0] : vector<16xf32>, vector<16xi32> -> vector<16xf32>
        %add3A_1068 = arith.addf %add3A_1061, %gather3A_1067 : vector<16xf32>
        %xor3A_1069 = arith.constant 1 : i32
        %xor3A_1070 = vector.broadcast %xor3A_1069 : i32 to vector<16xi32>
        %xor3A_1071 = arith.xori %iota3A, %xor3A_1070 : vector<16xi32>
        %broadcast_in_dim3A_1072 = vector.shape_cast %xor3A_1071 : vector<16xi32> to vector<16x1xi32>
        %gather3A_1073 = vector.shape_cast %broadcast_in_dim3A_1072 : vector<16x1xi32> to vector<16xi32>
        %gather3A_1074 = tpu.dynamic_gather %while3A_738[%gather3A_1073] in [0] : vector<16xf32>, vector<16xi32> -> vector<16xf32>
        %add3A_1075 = arith.addf %while3A_738, %gather3A_1074 : vector<16xf32>
        %xor3A_1076 = arith.constant 2 : i32
        %xor3A_1077 = vector.broadcast %xor3A_1076 : i32 to vector<16xi32>
        %xor3A_1078 = arith.xori %iota3A, %xor3A_1077 : vector<16xi32>
        %broadcast_in_dim3A_1079 = vector.shape_cast %xor3A_1078 : vector<16xi32> to vector<16x1xi32>
        %gather3A_1080 = vector.shape_cast %broadcast_in_dim3A_1079 : vector<16x1xi32> to vector<16xi32>
        %gather3A_1081 = tpu.dynamic_gather %add3A_1075[%gather3A_1080] in [0] : vector<16xf32>, vector<16xi32> -> vector<16xf32>
        %add3A_1082 = arith.addf %add3A_1075, %gather3A_1081 : vector<16xf32>
        %xor3A_1083 = arith.constant 4 : i32
        %xor3A_1084 = vector.broadcast %xor3A_1083 : i32 to vector<16xi32>
        %xor3A_1085 = arith.xori %iota3A, %xor3A_1084 : vector<16xi32>
        %broadcast_in_dim3A_1086 = vector.shape_cast %xor3A_1085 : vector<16xi32> to vector<16x1xi32>
        %gather3A_1087 = vector.shape_cast %broadcast_in_dim3A_1086 : vector<16x1xi32> to vector<16xi32>
        %gather3A_1088 = tpu.dynamic_gather %add3A_1082[%gather3A_1087] in [0] : vector<16xf32>, vector<16xi32> -> vector<16xf32>
        %add3A_1089 = arith.addf %add3A_1082, %gather3A_1088 : vector<16xf32>
        %xor3A_1090 = arith.constant 8 : i32
        %xor3A_1091 = vector.broadcast %xor3A_1090 : i32 to vector<16xi32>
        %xor3A_1092 = arith.xori %iota3A, %xor3A_1091 : vector<16xi32>
        %broadcast_in_dim3A_1093 = vector.shape_cast %xor3A_1092 : vector<16xi32> to vector<16x1xi32>
        %gather3A_1094 = vector.shape_cast %broadcast_in_dim3A_1093 : vector<16x1xi32> to vector<16xi32>
        %gather3A_1095 = tpu.dynamic_gather %add3A_1089[%gather3A_1094] in [0] : vector<16xf32>, vector<16xi32> -> vector<16xf32>
        %add3A_1096 = arith.addf %add3A_1089, %gather3A_1095 : vector<16xf32>
        %add3A_1097 = arith.addf %broadcast_in_dim3A_5, %add3A_1012 : vector<16xf32>
        %add3A_1098 = arith.addf %add3A_1097, %add3A_1096 : vector<16xf32>
        %sub3A_1099 = arith.subf %add3A_1098, %mul3A_747 : vector<16xf32>
        %mul3A_1100 = arith.constant 5.000000e-01 : f32
        %mul3A_1101 = vector.broadcast %mul3A_1100 : f32 to vector<16xf32>
        %mul3A_1102 = arith.mulf %mul3A_1101, %sub3A_1099 : vector<16xf32>
        %abs3A = math.absf %mul3A_1102 : vector<16xf32>
        %neg3A = arith.constant 0.000000e+00 : f32
        %neg3A_1103 = vector.broadcast %neg3A : f32 to vector<16xf32>
        %neg3A_1104 = arith.subf %neg3A_1103, %abs3A : vector<16xf32>
        %exp3A_1105 = math.exp %neg3A_1104 : vector<16xf32>
        %mul3A_1106 = arith.mulf %exp3A_1105, %exp3A_1105 : vector<16xf32>
        %mul3A_1107 = arith.mulf %mul3A_1106, %mul3A_1106 : vector<16xf32>
        %mul3A_1108 = arith.mulf %mul3A_1107, %mul3A_1107 : vector<16xf32>
        %mul3A_1109 = arith.constant -0.333322316 : f32
        %mul3A_1110 = vector.broadcast %mul3A_1109 : f32 to vector<16xf32>
        %mul3A_1111 = arith.mulf %mul3A_1110, %mul3A_1106 : vector<16xf32>
        %add3A_1112 = arith.constant 0.99999994 : f32
        %add3A_1113 = vector.broadcast %add3A_1112 : f32 to vector<16xf32>
        %add3A_1114 = arith.addf %add3A_1113, %mul3A_1111 : vector<16xf32>
        %mul3A_1115 = arith.constant -0.140478209 : f32
        %mul3A_1116 = vector.broadcast %mul3A_1115 : f32 to vector<16xf32>
        %mul3A_1117 = arith.mulf %mul3A_1116, %mul3A_1106 : vector<16xf32>
        %add3A_1118 = arith.constant 0.199740291 : f32
        %add3A_1119 = vector.broadcast %add3A_1118 : f32 to vector<16xf32>
        %add3A_1120 = arith.addf %add3A_1119, %mul3A_1117 : vector<16xf32>
        %mul3A_1121 = arith.mulf %mul3A_1107, %add3A_1120 : vector<16xf32>
        %add3A_1122 = arith.addf %add3A_1114, %mul3A_1121 : vector<16xf32>
        %mul3A_1123 = arith.constant -0.0608744808 : f32
        %mul3A_1124 = vector.broadcast %mul3A_1123 : f32 to vector<16xf32>
        %mul3A_1125 = arith.mulf %mul3A_1124, %mul3A_1106 : vector<16xf32>
        %add3A_1126 = arith.constant 0.100022055 : f32
        %add3A_1127 = vector.broadcast %add3A_1126 : f32 to vector<16xf32>
        %add3A_1128 = arith.addf %add3A_1127, %mul3A_1125 : vector<16xf32>
        %mul3A_1129 = arith.constant -0.00502106408 : f32
        %mul3A_1130 = vector.broadcast %mul3A_1129 : f32 to vector<16xf32>
        %mul3A_1131 = arith.mulf %mul3A_1130, %mul3A_1106 : vector<16xf32>
        %add3A_1132 = arith.constant 2.533170e-02 : f32
        %add3A_1133 = vector.broadcast %add3A_1132 : f32 to vector<16xf32>
        %add3A_1134 = arith.addf %add3A_1133, %mul3A_1131 : vector<16xf32>
        %mul3A_1135 = arith.mulf %mul3A_1107, %add3A_1134 : vector<16xf32>
        %add3A_1136 = arith.addf %add3A_1128, %mul3A_1135 : vector<16xf32>
        %mul3A_1137 = arith.mulf %mul3A_1108, %add3A_1136 : vector<16xf32>
        %add3A_1138 = arith.addf %add3A_1122, %mul3A_1137 : vector<16xf32>
        %mul3A_1139 = arith.mulf %exp3A_1105, %add3A_1138 : vector<16xf32>
        %le3A = arith.constant 0.000000e+00 : f32
        %le3A_1140 = vector.broadcast %le3A : f32 to vector<16xf32>
        %le3A_1141 = arith.cmpf ole, %mul3A_1102, %le3A_1140 : vector<16xf32>
        %mul3A_1142 = arith.constant 2.000000e+00 : f32
        %mul3A_1143 = vector.broadcast %mul3A_1142 : f32 to vector<16xf32>
        %mul3A_1144 = arith.mulf %mul3A_1143, %mul3A_1139 : vector<16xf32>
        %mul3A_1145 = arith.constant 2.000000e+00 : f32
        %mul3A_1146 = vector.broadcast %mul3A_1145 : f32 to vector<16xf32>
        %mul3A_1147 = arith.mulf %mul3A_1146, %mul3A_1139 : vector<16xf32>
        %sub3A_1148 = arith.constant 3.14159274 : f32
        %sub3A_1149 = vector.broadcast %sub3A_1148 : f32 to vector<16xf32>
        %sub3A_1150 = arith.subf %sub3A_1149, %mul3A_1147 : vector<16xf32>
        %select_n3A_1151 = arith.select %le3A_1141, %mul3A_1144, %sub3A_1150 : vector<16xi1>, vector<16xf32>
        %jit3A_1152 = arith.constant 0.000000e+00 : f32
        %broadcast_in_dim3A_1153 = vector.broadcast %jit3A_1152 : f32 to vector<16xf32>
        %select_n3A_1154 = arith.select %lt3A_4, %select_n3A_1151, %broadcast_in_dim3A_1153 : vector<16xi1>, vector<16xf32>
        %xor3A_1155 = arith.constant 1 : i32
        %xor3A_1156 = vector.broadcast %xor3A_1155 : i32 to vector<16xi32>
        %xor3A_1157 = arith.xori %iota3A, %xor3A_1156 : vector<16xi32>
        %broadcast_in_dim3A_1158 = vector.shape_cast %xor3A_1157 : vector<16xi32> to vector<16x1xi32>
        %gather3A_1159 = vector.shape_cast %broadcast_in_dim3A_1158 : vector<16x1xi32> to vector<16xi32>
        %gather3A_1160 = tpu.dynamic_gather %select_n3A_1154[%gather3A_1159] in [0] : vector<16xf32>, vector<16xi32> -> vector<16xf32>
        %add3A_1161 = arith.addf %select_n3A_1154, %gather3A_1160 : vector<16xf32>
        %xor3A_1162 = arith.constant 2 : i32
        %xor3A_1163 = vector.broadcast %xor3A_1162 : i32 to vector<16xi32>
        %xor3A_1164 = arith.xori %iota3A, %xor3A_1163 : vector<16xi32>
        %broadcast_in_dim3A_1165 = vector.shape_cast %xor3A_1164 : vector<16xi32> to vector<16x1xi32>
        %gather3A_1166 = vector.shape_cast %broadcast_in_dim3A_1165 : vector<16x1xi32> to vector<16xi32>
        %gather3A_1167 = tpu.dynamic_gather %add3A_1161[%gather3A_1166] in [0] : vector<16xf32>, vector<16xi32> -> vector<16xf32>
        %add3A_1168 = arith.addf %add3A_1161, %gather3A_1167 : vector<16xf32>
        %xor3A_1169 = arith.constant 4 : i32
        %xor3A_1170 = vector.broadcast %xor3A_1169 : i32 to vector<16xi32>
        %xor3A_1171 = arith.xori %iota3A, %xor3A_1170 : vector<16xi32>
        %broadcast_in_dim3A_1172 = vector.shape_cast %xor3A_1171 : vector<16xi32> to vector<16x1xi32>
        %gather3A_1173 = vector.shape_cast %broadcast_in_dim3A_1172 : vector<16x1xi32> to vector<16xi32>
        %gather3A_1174 = tpu.dynamic_gather %add3A_1168[%gather3A_1173] in [0] : vector<16xf32>, vector<16xi32> -> vector<16xf32>
        %add3A_1175 = arith.addf %add3A_1168, %gather3A_1174 : vector<16xf32>
        %xor3A_1176 = arith.constant 8 : i32
        %xor3A_1177 = vector.broadcast %xor3A_1176 : i32 to vector<16xi32>
        %xor3A_1178 = arith.xori %iota3A, %xor3A_1177 : vector<16xi32>
        %broadcast_in_dim3A_1179 = vector.shape_cast %xor3A_1178 : vector<16xi32> to vector<16x1xi32>
        %gather3A_1180 = vector.shape_cast %broadcast_in_dim3A_1179 : vector<16x1xi32> to vector<16xi32>
        %gather3A_1181 = tpu.dynamic_gather %add3A_1175[%gather3A_1180] in [0] : vector<16xf32>, vector<16xi32> -> vector<16xf32>
        %add3A_1182 = arith.addf %add3A_1175, %gather3A_1181 : vector<16xf32>
        %add3A_1183 = arith.addf %broadcast_in_dim3A_5, %add3A_1182 : vector<16xf32>
        %add3A_1184 = arith.addf %add3A_1183, %add3A_1068 : vector<16xf32>
        %sub3A_1185 = arith.subf %add3A_1184, %mul3A_766 : vector<16xf32>
        %mul3A_1186 = arith.constant 5.000000e-01 : f32
        %mul3A_1187 = vector.broadcast %mul3A_1186 : f32 to vector<16xf32>
        %mul3A_1188 = arith.mulf %mul3A_1187, %sub3A_1185 : vector<16xf32>
        %abs3A_1189 = math.absf %mul3A_1188 : vector<16xf32>
        %neg3A_1190 = arith.constant 0.000000e+00 : f32
        %neg3A_1191 = vector.broadcast %neg3A_1190 : f32 to vector<16xf32>
        %neg3A_1192 = arith.subf %neg3A_1191, %abs3A_1189 : vector<16xf32>
        %exp3A_1193 = math.exp %neg3A_1192 : vector<16xf32>
        %mul3A_1194 = arith.mulf %exp3A_1193, %exp3A_1193 : vector<16xf32>
        %mul3A_1195 = arith.mulf %mul3A_1194, %mul3A_1194 : vector<16xf32>
        %mul3A_1196 = arith.mulf %mul3A_1195, %mul3A_1195 : vector<16xf32>
        %mul3A_1197 = arith.constant -0.333322316 : f32
        %mul3A_1198 = vector.broadcast %mul3A_1197 : f32 to vector<16xf32>
        %mul3A_1199 = arith.mulf %mul3A_1198, %mul3A_1194 : vector<16xf32>
        %add3A_1200 = arith.constant 0.99999994 : f32
        %add3A_1201 = vector.broadcast %add3A_1200 : f32 to vector<16xf32>
        %add3A_1202 = arith.addf %add3A_1201, %mul3A_1199 : vector<16xf32>
        %mul3A_1203 = arith.constant -0.140478209 : f32
        %mul3A_1204 = vector.broadcast %mul3A_1203 : f32 to vector<16xf32>
        %mul3A_1205 = arith.mulf %mul3A_1204, %mul3A_1194 : vector<16xf32>
        %add3A_1206 = arith.constant 0.199740291 : f32
        %add3A_1207 = vector.broadcast %add3A_1206 : f32 to vector<16xf32>
        %add3A_1208 = arith.addf %add3A_1207, %mul3A_1205 : vector<16xf32>
        %mul3A_1209 = arith.mulf %mul3A_1195, %add3A_1208 : vector<16xf32>
        %add3A_1210 = arith.addf %add3A_1202, %mul3A_1209 : vector<16xf32>
        %mul3A_1211 = arith.constant -0.0608744808 : f32
        %mul3A_1212 = vector.broadcast %mul3A_1211 : f32 to vector<16xf32>
        %mul3A_1213 = arith.mulf %mul3A_1212, %mul3A_1194 : vector<16xf32>
        %add3A_1214 = arith.constant 0.100022055 : f32
        %add3A_1215 = vector.broadcast %add3A_1214 : f32 to vector<16xf32>
        %add3A_1216 = arith.addf %add3A_1215, %mul3A_1213 : vector<16xf32>
        %mul3A_1217 = arith.constant -0.00502106408 : f32
        %mul3A_1218 = vector.broadcast %mul3A_1217 : f32 to vector<16xf32>
        %mul3A_1219 = arith.mulf %mul3A_1218, %mul3A_1194 : vector<16xf32>
        %add3A_1220 = arith.constant 2.533170e-02 : f32
        %add3A_1221 = vector.broadcast %add3A_1220 : f32 to vector<16xf32>
        %add3A_1222 = arith.addf %add3A_1221, %mul3A_1219 : vector<16xf32>
        %mul3A_1223 = arith.mulf %mul3A_1195, %add3A_1222 : vector<16xf32>
        %add3A_1224 = arith.addf %add3A_1216, %mul3A_1223 : vector<16xf32>
        %mul3A_1225 = arith.mulf %mul3A_1196, %add3A_1224 : vector<16xf32>
        %add3A_1226 = arith.addf %add3A_1210, %mul3A_1225 : vector<16xf32>
        %mul3A_1227 = arith.mulf %exp3A_1193, %add3A_1226 : vector<16xf32>
        %le3A_1228 = arith.constant 0.000000e+00 : f32
        %le3A_1229 = vector.broadcast %le3A_1228 : f32 to vector<16xf32>
        %le3A_1230 = arith.cmpf ole, %mul3A_1188, %le3A_1229 : vector<16xf32>
        %mul3A_1231 = arith.constant 2.000000e+00 : f32
        %mul3A_1232 = vector.broadcast %mul3A_1231 : f32 to vector<16xf32>
        %mul3A_1233 = arith.mulf %mul3A_1232, %mul3A_1227 : vector<16xf32>
        %mul3A_1234 = arith.constant 2.000000e+00 : f32
        %mul3A_1235 = vector.broadcast %mul3A_1234 : f32 to vector<16xf32>
        %mul3A_1236 = arith.mulf %mul3A_1235, %mul3A_1227 : vector<16xf32>
        %sub3A_1237 = arith.constant 3.14159274 : f32
        %sub3A_1238 = vector.broadcast %sub3A_1237 : f32 to vector<16xf32>
        %sub3A_1239 = arith.subf %sub3A_1238, %mul3A_1236 : vector<16xf32>
        %select_n3A_1240 = arith.select %le3A_1230, %mul3A_1233, %sub3A_1239 : vector<16xi1>, vector<16xf32>
        %jit3A_1241 = arith.constant 0.000000e+00 : f32
        %broadcast_in_dim3A_1242 = vector.broadcast %jit3A_1241 : f32 to vector<16xf32>
        %select_n3A_1243 = arith.select %lt3A_4, %select_n3A_1240, %broadcast_in_dim3A_1242 : vector<16xi1>, vector<16xf32>
        %add3A_1244 = arith.addf %broadcast_in_dim3A_5, %add3A_1182 : vector<16xf32>
        %add3A_1245 = arith.addf %add3A_1244, %add3A_1040 : vector<16xf32>
        %sub3A_1246 = arith.subf %add3A_1245, %mul3A_785 : vector<16xf32>
        %mul3A_1247 = arith.constant 5.000000e-01 : f32
        %mul3A_1248 = vector.broadcast %mul3A_1247 : f32 to vector<16xf32>
        %mul3A_1249 = arith.mulf %mul3A_1248, %sub3A_1246 : vector<16xf32>
        %abs3A_1250 = math.absf %mul3A_1249 : vector<16xf32>
        %neg3A_1251 = arith.constant 0.000000e+00 : f32
        %neg3A_1252 = vector.broadcast %neg3A_1251 : f32 to vector<16xf32>
        %neg3A_1253 = arith.subf %neg3A_1252, %abs3A_1250 : vector<16xf32>
        %exp3A_1254 = math.exp %neg3A_1253 : vector<16xf32>
        %mul3A_1255 = arith.mulf %exp3A_1254, %exp3A_1254 : vector<16xf32>
        %mul3A_1256 = arith.mulf %mul3A_1255, %mul3A_1255 : vector<16xf32>
        %mul3A_1257 = arith.mulf %mul3A_1256, %mul3A_1256 : vector<16xf32>
        %mul3A_1258 = arith.constant -0.333322316 : f32
        %mul3A_1259 = vector.broadcast %mul3A_1258 : f32 to vector<16xf32>
        %mul3A_1260 = arith.mulf %mul3A_1259, %mul3A_1255 : vector<16xf32>
        %add3A_1261 = arith.constant 0.99999994 : f32
        %add3A_1262 = vector.broadcast %add3A_1261 : f32 to vector<16xf32>
        %add3A_1263 = arith.addf %add3A_1262, %mul3A_1260 : vector<16xf32>
        %mul3A_1264 = arith.constant -0.140478209 : f32
        %mul3A_1265 = vector.broadcast %mul3A_1264 : f32 to vector<16xf32>
        %mul3A_1266 = arith.mulf %mul3A_1265, %mul3A_1255 : vector<16xf32>
        %add3A_1267 = arith.constant 0.199740291 : f32
        %add3A_1268 = vector.broadcast %add3A_1267 : f32 to vector<16xf32>
        %add3A_1269 = arith.addf %add3A_1268, %mul3A_1266 : vector<16xf32>
        %mul3A_1270 = arith.mulf %mul3A_1256, %add3A_1269 : vector<16xf32>
        %add3A_1271 = arith.addf %add3A_1263, %mul3A_1270 : vector<16xf32>
        %mul3A_1272 = arith.constant -0.0608744808 : f32
        %mul3A_1273 = vector.broadcast %mul3A_1272 : f32 to vector<16xf32>
        %mul3A_1274 = arith.mulf %mul3A_1273, %mul3A_1255 : vector<16xf32>
        %add3A_1275 = arith.constant 0.100022055 : f32
        %add3A_1276 = vector.broadcast %add3A_1275 : f32 to vector<16xf32>
        %add3A_1277 = arith.addf %add3A_1276, %mul3A_1274 : vector<16xf32>
        %mul3A_1278 = arith.constant -0.00502106408 : f32
        %mul3A_1279 = vector.broadcast %mul3A_1278 : f32 to vector<16xf32>
        %mul3A_1280 = arith.mulf %mul3A_1279, %mul3A_1255 : vector<16xf32>
        %add3A_1281 = arith.constant 2.533170e-02 : f32
        %add3A_1282 = vector.broadcast %add3A_1281 : f32 to vector<16xf32>
        %add3A_1283 = arith.addf %add3A_1282, %mul3A_1280 : vector<16xf32>
        %mul3A_1284 = arith.mulf %mul3A_1256, %add3A_1283 : vector<16xf32>
        %add3A_1285 = arith.addf %add3A_1277, %mul3A_1284 : vector<16xf32>
        %mul3A_1286 = arith.mulf %mul3A_1257, %add3A_1285 : vector<16xf32>
        %add3A_1287 = arith.addf %add3A_1271, %mul3A_1286 : vector<16xf32>
        %mul3A_1288 = arith.mulf %exp3A_1254, %add3A_1287 : vector<16xf32>
        %le3A_1289 = arith.constant 0.000000e+00 : f32
        %le3A_1290 = vector.broadcast %le3A_1289 : f32 to vector<16xf32>
        %le3A_1291 = arith.cmpf ole, %mul3A_1249, %le3A_1290 : vector<16xf32>
        %mul3A_1292 = arith.constant 2.000000e+00 : f32
        %mul3A_1293 = vector.broadcast %mul3A_1292 : f32 to vector<16xf32>
        %mul3A_1294 = arith.mulf %mul3A_1293, %mul3A_1288 : vector<16xf32>
        %mul3A_1295 = arith.constant 2.000000e+00 : f32
        %mul3A_1296 = vector.broadcast %mul3A_1295 : f32 to vector<16xf32>
        %mul3A_1297 = arith.mulf %mul3A_1296, %mul3A_1288 : vector<16xf32>
        %sub3A_1298 = arith.constant 3.14159274 : f32
        %sub3A_1299 = vector.broadcast %sub3A_1298 : f32 to vector<16xf32>
        %sub3A_1300 = arith.subf %sub3A_1299, %mul3A_1297 : vector<16xf32>
        %select_n3A_1301 = arith.select %le3A_1291, %mul3A_1294, %sub3A_1300 : vector<16xi1>, vector<16xf32>
        %jit3A_1302 = arith.constant 0.000000e+00 : f32
        %broadcast_in_dim3A_1303 = vector.broadcast %jit3A_1302 : f32 to vector<16xf32>
        %select_n3A_1304 = arith.select %lt3A_4, %select_n3A_1301, %broadcast_in_dim3A_1303 : vector<16xi1>, vector<16xf32>
        %add3A_1305 = arith.addf %broadcast_in_dim3A_5, %add3A_1040 : vector<16xf32>
        %add3A_1306 = arith.addf %add3A_1305, %add3A_1096 : vector<16xf32>
        %sub3A_1307 = arith.subf %add3A_1306, %mul3A_804 : vector<16xf32>
        %mul3A_1308 = arith.constant 5.000000e-01 : f32
        %mul3A_1309 = vector.broadcast %mul3A_1308 : f32 to vector<16xf32>
        %mul3A_1310 = arith.mulf %mul3A_1309, %sub3A_1307 : vector<16xf32>
        %abs3A_1311 = math.absf %mul3A_1310 : vector<16xf32>
        %neg3A_1312 = arith.constant 0.000000e+00 : f32
        %neg3A_1313 = vector.broadcast %neg3A_1312 : f32 to vector<16xf32>
        %neg3A_1314 = arith.subf %neg3A_1313, %abs3A_1311 : vector<16xf32>
        %exp3A_1315 = math.exp %neg3A_1314 : vector<16xf32>
        %mul3A_1316 = arith.mulf %exp3A_1315, %exp3A_1315 : vector<16xf32>
        %mul3A_1317 = arith.mulf %mul3A_1316, %mul3A_1316 : vector<16xf32>
        %mul3A_1318 = arith.mulf %mul3A_1317, %mul3A_1317 : vector<16xf32>
        %mul3A_1319 = arith.constant -0.333322316 : f32
        %mul3A_1320 = vector.broadcast %mul3A_1319 : f32 to vector<16xf32>
        %mul3A_1321 = arith.mulf %mul3A_1320, %mul3A_1316 : vector<16xf32>
        %add3A_1322 = arith.constant 0.99999994 : f32
        %add3A_1323 = vector.broadcast %add3A_1322 : f32 to vector<16xf32>
        %add3A_1324 = arith.addf %add3A_1323, %mul3A_1321 : vector<16xf32>
        %mul3A_1325 = arith.constant -0.140478209 : f32
        %mul3A_1326 = vector.broadcast %mul3A_1325 : f32 to vector<16xf32>
        %mul3A_1327 = arith.mulf %mul3A_1326, %mul3A_1316 : vector<16xf32>
        %add3A_1328 = arith.constant 0.199740291 : f32
        %add3A_1329 = vector.broadcast %add3A_1328 : f32 to vector<16xf32>
        %add3A_1330 = arith.addf %add3A_1329, %mul3A_1327 : vector<16xf32>
        %mul3A_1331 = arith.mulf %mul3A_1317, %add3A_1330 : vector<16xf32>
        %add3A_1332 = arith.addf %add3A_1324, %mul3A_1331 : vector<16xf32>
        %mul3A_1333 = arith.constant -0.0608744808 : f32
        %mul3A_1334 = vector.broadcast %mul3A_1333 : f32 to vector<16xf32>
        %mul3A_1335 = arith.mulf %mul3A_1334, %mul3A_1316 : vector<16xf32>
        %add3A_1336 = arith.constant 0.100022055 : f32
        %add3A_1337 = vector.broadcast %add3A_1336 : f32 to vector<16xf32>
        %add3A_1338 = arith.addf %add3A_1337, %mul3A_1335 : vector<16xf32>
        %mul3A_1339 = arith.constant -0.00502106408 : f32
        %mul3A_1340 = vector.broadcast %mul3A_1339 : f32 to vector<16xf32>
        %mul3A_1341 = arith.mulf %mul3A_1340, %mul3A_1316 : vector<16xf32>
        %add3A_1342 = arith.constant 2.533170e-02 : f32
        %add3A_1343 = vector.broadcast %add3A_1342 : f32 to vector<16xf32>
        %add3A_1344 = arith.addf %add3A_1343, %mul3A_1341 : vector<16xf32>
        %mul3A_1345 = arith.mulf %mul3A_1317, %add3A_1344 : vector<16xf32>
        %add3A_1346 = arith.addf %add3A_1338, %mul3A_1345 : vector<16xf32>
        %mul3A_1347 = arith.mulf %mul3A_1318, %add3A_1346 : vector<16xf32>
        %add3A_1348 = arith.addf %add3A_1332, %mul3A_1347 : vector<16xf32>
        %mul3A_1349 = arith.mulf %exp3A_1315, %add3A_1348 : vector<16xf32>
        %le3A_1350 = arith.constant 0.000000e+00 : f32
        %le3A_1351 = vector.broadcast %le3A_1350 : f32 to vector<16xf32>
        %le3A_1352 = arith.cmpf ole, %mul3A_1310, %le3A_1351 : vector<16xf32>
        %mul3A_1353 = arith.constant 2.000000e+00 : f32
        %mul3A_1354 = vector.broadcast %mul3A_1353 : f32 to vector<16xf32>
        %mul3A_1355 = arith.mulf %mul3A_1354, %mul3A_1349 : vector<16xf32>
        %mul3A_1356 = arith.constant 2.000000e+00 : f32
        %mul3A_1357 = vector.broadcast %mul3A_1356 : f32 to vector<16xf32>
        %mul3A_1358 = arith.mulf %mul3A_1357, %mul3A_1349 : vector<16xf32>
        %sub3A_1359 = arith.constant 3.14159274 : f32
        %sub3A_1360 = vector.broadcast %sub3A_1359 : f32 to vector<16xf32>
        %sub3A_1361 = arith.subf %sub3A_1360, %mul3A_1358 : vector<16xf32>
        %select_n3A_1362 = arith.select %le3A_1352, %mul3A_1355, %sub3A_1361 : vector<16xi1>, vector<16xf32>
        %jit3A_1363 = arith.constant 0.000000e+00 : f32
        %broadcast_in_dim3A_1364 = vector.broadcast %jit3A_1363 : f32 to vector<16xf32>
        %select_n3A_1365 = arith.select %lt3A_4, %select_n3A_1362, %broadcast_in_dim3A_1364 : vector<16xi1>, vector<16xf32>
        %add3A_1366 = arith.addf %broadcast_in_dim3A_5, %add3A_1040 : vector<16xf32>
        %add3A_1367 = arith.addf %add3A_1366, %add3A_1068 : vector<16xf32>
        %sub3A_1368 = arith.subf %add3A_1367, %mul3A_804 : vector<16xf32>
        %mul3A_1369 = arith.constant 5.000000e-01 : f32
        %mul3A_1370 = vector.broadcast %mul3A_1369 : f32 to vector<16xf32>
        %mul3A_1371 = arith.mulf %mul3A_1370, %sub3A_1368 : vector<16xf32>
        %abs3A_1372 = math.absf %mul3A_1371 : vector<16xf32>
        %neg3A_1373 = arith.constant 0.000000e+00 : f32
        %neg3A_1374 = vector.broadcast %neg3A_1373 : f32 to vector<16xf32>
        %neg3A_1375 = arith.subf %neg3A_1374, %abs3A_1372 : vector<16xf32>
        %exp3A_1376 = math.exp %neg3A_1375 : vector<16xf32>
        %mul3A_1377 = arith.mulf %exp3A_1376, %exp3A_1376 : vector<16xf32>
        %mul3A_1378 = arith.mulf %mul3A_1377, %mul3A_1377 : vector<16xf32>
        %mul3A_1379 = arith.mulf %mul3A_1378, %mul3A_1378 : vector<16xf32>
        %mul3A_1380 = arith.constant -0.333322316 : f32
        %mul3A_1381 = vector.broadcast %mul3A_1380 : f32 to vector<16xf32>
        %mul3A_1382 = arith.mulf %mul3A_1381, %mul3A_1377 : vector<16xf32>
        %add3A_1383 = arith.constant 0.99999994 : f32
        %add3A_1384 = vector.broadcast %add3A_1383 : f32 to vector<16xf32>
        %add3A_1385 = arith.addf %add3A_1384, %mul3A_1382 : vector<16xf32>
        %mul3A_1386 = arith.constant -0.140478209 : f32
        %mul3A_1387 = vector.broadcast %mul3A_1386 : f32 to vector<16xf32>
        %mul3A_1388 = arith.mulf %mul3A_1387, %mul3A_1377 : vector<16xf32>
        %add3A_1389 = arith.constant 0.199740291 : f32
        %add3A_1390 = vector.broadcast %add3A_1389 : f32 to vector<16xf32>
        %add3A_1391 = arith.addf %add3A_1390, %mul3A_1388 : vector<16xf32>
        %mul3A_1392 = arith.mulf %mul3A_1378, %add3A_1391 : vector<16xf32>
        %add3A_1393 = arith.addf %add3A_1385, %mul3A_1392 : vector<16xf32>
        %mul3A_1394 = arith.constant -0.0608744808 : f32
        %mul3A_1395 = vector.broadcast %mul3A_1394 : f32 to vector<16xf32>
        %mul3A_1396 = arith.mulf %mul3A_1395, %mul3A_1377 : vector<16xf32>
        %add3A_1397 = arith.constant 0.100022055 : f32
        %add3A_1398 = vector.broadcast %add3A_1397 : f32 to vector<16xf32>
        %add3A_1399 = arith.addf %add3A_1398, %mul3A_1396 : vector<16xf32>
        %mul3A_1400 = arith.constant -0.00502106408 : f32
        %mul3A_1401 = vector.broadcast %mul3A_1400 : f32 to vector<16xf32>
        %mul3A_1402 = arith.mulf %mul3A_1401, %mul3A_1377 : vector<16xf32>
        %add3A_1403 = arith.constant 2.533170e-02 : f32
        %add3A_1404 = vector.broadcast %add3A_1403 : f32 to vector<16xf32>
        %add3A_1405 = arith.addf %add3A_1404, %mul3A_1402 : vector<16xf32>
        %mul3A_1406 = arith.mulf %mul3A_1378, %add3A_1405 : vector<16xf32>
        %add3A_1407 = arith.addf %add3A_1399, %mul3A_1406 : vector<16xf32>
        %mul3A_1408 = arith.mulf %mul3A_1379, %add3A_1407 : vector<16xf32>
        %add3A_1409 = arith.addf %add3A_1393, %mul3A_1408 : vector<16xf32>
        %mul3A_1410 = arith.mulf %exp3A_1376, %add3A_1409 : vector<16xf32>
        %le3A_1411 = arith.constant 0.000000e+00 : f32
        %le3A_1412 = vector.broadcast %le3A_1411 : f32 to vector<16xf32>
        %le3A_1413 = arith.cmpf ole, %mul3A_1371, %le3A_1412 : vector<16xf32>
        %mul3A_1414 = arith.constant 2.000000e+00 : f32
        %mul3A_1415 = vector.broadcast %mul3A_1414 : f32 to vector<16xf32>
        %mul3A_1416 = arith.mulf %mul3A_1415, %mul3A_1410 : vector<16xf32>
        %mul3A_1417 = arith.constant 2.000000e+00 : f32
        %mul3A_1418 = vector.broadcast %mul3A_1417 : f32 to vector<16xf32>
        %mul3A_1419 = arith.mulf %mul3A_1418, %mul3A_1410 : vector<16xf32>
        %sub3A_1420 = arith.constant 3.14159274 : f32
        %sub3A_1421 = vector.broadcast %sub3A_1420 : f32 to vector<16xf32>
        %sub3A_1422 = arith.subf %sub3A_1421, %mul3A_1419 : vector<16xf32>
        %select_n3A_1423 = arith.select %le3A_1413, %mul3A_1416, %sub3A_1422 : vector<16xi1>, vector<16xf32>
        %jit3A_1424 = arith.constant 0.000000e+00 : f32
        %broadcast_in_dim3A_1425 = vector.broadcast %jit3A_1424 : f32 to vector<16xf32>
        %select_n3A_1426 = arith.select %lt3A_4, %select_n3A_1423, %broadcast_in_dim3A_1425 : vector<16xi1>, vector<16xf32>
        %add3A_1427 = arith.addf %broadcast_in_dim3A_5, %add3A_1068 : vector<16xf32>
        %sub3A_1428 = arith.subf %add3A_1427, %mul3A_804 : vector<16xf32>
        %mul3A_1429 = arith.constant 5.000000e-01 : f32
        %mul3A_1430 = vector.broadcast %mul3A_1429 : f32 to vector<16xf32>
        %mul3A_1431 = arith.mulf %mul3A_1430, %sub3A_1428 : vector<16xf32>
        %abs3A_1432 = math.absf %mul3A_1431 : vector<16xf32>
        %neg3A_1433 = arith.constant 0.000000e+00 : f32
        %neg3A_1434 = vector.broadcast %neg3A_1433 : f32 to vector<16xf32>
        %neg3A_1435 = arith.subf %neg3A_1434, %abs3A_1432 : vector<16xf32>
        %exp3A_1436 = math.exp %neg3A_1435 : vector<16xf32>
        %mul3A_1437 = arith.mulf %exp3A_1436, %exp3A_1436 : vector<16xf32>
        %mul3A_1438 = arith.mulf %mul3A_1437, %mul3A_1437 : vector<16xf32>
        %mul3A_1439 = arith.mulf %mul3A_1438, %mul3A_1438 : vector<16xf32>
        %mul3A_1440 = arith.constant -0.333322316 : f32
        %mul3A_1441 = vector.broadcast %mul3A_1440 : f32 to vector<16xf32>
        %mul3A_1442 = arith.mulf %mul3A_1441, %mul3A_1437 : vector<16xf32>
        %add3A_1443 = arith.constant 0.99999994 : f32
        %add3A_1444 = vector.broadcast %add3A_1443 : f32 to vector<16xf32>
        %add3A_1445 = arith.addf %add3A_1444, %mul3A_1442 : vector<16xf32>
        %mul3A_1446 = arith.constant -0.140478209 : f32
        %mul3A_1447 = vector.broadcast %mul3A_1446 : f32 to vector<16xf32>
        %mul3A_1448 = arith.mulf %mul3A_1447, %mul3A_1437 : vector<16xf32>
        %add3A_1449 = arith.constant 0.199740291 : f32
        %add3A_1450 = vector.broadcast %add3A_1449 : f32 to vector<16xf32>
        %add3A_1451 = arith.addf %add3A_1450, %mul3A_1448 : vector<16xf32>
        %mul3A_1452 = arith.mulf %mul3A_1438, %add3A_1451 : vector<16xf32>
        %add3A_1453 = arith.addf %add3A_1445, %mul3A_1452 : vector<16xf32>
        %mul3A_1454 = arith.constant -0.0608744808 : f32
        %mul3A_1455 = vector.broadcast %mul3A_1454 : f32 to vector<16xf32>
        %mul3A_1456 = arith.mulf %mul3A_1455, %mul3A_1437 : vector<16xf32>
        %add3A_1457 = arith.constant 0.100022055 : f32
        %add3A_1458 = vector.broadcast %add3A_1457 : f32 to vector<16xf32>
        %add3A_1459 = arith.addf %add3A_1458, %mul3A_1456 : vector<16xf32>
        %mul3A_1460 = arith.constant -0.00502106408 : f32
        %mul3A_1461 = vector.broadcast %mul3A_1460 : f32 to vector<16xf32>
        %mul3A_1462 = arith.mulf %mul3A_1461, %mul3A_1437 : vector<16xf32>
        %add3A_1463 = arith.constant 2.533170e-02 : f32
        %add3A_1464 = vector.broadcast %add3A_1463 : f32 to vector<16xf32>
        %add3A_1465 = arith.addf %add3A_1464, %mul3A_1462 : vector<16xf32>
        %mul3A_1466 = arith.mulf %mul3A_1438, %add3A_1465 : vector<16xf32>
        %add3A_1467 = arith.addf %add3A_1459, %mul3A_1466 : vector<16xf32>
        %mul3A_1468 = arith.mulf %mul3A_1439, %add3A_1467 : vector<16xf32>
        %add3A_1469 = arith.addf %add3A_1453, %mul3A_1468 : vector<16xf32>
        %mul3A_1470 = arith.mulf %exp3A_1436, %add3A_1469 : vector<16xf32>
        %le3A_1471 = arith.constant 0.000000e+00 : f32
        %le3A_1472 = vector.broadcast %le3A_1471 : f32 to vector<16xf32>
        %le3A_1473 = arith.cmpf ole, %mul3A_1431, %le3A_1472 : vector<16xf32>
        %mul3A_1474 = arith.constant 2.000000e+00 : f32
        %mul3A_1475 = vector.broadcast %mul3A_1474 : f32 to vector<16xf32>
        %mul3A_1476 = arith.mulf %mul3A_1475, %mul3A_1470 : vector<16xf32>
        %mul3A_1477 = arith.constant 2.000000e+00 : f32
        %mul3A_1478 = vector.broadcast %mul3A_1477 : f32 to vector<16xf32>
        %mul3A_1479 = arith.mulf %mul3A_1478, %mul3A_1470 : vector<16xf32>
        %sub3A_1480 = arith.constant 3.14159274 : f32
        %sub3A_1481 = vector.broadcast %sub3A_1480 : f32 to vector<16xf32>
        %sub3A_1482 = arith.subf %sub3A_1481, %mul3A_1479 : vector<16xf32>
        %select_n3A_1483 = arith.select %le3A_1473, %mul3A_1476, %sub3A_1482 : vector<16xi1>, vector<16xf32>
        %jit3A_1484 = arith.constant 0.000000e+00 : f32
        %broadcast_in_dim3A_1485 = vector.broadcast %jit3A_1484 : f32 to vector<16xf32>
        %select_n3A_1486 = arith.select %lt3A_4, %select_n3A_1483, %broadcast_in_dim3A_1485 : vector<16xi1>, vector<16xf32>
        %add3A_1487 = arith.addf %broadcast_in_dim3A_5, %add3A_1096 : vector<16xf32>
        %sub3A_1488 = arith.subf %add3A_1487, %mul3A_804 : vector<16xf32>
        %mul3A_1489 = arith.constant 5.000000e-01 : f32
        %mul3A_1490 = vector.broadcast %mul3A_1489 : f32 to vector<16xf32>
        %mul3A_1491 = arith.mulf %mul3A_1490, %sub3A_1488 : vector<16xf32>
        %abs3A_1492 = math.absf %mul3A_1491 : vector<16xf32>
        %neg3A_1493 = arith.constant 0.000000e+00 : f32
        %neg3A_1494 = vector.broadcast %neg3A_1493 : f32 to vector<16xf32>
        %neg3A_1495 = arith.subf %neg3A_1494, %abs3A_1492 : vector<16xf32>
        %exp3A_1496 = math.exp %neg3A_1495 : vector<16xf32>
        %mul3A_1497 = arith.mulf %exp3A_1496, %exp3A_1496 : vector<16xf32>
        %mul3A_1498 = arith.mulf %mul3A_1497, %mul3A_1497 : vector<16xf32>
        %mul3A_1499 = arith.mulf %mul3A_1498, %mul3A_1498 : vector<16xf32>
        %mul3A_1500 = arith.constant -0.333322316 : f32
        %mul3A_1501 = vector.broadcast %mul3A_1500 : f32 to vector<16xf32>
        %mul3A_1502 = arith.mulf %mul3A_1501, %mul3A_1497 : vector<16xf32>
        %add3A_1503 = arith.constant 0.99999994 : f32
        %add3A_1504 = vector.broadcast %add3A_1503 : f32 to vector<16xf32>
        %add3A_1505 = arith.addf %add3A_1504, %mul3A_1502 : vector<16xf32>
        %mul3A_1506 = arith.constant -0.140478209 : f32
        %mul3A_1507 = vector.broadcast %mul3A_1506 : f32 to vector<16xf32>
        %mul3A_1508 = arith.mulf %mul3A_1507, %mul3A_1497 : vector<16xf32>
        %add3A_1509 = arith.constant 0.199740291 : f32
        %add3A_1510 = vector.broadcast %add3A_1509 : f32 to vector<16xf32>
        %add3A_1511 = arith.addf %add3A_1510, %mul3A_1508 : vector<16xf32>
        %mul3A_1512 = arith.mulf %mul3A_1498, %add3A_1511 : vector<16xf32>
        %add3A_1513 = arith.addf %add3A_1505, %mul3A_1512 : vector<16xf32>
        %mul3A_1514 = arith.constant -0.0608744808 : f32
        %mul3A_1515 = vector.broadcast %mul3A_1514 : f32 to vector<16xf32>
        %mul3A_1516 = arith.mulf %mul3A_1515, %mul3A_1497 : vector<16xf32>
        %add3A_1517 = arith.constant 0.100022055 : f32
        %add3A_1518 = vector.broadcast %add3A_1517 : f32 to vector<16xf32>
        %add3A_1519 = arith.addf %add3A_1518, %mul3A_1516 : vector<16xf32>
        %mul3A_1520 = arith.constant -0.00502106408 : f32
        %mul3A_1521 = vector.broadcast %mul3A_1520 : f32 to vector<16xf32>
        %mul3A_1522 = arith.mulf %mul3A_1521, %mul3A_1497 : vector<16xf32>
        %add3A_1523 = arith.constant 2.533170e-02 : f32
        %add3A_1524 = vector.broadcast %add3A_1523 : f32 to vector<16xf32>
        %add3A_1525 = arith.addf %add3A_1524, %mul3A_1522 : vector<16xf32>
        %mul3A_1526 = arith.mulf %mul3A_1498, %add3A_1525 : vector<16xf32>
        %add3A_1527 = arith.addf %add3A_1519, %mul3A_1526 : vector<16xf32>
        %mul3A_1528 = arith.mulf %mul3A_1499, %add3A_1527 : vector<16xf32>
        %add3A_1529 = arith.addf %add3A_1513, %mul3A_1528 : vector<16xf32>
        %mul3A_1530 = arith.mulf %exp3A_1496, %add3A_1529 : vector<16xf32>
        %le3A_1531 = arith.constant 0.000000e+00 : f32
        %le3A_1532 = vector.broadcast %le3A_1531 : f32 to vector<16xf32>
        %le3A_1533 = arith.cmpf ole, %mul3A_1491, %le3A_1532 : vector<16xf32>
        %mul3A_1534 = arith.constant 2.000000e+00 : f32
        %mul3A_1535 = vector.broadcast %mul3A_1534 : f32 to vector<16xf32>
        %mul3A_1536 = arith.mulf %mul3A_1535, %mul3A_1530 : vector<16xf32>
        %mul3A_1537 = arith.constant 2.000000e+00 : f32
        %mul3A_1538 = vector.broadcast %mul3A_1537 : f32 to vector<16xf32>
        %mul3A_1539 = arith.mulf %mul3A_1538, %mul3A_1530 : vector<16xf32>
        %sub3A_1540 = arith.constant 3.14159274 : f32
        %sub3A_1541 = vector.broadcast %sub3A_1540 : f32 to vector<16xf32>
        %sub3A_1542 = arith.subf %sub3A_1541, %mul3A_1539 : vector<16xf32>
        %select_n3A_1543 = arith.select %le3A_1533, %mul3A_1536, %sub3A_1542 : vector<16xi1>, vector<16xf32>
        %jit3A_1544 = arith.constant 0.000000e+00 : f32
        %broadcast_in_dim3A_1545 = vector.broadcast %jit3A_1544 : f32 to vector<16xf32>
        %select_n3A_1546 = arith.select %lt3A_4, %select_n3A_1543, %broadcast_in_dim3A_1545 : vector<16xi1>, vector<16xf32>
        %xor3A_1547 = arith.constant 1 : i32
        %xor3A_1548 = vector.broadcast %xor3A_1547 : i32 to vector<16xi32>
        %xor3A_1549 = arith.xori %iota3A, %xor3A_1548 : vector<16xi32>
        %broadcast_in_dim3A_1550 = vector.shape_cast %xor3A_1549 : vector<16xi32> to vector<16x1xi32>
        %gather3A_1551 = vector.shape_cast %broadcast_in_dim3A_1550 : vector<16x1xi32> to vector<16xi32>
        %gather3A_1552 = tpu.dynamic_gather %select_n3A_1243[%gather3A_1551] in [0] : vector<16xf32>, vector<16xi32> -> vector<16xf32>
        %add3A_1553 = arith.addf %select_n3A_1243, %gather3A_1552 : vector<16xf32>
        %xor3A_1554 = arith.constant 2 : i32
        %xor3A_1555 = vector.broadcast %xor3A_1554 : i32 to vector<16xi32>
        %xor3A_1556 = arith.xori %iota3A, %xor3A_1555 : vector<16xi32>
        %broadcast_in_dim3A_1557 = vector.shape_cast %xor3A_1556 : vector<16xi32> to vector<16x1xi32>
        %gather3A_1558 = vector.shape_cast %broadcast_in_dim3A_1557 : vector<16x1xi32> to vector<16xi32>
        %gather3A_1559 = tpu.dynamic_gather %add3A_1553[%gather3A_1558] in [0] : vector<16xf32>, vector<16xi32> -> vector<16xf32>
        %add3A_1560 = arith.addf %add3A_1553, %gather3A_1559 : vector<16xf32>
        %xor3A_1561 = arith.constant 4 : i32
        %xor3A_1562 = vector.broadcast %xor3A_1561 : i32 to vector<16xi32>
        %xor3A_1563 = arith.xori %iota3A, %xor3A_1562 : vector<16xi32>
        %broadcast_in_dim3A_1564 = vector.shape_cast %xor3A_1563 : vector<16xi32> to vector<16x1xi32>
        %gather3A_1565 = vector.shape_cast %broadcast_in_dim3A_1564 : vector<16x1xi32> to vector<16xi32>
        %gather3A_1566 = tpu.dynamic_gather %add3A_1560[%gather3A_1565] in [0] : vector<16xf32>, vector<16xi32> -> vector<16xf32>
        %add3A_1567 = arith.addf %add3A_1560, %gather3A_1566 : vector<16xf32>
        %xor3A_1568 = arith.constant 8 : i32
        %xor3A_1569 = vector.broadcast %xor3A_1568 : i32 to vector<16xi32>
        %xor3A_1570 = arith.xori %iota3A, %xor3A_1569 : vector<16xi32>
        %broadcast_in_dim3A_1571 = vector.shape_cast %xor3A_1570 : vector<16xi32> to vector<16x1xi32>
        %gather3A_1572 = vector.shape_cast %broadcast_in_dim3A_1571 : vector<16x1xi32> to vector<16xi32>
        %gather3A_1573 = tpu.dynamic_gather %add3A_1567[%gather3A_1572] in [0] : vector<16xf32>, vector<16xi32> -> vector<16xf32>
        %add3A_1574 = arith.addf %add3A_1567, %gather3A_1573 : vector<16xf32>
        %xor3A_1575 = arith.constant 1 : i32
        %xor3A_1576 = vector.broadcast %xor3A_1575 : i32 to vector<16xi32>
        %xor3A_1577 = arith.xori %iota3A, %xor3A_1576 : vector<16xi32>
        %broadcast_in_dim3A_1578 = vector.shape_cast %xor3A_1577 : vector<16xi32> to vector<16x1xi32>
        %gather3A_1579 = vector.shape_cast %broadcast_in_dim3A_1578 : vector<16x1xi32> to vector<16xi32>
        %gather3A_1580 = tpu.dynamic_gather %while3A_725[%gather3A_1579] in [0] : vector<16xf32>, vector<16xi32> -> vector<16xf32>
        %add3A_1581 = arith.addf %while3A_725, %gather3A_1580 : vector<16xf32>
        %xor3A_1582 = arith.constant 2 : i32
        %xor3A_1583 = vector.broadcast %xor3A_1582 : i32 to vector<16xi32>
        %xor3A_1584 = arith.xori %iota3A, %xor3A_1583 : vector<16xi32>
        %broadcast_in_dim3A_1585 = vector.shape_cast %xor3A_1584 : vector<16xi32> to vector<16x1xi32>
        %gather3A_1586 = vector.shape_cast %broadcast_in_dim3A_1585 : vector<16x1xi32> to vector<16xi32>
        %gather3A_1587 = tpu.dynamic_gather %add3A_1581[%gather3A_1586] in [0] : vector<16xf32>, vector<16xi32> -> vector<16xf32>
        %add3A_1588 = arith.addf %add3A_1581, %gather3A_1587 : vector<16xf32>
        %xor3A_1589 = arith.constant 4 : i32
        %xor3A_1590 = vector.broadcast %xor3A_1589 : i32 to vector<16xi32>
        %xor3A_1591 = arith.xori %iota3A, %xor3A_1590 : vector<16xi32>
        %broadcast_in_dim3A_1592 = vector.shape_cast %xor3A_1591 : vector<16xi32> to vector<16x1xi32>
        %gather3A_1593 = vector.shape_cast %broadcast_in_dim3A_1592 : vector<16x1xi32> to vector<16xi32>
        %gather3A_1594 = tpu.dynamic_gather %add3A_1588[%gather3A_1593] in [0] : vector<16xf32>, vector<16xi32> -> vector<16xf32>
        %add3A_1595 = arith.addf %add3A_1588, %gather3A_1594 : vector<16xf32>
        %xor3A_1596 = arith.constant 8 : i32
        %xor3A_1597 = vector.broadcast %xor3A_1596 : i32 to vector<16xi32>
        %xor3A_1598 = arith.xori %iota3A, %xor3A_1597 : vector<16xi32>
        %broadcast_in_dim3A_1599 = vector.shape_cast %xor3A_1598 : vector<16xi32> to vector<16x1xi32>
        %gather3A_1600 = vector.shape_cast %broadcast_in_dim3A_1599 : vector<16x1xi32> to vector<16xi32>
        %gather3A_1601 = tpu.dynamic_gather %add3A_1595[%gather3A_1600] in [0] : vector<16xf32>, vector<16xi32> -> vector<16xf32>
        %add3A_1602 = arith.addf %add3A_1595, %gather3A_1601 : vector<16xf32>
        %xor3A_1603 = arith.constant 1 : i32
        %xor3A_1604 = vector.broadcast %xor3A_1603 : i32 to vector<16xi32>
        %xor3A_1605 = arith.xori %iota3A, %xor3A_1604 : vector<16xi32>
        %broadcast_in_dim3A_1606 = vector.shape_cast %xor3A_1605 : vector<16xi32> to vector<16x1xi32>
        %gather3A_1607 = vector.shape_cast %broadcast_in_dim3A_1606 : vector<16x1xi32> to vector<16xi32>
        %gather3A_1608 = tpu.dynamic_gather %while3A_732[%gather3A_1607] in [0] : vector<16xf32>, vector<16xi32> -> vector<16xf32>
        %add3A_1609 = arith.addf %while3A_732, %gather3A_1608 : vector<16xf32>
        %xor3A_1610 = arith.constant 2 : i32
        %xor3A_1611 = vector.broadcast %xor3A_1610 : i32 to vector<16xi32>
        %xor3A_1612 = arith.xori %iota3A, %xor3A_1611 : vector<16xi32>
        %broadcast_in_dim3A_1613 = vector.shape_cast %xor3A_1612 : vector<16xi32> to vector<16x1xi32>
        %gather3A_1614 = vector.shape_cast %broadcast_in_dim3A_1613 : vector<16x1xi32> to vector<16xi32>
        %gather3A_1615 = tpu.dynamic_gather %add3A_1609[%gather3A_1614] in [0] : vector<16xf32>, vector<16xi32> -> vector<16xf32>
        %add3A_1616 = arith.addf %add3A_1609, %gather3A_1615 : vector<16xf32>
        %xor3A_1617 = arith.constant 4 : i32
        %xor3A_1618 = vector.broadcast %xor3A_1617 : i32 to vector<16xi32>
        %xor3A_1619 = arith.xori %iota3A, %xor3A_1618 : vector<16xi32>
        %broadcast_in_dim3A_1620 = vector.shape_cast %xor3A_1619 : vector<16xi32> to vector<16x1xi32>
        %gather3A_1621 = vector.shape_cast %broadcast_in_dim3A_1620 : vector<16x1xi32> to vector<16xi32>
        %gather3A_1622 = tpu.dynamic_gather %add3A_1616[%gather3A_1621] in [0] : vector<16xf32>, vector<16xi32> -> vector<16xf32>
        %add3A_1623 = arith.addf %add3A_1616, %gather3A_1622 : vector<16xf32>
        %xor3A_1624 = arith.constant 8 : i32
        %xor3A_1625 = vector.broadcast %xor3A_1624 : i32 to vector<16xi32>
        %xor3A_1626 = arith.xori %iota3A, %xor3A_1625 : vector<16xi32>
        %broadcast_in_dim3A_1627 = vector.shape_cast %xor3A_1626 : vector<16xi32> to vector<16x1xi32>
        %gather3A_1628 = vector.shape_cast %broadcast_in_dim3A_1627 : vector<16x1xi32> to vector<16xi32>
        %gather3A_1629 = tpu.dynamic_gather %add3A_1623[%gather3A_1628] in [0] : vector<16xf32>, vector<16xi32> -> vector<16xf32>
        %add3A_1630 = arith.addf %add3A_1623, %gather3A_1629 : vector<16xf32>
        %xor3A_1631 = arith.constant 1 : i32
        %xor3A_1632 = vector.broadcast %xor3A_1631 : i32 to vector<16xi32>
        %xor3A_1633 = arith.xori %iota3A, %xor3A_1632 : vector<16xi32>
        %broadcast_in_dim3A_1634 = vector.shape_cast %xor3A_1633 : vector<16xi32> to vector<16x1xi32>
        %gather3A_1635 = vector.shape_cast %broadcast_in_dim3A_1634 : vector<16x1xi32> to vector<16xi32>
        %gather3A_1636 = tpu.dynamic_gather %while3A_739[%gather3A_1635] in [0] : vector<16xf32>, vector<16xi32> -> vector<16xf32>
        %add3A_1637 = arith.addf %while3A_739, %gather3A_1636 : vector<16xf32>
        %xor3A_1638 = arith.constant 2 : i32
        %xor3A_1639 = vector.broadcast %xor3A_1638 : i32 to vector<16xi32>
        %xor3A_1640 = arith.xori %iota3A, %xor3A_1639 : vector<16xi32>
        %broadcast_in_dim3A_1641 = vector.shape_cast %xor3A_1640 : vector<16xi32> to vector<16x1xi32>
        %gather3A_1642 = vector.shape_cast %broadcast_in_dim3A_1641 : vector<16x1xi32> to vector<16xi32>
        %gather3A_1643 = tpu.dynamic_gather %add3A_1637[%gather3A_1642] in [0] : vector<16xf32>, vector<16xi32> -> vector<16xf32>
        %add3A_1644 = arith.addf %add3A_1637, %gather3A_1643 : vector<16xf32>
        %xor3A_1645 = arith.constant 4 : i32
        %xor3A_1646 = vector.broadcast %xor3A_1645 : i32 to vector<16xi32>
        %xor3A_1647 = arith.xori %iota3A, %xor3A_1646 : vector<16xi32>
        %broadcast_in_dim3A_1648 = vector.shape_cast %xor3A_1647 : vector<16xi32> to vector<16x1xi32>
        %gather3A_1649 = vector.shape_cast %broadcast_in_dim3A_1648 : vector<16x1xi32> to vector<16xi32>
        %gather3A_1650 = tpu.dynamic_gather %add3A_1644[%gather3A_1649] in [0] : vector<16xf32>, vector<16xi32> -> vector<16xf32>
        %add3A_1651 = arith.addf %add3A_1644, %gather3A_1650 : vector<16xf32>
        %xor3A_1652 = arith.constant 8 : i32
        %xor3A_1653 = vector.broadcast %xor3A_1652 : i32 to vector<16xi32>
        %xor3A_1654 = arith.xori %iota3A, %xor3A_1653 : vector<16xi32>
        %broadcast_in_dim3A_1655 = vector.shape_cast %xor3A_1654 : vector<16xi32> to vector<16x1xi32>
        %gather3A_1656 = vector.shape_cast %broadcast_in_dim3A_1655 : vector<16x1xi32> to vector<16xi32>
        %gather3A_1657 = tpu.dynamic_gather %add3A_1651[%gather3A_1656] in [0] : vector<16xf32>, vector<16xi32> -> vector<16xf32>
        %add3A_1658 = arith.addf %add3A_1651, %gather3A_1657 : vector<16xf32>
        %add3A_1659 = arith.addf %broadcast_in_dim3A_5, %add3A_1574 : vector<16xf32>
        %add3A_1660 = arith.addf %add3A_1659, %add3A_1658 : vector<16xf32>
        %sub3A_1661 = arith.subf %add3A_1660, %mul3A_807 : vector<16xf32>
        %mul3A_1662 = arith.constant 5.000000e-01 : f32
        %mul3A_1663 = vector.broadcast %mul3A_1662 : f32 to vector<16xf32>
        %mul3A_1664 = arith.mulf %mul3A_1663, %sub3A_1661 : vector<16xf32>
        %abs3A_1665 = math.absf %mul3A_1664 : vector<16xf32>
        %neg3A_1666 = arith.constant 0.000000e+00 : f32
        %neg3A_1667 = vector.broadcast %neg3A_1666 : f32 to vector<16xf32>
        %neg3A_1668 = arith.subf %neg3A_1667, %abs3A_1665 : vector<16xf32>
        %exp3A_1669 = math.exp %neg3A_1668 : vector<16xf32>
        %mul3A_1670 = arith.mulf %exp3A_1669, %exp3A_1669 : vector<16xf32>
        %mul3A_1671 = arith.mulf %mul3A_1670, %mul3A_1670 : vector<16xf32>
        %mul3A_1672 = arith.mulf %mul3A_1671, %mul3A_1671 : vector<16xf32>
        %mul3A_1673 = arith.constant -0.333322316 : f32
        %mul3A_1674 = vector.broadcast %mul3A_1673 : f32 to vector<16xf32>
        %mul3A_1675 = arith.mulf %mul3A_1674, %mul3A_1670 : vector<16xf32>
        %add3A_1676 = arith.constant 0.99999994 : f32
        %add3A_1677 = vector.broadcast %add3A_1676 : f32 to vector<16xf32>
        %add3A_1678 = arith.addf %add3A_1677, %mul3A_1675 : vector<16xf32>
        %mul3A_1679 = arith.constant -0.140478209 : f32
        %mul3A_1680 = vector.broadcast %mul3A_1679 : f32 to vector<16xf32>
        %mul3A_1681 = arith.mulf %mul3A_1680, %mul3A_1670 : vector<16xf32>
        %add3A_1682 = arith.constant 0.199740291 : f32
        %add3A_1683 = vector.broadcast %add3A_1682 : f32 to vector<16xf32>
        %add3A_1684 = arith.addf %add3A_1683, %mul3A_1681 : vector<16xf32>
        %mul3A_1685 = arith.mulf %mul3A_1671, %add3A_1684 : vector<16xf32>
        %add3A_1686 = arith.addf %add3A_1678, %mul3A_1685 : vector<16xf32>
        %mul3A_1687 = arith.constant -0.0608744808 : f32
        %mul3A_1688 = vector.broadcast %mul3A_1687 : f32 to vector<16xf32>
        %mul3A_1689 = arith.mulf %mul3A_1688, %mul3A_1670 : vector<16xf32>
        %add3A_1690 = arith.constant 0.100022055 : f32
        %add3A_1691 = vector.broadcast %add3A_1690 : f32 to vector<16xf32>
        %add3A_1692 = arith.addf %add3A_1691, %mul3A_1689 : vector<16xf32>
        %mul3A_1693 = arith.constant -0.00502106408 : f32
        %mul3A_1694 = vector.broadcast %mul3A_1693 : f32 to vector<16xf32>
        %mul3A_1695 = arith.mulf %mul3A_1694, %mul3A_1670 : vector<16xf32>
        %add3A_1696 = arith.constant 2.533170e-02 : f32
        %add3A_1697 = vector.broadcast %add3A_1696 : f32 to vector<16xf32>
        %add3A_1698 = arith.addf %add3A_1697, %mul3A_1695 : vector<16xf32>
        %mul3A_1699 = arith.mulf %mul3A_1671, %add3A_1698 : vector<16xf32>
        %add3A_1700 = arith.addf %add3A_1692, %mul3A_1699 : vector<16xf32>
        %mul3A_1701 = arith.mulf %mul3A_1672, %add3A_1700 : vector<16xf32>
        %add3A_1702 = arith.addf %add3A_1686, %mul3A_1701 : vector<16xf32>
        %mul3A_1703 = arith.mulf %exp3A_1669, %add3A_1702 : vector<16xf32>
        %le3A_1704 = arith.constant 0.000000e+00 : f32
        %le3A_1705 = vector.broadcast %le3A_1704 : f32 to vector<16xf32>
        %le3A_1706 = arith.cmpf ole, %mul3A_1664, %le3A_1705 : vector<16xf32>
        %mul3A_1707 = arith.constant 2.000000e+00 : f32
        %mul3A_1708 = vector.broadcast %mul3A_1707 : f32 to vector<16xf32>
        %mul3A_1709 = arith.mulf %mul3A_1708, %mul3A_1703 : vector<16xf32>
        %mul3A_1710 = arith.constant 2.000000e+00 : f32
        %mul3A_1711 = vector.broadcast %mul3A_1710 : f32 to vector<16xf32>
        %mul3A_1712 = arith.mulf %mul3A_1711, %mul3A_1703 : vector<16xf32>
        %sub3A_1713 = arith.constant 3.14159274 : f32
        %sub3A_1714 = vector.broadcast %sub3A_1713 : f32 to vector<16xf32>
        %sub3A_1715 = arith.subf %sub3A_1714, %mul3A_1712 : vector<16xf32>
        %select_n3A_1716 = arith.select %le3A_1706, %mul3A_1709, %sub3A_1715 : vector<16xi1>, vector<16xf32>
        %jit3A_1717 = arith.constant 0.000000e+00 : f32
        %broadcast_in_dim3A_1718 = vector.broadcast %jit3A_1717 : f32 to vector<16xf32>
        %select_n3A_1719 = arith.select %lt3A_4, %select_n3A_1716, %broadcast_in_dim3A_1718 : vector<16xi1>, vector<16xf32>
        %add3A_1720 = arith.addf %broadcast_in_dim3A_5, %add3A_1574 : vector<16xf32>
        %add3A_1721 = arith.addf %add3A_1720, %add3A_1630 : vector<16xf32>
        %sub3A_1722 = arith.subf %add3A_1721, %mul3A_807 : vector<16xf32>
        %mul3A_1723 = arith.constant 5.000000e-01 : f32
        %mul3A_1724 = vector.broadcast %mul3A_1723 : f32 to vector<16xf32>
        %mul3A_1725 = arith.mulf %mul3A_1724, %sub3A_1722 : vector<16xf32>
        %abs3A_1726 = math.absf %mul3A_1725 : vector<16xf32>
        %neg3A_1727 = arith.constant 0.000000e+00 : f32
        %neg3A_1728 = vector.broadcast %neg3A_1727 : f32 to vector<16xf32>
        %neg3A_1729 = arith.subf %neg3A_1728, %abs3A_1726 : vector<16xf32>
        %exp3A_1730 = math.exp %neg3A_1729 : vector<16xf32>
        %mul3A_1731 = arith.mulf %exp3A_1730, %exp3A_1730 : vector<16xf32>
        %mul3A_1732 = arith.mulf %mul3A_1731, %mul3A_1731 : vector<16xf32>
        %mul3A_1733 = arith.mulf %mul3A_1732, %mul3A_1732 : vector<16xf32>
        %mul3A_1734 = arith.constant -0.333322316 : f32
        %mul3A_1735 = vector.broadcast %mul3A_1734 : f32 to vector<16xf32>
        %mul3A_1736 = arith.mulf %mul3A_1735, %mul3A_1731 : vector<16xf32>
        %add3A_1737 = arith.constant 0.99999994 : f32
        %add3A_1738 = vector.broadcast %add3A_1737 : f32 to vector<16xf32>
        %add3A_1739 = arith.addf %add3A_1738, %mul3A_1736 : vector<16xf32>
        %mul3A_1740 = arith.constant -0.140478209 : f32
        %mul3A_1741 = vector.broadcast %mul3A_1740 : f32 to vector<16xf32>
        %mul3A_1742 = arith.mulf %mul3A_1741, %mul3A_1731 : vector<16xf32>
        %add3A_1743 = arith.constant 0.199740291 : f32
        %add3A_1744 = vector.broadcast %add3A_1743 : f32 to vector<16xf32>
        %add3A_1745 = arith.addf %add3A_1744, %mul3A_1742 : vector<16xf32>
        %mul3A_1746 = arith.mulf %mul3A_1732, %add3A_1745 : vector<16xf32>
        %add3A_1747 = arith.addf %add3A_1739, %mul3A_1746 : vector<16xf32>
        %mul3A_1748 = arith.constant -0.0608744808 : f32
        %mul3A_1749 = vector.broadcast %mul3A_1748 : f32 to vector<16xf32>
        %mul3A_1750 = arith.mulf %mul3A_1749, %mul3A_1731 : vector<16xf32>
        %add3A_1751 = arith.constant 0.100022055 : f32
        %add3A_1752 = vector.broadcast %add3A_1751 : f32 to vector<16xf32>
        %add3A_1753 = arith.addf %add3A_1752, %mul3A_1750 : vector<16xf32>
        %mul3A_1754 = arith.constant -0.00502106408 : f32
        %mul3A_1755 = vector.broadcast %mul3A_1754 : f32 to vector<16xf32>
        %mul3A_1756 = arith.mulf %mul3A_1755, %mul3A_1731 : vector<16xf32>
        %add3A_1757 = arith.constant 2.533170e-02 : f32
        %add3A_1758 = vector.broadcast %add3A_1757 : f32 to vector<16xf32>
        %add3A_1759 = arith.addf %add3A_1758, %mul3A_1756 : vector<16xf32>
        %mul3A_1760 = arith.mulf %mul3A_1732, %add3A_1759 : vector<16xf32>
        %add3A_1761 = arith.addf %add3A_1753, %mul3A_1760 : vector<16xf32>
        %mul3A_1762 = arith.mulf %mul3A_1733, %add3A_1761 : vector<16xf32>
        %add3A_1763 = arith.addf %add3A_1747, %mul3A_1762 : vector<16xf32>
        %mul3A_1764 = arith.mulf %exp3A_1730, %add3A_1763 : vector<16xf32>
        %le3A_1765 = arith.constant 0.000000e+00 : f32
        %le3A_1766 = vector.broadcast %le3A_1765 : f32 to vector<16xf32>
        %le3A_1767 = arith.cmpf ole, %mul3A_1725, %le3A_1766 : vector<16xf32>
        %mul3A_1768 = arith.constant 2.000000e+00 : f32
        %mul3A_1769 = vector.broadcast %mul3A_1768 : f32 to vector<16xf32>
        %mul3A_1770 = arith.mulf %mul3A_1769, %mul3A_1764 : vector<16xf32>
        %mul3A_1771 = arith.constant 2.000000e+00 : f32
        %mul3A_1772 = vector.broadcast %mul3A_1771 : f32 to vector<16xf32>
        %mul3A_1773 = arith.mulf %mul3A_1772, %mul3A_1764 : vector<16xf32>
        %sub3A_1774 = arith.constant 3.14159274 : f32
        %sub3A_1775 = vector.broadcast %sub3A_1774 : f32 to vector<16xf32>
        %sub3A_1776 = arith.subf %sub3A_1775, %mul3A_1773 : vector<16xf32>
        %select_n3A_1777 = arith.select %le3A_1767, %mul3A_1770, %sub3A_1776 : vector<16xi1>, vector<16xf32>
        %jit3A_1778 = arith.constant 0.000000e+00 : f32
        %broadcast_in_dim3A_1779 = vector.broadcast %jit3A_1778 : f32 to vector<16xf32>
        %select_n3A_1780 = arith.select %lt3A_4, %select_n3A_1777, %broadcast_in_dim3A_1779 : vector<16xi1>, vector<16xf32>
        %xor3A_1781 = arith.constant 1 : i32
        %xor3A_1782 = vector.broadcast %xor3A_1781 : i32 to vector<16xi32>
        %xor3A_1783 = arith.xori %iota3A, %xor3A_1782 : vector<16xi32>
        %broadcast_in_dim3A_1784 = vector.shape_cast %xor3A_1783 : vector<16xi32> to vector<16x1xi32>
        %gather3A_1785 = vector.shape_cast %broadcast_in_dim3A_1784 : vector<16x1xi32> to vector<16xi32>
        %gather3A_1786 = tpu.dynamic_gather %select_n3A_1780[%gather3A_1785] in [0] : vector<16xf32>, vector<16xi32> -> vector<16xf32>
        %add3A_1787 = arith.addf %select_n3A_1780, %gather3A_1786 : vector<16xf32>
        %xor3A_1788 = arith.constant 2 : i32
        %xor3A_1789 = vector.broadcast %xor3A_1788 : i32 to vector<16xi32>
        %xor3A_1790 = arith.xori %iota3A, %xor3A_1789 : vector<16xi32>
        %broadcast_in_dim3A_1791 = vector.shape_cast %xor3A_1790 : vector<16xi32> to vector<16x1xi32>
        %gather3A_1792 = vector.shape_cast %broadcast_in_dim3A_1791 : vector<16x1xi32> to vector<16xi32>
        %gather3A_1793 = tpu.dynamic_gather %add3A_1787[%gather3A_1792] in [0] : vector<16xf32>, vector<16xi32> -> vector<16xf32>
        %add3A_1794 = arith.addf %add3A_1787, %gather3A_1793 : vector<16xf32>
        %xor3A_1795 = arith.constant 4 : i32
        %xor3A_1796 = vector.broadcast %xor3A_1795 : i32 to vector<16xi32>
        %xor3A_1797 = arith.xori %iota3A, %xor3A_1796 : vector<16xi32>
        %broadcast_in_dim3A_1798 = vector.shape_cast %xor3A_1797 : vector<16xi32> to vector<16x1xi32>
        %gather3A_1799 = vector.shape_cast %broadcast_in_dim3A_1798 : vector<16x1xi32> to vector<16xi32>
        %gather3A_1800 = tpu.dynamic_gather %add3A_1794[%gather3A_1799] in [0] : vector<16xf32>, vector<16xi32> -> vector<16xf32>
        %add3A_1801 = arith.addf %add3A_1794, %gather3A_1800 : vector<16xf32>
        %xor3A_1802 = arith.constant 8 : i32
        %xor3A_1803 = vector.broadcast %xor3A_1802 : i32 to vector<16xi32>
        %xor3A_1804 = arith.xori %iota3A, %xor3A_1803 : vector<16xi32>
        %broadcast_in_dim3A_1805 = vector.shape_cast %xor3A_1804 : vector<16xi32> to vector<16x1xi32>
        %gather3A_1806 = vector.shape_cast %broadcast_in_dim3A_1805 : vector<16x1xi32> to vector<16xi32>
        %gather3A_1807 = tpu.dynamic_gather %add3A_1801[%gather3A_1806] in [0] : vector<16xf32>, vector<16xi32> -> vector<16xf32>
        %add3A_1808 = arith.addf %add3A_1801, %gather3A_1807 : vector<16xf32>
        %add3A_1809 = arith.addf %broadcast_in_dim3A_5, %add3A_1574 : vector<16xf32>
        %add3A_1810 = arith.addf %add3A_1809, %add3A_1808 : vector<16xf32>
        %sub3A_1811 = arith.subf %add3A_1810, %mul3A_807 : vector<16xf32>
        %mul3A_1812 = arith.constant 5.000000e-01 : f32
        %mul3A_1813 = vector.broadcast %mul3A_1812 : f32 to vector<16xf32>
        %mul3A_1814 = arith.mulf %mul3A_1813, %sub3A_1811 : vector<16xf32>
        %abs3A_1815 = math.absf %mul3A_1814 : vector<16xf32>
        %neg3A_1816 = arith.constant 0.000000e+00 : f32
        %neg3A_1817 = vector.broadcast %neg3A_1816 : f32 to vector<16xf32>
        %neg3A_1818 = arith.subf %neg3A_1817, %abs3A_1815 : vector<16xf32>
        %exp3A_1819 = math.exp %neg3A_1818 : vector<16xf32>
        %mul3A_1820 = arith.mulf %exp3A_1819, %exp3A_1819 : vector<16xf32>
        %mul3A_1821 = arith.mulf %mul3A_1820, %mul3A_1820 : vector<16xf32>
        %mul3A_1822 = arith.mulf %mul3A_1821, %mul3A_1821 : vector<16xf32>
        %mul3A_1823 = arith.constant -0.333322316 : f32
        %mul3A_1824 = vector.broadcast %mul3A_1823 : f32 to vector<16xf32>
        %mul3A_1825 = arith.mulf %mul3A_1824, %mul3A_1820 : vector<16xf32>
        %add3A_1826 = arith.constant 0.99999994 : f32
        %add3A_1827 = vector.broadcast %add3A_1826 : f32 to vector<16xf32>
        %add3A_1828 = arith.addf %add3A_1827, %mul3A_1825 : vector<16xf32>
        %mul3A_1829 = arith.constant -0.140478209 : f32
        %mul3A_1830 = vector.broadcast %mul3A_1829 : f32 to vector<16xf32>
        %mul3A_1831 = arith.mulf %mul3A_1830, %mul3A_1820 : vector<16xf32>
        %add3A_1832 = arith.constant 0.199740291 : f32
        %add3A_1833 = vector.broadcast %add3A_1832 : f32 to vector<16xf32>
        %add3A_1834 = arith.addf %add3A_1833, %mul3A_1831 : vector<16xf32>
        %mul3A_1835 = arith.mulf %mul3A_1821, %add3A_1834 : vector<16xf32>
        %add3A_1836 = arith.addf %add3A_1828, %mul3A_1835 : vector<16xf32>
        %mul3A_1837 = arith.constant -0.0608744808 : f32
        %mul3A_1838 = vector.broadcast %mul3A_1837 : f32 to vector<16xf32>
        %mul3A_1839 = arith.mulf %mul3A_1838, %mul3A_1820 : vector<16xf32>
        %add3A_1840 = arith.constant 0.100022055 : f32
        %add3A_1841 = vector.broadcast %add3A_1840 : f32 to vector<16xf32>
        %add3A_1842 = arith.addf %add3A_1841, %mul3A_1839 : vector<16xf32>
        %mul3A_1843 = arith.constant -0.00502106408 : f32
        %mul3A_1844 = vector.broadcast %mul3A_1843 : f32 to vector<16xf32>
        %mul3A_1845 = arith.mulf %mul3A_1844, %mul3A_1820 : vector<16xf32>
        %add3A_1846 = arith.constant 2.533170e-02 : f32
        %add3A_1847 = vector.broadcast %add3A_1846 : f32 to vector<16xf32>
        %add3A_1848 = arith.addf %add3A_1847, %mul3A_1845 : vector<16xf32>
        %mul3A_1849 = arith.mulf %mul3A_1821, %add3A_1848 : vector<16xf32>
        %add3A_1850 = arith.addf %add3A_1842, %mul3A_1849 : vector<16xf32>
        %mul3A_1851 = arith.mulf %mul3A_1822, %add3A_1850 : vector<16xf32>
        %add3A_1852 = arith.addf %add3A_1836, %mul3A_1851 : vector<16xf32>
        %mul3A_1853 = arith.mulf %exp3A_1819, %add3A_1852 : vector<16xf32>
        %le3A_1854 = arith.constant 0.000000e+00 : f32
        %le3A_1855 = vector.broadcast %le3A_1854 : f32 to vector<16xf32>
        %le3A_1856 = arith.cmpf ole, %mul3A_1814, %le3A_1855 : vector<16xf32>
        %mul3A_1857 = arith.constant 2.000000e+00 : f32
        %mul3A_1858 = vector.broadcast %mul3A_1857 : f32 to vector<16xf32>
        %mul3A_1859 = arith.mulf %mul3A_1858, %mul3A_1853 : vector<16xf32>
        %mul3A_1860 = arith.constant 2.000000e+00 : f32
        %mul3A_1861 = vector.broadcast %mul3A_1860 : f32 to vector<16xf32>
        %mul3A_1862 = arith.mulf %mul3A_1861, %mul3A_1853 : vector<16xf32>
        %sub3A_1863 = arith.constant 3.14159274 : f32
        %sub3A_1864 = vector.broadcast %sub3A_1863 : f32 to vector<16xf32>
        %sub3A_1865 = arith.subf %sub3A_1864, %mul3A_1862 : vector<16xf32>
        %select_n3A_1866 = arith.select %le3A_1856, %mul3A_1859, %sub3A_1865 : vector<16xi1>, vector<16xf32>
        %jit3A_1867 = arith.constant 0.000000e+00 : f32
        %broadcast_in_dim3A_1868 = vector.broadcast %jit3A_1867 : f32 to vector<16xf32>
        %select_n3A_1869 = arith.select %lt3A_4, %select_n3A_1866, %broadcast_in_dim3A_1868 : vector<16xi1>, vector<16xf32>
        %add3A_1870 = arith.addf %broadcast_in_dim3A_5, %add3A_1808 : vector<16xf32>
        %add3A_1871 = arith.addf %add3A_1870, %add3A_1658 : vector<16xf32>
        %sub3A_1872 = arith.subf %add3A_1871, %mul3A_826 : vector<16xf32>
        %mul3A_1873 = arith.constant 5.000000e-01 : f32
        %mul3A_1874 = vector.broadcast %mul3A_1873 : f32 to vector<16xf32>
        %mul3A_1875 = arith.mulf %mul3A_1874, %sub3A_1872 : vector<16xf32>
        %abs3A_1876 = math.absf %mul3A_1875 : vector<16xf32>
        %neg3A_1877 = arith.constant 0.000000e+00 : f32
        %neg3A_1878 = vector.broadcast %neg3A_1877 : f32 to vector<16xf32>
        %neg3A_1879 = arith.subf %neg3A_1878, %abs3A_1876 : vector<16xf32>
        %exp3A_1880 = math.exp %neg3A_1879 : vector<16xf32>
        %mul3A_1881 = arith.mulf %exp3A_1880, %exp3A_1880 : vector<16xf32>
        %mul3A_1882 = arith.mulf %mul3A_1881, %mul3A_1881 : vector<16xf32>
        %mul3A_1883 = arith.mulf %mul3A_1882, %mul3A_1882 : vector<16xf32>
        %mul3A_1884 = arith.constant -0.333322316 : f32
        %mul3A_1885 = vector.broadcast %mul3A_1884 : f32 to vector<16xf32>
        %mul3A_1886 = arith.mulf %mul3A_1885, %mul3A_1881 : vector<16xf32>
        %add3A_1887 = arith.constant 0.99999994 : f32
        %add3A_1888 = vector.broadcast %add3A_1887 : f32 to vector<16xf32>
        %add3A_1889 = arith.addf %add3A_1888, %mul3A_1886 : vector<16xf32>
        %mul3A_1890 = arith.constant -0.140478209 : f32
        %mul3A_1891 = vector.broadcast %mul3A_1890 : f32 to vector<16xf32>
        %mul3A_1892 = arith.mulf %mul3A_1891, %mul3A_1881 : vector<16xf32>
        %add3A_1893 = arith.constant 0.199740291 : f32
        %add3A_1894 = vector.broadcast %add3A_1893 : f32 to vector<16xf32>
        %add3A_1895 = arith.addf %add3A_1894, %mul3A_1892 : vector<16xf32>
        %mul3A_1896 = arith.mulf %mul3A_1882, %add3A_1895 : vector<16xf32>
        %add3A_1897 = arith.addf %add3A_1889, %mul3A_1896 : vector<16xf32>
        %mul3A_1898 = arith.constant -0.0608744808 : f32
        %mul3A_1899 = vector.broadcast %mul3A_1898 : f32 to vector<16xf32>
        %mul3A_1900 = arith.mulf %mul3A_1899, %mul3A_1881 : vector<16xf32>
        %add3A_1901 = arith.constant 0.100022055 : f32
        %add3A_1902 = vector.broadcast %add3A_1901 : f32 to vector<16xf32>
        %add3A_1903 = arith.addf %add3A_1902, %mul3A_1900 : vector<16xf32>
        %mul3A_1904 = arith.constant -0.00502106408 : f32
        %mul3A_1905 = vector.broadcast %mul3A_1904 : f32 to vector<16xf32>
        %mul3A_1906 = arith.mulf %mul3A_1905, %mul3A_1881 : vector<16xf32>
        %add3A_1907 = arith.constant 2.533170e-02 : f32
        %add3A_1908 = vector.broadcast %add3A_1907 : f32 to vector<16xf32>
        %add3A_1909 = arith.addf %add3A_1908, %mul3A_1906 : vector<16xf32>
        %mul3A_1910 = arith.mulf %mul3A_1882, %add3A_1909 : vector<16xf32>
        %add3A_1911 = arith.addf %add3A_1903, %mul3A_1910 : vector<16xf32>
        %mul3A_1912 = arith.mulf %mul3A_1883, %add3A_1911 : vector<16xf32>
        %add3A_1913 = arith.addf %add3A_1897, %mul3A_1912 : vector<16xf32>
        %mul3A_1914 = arith.mulf %exp3A_1880, %add3A_1913 : vector<16xf32>
        %le3A_1915 = arith.constant 0.000000e+00 : f32
        %le3A_1916 = vector.broadcast %le3A_1915 : f32 to vector<16xf32>
        %le3A_1917 = arith.cmpf ole, %mul3A_1875, %le3A_1916 : vector<16xf32>
        %mul3A_1918 = arith.constant 2.000000e+00 : f32
        %mul3A_1919 = vector.broadcast %mul3A_1918 : f32 to vector<16xf32>
        %mul3A_1920 = arith.mulf %mul3A_1919, %mul3A_1914 : vector<16xf32>
        %mul3A_1921 = arith.constant 2.000000e+00 : f32
        %mul3A_1922 = vector.broadcast %mul3A_1921 : f32 to vector<16xf32>
        %mul3A_1923 = arith.mulf %mul3A_1922, %mul3A_1914 : vector<16xf32>
        %sub3A_1924 = arith.constant 3.14159274 : f32
        %sub3A_1925 = vector.broadcast %sub3A_1924 : f32 to vector<16xf32>
        %sub3A_1926 = arith.subf %sub3A_1925, %mul3A_1923 : vector<16xf32>
        %select_n3A_1927 = arith.select %le3A_1917, %mul3A_1920, %sub3A_1926 : vector<16xi1>, vector<16xf32>
        %jit3A_1928 = arith.constant 0.000000e+00 : f32
        %broadcast_in_dim3A_1929 = vector.broadcast %jit3A_1928 : f32 to vector<16xf32>
        %select_n3A_1930 = arith.select %lt3A_4, %select_n3A_1927, %broadcast_in_dim3A_1929 : vector<16xi1>, vector<16xf32>
        %add3A_1931 = arith.addf %broadcast_in_dim3A_5, %add3A_1808 : vector<16xf32>
        %add3A_1932 = arith.addf %add3A_1931, %add3A_1630 : vector<16xf32>
        %sub3A_1933 = arith.subf %add3A_1932, %mul3A_845 : vector<16xf32>
        %mul3A_1934 = arith.constant 5.000000e-01 : f32
        %mul3A_1935 = vector.broadcast %mul3A_1934 : f32 to vector<16xf32>
        %mul3A_1936 = arith.mulf %mul3A_1935, %sub3A_1933 : vector<16xf32>
        %abs3A_1937 = math.absf %mul3A_1936 : vector<16xf32>
        %neg3A_1938 = arith.constant 0.000000e+00 : f32
        %neg3A_1939 = vector.broadcast %neg3A_1938 : f32 to vector<16xf32>
        %neg3A_1940 = arith.subf %neg3A_1939, %abs3A_1937 : vector<16xf32>
        %exp3A_1941 = math.exp %neg3A_1940 : vector<16xf32>
        %mul3A_1942 = arith.mulf %exp3A_1941, %exp3A_1941 : vector<16xf32>
        %mul3A_1943 = arith.mulf %mul3A_1942, %mul3A_1942 : vector<16xf32>
        %mul3A_1944 = arith.mulf %mul3A_1943, %mul3A_1943 : vector<16xf32>
        %mul3A_1945 = arith.constant -0.333322316 : f32
        %mul3A_1946 = vector.broadcast %mul3A_1945 : f32 to vector<16xf32>
        %mul3A_1947 = arith.mulf %mul3A_1946, %mul3A_1942 : vector<16xf32>
        %add3A_1948 = arith.constant 0.99999994 : f32
        %add3A_1949 = vector.broadcast %add3A_1948 : f32 to vector<16xf32>
        %add3A_1950 = arith.addf %add3A_1949, %mul3A_1947 : vector<16xf32>
        %mul3A_1951 = arith.constant -0.140478209 : f32
        %mul3A_1952 = vector.broadcast %mul3A_1951 : f32 to vector<16xf32>
        %mul3A_1953 = arith.mulf %mul3A_1952, %mul3A_1942 : vector<16xf32>
        %add3A_1954 = arith.constant 0.199740291 : f32
        %add3A_1955 = vector.broadcast %add3A_1954 : f32 to vector<16xf32>
        %add3A_1956 = arith.addf %add3A_1955, %mul3A_1953 : vector<16xf32>
        %mul3A_1957 = arith.mulf %mul3A_1943, %add3A_1956 : vector<16xf32>
        %add3A_1958 = arith.addf %add3A_1950, %mul3A_1957 : vector<16xf32>
        %mul3A_1959 = arith.constant -0.0608744808 : f32
        %mul3A_1960 = vector.broadcast %mul3A_1959 : f32 to vector<16xf32>
        %mul3A_1961 = arith.mulf %mul3A_1960, %mul3A_1942 : vector<16xf32>
        %add3A_1962 = arith.constant 0.100022055 : f32
        %add3A_1963 = vector.broadcast %add3A_1962 : f32 to vector<16xf32>
        %add3A_1964 = arith.addf %add3A_1963, %mul3A_1961 : vector<16xf32>
        %mul3A_1965 = arith.constant -0.00502106408 : f32
        %mul3A_1966 = vector.broadcast %mul3A_1965 : f32 to vector<16xf32>
        %mul3A_1967 = arith.mulf %mul3A_1966, %mul3A_1942 : vector<16xf32>
        %add3A_1968 = arith.constant 2.533170e-02 : f32
        %add3A_1969 = vector.broadcast %add3A_1968 : f32 to vector<16xf32>
        %add3A_1970 = arith.addf %add3A_1969, %mul3A_1967 : vector<16xf32>
        %mul3A_1971 = arith.mulf %mul3A_1943, %add3A_1970 : vector<16xf32>
        %add3A_1972 = arith.addf %add3A_1964, %mul3A_1971 : vector<16xf32>
        %mul3A_1973 = arith.mulf %mul3A_1944, %add3A_1972 : vector<16xf32>
        %add3A_1974 = arith.addf %add3A_1958, %mul3A_1973 : vector<16xf32>
        %mul3A_1975 = arith.mulf %exp3A_1941, %add3A_1974 : vector<16xf32>
        %le3A_1976 = arith.constant 0.000000e+00 : f32
        %le3A_1977 = vector.broadcast %le3A_1976 : f32 to vector<16xf32>
        %le3A_1978 = arith.cmpf ole, %mul3A_1936, %le3A_1977 : vector<16xf32>
        %mul3A_1979 = arith.constant 2.000000e+00 : f32
        %mul3A_1980 = vector.broadcast %mul3A_1979 : f32 to vector<16xf32>
        %mul3A_1981 = arith.mulf %mul3A_1980, %mul3A_1975 : vector<16xf32>
        %mul3A_1982 = arith.constant 2.000000e+00 : f32
        %mul3A_1983 = vector.broadcast %mul3A_1982 : f32 to vector<16xf32>
        %mul3A_1984 = arith.mulf %mul3A_1983, %mul3A_1975 : vector<16xf32>
        %sub3A_1985 = arith.constant 3.14159274 : f32
        %sub3A_1986 = vector.broadcast %sub3A_1985 : f32 to vector<16xf32>
        %sub3A_1987 = arith.subf %sub3A_1986, %mul3A_1984 : vector<16xf32>
        %select_n3A_1988 = arith.select %le3A_1978, %mul3A_1981, %sub3A_1987 : vector<16xi1>, vector<16xf32>
        %jit3A_1989 = arith.constant 0.000000e+00 : f32
        %broadcast_in_dim3A_1990 = vector.broadcast %jit3A_1989 : f32 to vector<16xf32>
        %select_n3A_1991 = arith.select %lt3A_4, %select_n3A_1988, %broadcast_in_dim3A_1990 : vector<16xi1>, vector<16xf32>
        %add3A_1992 = arith.addf %broadcast_in_dim3A_5, %add3A_1630 : vector<16xf32>
        %sub3A_1993 = arith.subf %add3A_1992, %mul3A_864 : vector<16xf32>
        %mul3A_1994 = arith.constant 5.000000e-01 : f32
        %mul3A_1995 = vector.broadcast %mul3A_1994 : f32 to vector<16xf32>
        %mul3A_1996 = arith.mulf %mul3A_1995, %sub3A_1993 : vector<16xf32>
        %abs3A_1997 = math.absf %mul3A_1996 : vector<16xf32>
        %neg3A_1998 = arith.constant 0.000000e+00 : f32
        %neg3A_1999 = vector.broadcast %neg3A_1998 : f32 to vector<16xf32>
        %neg3A_2000 = arith.subf %neg3A_1999, %abs3A_1997 : vector<16xf32>
        %exp3A_2001 = math.exp %neg3A_2000 : vector<16xf32>
        %mul3A_2002 = arith.mulf %exp3A_2001, %exp3A_2001 : vector<16xf32>
        %mul3A_2003 = arith.mulf %mul3A_2002, %mul3A_2002 : vector<16xf32>
        %mul3A_2004 = arith.mulf %mul3A_2003, %mul3A_2003 : vector<16xf32>
        %mul3A_2005 = arith.constant -0.333322316 : f32
        %mul3A_2006 = vector.broadcast %mul3A_2005 : f32 to vector<16xf32>
        %mul3A_2007 = arith.mulf %mul3A_2006, %mul3A_2002 : vector<16xf32>
        %add3A_2008 = arith.constant 0.99999994 : f32
        %add3A_2009 = vector.broadcast %add3A_2008 : f32 to vector<16xf32>
        %add3A_2010 = arith.addf %add3A_2009, %mul3A_2007 : vector<16xf32>
        %mul3A_2011 = arith.constant -0.140478209 : f32
        %mul3A_2012 = vector.broadcast %mul3A_2011 : f32 to vector<16xf32>
        %mul3A_2013 = arith.mulf %mul3A_2012, %mul3A_2002 : vector<16xf32>
        %add3A_2014 = arith.constant 0.199740291 : f32
        %add3A_2015 = vector.broadcast %add3A_2014 : f32 to vector<16xf32>
        %add3A_2016 = arith.addf %add3A_2015, %mul3A_2013 : vector<16xf32>
        %mul3A_2017 = arith.mulf %mul3A_2003, %add3A_2016 : vector<16xf32>
        %add3A_2018 = arith.addf %add3A_2010, %mul3A_2017 : vector<16xf32>
        %mul3A_2019 = arith.constant -0.0608744808 : f32
        %mul3A_2020 = vector.broadcast %mul3A_2019 : f32 to vector<16xf32>
        %mul3A_2021 = arith.mulf %mul3A_2020, %mul3A_2002 : vector<16xf32>
        %add3A_2022 = arith.constant 0.100022055 : f32
        %add3A_2023 = vector.broadcast %add3A_2022 : f32 to vector<16xf32>
        %add3A_2024 = arith.addf %add3A_2023, %mul3A_2021 : vector<16xf32>
        %mul3A_2025 = arith.constant -0.00502106408 : f32
        %mul3A_2026 = vector.broadcast %mul3A_2025 : f32 to vector<16xf32>
        %mul3A_2027 = arith.mulf %mul3A_2026, %mul3A_2002 : vector<16xf32>
        %add3A_2028 = arith.constant 2.533170e-02 : f32
        %add3A_2029 = vector.broadcast %add3A_2028 : f32 to vector<16xf32>
        %add3A_2030 = arith.addf %add3A_2029, %mul3A_2027 : vector<16xf32>
        %mul3A_2031 = arith.mulf %mul3A_2003, %add3A_2030 : vector<16xf32>
        %add3A_2032 = arith.addf %add3A_2024, %mul3A_2031 : vector<16xf32>
        %mul3A_2033 = arith.mulf %mul3A_2004, %add3A_2032 : vector<16xf32>
        %add3A_2034 = arith.addf %add3A_2018, %mul3A_2033 : vector<16xf32>
        %mul3A_2035 = arith.mulf %exp3A_2001, %add3A_2034 : vector<16xf32>
        %le3A_2036 = arith.constant 0.000000e+00 : f32
        %le3A_2037 = vector.broadcast %le3A_2036 : f32 to vector<16xf32>
        %le3A_2038 = arith.cmpf ole, %mul3A_1996, %le3A_2037 : vector<16xf32>
        %mul3A_2039 = arith.constant 2.000000e+00 : f32
        %mul3A_2040 = vector.broadcast %mul3A_2039 : f32 to vector<16xf32>
        %mul3A_2041 = arith.mulf %mul3A_2040, %mul3A_2035 : vector<16xf32>
        %mul3A_2042 = arith.constant 2.000000e+00 : f32
        %mul3A_2043 = vector.broadcast %mul3A_2042 : f32 to vector<16xf32>
        %mul3A_2044 = arith.mulf %mul3A_2043, %mul3A_2035 : vector<16xf32>
        %sub3A_2045 = arith.constant 3.14159274 : f32
        %sub3A_2046 = vector.broadcast %sub3A_2045 : f32 to vector<16xf32>
        %sub3A_2047 = arith.subf %sub3A_2046, %mul3A_2044 : vector<16xf32>
        %select_n3A_2048 = arith.select %le3A_2038, %mul3A_2041, %sub3A_2047 : vector<16xi1>, vector<16xf32>
        %jit3A_2049 = arith.constant 0.000000e+00 : f32
        %broadcast_in_dim3A_2050 = vector.broadcast %jit3A_2049 : f32 to vector<16xf32>
        %select_n3A_2051 = arith.select %lt3A_4, %select_n3A_2048, %broadcast_in_dim3A_2050 : vector<16xi1>, vector<16xf32>
        %add3A_2052 = arith.addf %broadcast_in_dim3A_5, %add3A_1658 : vector<16xf32>
        %sub3A_2053 = arith.subf %add3A_2052, %mul3A_864 : vector<16xf32>
        %mul3A_2054 = arith.constant 5.000000e-01 : f32
        %mul3A_2055 = vector.broadcast %mul3A_2054 : f32 to vector<16xf32>
        %mul3A_2056 = arith.mulf %mul3A_2055, %sub3A_2053 : vector<16xf32>
        %abs3A_2057 = math.absf %mul3A_2056 : vector<16xf32>
        %neg3A_2058 = arith.constant 0.000000e+00 : f32
        %neg3A_2059 = vector.broadcast %neg3A_2058 : f32 to vector<16xf32>
        %neg3A_2060 = arith.subf %neg3A_2059, %abs3A_2057 : vector<16xf32>
        %exp3A_2061 = math.exp %neg3A_2060 : vector<16xf32>
        %mul3A_2062 = arith.mulf %exp3A_2061, %exp3A_2061 : vector<16xf32>
        %mul3A_2063 = arith.mulf %mul3A_2062, %mul3A_2062 : vector<16xf32>
        %mul3A_2064 = arith.mulf %mul3A_2063, %mul3A_2063 : vector<16xf32>
        %mul3A_2065 = arith.constant -0.333322316 : f32
        %mul3A_2066 = vector.broadcast %mul3A_2065 : f32 to vector<16xf32>
        %mul3A_2067 = arith.mulf %mul3A_2066, %mul3A_2062 : vector<16xf32>
        %add3A_2068 = arith.constant 0.99999994 : f32
        %add3A_2069 = vector.broadcast %add3A_2068 : f32 to vector<16xf32>
        %add3A_2070 = arith.addf %add3A_2069, %mul3A_2067 : vector<16xf32>
        %mul3A_2071 = arith.constant -0.140478209 : f32
        %mul3A_2072 = vector.broadcast %mul3A_2071 : f32 to vector<16xf32>
        %mul3A_2073 = arith.mulf %mul3A_2072, %mul3A_2062 : vector<16xf32>
        %add3A_2074 = arith.constant 0.199740291 : f32
        %add3A_2075 = vector.broadcast %add3A_2074 : f32 to vector<16xf32>
        %add3A_2076 = arith.addf %add3A_2075, %mul3A_2073 : vector<16xf32>
        %mul3A_2077 = arith.mulf %mul3A_2063, %add3A_2076 : vector<16xf32>
        %add3A_2078 = arith.addf %add3A_2070, %mul3A_2077 : vector<16xf32>
        %mul3A_2079 = arith.constant -0.0608744808 : f32
        %mul3A_2080 = vector.broadcast %mul3A_2079 : f32 to vector<16xf32>
        %mul3A_2081 = arith.mulf %mul3A_2080, %mul3A_2062 : vector<16xf32>
        %add3A_2082 = arith.constant 0.100022055 : f32
        %add3A_2083 = vector.broadcast %add3A_2082 : f32 to vector<16xf32>
        %add3A_2084 = arith.addf %add3A_2083, %mul3A_2081 : vector<16xf32>
        %mul3A_2085 = arith.constant -0.00502106408 : f32
        %mul3A_2086 = vector.broadcast %mul3A_2085 : f32 to vector<16xf32>
        %mul3A_2087 = arith.mulf %mul3A_2086, %mul3A_2062 : vector<16xf32>
        %add3A_2088 = arith.constant 2.533170e-02 : f32
        %add3A_2089 = vector.broadcast %add3A_2088 : f32 to vector<16xf32>
        %add3A_2090 = arith.addf %add3A_2089, %mul3A_2087 : vector<16xf32>
        %mul3A_2091 = arith.mulf %mul3A_2063, %add3A_2090 : vector<16xf32>
        %add3A_2092 = arith.addf %add3A_2084, %mul3A_2091 : vector<16xf32>
        %mul3A_2093 = arith.mulf %mul3A_2064, %add3A_2092 : vector<16xf32>
        %add3A_2094 = arith.addf %add3A_2078, %mul3A_2093 : vector<16xf32>
        %mul3A_2095 = arith.mulf %exp3A_2061, %add3A_2094 : vector<16xf32>
        %le3A_2096 = arith.constant 0.000000e+00 : f32
        %le3A_2097 = vector.broadcast %le3A_2096 : f32 to vector<16xf32>
        %le3A_2098 = arith.cmpf ole, %mul3A_2056, %le3A_2097 : vector<16xf32>
        %mul3A_2099 = arith.constant 2.000000e+00 : f32
        %mul3A_2100 = vector.broadcast %mul3A_2099 : f32 to vector<16xf32>
        %mul3A_2101 = arith.mulf %mul3A_2100, %mul3A_2095 : vector<16xf32>
        %mul3A_2102 = arith.constant 2.000000e+00 : f32
        %mul3A_2103 = vector.broadcast %mul3A_2102 : f32 to vector<16xf32>
        %mul3A_2104 = arith.mulf %mul3A_2103, %mul3A_2095 : vector<16xf32>
        %sub3A_2105 = arith.constant 3.14159274 : f32
        %sub3A_2106 = vector.broadcast %sub3A_2105 : f32 to vector<16xf32>
        %sub3A_2107 = arith.subf %sub3A_2106, %mul3A_2104 : vector<16xf32>
        %select_n3A_2108 = arith.select %le3A_2098, %mul3A_2101, %sub3A_2107 : vector<16xi1>, vector<16xf32>
        %jit3A_2109 = arith.constant 0.000000e+00 : f32
        %broadcast_in_dim3A_2110 = vector.broadcast %jit3A_2109 : f32 to vector<16xf32>
        %select_n3A_2111 = arith.select %lt3A_4, %select_n3A_2108, %broadcast_in_dim3A_2110 : vector<16xi1>, vector<16xf32>
        %xor3A_2112 = arith.constant 1 : i32
        %xor3A_2113 = vector.broadcast %xor3A_2112 : i32 to vector<16xi32>
        %xor3A_2114 = arith.xori %iota3A, %xor3A_2113 : vector<16xi32>
        %broadcast_in_dim3A_2115 = vector.shape_cast %xor3A_2114 : vector<16xi32> to vector<16x1xi32>
        %gather3A_2116 = vector.shape_cast %broadcast_in_dim3A_2115 : vector<16x1xi32> to vector<16xi32>
        %gather3A_2117 = tpu.dynamic_gather %select_n3A_1304[%gather3A_2116] in [0] : vector<16xf32>, vector<16xi32> -> vector<16xf32>
        %add3A_2118 = arith.addf %select_n3A_1304, %gather3A_2117 : vector<16xf32>
        %xor3A_2119 = arith.constant 2 : i32
        %xor3A_2120 = vector.broadcast %xor3A_2119 : i32 to vector<16xi32>
        %xor3A_2121 = arith.xori %iota3A, %xor3A_2120 : vector<16xi32>
        %broadcast_in_dim3A_2122 = vector.shape_cast %xor3A_2121 : vector<16xi32> to vector<16x1xi32>
        %gather3A_2123 = vector.shape_cast %broadcast_in_dim3A_2122 : vector<16x1xi32> to vector<16xi32>
        %gather3A_2124 = tpu.dynamic_gather %add3A_2118[%gather3A_2123] in [0] : vector<16xf32>, vector<16xi32> -> vector<16xf32>
        %add3A_2125 = arith.addf %add3A_2118, %gather3A_2124 : vector<16xf32>
        %xor3A_2126 = arith.constant 4 : i32
        %xor3A_2127 = vector.broadcast %xor3A_2126 : i32 to vector<16xi32>
        %xor3A_2128 = arith.xori %iota3A, %xor3A_2127 : vector<16xi32>
        %broadcast_in_dim3A_2129 = vector.shape_cast %xor3A_2128 : vector<16xi32> to vector<16x1xi32>
        %gather3A_2130 = vector.shape_cast %broadcast_in_dim3A_2129 : vector<16x1xi32> to vector<16xi32>
        %gather3A_2131 = tpu.dynamic_gather %add3A_2125[%gather3A_2130] in [0] : vector<16xf32>, vector<16xi32> -> vector<16xf32>
        %add3A_2132 = arith.addf %add3A_2125, %gather3A_2131 : vector<16xf32>
        %xor3A_2133 = arith.constant 8 : i32
        %xor3A_2134 = vector.broadcast %xor3A_2133 : i32 to vector<16xi32>
        %xor3A_2135 = arith.xori %iota3A, %xor3A_2134 : vector<16xi32>
        %broadcast_in_dim3A_2136 = vector.shape_cast %xor3A_2135 : vector<16xi32> to vector<16x1xi32>
        %gather3A_2137 = vector.shape_cast %broadcast_in_dim3A_2136 : vector<16x1xi32> to vector<16xi32>
        %gather3A_2138 = tpu.dynamic_gather %add3A_2132[%gather3A_2137] in [0] : vector<16xf32>, vector<16xi32> -> vector<16xf32>
        %add3A_2139 = arith.addf %add3A_2132, %gather3A_2138 : vector<16xf32>
        %xor3A_2140 = arith.constant 1 : i32
        %xor3A_2141 = vector.broadcast %xor3A_2140 : i32 to vector<16xi32>
        %xor3A_2142 = arith.xori %iota3A, %xor3A_2141 : vector<16xi32>
        %broadcast_in_dim3A_2143 = vector.shape_cast %xor3A_2142 : vector<16xi32> to vector<16x1xi32>
        %gather3A_2144 = vector.shape_cast %broadcast_in_dim3A_2143 : vector<16x1xi32> to vector<16xi32>
        %gather3A_2145 = tpu.dynamic_gather %select_n3A_1869[%gather3A_2144] in [0] : vector<16xf32>, vector<16xi32> -> vector<16xf32>
        %add3A_2146 = arith.addf %select_n3A_1869, %gather3A_2145 : vector<16xf32>
        %xor3A_2147 = arith.constant 2 : i32
        %xor3A_2148 = vector.broadcast %xor3A_2147 : i32 to vector<16xi32>
        %xor3A_2149 = arith.xori %iota3A, %xor3A_2148 : vector<16xi32>
        %broadcast_in_dim3A_2150 = vector.shape_cast %xor3A_2149 : vector<16xi32> to vector<16x1xi32>
        %gather3A_2151 = vector.shape_cast %broadcast_in_dim3A_2150 : vector<16x1xi32> to vector<16xi32>
        %gather3A_2152 = tpu.dynamic_gather %add3A_2146[%gather3A_2151] in [0] : vector<16xf32>, vector<16xi32> -> vector<16xf32>
        %add3A_2153 = arith.addf %add3A_2146, %gather3A_2152 : vector<16xf32>
        %xor3A_2154 = arith.constant 4 : i32
        %xor3A_2155 = vector.broadcast %xor3A_2154 : i32 to vector<16xi32>
        %xor3A_2156 = arith.xori %iota3A, %xor3A_2155 : vector<16xi32>
        %broadcast_in_dim3A_2157 = vector.shape_cast %xor3A_2156 : vector<16xi32> to vector<16x1xi32>
        %gather3A_2158 = vector.shape_cast %broadcast_in_dim3A_2157 : vector<16x1xi32> to vector<16xi32>
        %gather3A_2159 = tpu.dynamic_gather %add3A_2153[%gather3A_2158] in [0] : vector<16xf32>, vector<16xi32> -> vector<16xf32>
        %add3A_2160 = arith.addf %add3A_2153, %gather3A_2159 : vector<16xf32>
        %xor3A_2161 = arith.constant 8 : i32
        %xor3A_2162 = vector.broadcast %xor3A_2161 : i32 to vector<16xi32>
        %xor3A_2163 = arith.xori %iota3A, %xor3A_2162 : vector<16xi32>
        %broadcast_in_dim3A_2164 = vector.shape_cast %xor3A_2163 : vector<16xi32> to vector<16x1xi32>
        %gather3A_2165 = vector.shape_cast %broadcast_in_dim3A_2164 : vector<16x1xi32> to vector<16xi32>
        %gather3A_2166 = tpu.dynamic_gather %add3A_2160[%gather3A_2165] in [0] : vector<16xf32>, vector<16xi32> -> vector<16xf32>
        %add3A_2167 = arith.addf %add3A_2160, %gather3A_2166 : vector<16xf32>
        %xor3A_2168 = arith.constant 1 : i32
        %xor3A_2169 = vector.broadcast %xor3A_2168 : i32 to vector<16xi32>
        %xor3A_2170 = arith.xori %iota3A, %xor3A_2169 : vector<16xi32>
        %broadcast_in_dim3A_2171 = vector.shape_cast %xor3A_2170 : vector<16xi32> to vector<16x1xi32>
        %gather3A_2172 = vector.shape_cast %broadcast_in_dim3A_2171 : vector<16x1xi32> to vector<16xi32>
        %gather3A_2173 = tpu.dynamic_gather %while3A_733[%gather3A_2172] in [0] : vector<16xf32>, vector<16xi32> -> vector<16xf32>
        %add3A_2174 = arith.addf %while3A_733, %gather3A_2173 : vector<16xf32>
        %xor3A_2175 = arith.constant 2 : i32
        %xor3A_2176 = vector.broadcast %xor3A_2175 : i32 to vector<16xi32>
        %xor3A_2177 = arith.xori %iota3A, %xor3A_2176 : vector<16xi32>
        %broadcast_in_dim3A_2178 = vector.shape_cast %xor3A_2177 : vector<16xi32> to vector<16x1xi32>
        %gather3A_2179 = vector.shape_cast %broadcast_in_dim3A_2178 : vector<16x1xi32> to vector<16xi32>
        %gather3A_2180 = tpu.dynamic_gather %add3A_2174[%gather3A_2179] in [0] : vector<16xf32>, vector<16xi32> -> vector<16xf32>
        %add3A_2181 = arith.addf %add3A_2174, %gather3A_2180 : vector<16xf32>
        %xor3A_2182 = arith.constant 4 : i32
        %xor3A_2183 = vector.broadcast %xor3A_2182 : i32 to vector<16xi32>
        %xor3A_2184 = arith.xori %iota3A, %xor3A_2183 : vector<16xi32>
        %broadcast_in_dim3A_2185 = vector.shape_cast %xor3A_2184 : vector<16xi32> to vector<16x1xi32>
        %gather3A_2186 = vector.shape_cast %broadcast_in_dim3A_2185 : vector<16x1xi32> to vector<16xi32>
        %gather3A_2187 = tpu.dynamic_gather %add3A_2181[%gather3A_2186] in [0] : vector<16xf32>, vector<16xi32> -> vector<16xf32>
        %add3A_2188 = arith.addf %add3A_2181, %gather3A_2187 : vector<16xf32>
        %xor3A_2189 = arith.constant 8 : i32
        %xor3A_2190 = vector.broadcast %xor3A_2189 : i32 to vector<16xi32>
        %xor3A_2191 = arith.xori %iota3A, %xor3A_2190 : vector<16xi32>
        %broadcast_in_dim3A_2192 = vector.shape_cast %xor3A_2191 : vector<16xi32> to vector<16x1xi32>
        %gather3A_2193 = vector.shape_cast %broadcast_in_dim3A_2192 : vector<16x1xi32> to vector<16xi32>
        %gather3A_2194 = tpu.dynamic_gather %add3A_2188[%gather3A_2193] in [0] : vector<16xf32>, vector<16xi32> -> vector<16xf32>
        %add3A_2195 = arith.addf %add3A_2188, %gather3A_2194 : vector<16xf32>
        %xor3A_2196 = arith.constant 1 : i32
        %xor3A_2197 = vector.broadcast %xor3A_2196 : i32 to vector<16xi32>
        %xor3A_2198 = arith.xori %iota3A, %xor3A_2197 : vector<16xi32>
        %broadcast_in_dim3A_2199 = vector.shape_cast %xor3A_2198 : vector<16xi32> to vector<16x1xi32>
        %gather3A_2200 = vector.shape_cast %broadcast_in_dim3A_2199 : vector<16x1xi32> to vector<16xi32>
        %gather3A_2201 = tpu.dynamic_gather %while3A_740[%gather3A_2200] in [0] : vector<16xf32>, vector<16xi32> -> vector<16xf32>
        %add3A_2202 = arith.addf %while3A_740, %gather3A_2201 : vector<16xf32>
        %xor3A_2203 = arith.constant 2 : i32
        %xor3A_2204 = vector.broadcast %xor3A_2203 : i32 to vector<16xi32>
        %xor3A_2205 = arith.xori %iota3A, %xor3A_2204 : vector<16xi32>
        %broadcast_in_dim3A_2206 = vector.shape_cast %xor3A_2205 : vector<16xi32> to vector<16x1xi32>
        %gather3A_2207 = vector.shape_cast %broadcast_in_dim3A_2206 : vector<16x1xi32> to vector<16xi32>
        %gather3A_2208 = tpu.dynamic_gather %add3A_2202[%gather3A_2207] in [0] : vector<16xf32>, vector<16xi32> -> vector<16xf32>
        %add3A_2209 = arith.addf %add3A_2202, %gather3A_2208 : vector<16xf32>
        %xor3A_2210 = arith.constant 4 : i32
        %xor3A_2211 = vector.broadcast %xor3A_2210 : i32 to vector<16xi32>
        %xor3A_2212 = arith.xori %iota3A, %xor3A_2211 : vector<16xi32>
        %broadcast_in_dim3A_2213 = vector.shape_cast %xor3A_2212 : vector<16xi32> to vector<16x1xi32>
        %gather3A_2214 = vector.shape_cast %broadcast_in_dim3A_2213 : vector<16x1xi32> to vector<16xi32>
        %gather3A_2215 = tpu.dynamic_gather %add3A_2209[%gather3A_2214] in [0] : vector<16xf32>, vector<16xi32> -> vector<16xf32>
        %add3A_2216 = arith.addf %add3A_2209, %gather3A_2215 : vector<16xf32>
        %xor3A_2217 = arith.constant 8 : i32
        %xor3A_2218 = vector.broadcast %xor3A_2217 : i32 to vector<16xi32>
        %xor3A_2219 = arith.xori %iota3A, %xor3A_2218 : vector<16xi32>
        %broadcast_in_dim3A_2220 = vector.shape_cast %xor3A_2219 : vector<16xi32> to vector<16x1xi32>
        %gather3A_2221 = vector.shape_cast %broadcast_in_dim3A_2220 : vector<16x1xi32> to vector<16xi32>
        %gather3A_2222 = tpu.dynamic_gather %add3A_2216[%gather3A_2221] in [0] : vector<16xf32>, vector<16xi32> -> vector<16xf32>
        %add3A_2223 = arith.addf %add3A_2216, %gather3A_2222 : vector<16xf32>
        %add3A_2224 = arith.addf %broadcast_in_dim3A_5, %add3A_2139 : vector<16xf32>
        %add3A_2225 = arith.addf %add3A_2224, %add3A_2223 : vector<16xf32>
        %sub3A_2226 = arith.subf %add3A_2225, %mul3A_867 : vector<16xf32>
        %mul3A_2227 = arith.constant 5.000000e-01 : f32
        %mul3A_2228 = vector.broadcast %mul3A_2227 : f32 to vector<16xf32>
        %mul3A_2229 = arith.mulf %mul3A_2228, %sub3A_2226 : vector<16xf32>
        %abs3A_2230 = math.absf %mul3A_2229 : vector<16xf32>
        %neg3A_2231 = arith.constant 0.000000e+00 : f32
        %neg3A_2232 = vector.broadcast %neg3A_2231 : f32 to vector<16xf32>
        %neg3A_2233 = arith.subf %neg3A_2232, %abs3A_2230 : vector<16xf32>
        %exp3A_2234 = math.exp %neg3A_2233 : vector<16xf32>
        %mul3A_2235 = arith.mulf %exp3A_2234, %exp3A_2234 : vector<16xf32>
        %mul3A_2236 = arith.mulf %mul3A_2235, %mul3A_2235 : vector<16xf32>
        %mul3A_2237 = arith.mulf %mul3A_2236, %mul3A_2236 : vector<16xf32>
        %mul3A_2238 = arith.constant -0.333322316 : f32
        %mul3A_2239 = vector.broadcast %mul3A_2238 : f32 to vector<16xf32>
        %mul3A_2240 = arith.mulf %mul3A_2239, %mul3A_2235 : vector<16xf32>
        %add3A_2241 = arith.constant 0.99999994 : f32
        %add3A_2242 = vector.broadcast %add3A_2241 : f32 to vector<16xf32>
        %add3A_2243 = arith.addf %add3A_2242, %mul3A_2240 : vector<16xf32>
        %mul3A_2244 = arith.constant -0.140478209 : f32
        %mul3A_2245 = vector.broadcast %mul3A_2244 : f32 to vector<16xf32>
        %mul3A_2246 = arith.mulf %mul3A_2245, %mul3A_2235 : vector<16xf32>
        %add3A_2247 = arith.constant 0.199740291 : f32
        %add3A_2248 = vector.broadcast %add3A_2247 : f32 to vector<16xf32>
        %add3A_2249 = arith.addf %add3A_2248, %mul3A_2246 : vector<16xf32>
        %mul3A_2250 = arith.mulf %mul3A_2236, %add3A_2249 : vector<16xf32>
        %add3A_2251 = arith.addf %add3A_2243, %mul3A_2250 : vector<16xf32>
        %mul3A_2252 = arith.constant -0.0608744808 : f32
        %mul3A_2253 = vector.broadcast %mul3A_2252 : f32 to vector<16xf32>
        %mul3A_2254 = arith.mulf %mul3A_2253, %mul3A_2235 : vector<16xf32>
        %add3A_2255 = arith.constant 0.100022055 : f32
        %add3A_2256 = vector.broadcast %add3A_2255 : f32 to vector<16xf32>
        %add3A_2257 = arith.addf %add3A_2256, %mul3A_2254 : vector<16xf32>
        %mul3A_2258 = arith.constant -0.00502106408 : f32
        %mul3A_2259 = vector.broadcast %mul3A_2258 : f32 to vector<16xf32>
        %mul3A_2260 = arith.mulf %mul3A_2259, %mul3A_2235 : vector<16xf32>
        %add3A_2261 = arith.constant 2.533170e-02 : f32
        %add3A_2262 = vector.broadcast %add3A_2261 : f32 to vector<16xf32>
        %add3A_2263 = arith.addf %add3A_2262, %mul3A_2260 : vector<16xf32>
        %mul3A_2264 = arith.mulf %mul3A_2236, %add3A_2263 : vector<16xf32>
        %add3A_2265 = arith.addf %add3A_2257, %mul3A_2264 : vector<16xf32>
        %mul3A_2266 = arith.mulf %mul3A_2237, %add3A_2265 : vector<16xf32>
        %add3A_2267 = arith.addf %add3A_2251, %mul3A_2266 : vector<16xf32>
        %mul3A_2268 = arith.mulf %exp3A_2234, %add3A_2267 : vector<16xf32>
        %le3A_2269 = arith.constant 0.000000e+00 : f32
        %le3A_2270 = vector.broadcast %le3A_2269 : f32 to vector<16xf32>
        %le3A_2271 = arith.cmpf ole, %mul3A_2229, %le3A_2270 : vector<16xf32>
        %mul3A_2272 = arith.constant 2.000000e+00 : f32
        %mul3A_2273 = vector.broadcast %mul3A_2272 : f32 to vector<16xf32>
        %mul3A_2274 = arith.mulf %mul3A_2273, %mul3A_2268 : vector<16xf32>
        %mul3A_2275 = arith.constant 2.000000e+00 : f32
        %mul3A_2276 = vector.broadcast %mul3A_2275 : f32 to vector<16xf32>
        %mul3A_2277 = arith.mulf %mul3A_2276, %mul3A_2268 : vector<16xf32>
        %sub3A_2278 = arith.constant 3.14159274 : f32
        %sub3A_2279 = vector.broadcast %sub3A_2278 : f32 to vector<16xf32>
        %sub3A_2280 = arith.subf %sub3A_2279, %mul3A_2277 : vector<16xf32>
        %select_n3A_2281 = arith.select %le3A_2271, %mul3A_2274, %sub3A_2280 : vector<16xi1>, vector<16xf32>
        %jit3A_2282 = arith.constant 0.000000e+00 : f32
        %broadcast_in_dim3A_2283 = vector.broadcast %jit3A_2282 : f32 to vector<16xf32>
        %select_n3A_2284 = arith.select %lt3A_4, %select_n3A_2281, %broadcast_in_dim3A_2283 : vector<16xi1>, vector<16xf32>
        %add3A_2285 = arith.addf %broadcast_in_dim3A_5, %add3A_2139 : vector<16xf32>
        %add3A_2286 = arith.addf %add3A_2285, %add3A_2195 : vector<16xf32>
        %sub3A_2287 = arith.subf %add3A_2286, %mul3A_867 : vector<16xf32>
        %mul3A_2288 = arith.constant 5.000000e-01 : f32
        %mul3A_2289 = vector.broadcast %mul3A_2288 : f32 to vector<16xf32>
        %mul3A_2290 = arith.mulf %mul3A_2289, %sub3A_2287 : vector<16xf32>
        %abs3A_2291 = math.absf %mul3A_2290 : vector<16xf32>
        %neg3A_2292 = arith.constant 0.000000e+00 : f32
        %neg3A_2293 = vector.broadcast %neg3A_2292 : f32 to vector<16xf32>
        %neg3A_2294 = arith.subf %neg3A_2293, %abs3A_2291 : vector<16xf32>
        %exp3A_2295 = math.exp %neg3A_2294 : vector<16xf32>
        %mul3A_2296 = arith.mulf %exp3A_2295, %exp3A_2295 : vector<16xf32>
        %mul3A_2297 = arith.mulf %mul3A_2296, %mul3A_2296 : vector<16xf32>
        %mul3A_2298 = arith.mulf %mul3A_2297, %mul3A_2297 : vector<16xf32>
        %mul3A_2299 = arith.constant -0.333322316 : f32
        %mul3A_2300 = vector.broadcast %mul3A_2299 : f32 to vector<16xf32>
        %mul3A_2301 = arith.mulf %mul3A_2300, %mul3A_2296 : vector<16xf32>
        %add3A_2302 = arith.constant 0.99999994 : f32
        %add3A_2303 = vector.broadcast %add3A_2302 : f32 to vector<16xf32>
        %add3A_2304 = arith.addf %add3A_2303, %mul3A_2301 : vector<16xf32>
        %mul3A_2305 = arith.constant -0.140478209 : f32
        %mul3A_2306 = vector.broadcast %mul3A_2305 : f32 to vector<16xf32>
        %mul3A_2307 = arith.mulf %mul3A_2306, %mul3A_2296 : vector<16xf32>
        %add3A_2308 = arith.constant 0.199740291 : f32
        %add3A_2309 = vector.broadcast %add3A_2308 : f32 to vector<16xf32>
        %add3A_2310 = arith.addf %add3A_2309, %mul3A_2307 : vector<16xf32>
        %mul3A_2311 = arith.mulf %mul3A_2297, %add3A_2310 : vector<16xf32>
        %add3A_2312 = arith.addf %add3A_2304, %mul3A_2311 : vector<16xf32>
        %mul3A_2313 = arith.constant -0.0608744808 : f32
        %mul3A_2314 = vector.broadcast %mul3A_2313 : f32 to vector<16xf32>
        %mul3A_2315 = arith.mulf %mul3A_2314, %mul3A_2296 : vector<16xf32>
        %add3A_2316 = arith.constant 0.100022055 : f32
        %add3A_2317 = vector.broadcast %add3A_2316 : f32 to vector<16xf32>
        %add3A_2318 = arith.addf %add3A_2317, %mul3A_2315 : vector<16xf32>
        %mul3A_2319 = arith.constant -0.00502106408 : f32
        %mul3A_2320 = vector.broadcast %mul3A_2319 : f32 to vector<16xf32>
        %mul3A_2321 = arith.mulf %mul3A_2320, %mul3A_2296 : vector<16xf32>
        %add3A_2322 = arith.constant 2.533170e-02 : f32
        %add3A_2323 = vector.broadcast %add3A_2322 : f32 to vector<16xf32>
        %add3A_2324 = arith.addf %add3A_2323, %mul3A_2321 : vector<16xf32>
        %mul3A_2325 = arith.mulf %mul3A_2297, %add3A_2324 : vector<16xf32>
        %add3A_2326 = arith.addf %add3A_2318, %mul3A_2325 : vector<16xf32>
        %mul3A_2327 = arith.mulf %mul3A_2298, %add3A_2326 : vector<16xf32>
        %add3A_2328 = arith.addf %add3A_2312, %mul3A_2327 : vector<16xf32>
        %mul3A_2329 = arith.mulf %exp3A_2295, %add3A_2328 : vector<16xf32>
        %le3A_2330 = arith.constant 0.000000e+00 : f32
        %le3A_2331 = vector.broadcast %le3A_2330 : f32 to vector<16xf32>
        %le3A_2332 = arith.cmpf ole, %mul3A_2290, %le3A_2331 : vector<16xf32>
        %mul3A_2333 = arith.constant 2.000000e+00 : f32
        %mul3A_2334 = vector.broadcast %mul3A_2333 : f32 to vector<16xf32>
        %mul3A_2335 = arith.mulf %mul3A_2334, %mul3A_2329 : vector<16xf32>
        %mul3A_2336 = arith.constant 2.000000e+00 : f32
        %mul3A_2337 = vector.broadcast %mul3A_2336 : f32 to vector<16xf32>
        %mul3A_2338 = arith.mulf %mul3A_2337, %mul3A_2329 : vector<16xf32>
        %sub3A_2339 = arith.constant 3.14159274 : f32
        %sub3A_2340 = vector.broadcast %sub3A_2339 : f32 to vector<16xf32>
        %sub3A_2341 = arith.subf %sub3A_2340, %mul3A_2338 : vector<16xf32>
        %select_n3A_2342 = arith.select %le3A_2332, %mul3A_2335, %sub3A_2341 : vector<16xi1>, vector<16xf32>
        %jit3A_2343 = arith.constant 0.000000e+00 : f32
        %broadcast_in_dim3A_2344 = vector.broadcast %jit3A_2343 : f32 to vector<16xf32>
        %select_n3A_2345 = arith.select %lt3A_4, %select_n3A_2342, %broadcast_in_dim3A_2344 : vector<16xi1>, vector<16xf32>
        %add3A_2346 = arith.addf %broadcast_in_dim3A_5, %add3A_2139 : vector<16xf32>
        %add3A_2347 = arith.addf %add3A_2346, %add3A_2167 : vector<16xf32>
        %sub3A_2348 = arith.subf %add3A_2347, %mul3A_886 : vector<16xf32>
        %mul3A_2349 = arith.constant 5.000000e-01 : f32
        %mul3A_2350 = vector.broadcast %mul3A_2349 : f32 to vector<16xf32>
        %mul3A_2351 = arith.mulf %mul3A_2350, %sub3A_2348 : vector<16xf32>
        %abs3A_2352 = math.absf %mul3A_2351 : vector<16xf32>
        %neg3A_2353 = arith.constant 0.000000e+00 : f32
        %neg3A_2354 = vector.broadcast %neg3A_2353 : f32 to vector<16xf32>
        %neg3A_2355 = arith.subf %neg3A_2354, %abs3A_2352 : vector<16xf32>
        %exp3A_2356 = math.exp %neg3A_2355 : vector<16xf32>
        %mul3A_2357 = arith.mulf %exp3A_2356, %exp3A_2356 : vector<16xf32>
        %mul3A_2358 = arith.mulf %mul3A_2357, %mul3A_2357 : vector<16xf32>
        %mul3A_2359 = arith.mulf %mul3A_2358, %mul3A_2358 : vector<16xf32>
        %mul3A_2360 = arith.constant -0.333322316 : f32
        %mul3A_2361 = vector.broadcast %mul3A_2360 : f32 to vector<16xf32>
        %mul3A_2362 = arith.mulf %mul3A_2361, %mul3A_2357 : vector<16xf32>
        %add3A_2363 = arith.constant 0.99999994 : f32
        %add3A_2364 = vector.broadcast %add3A_2363 : f32 to vector<16xf32>
        %add3A_2365 = arith.addf %add3A_2364, %mul3A_2362 : vector<16xf32>
        %mul3A_2366 = arith.constant -0.140478209 : f32
        %mul3A_2367 = vector.broadcast %mul3A_2366 : f32 to vector<16xf32>
        %mul3A_2368 = arith.mulf %mul3A_2367, %mul3A_2357 : vector<16xf32>
        %add3A_2369 = arith.constant 0.199740291 : f32
        %add3A_2370 = vector.broadcast %add3A_2369 : f32 to vector<16xf32>
        %add3A_2371 = arith.addf %add3A_2370, %mul3A_2368 : vector<16xf32>
        %mul3A_2372 = arith.mulf %mul3A_2358, %add3A_2371 : vector<16xf32>
        %add3A_2373 = arith.addf %add3A_2365, %mul3A_2372 : vector<16xf32>
        %mul3A_2374 = arith.constant -0.0608744808 : f32
        %mul3A_2375 = vector.broadcast %mul3A_2374 : f32 to vector<16xf32>
        %mul3A_2376 = arith.mulf %mul3A_2375, %mul3A_2357 : vector<16xf32>
        %add3A_2377 = arith.constant 0.100022055 : f32
        %add3A_2378 = vector.broadcast %add3A_2377 : f32 to vector<16xf32>
        %add3A_2379 = arith.addf %add3A_2378, %mul3A_2376 : vector<16xf32>
        %mul3A_2380 = arith.constant -0.00502106408 : f32
        %mul3A_2381 = vector.broadcast %mul3A_2380 : f32 to vector<16xf32>
        %mul3A_2382 = arith.mulf %mul3A_2381, %mul3A_2357 : vector<16xf32>
        %add3A_2383 = arith.constant 2.533170e-02 : f32
        %add3A_2384 = vector.broadcast %add3A_2383 : f32 to vector<16xf32>
        %add3A_2385 = arith.addf %add3A_2384, %mul3A_2382 : vector<16xf32>
        %mul3A_2386 = arith.mulf %mul3A_2358, %add3A_2385 : vector<16xf32>
        %add3A_2387 = arith.addf %add3A_2379, %mul3A_2386 : vector<16xf32>
        %mul3A_2388 = arith.mulf %mul3A_2359, %add3A_2387 : vector<16xf32>
        %add3A_2389 = arith.addf %add3A_2373, %mul3A_2388 : vector<16xf32>
        %mul3A_2390 = arith.mulf %exp3A_2356, %add3A_2389 : vector<16xf32>
        %le3A_2391 = arith.constant 0.000000e+00 : f32
        %le3A_2392 = vector.broadcast %le3A_2391 : f32 to vector<16xf32>
        %le3A_2393 = arith.cmpf ole, %mul3A_2351, %le3A_2392 : vector<16xf32>
        %mul3A_2394 = arith.constant 2.000000e+00 : f32
        %mul3A_2395 = vector.broadcast %mul3A_2394 : f32 to vector<16xf32>
        %mul3A_2396 = arith.mulf %mul3A_2395, %mul3A_2390 : vector<16xf32>
        %mul3A_2397 = arith.constant 2.000000e+00 : f32
        %mul3A_2398 = vector.broadcast %mul3A_2397 : f32 to vector<16xf32>
        %mul3A_2399 = arith.mulf %mul3A_2398, %mul3A_2390 : vector<16xf32>
        %sub3A_2400 = arith.constant 3.14159274 : f32
        %sub3A_2401 = vector.broadcast %sub3A_2400 : f32 to vector<16xf32>
        %sub3A_2402 = arith.subf %sub3A_2401, %mul3A_2399 : vector<16xf32>
        %select_n3A_2403 = arith.select %le3A_2393, %mul3A_2396, %sub3A_2402 : vector<16xi1>, vector<16xf32>
        %jit3A_2404 = arith.constant 0.000000e+00 : f32
        %broadcast_in_dim3A_2405 = vector.broadcast %jit3A_2404 : f32 to vector<16xf32>
        %select_n3A_2406 = arith.select %lt3A_4, %select_n3A_2403, %broadcast_in_dim3A_2405 : vector<16xi1>, vector<16xf32>
        %xor3A_2407 = arith.constant 1 : i32
        %xor3A_2408 = vector.broadcast %xor3A_2407 : i32 to vector<16xi32>
        %xor3A_2409 = arith.xori %iota3A, %xor3A_2408 : vector<16xi32>
        %broadcast_in_dim3A_2410 = vector.shape_cast %xor3A_2409 : vector<16xi32> to vector<16x1xi32>
        %gather3A_2411 = vector.shape_cast %broadcast_in_dim3A_2410 : vector<16x1xi32> to vector<16xi32>
        %gather3A_2412 = tpu.dynamic_gather %select_n3A_2406[%gather3A_2411] in [0] : vector<16xf32>, vector<16xi32> -> vector<16xf32>
        %add3A_2413 = arith.addf %select_n3A_2406, %gather3A_2412 : vector<16xf32>
        %xor3A_2414 = arith.constant 2 : i32
        %xor3A_2415 = vector.broadcast %xor3A_2414 : i32 to vector<16xi32>
        %xor3A_2416 = arith.xori %iota3A, %xor3A_2415 : vector<16xi32>
        %broadcast_in_dim3A_2417 = vector.shape_cast %xor3A_2416 : vector<16xi32> to vector<16x1xi32>
        %gather3A_2418 = vector.shape_cast %broadcast_in_dim3A_2417 : vector<16x1xi32> to vector<16xi32>
        %gather3A_2419 = tpu.dynamic_gather %add3A_2413[%gather3A_2418] in [0] : vector<16xf32>, vector<16xi32> -> vector<16xf32>
        %add3A_2420 = arith.addf %add3A_2413, %gather3A_2419 : vector<16xf32>
        %xor3A_2421 = arith.constant 4 : i32
        %xor3A_2422 = vector.broadcast %xor3A_2421 : i32 to vector<16xi32>
        %xor3A_2423 = arith.xori %iota3A, %xor3A_2422 : vector<16xi32>
        %broadcast_in_dim3A_2424 = vector.shape_cast %xor3A_2423 : vector<16xi32> to vector<16x1xi32>
        %gather3A_2425 = vector.shape_cast %broadcast_in_dim3A_2424 : vector<16x1xi32> to vector<16xi32>
        %gather3A_2426 = tpu.dynamic_gather %add3A_2420[%gather3A_2425] in [0] : vector<16xf32>, vector<16xi32> -> vector<16xf32>
        %add3A_2427 = arith.addf %add3A_2420, %gather3A_2426 : vector<16xf32>
        %xor3A_2428 = arith.constant 8 : i32
        %xor3A_2429 = vector.broadcast %xor3A_2428 : i32 to vector<16xi32>
        %xor3A_2430 = arith.xori %iota3A, %xor3A_2429 : vector<16xi32>
        %broadcast_in_dim3A_2431 = vector.shape_cast %xor3A_2430 : vector<16xi32> to vector<16x1xi32>
        %gather3A_2432 = vector.shape_cast %broadcast_in_dim3A_2431 : vector<16x1xi32> to vector<16xi32>
        %gather3A_2433 = tpu.dynamic_gather %add3A_2427[%gather3A_2432] in [0] : vector<16xf32>, vector<16xi32> -> vector<16xf32>
        %add3A_2434 = arith.addf %add3A_2427, %gather3A_2433 : vector<16xf32>
        %add3A_2435 = arith.addf %broadcast_in_dim3A_5, %add3A_2167 : vector<16xf32>
        %add3A_2436 = arith.addf %add3A_2435, %add3A_2223 : vector<16xf32>
        %sub3A_2437 = arith.subf %add3A_2436, %mul3A_886 : vector<16xf32>
        %mul3A_2438 = arith.constant 5.000000e-01 : f32
        %mul3A_2439 = vector.broadcast %mul3A_2438 : f32 to vector<16xf32>
        %mul3A_2440 = arith.mulf %mul3A_2439, %sub3A_2437 : vector<16xf32>
        %abs3A_2441 = math.absf %mul3A_2440 : vector<16xf32>
        %neg3A_2442 = arith.constant 0.000000e+00 : f32
        %neg3A_2443 = vector.broadcast %neg3A_2442 : f32 to vector<16xf32>
        %neg3A_2444 = arith.subf %neg3A_2443, %abs3A_2441 : vector<16xf32>
        %exp3A_2445 = math.exp %neg3A_2444 : vector<16xf32>
        %mul3A_2446 = arith.mulf %exp3A_2445, %exp3A_2445 : vector<16xf32>
        %mul3A_2447 = arith.mulf %mul3A_2446, %mul3A_2446 : vector<16xf32>
        %mul3A_2448 = arith.mulf %mul3A_2447, %mul3A_2447 : vector<16xf32>
        %mul3A_2449 = arith.constant -0.333322316 : f32
        %mul3A_2450 = vector.broadcast %mul3A_2449 : f32 to vector<16xf32>
        %mul3A_2451 = arith.mulf %mul3A_2450, %mul3A_2446 : vector<16xf32>
        %add3A_2452 = arith.constant 0.99999994 : f32
        %add3A_2453 = vector.broadcast %add3A_2452 : f32 to vector<16xf32>
        %add3A_2454 = arith.addf %add3A_2453, %mul3A_2451 : vector<16xf32>
        %mul3A_2455 = arith.constant -0.140478209 : f32
        %mul3A_2456 = vector.broadcast %mul3A_2455 : f32 to vector<16xf32>
        %mul3A_2457 = arith.mulf %mul3A_2456, %mul3A_2446 : vector<16xf32>
        %add3A_2458 = arith.constant 0.199740291 : f32
        %add3A_2459 = vector.broadcast %add3A_2458 : f32 to vector<16xf32>
        %add3A_2460 = arith.addf %add3A_2459, %mul3A_2457 : vector<16xf32>
        %mul3A_2461 = arith.mulf %mul3A_2447, %add3A_2460 : vector<16xf32>
        %add3A_2462 = arith.addf %add3A_2454, %mul3A_2461 : vector<16xf32>
        %mul3A_2463 = arith.constant -0.0608744808 : f32
        %mul3A_2464 = vector.broadcast %mul3A_2463 : f32 to vector<16xf32>
        %mul3A_2465 = arith.mulf %mul3A_2464, %mul3A_2446 : vector<16xf32>
        %add3A_2466 = arith.constant 0.100022055 : f32
        %add3A_2467 = vector.broadcast %add3A_2466 : f32 to vector<16xf32>
        %add3A_2468 = arith.addf %add3A_2467, %mul3A_2465 : vector<16xf32>
        %mul3A_2469 = arith.constant -0.00502106408 : f32
        %mul3A_2470 = vector.broadcast %mul3A_2469 : f32 to vector<16xf32>
        %mul3A_2471 = arith.mulf %mul3A_2470, %mul3A_2446 : vector<16xf32>
        %add3A_2472 = arith.constant 2.533170e-02 : f32
        %add3A_2473 = vector.broadcast %add3A_2472 : f32 to vector<16xf32>
        %add3A_2474 = arith.addf %add3A_2473, %mul3A_2471 : vector<16xf32>
        %mul3A_2475 = arith.mulf %mul3A_2447, %add3A_2474 : vector<16xf32>
        %add3A_2476 = arith.addf %add3A_2468, %mul3A_2475 : vector<16xf32>
        %mul3A_2477 = arith.mulf %mul3A_2448, %add3A_2476 : vector<16xf32>
        %add3A_2478 = arith.addf %add3A_2462, %mul3A_2477 : vector<16xf32>
        %mul3A_2479 = arith.mulf %exp3A_2445, %add3A_2478 : vector<16xf32>
        %le3A_2480 = arith.constant 0.000000e+00 : f32
        %le3A_2481 = vector.broadcast %le3A_2480 : f32 to vector<16xf32>
        %le3A_2482 = arith.cmpf ole, %mul3A_2440, %le3A_2481 : vector<16xf32>
        %mul3A_2483 = arith.constant 2.000000e+00 : f32
        %mul3A_2484 = vector.broadcast %mul3A_2483 : f32 to vector<16xf32>
        %mul3A_2485 = arith.mulf %mul3A_2484, %mul3A_2479 : vector<16xf32>
        %mul3A_2486 = arith.constant 2.000000e+00 : f32
        %mul3A_2487 = vector.broadcast %mul3A_2486 : f32 to vector<16xf32>
        %mul3A_2488 = arith.mulf %mul3A_2487, %mul3A_2479 : vector<16xf32>
        %sub3A_2489 = arith.constant 3.14159274 : f32
        %sub3A_2490 = vector.broadcast %sub3A_2489 : f32 to vector<16xf32>
        %sub3A_2491 = arith.subf %sub3A_2490, %mul3A_2488 : vector<16xf32>
        %select_n3A_2492 = arith.select %le3A_2482, %mul3A_2485, %sub3A_2491 : vector<16xi1>, vector<16xf32>
        %jit3A_2493 = arith.constant 0.000000e+00 : f32
        %broadcast_in_dim3A_2494 = vector.broadcast %jit3A_2493 : f32 to vector<16xf32>
        %select_n3A_2495 = arith.select %lt3A_4, %select_n3A_2492, %broadcast_in_dim3A_2494 : vector<16xi1>, vector<16xf32>
        %add3A_2496 = arith.addf %broadcast_in_dim3A_5, %add3A_2167 : vector<16xf32>
        %add3A_2497 = arith.addf %add3A_2496, %add3A_2434 : vector<16xf32>
        %sub3A_2498 = arith.subf %add3A_2497, %mul3A_886 : vector<16xf32>
        %mul3A_2499 = arith.constant 5.000000e-01 : f32
        %mul3A_2500 = vector.broadcast %mul3A_2499 : f32 to vector<16xf32>
        %mul3A_2501 = arith.mulf %mul3A_2500, %sub3A_2498 : vector<16xf32>
        %abs3A_2502 = math.absf %mul3A_2501 : vector<16xf32>
        %neg3A_2503 = arith.constant 0.000000e+00 : f32
        %neg3A_2504 = vector.broadcast %neg3A_2503 : f32 to vector<16xf32>
        %neg3A_2505 = arith.subf %neg3A_2504, %abs3A_2502 : vector<16xf32>
        %exp3A_2506 = math.exp %neg3A_2505 : vector<16xf32>
        %mul3A_2507 = arith.mulf %exp3A_2506, %exp3A_2506 : vector<16xf32>
        %mul3A_2508 = arith.mulf %mul3A_2507, %mul3A_2507 : vector<16xf32>
        %mul3A_2509 = arith.mulf %mul3A_2508, %mul3A_2508 : vector<16xf32>
        %mul3A_2510 = arith.constant -0.333322316 : f32
        %mul3A_2511 = vector.broadcast %mul3A_2510 : f32 to vector<16xf32>
        %mul3A_2512 = arith.mulf %mul3A_2511, %mul3A_2507 : vector<16xf32>
        %add3A_2513 = arith.constant 0.99999994 : f32
        %add3A_2514 = vector.broadcast %add3A_2513 : f32 to vector<16xf32>
        %add3A_2515 = arith.addf %add3A_2514, %mul3A_2512 : vector<16xf32>
        %mul3A_2516 = arith.constant -0.140478209 : f32
        %mul3A_2517 = vector.broadcast %mul3A_2516 : f32 to vector<16xf32>
        %mul3A_2518 = arith.mulf %mul3A_2517, %mul3A_2507 : vector<16xf32>
        %add3A_2519 = arith.constant 0.199740291 : f32
        %add3A_2520 = vector.broadcast %add3A_2519 : f32 to vector<16xf32>
        %add3A_2521 = arith.addf %add3A_2520, %mul3A_2518 : vector<16xf32>
        %mul3A_2522 = arith.mulf %mul3A_2508, %add3A_2521 : vector<16xf32>
        %add3A_2523 = arith.addf %add3A_2515, %mul3A_2522 : vector<16xf32>
        %mul3A_2524 = arith.constant -0.0608744808 : f32
        %mul3A_2525 = vector.broadcast %mul3A_2524 : f32 to vector<16xf32>
        %mul3A_2526 = arith.mulf %mul3A_2525, %mul3A_2507 : vector<16xf32>
        %add3A_2527 = arith.constant 0.100022055 : f32
        %add3A_2528 = vector.broadcast %add3A_2527 : f32 to vector<16xf32>
        %add3A_2529 = arith.addf %add3A_2528, %mul3A_2526 : vector<16xf32>
        %mul3A_2530 = arith.constant -0.00502106408 : f32
        %mul3A_2531 = vector.broadcast %mul3A_2530 : f32 to vector<16xf32>
        %mul3A_2532 = arith.mulf %mul3A_2531, %mul3A_2507 : vector<16xf32>
        %add3A_2533 = arith.constant 2.533170e-02 : f32
        %add3A_2534 = vector.broadcast %add3A_2533 : f32 to vector<16xf32>
        %add3A_2535 = arith.addf %add3A_2534, %mul3A_2532 : vector<16xf32>
        %mul3A_2536 = arith.mulf %mul3A_2508, %add3A_2535 : vector<16xf32>
        %add3A_2537 = arith.addf %add3A_2529, %mul3A_2536 : vector<16xf32>
        %mul3A_2538 = arith.mulf %mul3A_2509, %add3A_2537 : vector<16xf32>
        %add3A_2539 = arith.addf %add3A_2523, %mul3A_2538 : vector<16xf32>
        %mul3A_2540 = arith.mulf %exp3A_2506, %add3A_2539 : vector<16xf32>
        %le3A_2541 = arith.constant 0.000000e+00 : f32
        %le3A_2542 = vector.broadcast %le3A_2541 : f32 to vector<16xf32>
        %le3A_2543 = arith.cmpf ole, %mul3A_2501, %le3A_2542 : vector<16xf32>
        %mul3A_2544 = arith.constant 2.000000e+00 : f32
        %mul3A_2545 = vector.broadcast %mul3A_2544 : f32 to vector<16xf32>
        %mul3A_2546 = arith.mulf %mul3A_2545, %mul3A_2540 : vector<16xf32>
        %mul3A_2547 = arith.constant 2.000000e+00 : f32
        %mul3A_2548 = vector.broadcast %mul3A_2547 : f32 to vector<16xf32>
        %mul3A_2549 = arith.mulf %mul3A_2548, %mul3A_2540 : vector<16xf32>
        %sub3A_2550 = arith.constant 3.14159274 : f32
        %sub3A_2551 = vector.broadcast %sub3A_2550 : f32 to vector<16xf32>
        %sub3A_2552 = arith.subf %sub3A_2551, %mul3A_2549 : vector<16xf32>
        %select_n3A_2553 = arith.select %le3A_2543, %mul3A_2546, %sub3A_2552 : vector<16xi1>, vector<16xf32>
        %jit3A_2554 = arith.constant 0.000000e+00 : f32
        %broadcast_in_dim3A_2555 = vector.broadcast %jit3A_2554 : f32 to vector<16xf32>
        %select_n3A_2556 = arith.select %lt3A_4, %select_n3A_2553, %broadcast_in_dim3A_2555 : vector<16xi1>, vector<16xf32>
        %add3A_2557 = arith.addf %broadcast_in_dim3A_5, %add3A_2434 : vector<16xf32>
        %sub3A_2558 = arith.subf %add3A_2557, %mul3A_905 : vector<16xf32>
        %mul3A_2559 = arith.constant 5.000000e-01 : f32
        %mul3A_2560 = vector.broadcast %mul3A_2559 : f32 to vector<16xf32>
        %mul3A_2561 = arith.mulf %mul3A_2560, %sub3A_2558 : vector<16xf32>
        %abs3A_2562 = math.absf %mul3A_2561 : vector<16xf32>
        %neg3A_2563 = arith.constant 0.000000e+00 : f32
        %neg3A_2564 = vector.broadcast %neg3A_2563 : f32 to vector<16xf32>
        %neg3A_2565 = arith.subf %neg3A_2564, %abs3A_2562 : vector<16xf32>
        %exp3A_2566 = math.exp %neg3A_2565 : vector<16xf32>
        %mul3A_2567 = arith.mulf %exp3A_2566, %exp3A_2566 : vector<16xf32>
        %mul3A_2568 = arith.mulf %mul3A_2567, %mul3A_2567 : vector<16xf32>
        %mul3A_2569 = arith.mulf %mul3A_2568, %mul3A_2568 : vector<16xf32>
        %mul3A_2570 = arith.constant -0.333322316 : f32
        %mul3A_2571 = vector.broadcast %mul3A_2570 : f32 to vector<16xf32>
        %mul3A_2572 = arith.mulf %mul3A_2571, %mul3A_2567 : vector<16xf32>
        %add3A_2573 = arith.constant 0.99999994 : f32
        %add3A_2574 = vector.broadcast %add3A_2573 : f32 to vector<16xf32>
        %add3A_2575 = arith.addf %add3A_2574, %mul3A_2572 : vector<16xf32>
        %mul3A_2576 = arith.constant -0.140478209 : f32
        %mul3A_2577 = vector.broadcast %mul3A_2576 : f32 to vector<16xf32>
        %mul3A_2578 = arith.mulf %mul3A_2577, %mul3A_2567 : vector<16xf32>
        %add3A_2579 = arith.constant 0.199740291 : f32
        %add3A_2580 = vector.broadcast %add3A_2579 : f32 to vector<16xf32>
        %add3A_2581 = arith.addf %add3A_2580, %mul3A_2578 : vector<16xf32>
        %mul3A_2582 = arith.mulf %mul3A_2568, %add3A_2581 : vector<16xf32>
        %add3A_2583 = arith.addf %add3A_2575, %mul3A_2582 : vector<16xf32>
        %mul3A_2584 = arith.constant -0.0608744808 : f32
        %mul3A_2585 = vector.broadcast %mul3A_2584 : f32 to vector<16xf32>
        %mul3A_2586 = arith.mulf %mul3A_2585, %mul3A_2567 : vector<16xf32>
        %add3A_2587 = arith.constant 0.100022055 : f32
        %add3A_2588 = vector.broadcast %add3A_2587 : f32 to vector<16xf32>
        %add3A_2589 = arith.addf %add3A_2588, %mul3A_2586 : vector<16xf32>
        %mul3A_2590 = arith.constant -0.00502106408 : f32
        %mul3A_2591 = vector.broadcast %mul3A_2590 : f32 to vector<16xf32>
        %mul3A_2592 = arith.mulf %mul3A_2591, %mul3A_2567 : vector<16xf32>
        %add3A_2593 = arith.constant 2.533170e-02 : f32
        %add3A_2594 = vector.broadcast %add3A_2593 : f32 to vector<16xf32>
        %add3A_2595 = arith.addf %add3A_2594, %mul3A_2592 : vector<16xf32>
        %mul3A_2596 = arith.mulf %mul3A_2568, %add3A_2595 : vector<16xf32>
        %add3A_2597 = arith.addf %add3A_2589, %mul3A_2596 : vector<16xf32>
        %mul3A_2598 = arith.mulf %mul3A_2569, %add3A_2597 : vector<16xf32>
        %add3A_2599 = arith.addf %add3A_2583, %mul3A_2598 : vector<16xf32>
        %mul3A_2600 = arith.mulf %exp3A_2566, %add3A_2599 : vector<16xf32>
        %le3A_2601 = arith.constant 0.000000e+00 : f32
        %le3A_2602 = vector.broadcast %le3A_2601 : f32 to vector<16xf32>
        %le3A_2603 = arith.cmpf ole, %mul3A_2561, %le3A_2602 : vector<16xf32>
        %mul3A_2604 = arith.constant 2.000000e+00 : f32
        %mul3A_2605 = vector.broadcast %mul3A_2604 : f32 to vector<16xf32>
        %mul3A_2606 = arith.mulf %mul3A_2605, %mul3A_2600 : vector<16xf32>
        %mul3A_2607 = arith.constant 2.000000e+00 : f32
        %mul3A_2608 = vector.broadcast %mul3A_2607 : f32 to vector<16xf32>
        %mul3A_2609 = arith.mulf %mul3A_2608, %mul3A_2600 : vector<16xf32>
        %sub3A_2610 = arith.constant 3.14159274 : f32
        %sub3A_2611 = vector.broadcast %sub3A_2610 : f32 to vector<16xf32>
        %sub3A_2612 = arith.subf %sub3A_2611, %mul3A_2609 : vector<16xf32>
        %select_n3A_2613 = arith.select %le3A_2603, %mul3A_2606, %sub3A_2612 : vector<16xi1>, vector<16xf32>
        %jit3A_2614 = arith.constant 0.000000e+00 : f32
        %broadcast_in_dim3A_2615 = vector.broadcast %jit3A_2614 : f32 to vector<16xf32>
        %select_n3A_2616 = arith.select %lt3A_4, %select_n3A_2613, %broadcast_in_dim3A_2615 : vector<16xi1>, vector<16xf32>
        %add3A_2617 = arith.addf %broadcast_in_dim3A_5, %add3A_2223 : vector<16xf32>
        %sub3A_2618 = arith.subf %add3A_2617, %mul3A_924 : vector<16xf32>
        %mul3A_2619 = arith.constant 5.000000e-01 : f32
        %mul3A_2620 = vector.broadcast %mul3A_2619 : f32 to vector<16xf32>
        %mul3A_2621 = arith.mulf %mul3A_2620, %sub3A_2618 : vector<16xf32>
        %abs3A_2622 = math.absf %mul3A_2621 : vector<16xf32>
        %neg3A_2623 = arith.constant 0.000000e+00 : f32
        %neg3A_2624 = vector.broadcast %neg3A_2623 : f32 to vector<16xf32>
        %neg3A_2625 = arith.subf %neg3A_2624, %abs3A_2622 : vector<16xf32>
        %exp3A_2626 = math.exp %neg3A_2625 : vector<16xf32>
        %mul3A_2627 = arith.mulf %exp3A_2626, %exp3A_2626 : vector<16xf32>
        %mul3A_2628 = arith.mulf %mul3A_2627, %mul3A_2627 : vector<16xf32>
        %mul3A_2629 = arith.mulf %mul3A_2628, %mul3A_2628 : vector<16xf32>
        %mul3A_2630 = arith.constant -0.333322316 : f32
        %mul3A_2631 = vector.broadcast %mul3A_2630 : f32 to vector<16xf32>
        %mul3A_2632 = arith.mulf %mul3A_2631, %mul3A_2627 : vector<16xf32>
        %add3A_2633 = arith.constant 0.99999994 : f32
        %add3A_2634 = vector.broadcast %add3A_2633 : f32 to vector<16xf32>
        %add3A_2635 = arith.addf %add3A_2634, %mul3A_2632 : vector<16xf32>
        %mul3A_2636 = arith.constant -0.140478209 : f32
        %mul3A_2637 = vector.broadcast %mul3A_2636 : f32 to vector<16xf32>
        %mul3A_2638 = arith.mulf %mul3A_2637, %mul3A_2627 : vector<16xf32>
        %add3A_2639 = arith.constant 0.199740291 : f32
        %add3A_2640 = vector.broadcast %add3A_2639 : f32 to vector<16xf32>
        %add3A_2641 = arith.addf %add3A_2640, %mul3A_2638 : vector<16xf32>
        %mul3A_2642 = arith.mulf %mul3A_2628, %add3A_2641 : vector<16xf32>
        %add3A_2643 = arith.addf %add3A_2635, %mul3A_2642 : vector<16xf32>
        %mul3A_2644 = arith.constant -0.0608744808 : f32
        %mul3A_2645 = vector.broadcast %mul3A_2644 : f32 to vector<16xf32>
        %mul3A_2646 = arith.mulf %mul3A_2645, %mul3A_2627 : vector<16xf32>
        %add3A_2647 = arith.constant 0.100022055 : f32
        %add3A_2648 = vector.broadcast %add3A_2647 : f32 to vector<16xf32>
        %add3A_2649 = arith.addf %add3A_2648, %mul3A_2646 : vector<16xf32>
        %mul3A_2650 = arith.constant -0.00502106408 : f32
        %mul3A_2651 = vector.broadcast %mul3A_2650 : f32 to vector<16xf32>
        %mul3A_2652 = arith.mulf %mul3A_2651, %mul3A_2627 : vector<16xf32>
        %add3A_2653 = arith.constant 2.533170e-02 : f32
        %add3A_2654 = vector.broadcast %add3A_2653 : f32 to vector<16xf32>
        %add3A_2655 = arith.addf %add3A_2654, %mul3A_2652 : vector<16xf32>
        %mul3A_2656 = arith.mulf %mul3A_2628, %add3A_2655 : vector<16xf32>
        %add3A_2657 = arith.addf %add3A_2649, %mul3A_2656 : vector<16xf32>
        %mul3A_2658 = arith.mulf %mul3A_2629, %add3A_2657 : vector<16xf32>
        %add3A_2659 = arith.addf %add3A_2643, %mul3A_2658 : vector<16xf32>
        %mul3A_2660 = arith.mulf %exp3A_2626, %add3A_2659 : vector<16xf32>
        %le3A_2661 = arith.constant 0.000000e+00 : f32
        %le3A_2662 = vector.broadcast %le3A_2661 : f32 to vector<16xf32>
        %le3A_2663 = arith.cmpf ole, %mul3A_2621, %le3A_2662 : vector<16xf32>
        %mul3A_2664 = arith.constant 2.000000e+00 : f32
        %mul3A_2665 = vector.broadcast %mul3A_2664 : f32 to vector<16xf32>
        %mul3A_2666 = arith.mulf %mul3A_2665, %mul3A_2660 : vector<16xf32>
        %mul3A_2667 = arith.constant 2.000000e+00 : f32
        %mul3A_2668 = vector.broadcast %mul3A_2667 : f32 to vector<16xf32>
        %mul3A_2669 = arith.mulf %mul3A_2668, %mul3A_2660 : vector<16xf32>
        %sub3A_2670 = arith.constant 3.14159274 : f32
        %sub3A_2671 = vector.broadcast %sub3A_2670 : f32 to vector<16xf32>
        %sub3A_2672 = arith.subf %sub3A_2671, %mul3A_2669 : vector<16xf32>
        %select_n3A_2673 = arith.select %le3A_2663, %mul3A_2666, %sub3A_2672 : vector<16xi1>, vector<16xf32>
        %jit3A_2674 = arith.constant 0.000000e+00 : f32
        %broadcast_in_dim3A_2675 = vector.broadcast %jit3A_2674 : f32 to vector<16xf32>
        %select_n3A_2676 = arith.select %lt3A_4, %select_n3A_2673, %broadcast_in_dim3A_2675 : vector<16xi1>, vector<16xf32>
        %xor3A_2677 = arith.constant 1 : i32
        %xor3A_2678 = vector.broadcast %xor3A_2677 : i32 to vector<16xi32>
        %xor3A_2679 = arith.xori %iota3A, %xor3A_2678 : vector<16xi32>
        %broadcast_in_dim3A_2680 = vector.shape_cast %xor3A_2679 : vector<16xi32> to vector<16x1xi32>
        %gather3A_2681 = vector.shape_cast %broadcast_in_dim3A_2680 : vector<16x1xi32> to vector<16xi32>
        %gather3A_2682 = tpu.dynamic_gather %select_n3A_1365[%gather3A_2681] in [0] : vector<16xf32>, vector<16xi32> -> vector<16xf32>
        %add3A_2683 = arith.addf %select_n3A_1365, %gather3A_2682 : vector<16xf32>
        %xor3A_2684 = arith.constant 2 : i32
        %xor3A_2685 = vector.broadcast %xor3A_2684 : i32 to vector<16xi32>
        %xor3A_2686 = arith.xori %iota3A, %xor3A_2685 : vector<16xi32>
        %broadcast_in_dim3A_2687 = vector.shape_cast %xor3A_2686 : vector<16xi32> to vector<16x1xi32>
        %gather3A_2688 = vector.shape_cast %broadcast_in_dim3A_2687 : vector<16x1xi32> to vector<16xi32>
        %gather3A_2689 = tpu.dynamic_gather %add3A_2683[%gather3A_2688] in [0] : vector<16xf32>, vector<16xi32> -> vector<16xf32>
        %add3A_2690 = arith.addf %add3A_2683, %gather3A_2689 : vector<16xf32>
        %xor3A_2691 = arith.constant 4 : i32
        %xor3A_2692 = vector.broadcast %xor3A_2691 : i32 to vector<16xi32>
        %xor3A_2693 = arith.xori %iota3A, %xor3A_2692 : vector<16xi32>
        %broadcast_in_dim3A_2694 = vector.shape_cast %xor3A_2693 : vector<16xi32> to vector<16x1xi32>
        %gather3A_2695 = vector.shape_cast %broadcast_in_dim3A_2694 : vector<16x1xi32> to vector<16xi32>
        %gather3A_2696 = tpu.dynamic_gather %add3A_2690[%gather3A_2695] in [0] : vector<16xf32>, vector<16xi32> -> vector<16xf32>
        %add3A_2697 = arith.addf %add3A_2690, %gather3A_2696 : vector<16xf32>
        %xor3A_2698 = arith.constant 8 : i32
        %xor3A_2699 = vector.broadcast %xor3A_2698 : i32 to vector<16xi32>
        %xor3A_2700 = arith.xori %iota3A, %xor3A_2699 : vector<16xi32>
        %broadcast_in_dim3A_2701 = vector.shape_cast %xor3A_2700 : vector<16xi32> to vector<16x1xi32>
        %gather3A_2702 = vector.shape_cast %broadcast_in_dim3A_2701 : vector<16x1xi32> to vector<16xi32>
        %gather3A_2703 = tpu.dynamic_gather %add3A_2697[%gather3A_2702] in [0] : vector<16xf32>, vector<16xi32> -> vector<16xf32>
        %add3A_2704 = arith.addf %add3A_2697, %gather3A_2703 : vector<16xf32>
        %xor3A_2705 = arith.constant 1 : i32
        %xor3A_2706 = vector.broadcast %xor3A_2705 : i32 to vector<16xi32>
        %xor3A_2707 = arith.xori %iota3A, %xor3A_2706 : vector<16xi32>
        %broadcast_in_dim3A_2708 = vector.shape_cast %xor3A_2707 : vector<16xi32> to vector<16x1xi32>
        %gather3A_2709 = vector.shape_cast %broadcast_in_dim3A_2708 : vector<16x1xi32> to vector<16xi32>
        %gather3A_2710 = tpu.dynamic_gather %select_n3A_1930[%gather3A_2709] in [0] : vector<16xf32>, vector<16xi32> -> vector<16xf32>
        %add3A_2711 = arith.addf %select_n3A_1930, %gather3A_2710 : vector<16xf32>
        %xor3A_2712 = arith.constant 2 : i32
        %xor3A_2713 = vector.broadcast %xor3A_2712 : i32 to vector<16xi32>
        %xor3A_2714 = arith.xori %iota3A, %xor3A_2713 : vector<16xi32>
        %broadcast_in_dim3A_2715 = vector.shape_cast %xor3A_2714 : vector<16xi32> to vector<16x1xi32>
        %gather3A_2716 = vector.shape_cast %broadcast_in_dim3A_2715 : vector<16x1xi32> to vector<16xi32>
        %gather3A_2717 = tpu.dynamic_gather %add3A_2711[%gather3A_2716] in [0] : vector<16xf32>, vector<16xi32> -> vector<16xf32>
        %add3A_2718 = arith.addf %add3A_2711, %gather3A_2717 : vector<16xf32>
        %xor3A_2719 = arith.constant 4 : i32
        %xor3A_2720 = vector.broadcast %xor3A_2719 : i32 to vector<16xi32>
        %xor3A_2721 = arith.xori %iota3A, %xor3A_2720 : vector<16xi32>
        %broadcast_in_dim3A_2722 = vector.shape_cast %xor3A_2721 : vector<16xi32> to vector<16x1xi32>
        %gather3A_2723 = vector.shape_cast %broadcast_in_dim3A_2722 : vector<16x1xi32> to vector<16xi32>
        %gather3A_2724 = tpu.dynamic_gather %add3A_2718[%gather3A_2723] in [0] : vector<16xf32>, vector<16xi32> -> vector<16xf32>
        %add3A_2725 = arith.addf %add3A_2718, %gather3A_2724 : vector<16xf32>
        %xor3A_2726 = arith.constant 8 : i32
        %xor3A_2727 = vector.broadcast %xor3A_2726 : i32 to vector<16xi32>
        %xor3A_2728 = arith.xori %iota3A, %xor3A_2727 : vector<16xi32>
        %broadcast_in_dim3A_2729 = vector.shape_cast %xor3A_2728 : vector<16xi32> to vector<16x1xi32>
        %gather3A_2730 = vector.shape_cast %broadcast_in_dim3A_2729 : vector<16x1xi32> to vector<16xi32>
        %gather3A_2731 = tpu.dynamic_gather %add3A_2725[%gather3A_2730] in [0] : vector<16xf32>, vector<16xi32> -> vector<16xf32>
        %add3A_2732 = arith.addf %add3A_2725, %gather3A_2731 : vector<16xf32>
        %xor3A_2733 = arith.constant 1 : i32
        %xor3A_2734 = vector.broadcast %xor3A_2733 : i32 to vector<16xi32>
        %xor3A_2735 = arith.xori %iota3A, %xor3A_2734 : vector<16xi32>
        %broadcast_in_dim3A_2736 = vector.shape_cast %xor3A_2735 : vector<16xi32> to vector<16x1xi32>
        %gather3A_2737 = vector.shape_cast %broadcast_in_dim3A_2736 : vector<16x1xi32> to vector<16xi32>
        %gather3A_2738 = tpu.dynamic_gather %select_n3A_2495[%gather3A_2737] in [0] : vector<16xf32>, vector<16xi32> -> vector<16xf32>
        %add3A_2739 = arith.addf %select_n3A_2495, %gather3A_2738 : vector<16xf32>
        %xor3A_2740 = arith.constant 2 : i32
        %xor3A_2741 = vector.broadcast %xor3A_2740 : i32 to vector<16xi32>
        %xor3A_2742 = arith.xori %iota3A, %xor3A_2741 : vector<16xi32>
        %broadcast_in_dim3A_2743 = vector.shape_cast %xor3A_2742 : vector<16xi32> to vector<16x1xi32>
        %gather3A_2744 = vector.shape_cast %broadcast_in_dim3A_2743 : vector<16x1xi32> to vector<16xi32>
        %gather3A_2745 = tpu.dynamic_gather %add3A_2739[%gather3A_2744] in [0] : vector<16xf32>, vector<16xi32> -> vector<16xf32>
        %add3A_2746 = arith.addf %add3A_2739, %gather3A_2745 : vector<16xf32>
        %xor3A_2747 = arith.constant 4 : i32
        %xor3A_2748 = vector.broadcast %xor3A_2747 : i32 to vector<16xi32>
        %xor3A_2749 = arith.xori %iota3A, %xor3A_2748 : vector<16xi32>
        %broadcast_in_dim3A_2750 = vector.shape_cast %xor3A_2749 : vector<16xi32> to vector<16x1xi32>
        %gather3A_2751 = vector.shape_cast %broadcast_in_dim3A_2750 : vector<16x1xi32> to vector<16xi32>
        %gather3A_2752 = tpu.dynamic_gather %add3A_2746[%gather3A_2751] in [0] : vector<16xf32>, vector<16xi32> -> vector<16xf32>
        %add3A_2753 = arith.addf %add3A_2746, %gather3A_2752 : vector<16xf32>
        %xor3A_2754 = arith.constant 8 : i32
        %xor3A_2755 = vector.broadcast %xor3A_2754 : i32 to vector<16xi32>
        %xor3A_2756 = arith.xori %iota3A, %xor3A_2755 : vector<16xi32>
        %broadcast_in_dim3A_2757 = vector.shape_cast %xor3A_2756 : vector<16xi32> to vector<16x1xi32>
        %gather3A_2758 = vector.shape_cast %broadcast_in_dim3A_2757 : vector<16x1xi32> to vector<16xi32>
        %gather3A_2759 = tpu.dynamic_gather %add3A_2753[%gather3A_2758] in [0] : vector<16xf32>, vector<16xi32> -> vector<16xf32>
        %add3A_2760 = arith.addf %add3A_2753, %gather3A_2759 : vector<16xf32>
        %xor3A_2761 = arith.constant 1 : i32
        %xor3A_2762 = vector.broadcast %xor3A_2761 : i32 to vector<16xi32>
        %xor3A_2763 = arith.xori %iota3A, %xor3A_2762 : vector<16xi32>
        %broadcast_in_dim3A_2764 = vector.shape_cast %xor3A_2763 : vector<16xi32> to vector<16x1xi32>
        %gather3A_2765 = vector.shape_cast %broadcast_in_dim3A_2764 : vector<16x1xi32> to vector<16xi32>
        %gather3A_2766 = tpu.dynamic_gather %while3A_741[%gather3A_2765] in [0] : vector<16xf32>, vector<16xi32> -> vector<16xf32>
        %add3A_2767 = arith.addf %while3A_741, %gather3A_2766 : vector<16xf32>
        %xor3A_2768 = arith.constant 2 : i32
        %xor3A_2769 = vector.broadcast %xor3A_2768 : i32 to vector<16xi32>
        %xor3A_2770 = arith.xori %iota3A, %xor3A_2769 : vector<16xi32>
        %broadcast_in_dim3A_2771 = vector.shape_cast %xor3A_2770 : vector<16xi32> to vector<16x1xi32>
        %gather3A_2772 = vector.shape_cast %broadcast_in_dim3A_2771 : vector<16x1xi32> to vector<16xi32>
        %gather3A_2773 = tpu.dynamic_gather %add3A_2767[%gather3A_2772] in [0] : vector<16xf32>, vector<16xi32> -> vector<16xf32>
        %add3A_2774 = arith.addf %add3A_2767, %gather3A_2773 : vector<16xf32>
        %xor3A_2775 = arith.constant 4 : i32
        %xor3A_2776 = vector.broadcast %xor3A_2775 : i32 to vector<16xi32>
        %xor3A_2777 = arith.xori %iota3A, %xor3A_2776 : vector<16xi32>
        %broadcast_in_dim3A_2778 = vector.shape_cast %xor3A_2777 : vector<16xi32> to vector<16x1xi32>
        %gather3A_2779 = vector.shape_cast %broadcast_in_dim3A_2778 : vector<16x1xi32> to vector<16xi32>
        %gather3A_2780 = tpu.dynamic_gather %add3A_2774[%gather3A_2779] in [0] : vector<16xf32>, vector<16xi32> -> vector<16xf32>
        %add3A_2781 = arith.addf %add3A_2774, %gather3A_2780 : vector<16xf32>
        %xor3A_2782 = arith.constant 8 : i32
        %xor3A_2783 = vector.broadcast %xor3A_2782 : i32 to vector<16xi32>
        %xor3A_2784 = arith.xori %iota3A, %xor3A_2783 : vector<16xi32>
        %broadcast_in_dim3A_2785 = vector.shape_cast %xor3A_2784 : vector<16xi32> to vector<16x1xi32>
        %gather3A_2786 = vector.shape_cast %broadcast_in_dim3A_2785 : vector<16x1xi32> to vector<16xi32>
        %gather3A_2787 = tpu.dynamic_gather %add3A_2781[%gather3A_2786] in [0] : vector<16xf32>, vector<16xi32> -> vector<16xf32>
        %add3A_2788 = arith.addf %add3A_2781, %gather3A_2787 : vector<16xf32>
        %add3A_2789 = arith.addf %broadcast_in_dim3A_5, %add3A_2704 : vector<16xf32>
        %add3A_2790 = arith.addf %add3A_2789, %add3A_2788 : vector<16xf32>
        %sub3A_2791 = arith.subf %add3A_2790, %mul3A_927 : vector<16xf32>
        %mul3A_2792 = arith.constant 5.000000e-01 : f32
        %mul3A_2793 = vector.broadcast %mul3A_2792 : f32 to vector<16xf32>
        %mul3A_2794 = arith.mulf %mul3A_2793, %sub3A_2791 : vector<16xf32>
        %abs3A_2795 = math.absf %mul3A_2794 : vector<16xf32>
        %neg3A_2796 = arith.constant 0.000000e+00 : f32
        %neg3A_2797 = vector.broadcast %neg3A_2796 : f32 to vector<16xf32>
        %neg3A_2798 = arith.subf %neg3A_2797, %abs3A_2795 : vector<16xf32>
        %exp3A_2799 = math.exp %neg3A_2798 : vector<16xf32>
        %mul3A_2800 = arith.mulf %exp3A_2799, %exp3A_2799 : vector<16xf32>
        %mul3A_2801 = arith.mulf %mul3A_2800, %mul3A_2800 : vector<16xf32>
        %mul3A_2802 = arith.mulf %mul3A_2801, %mul3A_2801 : vector<16xf32>
        %mul3A_2803 = arith.constant -0.333322316 : f32
        %mul3A_2804 = vector.broadcast %mul3A_2803 : f32 to vector<16xf32>
        %mul3A_2805 = arith.mulf %mul3A_2804, %mul3A_2800 : vector<16xf32>
        %add3A_2806 = arith.constant 0.99999994 : f32
        %add3A_2807 = vector.broadcast %add3A_2806 : f32 to vector<16xf32>
        %add3A_2808 = arith.addf %add3A_2807, %mul3A_2805 : vector<16xf32>
        %mul3A_2809 = arith.constant -0.140478209 : f32
        %mul3A_2810 = vector.broadcast %mul3A_2809 : f32 to vector<16xf32>
        %mul3A_2811 = arith.mulf %mul3A_2810, %mul3A_2800 : vector<16xf32>
        %add3A_2812 = arith.constant 0.199740291 : f32
        %add3A_2813 = vector.broadcast %add3A_2812 : f32 to vector<16xf32>
        %add3A_2814 = arith.addf %add3A_2813, %mul3A_2811 : vector<16xf32>
        %mul3A_2815 = arith.mulf %mul3A_2801, %add3A_2814 : vector<16xf32>
        %add3A_2816 = arith.addf %add3A_2808, %mul3A_2815 : vector<16xf32>
        %mul3A_2817 = arith.constant -0.0608744808 : f32
        %mul3A_2818 = vector.broadcast %mul3A_2817 : f32 to vector<16xf32>
        %mul3A_2819 = arith.mulf %mul3A_2818, %mul3A_2800 : vector<16xf32>
        %add3A_2820 = arith.constant 0.100022055 : f32
        %add3A_2821 = vector.broadcast %add3A_2820 : f32 to vector<16xf32>
        %add3A_2822 = arith.addf %add3A_2821, %mul3A_2819 : vector<16xf32>
        %mul3A_2823 = arith.constant -0.00502106408 : f32
        %mul3A_2824 = vector.broadcast %mul3A_2823 : f32 to vector<16xf32>
        %mul3A_2825 = arith.mulf %mul3A_2824, %mul3A_2800 : vector<16xf32>
        %add3A_2826 = arith.constant 2.533170e-02 : f32
        %add3A_2827 = vector.broadcast %add3A_2826 : f32 to vector<16xf32>
        %add3A_2828 = arith.addf %add3A_2827, %mul3A_2825 : vector<16xf32>
        %mul3A_2829 = arith.mulf %mul3A_2801, %add3A_2828 : vector<16xf32>
        %add3A_2830 = arith.addf %add3A_2822, %mul3A_2829 : vector<16xf32>
        %mul3A_2831 = arith.mulf %mul3A_2802, %add3A_2830 : vector<16xf32>
        %add3A_2832 = arith.addf %add3A_2816, %mul3A_2831 : vector<16xf32>
        %mul3A_2833 = arith.mulf %exp3A_2799, %add3A_2832 : vector<16xf32>
        %le3A_2834 = arith.constant 0.000000e+00 : f32
        %le3A_2835 = vector.broadcast %le3A_2834 : f32 to vector<16xf32>
        %le3A_2836 = arith.cmpf ole, %mul3A_2794, %le3A_2835 : vector<16xf32>
        %mul3A_2837 = arith.constant 2.000000e+00 : f32
        %mul3A_2838 = vector.broadcast %mul3A_2837 : f32 to vector<16xf32>
        %mul3A_2839 = arith.mulf %mul3A_2838, %mul3A_2833 : vector<16xf32>
        %mul3A_2840 = arith.constant 2.000000e+00 : f32
        %mul3A_2841 = vector.broadcast %mul3A_2840 : f32 to vector<16xf32>
        %mul3A_2842 = arith.mulf %mul3A_2841, %mul3A_2833 : vector<16xf32>
        %sub3A_2843 = arith.constant 3.14159274 : f32
        %sub3A_2844 = vector.broadcast %sub3A_2843 : f32 to vector<16xf32>
        %sub3A_2845 = arith.subf %sub3A_2844, %mul3A_2842 : vector<16xf32>
        %select_n3A_2846 = arith.select %le3A_2836, %mul3A_2839, %sub3A_2845 : vector<16xi1>, vector<16xf32>
        %jit3A_2847 = arith.constant 0.000000e+00 : f32
        %broadcast_in_dim3A_2848 = vector.broadcast %jit3A_2847 : f32 to vector<16xf32>
        %select_n3A_2849 = arith.select %lt3A_4, %select_n3A_2846, %broadcast_in_dim3A_2848 : vector<16xi1>, vector<16xf32>
        %add3A_2850 = arith.addf %broadcast_in_dim3A_5, %add3A_2704 : vector<16xf32>
        %add3A_2851 = arith.addf %add3A_2850, %add3A_2760 : vector<16xf32>
        %sub3A_2852 = arith.subf %add3A_2851, %mul3A_946 : vector<16xf32>
        %mul3A_2853 = arith.constant 5.000000e-01 : f32
        %mul3A_2854 = vector.broadcast %mul3A_2853 : f32 to vector<16xf32>
        %mul3A_2855 = arith.mulf %mul3A_2854, %sub3A_2852 : vector<16xf32>
        %abs3A_2856 = math.absf %mul3A_2855 : vector<16xf32>
        %neg3A_2857 = arith.constant 0.000000e+00 : f32
        %neg3A_2858 = vector.broadcast %neg3A_2857 : f32 to vector<16xf32>
        %neg3A_2859 = arith.subf %neg3A_2858, %abs3A_2856 : vector<16xf32>
        %exp3A_2860 = math.exp %neg3A_2859 : vector<16xf32>
        %mul3A_2861 = arith.mulf %exp3A_2860, %exp3A_2860 : vector<16xf32>
        %mul3A_2862 = arith.mulf %mul3A_2861, %mul3A_2861 : vector<16xf32>
        %mul3A_2863 = arith.mulf %mul3A_2862, %mul3A_2862 : vector<16xf32>
        %mul3A_2864 = arith.constant -0.333322316 : f32
        %mul3A_2865 = vector.broadcast %mul3A_2864 : f32 to vector<16xf32>
        %mul3A_2866 = arith.mulf %mul3A_2865, %mul3A_2861 : vector<16xf32>
        %add3A_2867 = arith.constant 0.99999994 : f32
        %add3A_2868 = vector.broadcast %add3A_2867 : f32 to vector<16xf32>
        %add3A_2869 = arith.addf %add3A_2868, %mul3A_2866 : vector<16xf32>
        %mul3A_2870 = arith.constant -0.140478209 : f32
        %mul3A_2871 = vector.broadcast %mul3A_2870 : f32 to vector<16xf32>
        %mul3A_2872 = arith.mulf %mul3A_2871, %mul3A_2861 : vector<16xf32>
        %add3A_2873 = arith.constant 0.199740291 : f32
        %add3A_2874 = vector.broadcast %add3A_2873 : f32 to vector<16xf32>
        %add3A_2875 = arith.addf %add3A_2874, %mul3A_2872 : vector<16xf32>
        %mul3A_2876 = arith.mulf %mul3A_2862, %add3A_2875 : vector<16xf32>
        %add3A_2877 = arith.addf %add3A_2869, %mul3A_2876 : vector<16xf32>
        %mul3A_2878 = arith.constant -0.0608744808 : f32
        %mul3A_2879 = vector.broadcast %mul3A_2878 : f32 to vector<16xf32>
        %mul3A_2880 = arith.mulf %mul3A_2879, %mul3A_2861 : vector<16xf32>
        %add3A_2881 = arith.constant 0.100022055 : f32
        %add3A_2882 = vector.broadcast %add3A_2881 : f32 to vector<16xf32>
        %add3A_2883 = arith.addf %add3A_2882, %mul3A_2880 : vector<16xf32>
        %mul3A_2884 = arith.constant -0.00502106408 : f32
        %mul3A_2885 = vector.broadcast %mul3A_2884 : f32 to vector<16xf32>
        %mul3A_2886 = arith.mulf %mul3A_2885, %mul3A_2861 : vector<16xf32>
        %add3A_2887 = arith.constant 2.533170e-02 : f32
        %add3A_2888 = vector.broadcast %add3A_2887 : f32 to vector<16xf32>
        %add3A_2889 = arith.addf %add3A_2888, %mul3A_2886 : vector<16xf32>
        %mul3A_2890 = arith.mulf %mul3A_2862, %add3A_2889 : vector<16xf32>
        %add3A_2891 = arith.addf %add3A_2883, %mul3A_2890 : vector<16xf32>
        %mul3A_2892 = arith.mulf %mul3A_2863, %add3A_2891 : vector<16xf32>
        %add3A_2893 = arith.addf %add3A_2877, %mul3A_2892 : vector<16xf32>
        %mul3A_2894 = arith.mulf %exp3A_2860, %add3A_2893 : vector<16xf32>
        %le3A_2895 = arith.constant 0.000000e+00 : f32
        %le3A_2896 = vector.broadcast %le3A_2895 : f32 to vector<16xf32>
        %le3A_2897 = arith.cmpf ole, %mul3A_2855, %le3A_2896 : vector<16xf32>
        %mul3A_2898 = arith.constant 2.000000e+00 : f32
        %mul3A_2899 = vector.broadcast %mul3A_2898 : f32 to vector<16xf32>
        %mul3A_2900 = arith.mulf %mul3A_2899, %mul3A_2894 : vector<16xf32>
        %mul3A_2901 = arith.constant 2.000000e+00 : f32
        %mul3A_2902 = vector.broadcast %mul3A_2901 : f32 to vector<16xf32>
        %mul3A_2903 = arith.mulf %mul3A_2902, %mul3A_2894 : vector<16xf32>
        %sub3A_2904 = arith.constant 3.14159274 : f32
        %sub3A_2905 = vector.broadcast %sub3A_2904 : f32 to vector<16xf32>
        %sub3A_2906 = arith.subf %sub3A_2905, %mul3A_2903 : vector<16xf32>
        %select_n3A_2907 = arith.select %le3A_2897, %mul3A_2900, %sub3A_2906 : vector<16xi1>, vector<16xf32>
        %jit3A_2908 = arith.constant 0.000000e+00 : f32
        %broadcast_in_dim3A_2909 = vector.broadcast %jit3A_2908 : f32 to vector<16xf32>
        %select_n3A_2910 = arith.select %lt3A_4, %select_n3A_2907, %broadcast_in_dim3A_2909 : vector<16xi1>, vector<16xf32>
        %add3A_2911 = arith.addf %broadcast_in_dim3A_5, %add3A_2704 : vector<16xf32>
        %add3A_2912 = arith.addf %add3A_2911, %add3A_2732 : vector<16xf32>
        %sub3A_2913 = arith.subf %add3A_2912, %mul3A_946 : vector<16xf32>
        %mul3A_2914 = arith.constant 5.000000e-01 : f32
        %mul3A_2915 = vector.broadcast %mul3A_2914 : f32 to vector<16xf32>
        %mul3A_2916 = arith.mulf %mul3A_2915, %sub3A_2913 : vector<16xf32>
        %abs3A_2917 = math.absf %mul3A_2916 : vector<16xf32>
        %neg3A_2918 = arith.constant 0.000000e+00 : f32
        %neg3A_2919 = vector.broadcast %neg3A_2918 : f32 to vector<16xf32>
        %neg3A_2920 = arith.subf %neg3A_2919, %abs3A_2917 : vector<16xf32>
        %exp3A_2921 = math.exp %neg3A_2920 : vector<16xf32>
        %mul3A_2922 = arith.mulf %exp3A_2921, %exp3A_2921 : vector<16xf32>
        %mul3A_2923 = arith.mulf %mul3A_2922, %mul3A_2922 : vector<16xf32>
        %mul3A_2924 = arith.mulf %mul3A_2923, %mul3A_2923 : vector<16xf32>
        %mul3A_2925 = arith.constant -0.333322316 : f32
        %mul3A_2926 = vector.broadcast %mul3A_2925 : f32 to vector<16xf32>
        %mul3A_2927 = arith.mulf %mul3A_2926, %mul3A_2922 : vector<16xf32>
        %add3A_2928 = arith.constant 0.99999994 : f32
        %add3A_2929 = vector.broadcast %add3A_2928 : f32 to vector<16xf32>
        %add3A_2930 = arith.addf %add3A_2929, %mul3A_2927 : vector<16xf32>
        %mul3A_2931 = arith.constant -0.140478209 : f32
        %mul3A_2932 = vector.broadcast %mul3A_2931 : f32 to vector<16xf32>
        %mul3A_2933 = arith.mulf %mul3A_2932, %mul3A_2922 : vector<16xf32>
        %add3A_2934 = arith.constant 0.199740291 : f32
        %add3A_2935 = vector.broadcast %add3A_2934 : f32 to vector<16xf32>
        %add3A_2936 = arith.addf %add3A_2935, %mul3A_2933 : vector<16xf32>
        %mul3A_2937 = arith.mulf %mul3A_2923, %add3A_2936 : vector<16xf32>
        %add3A_2938 = arith.addf %add3A_2930, %mul3A_2937 : vector<16xf32>
        %mul3A_2939 = arith.constant -0.0608744808 : f32
        %mul3A_2940 = vector.broadcast %mul3A_2939 : f32 to vector<16xf32>
        %mul3A_2941 = arith.mulf %mul3A_2940, %mul3A_2922 : vector<16xf32>
        %add3A_2942 = arith.constant 0.100022055 : f32
        %add3A_2943 = vector.broadcast %add3A_2942 : f32 to vector<16xf32>
        %add3A_2944 = arith.addf %add3A_2943, %mul3A_2941 : vector<16xf32>
        %mul3A_2945 = arith.constant -0.00502106408 : f32
        %mul3A_2946 = vector.broadcast %mul3A_2945 : f32 to vector<16xf32>
        %mul3A_2947 = arith.mulf %mul3A_2946, %mul3A_2922 : vector<16xf32>
        %add3A_2948 = arith.constant 2.533170e-02 : f32
        %add3A_2949 = vector.broadcast %add3A_2948 : f32 to vector<16xf32>
        %add3A_2950 = arith.addf %add3A_2949, %mul3A_2947 : vector<16xf32>
        %mul3A_2951 = arith.mulf %mul3A_2923, %add3A_2950 : vector<16xf32>
        %add3A_2952 = arith.addf %add3A_2944, %mul3A_2951 : vector<16xf32>
        %mul3A_2953 = arith.mulf %mul3A_2924, %add3A_2952 : vector<16xf32>
        %add3A_2954 = arith.addf %add3A_2938, %mul3A_2953 : vector<16xf32>
        %mul3A_2955 = arith.mulf %exp3A_2921, %add3A_2954 : vector<16xf32>
        %le3A_2956 = arith.constant 0.000000e+00 : f32
        %le3A_2957 = vector.broadcast %le3A_2956 : f32 to vector<16xf32>
        %le3A_2958 = arith.cmpf ole, %mul3A_2916, %le3A_2957 : vector<16xf32>
        %mul3A_2959 = arith.constant 2.000000e+00 : f32
        %mul3A_2960 = vector.broadcast %mul3A_2959 : f32 to vector<16xf32>
        %mul3A_2961 = arith.mulf %mul3A_2960, %mul3A_2955 : vector<16xf32>
        %mul3A_2962 = arith.constant 2.000000e+00 : f32
        %mul3A_2963 = vector.broadcast %mul3A_2962 : f32 to vector<16xf32>
        %mul3A_2964 = arith.mulf %mul3A_2963, %mul3A_2955 : vector<16xf32>
        %sub3A_2965 = arith.constant 3.14159274 : f32
        %sub3A_2966 = vector.broadcast %sub3A_2965 : f32 to vector<16xf32>
        %sub3A_2967 = arith.subf %sub3A_2966, %mul3A_2964 : vector<16xf32>
        %select_n3A_2968 = arith.select %le3A_2958, %mul3A_2961, %sub3A_2967 : vector<16xi1>, vector<16xf32>
        %jit3A_2969 = arith.constant 0.000000e+00 : f32
        %broadcast_in_dim3A_2970 = vector.broadcast %jit3A_2969 : f32 to vector<16xf32>
        %select_n3A_2971 = arith.select %lt3A_4, %select_n3A_2968, %broadcast_in_dim3A_2970 : vector<16xi1>, vector<16xf32>
        %add3A_2972 = arith.addf %broadcast_in_dim3A_5, %add3A_2732 : vector<16xf32>
        %add3A_2973 = arith.addf %add3A_2972, %add3A_2788 : vector<16xf32>
        %sub3A_2974 = arith.subf %add3A_2973, %mul3A_946 : vector<16xf32>
        %mul3A_2975 = arith.constant 5.000000e-01 : f32
        %mul3A_2976 = vector.broadcast %mul3A_2975 : f32 to vector<16xf32>
        %mul3A_2977 = arith.mulf %mul3A_2976, %sub3A_2974 : vector<16xf32>
        %abs3A_2978 = math.absf %mul3A_2977 : vector<16xf32>
        %neg3A_2979 = arith.constant 0.000000e+00 : f32
        %neg3A_2980 = vector.broadcast %neg3A_2979 : f32 to vector<16xf32>
        %neg3A_2981 = arith.subf %neg3A_2980, %abs3A_2978 : vector<16xf32>
        %exp3A_2982 = math.exp %neg3A_2981 : vector<16xf32>
        %mul3A_2983 = arith.mulf %exp3A_2982, %exp3A_2982 : vector<16xf32>
        %mul3A_2984 = arith.mulf %mul3A_2983, %mul3A_2983 : vector<16xf32>
        %mul3A_2985 = arith.mulf %mul3A_2984, %mul3A_2984 : vector<16xf32>
        %mul3A_2986 = arith.constant -0.333322316 : f32
        %mul3A_2987 = vector.broadcast %mul3A_2986 : f32 to vector<16xf32>
        %mul3A_2988 = arith.mulf %mul3A_2987, %mul3A_2983 : vector<16xf32>
        %add3A_2989 = arith.constant 0.99999994 : f32
        %add3A_2990 = vector.broadcast %add3A_2989 : f32 to vector<16xf32>
        %add3A_2991 = arith.addf %add3A_2990, %mul3A_2988 : vector<16xf32>
        %mul3A_2992 = arith.constant -0.140478209 : f32
        %mul3A_2993 = vector.broadcast %mul3A_2992 : f32 to vector<16xf32>
        %mul3A_2994 = arith.mulf %mul3A_2993, %mul3A_2983 : vector<16xf32>
        %add3A_2995 = arith.constant 0.199740291 : f32
        %add3A_2996 = vector.broadcast %add3A_2995 : f32 to vector<16xf32>
        %add3A_2997 = arith.addf %add3A_2996, %mul3A_2994 : vector<16xf32>
        %mul3A_2998 = arith.mulf %mul3A_2984, %add3A_2997 : vector<16xf32>
        %add3A_2999 = arith.addf %add3A_2991, %mul3A_2998 : vector<16xf32>
        %mul3A_3000 = arith.constant -0.0608744808 : f32
        %mul3A_3001 = vector.broadcast %mul3A_3000 : f32 to vector<16xf32>
        %mul3A_3002 = arith.mulf %mul3A_3001, %mul3A_2983 : vector<16xf32>
        %add3A_3003 = arith.constant 0.100022055 : f32
        %add3A_3004 = vector.broadcast %add3A_3003 : f32 to vector<16xf32>
        %add3A_3005 = arith.addf %add3A_3004, %mul3A_3002 : vector<16xf32>
        %mul3A_3006 = arith.constant -0.00502106408 : f32
        %mul3A_3007 = vector.broadcast %mul3A_3006 : f32 to vector<16xf32>
        %mul3A_3008 = arith.mulf %mul3A_3007, %mul3A_2983 : vector<16xf32>
        %add3A_3009 = arith.constant 2.533170e-02 : f32
        %add3A_3010 = vector.broadcast %add3A_3009 : f32 to vector<16xf32>
        %add3A_3011 = arith.addf %add3A_3010, %mul3A_3008 : vector<16xf32>
        %mul3A_3012 = arith.mulf %mul3A_2984, %add3A_3011 : vector<16xf32>
        %add3A_3013 = arith.addf %add3A_3005, %mul3A_3012 : vector<16xf32>
        %mul3A_3014 = arith.mulf %mul3A_2985, %add3A_3013 : vector<16xf32>
        %add3A_3015 = arith.addf %add3A_2999, %mul3A_3014 : vector<16xf32>
        %mul3A_3016 = arith.mulf %exp3A_2982, %add3A_3015 : vector<16xf32>
        %le3A_3017 = arith.constant 0.000000e+00 : f32
        %le3A_3018 = vector.broadcast %le3A_3017 : f32 to vector<16xf32>
        %le3A_3019 = arith.cmpf ole, %mul3A_2977, %le3A_3018 : vector<16xf32>
        %mul3A_3020 = arith.constant 2.000000e+00 : f32
        %mul3A_3021 = vector.broadcast %mul3A_3020 : f32 to vector<16xf32>
        %mul3A_3022 = arith.mulf %mul3A_3021, %mul3A_3016 : vector<16xf32>
        %mul3A_3023 = arith.constant 2.000000e+00 : f32
        %mul3A_3024 = vector.broadcast %mul3A_3023 : f32 to vector<16xf32>
        %mul3A_3025 = arith.mulf %mul3A_3024, %mul3A_3016 : vector<16xf32>
        %sub3A_3026 = arith.constant 3.14159274 : f32
        %sub3A_3027 = vector.broadcast %sub3A_3026 : f32 to vector<16xf32>
        %sub3A_3028 = arith.subf %sub3A_3027, %mul3A_3025 : vector<16xf32>
        %select_n3A_3029 = arith.select %le3A_3019, %mul3A_3022, %sub3A_3028 : vector<16xi1>, vector<16xf32>
        %jit3A_3030 = arith.constant 0.000000e+00 : f32
        %broadcast_in_dim3A_3031 = vector.broadcast %jit3A_3030 : f32 to vector<16xf32>
        %select_n3A_3032 = arith.select %lt3A_4, %select_n3A_3029, %broadcast_in_dim3A_3031 : vector<16xi1>, vector<16xf32>
        %xor3A_3033 = arith.constant 1 : i32
        %xor3A_3034 = vector.broadcast %xor3A_3033 : i32 to vector<16xi32>
        %xor3A_3035 = arith.xori %iota3A, %xor3A_3034 : vector<16xi32>
        %broadcast_in_dim3A_3036 = vector.shape_cast %xor3A_3035 : vector<16xi32> to vector<16x1xi32>
        %gather3A_3037 = vector.shape_cast %broadcast_in_dim3A_3036 : vector<16x1xi32> to vector<16xi32>
        %gather3A_3038 = tpu.dynamic_gather %select_n3A_3032[%gather3A_3037] in [0] : vector<16xf32>, vector<16xi32> -> vector<16xf32>
        %add3A_3039 = arith.addf %select_n3A_3032, %gather3A_3038 : vector<16xf32>
        %xor3A_3040 = arith.constant 2 : i32
        %xor3A_3041 = vector.broadcast %xor3A_3040 : i32 to vector<16xi32>
        %xor3A_3042 = arith.xori %iota3A, %xor3A_3041 : vector<16xi32>
        %broadcast_in_dim3A_3043 = vector.shape_cast %xor3A_3042 : vector<16xi32> to vector<16x1xi32>
        %gather3A_3044 = vector.shape_cast %broadcast_in_dim3A_3043 : vector<16x1xi32> to vector<16xi32>
        %gather3A_3045 = tpu.dynamic_gather %add3A_3039[%gather3A_3044] in [0] : vector<16xf32>, vector<16xi32> -> vector<16xf32>
        %add3A_3046 = arith.addf %add3A_3039, %gather3A_3045 : vector<16xf32>
        %xor3A_3047 = arith.constant 4 : i32
        %xor3A_3048 = vector.broadcast %xor3A_3047 : i32 to vector<16xi32>
        %xor3A_3049 = arith.xori %iota3A, %xor3A_3048 : vector<16xi32>
        %broadcast_in_dim3A_3050 = vector.shape_cast %xor3A_3049 : vector<16xi32> to vector<16x1xi32>
        %gather3A_3051 = vector.shape_cast %broadcast_in_dim3A_3050 : vector<16x1xi32> to vector<16xi32>
        %gather3A_3052 = tpu.dynamic_gather %add3A_3046[%gather3A_3051] in [0] : vector<16xf32>, vector<16xi32> -> vector<16xf32>
        %add3A_3053 = arith.addf %add3A_3046, %gather3A_3052 : vector<16xf32>
        %xor3A_3054 = arith.constant 8 : i32
        %xor3A_3055 = vector.broadcast %xor3A_3054 : i32 to vector<16xi32>
        %xor3A_3056 = arith.xori %iota3A, %xor3A_3055 : vector<16xi32>
        %broadcast_in_dim3A_3057 = vector.shape_cast %xor3A_3056 : vector<16xi32> to vector<16x1xi32>
        %gather3A_3058 = vector.shape_cast %broadcast_in_dim3A_3057 : vector<16x1xi32> to vector<16xi32>
        %gather3A_3059 = tpu.dynamic_gather %add3A_3053[%gather3A_3058] in [0] : vector<16xf32>, vector<16xi32> -> vector<16xf32>
        %add3A_3060 = arith.addf %add3A_3053, %gather3A_3059 : vector<16xf32>
        %add3A_3061 = arith.addf %broadcast_in_dim3A_5, %add3A_2732 : vector<16xf32>
        %add3A_3062 = arith.addf %add3A_3061, %add3A_2760 : vector<16xf32>
        %sub3A_3063 = arith.subf %add3A_3062, %mul3A_965 : vector<16xf32>
        %mul3A_3064 = arith.constant 5.000000e-01 : f32
        %mul3A_3065 = vector.broadcast %mul3A_3064 : f32 to vector<16xf32>
        %mul3A_3066 = arith.mulf %mul3A_3065, %sub3A_3063 : vector<16xf32>
        %abs3A_3067 = math.absf %mul3A_3066 : vector<16xf32>
        %neg3A_3068 = arith.constant 0.000000e+00 : f32
        %neg3A_3069 = vector.broadcast %neg3A_3068 : f32 to vector<16xf32>
        %neg3A_3070 = arith.subf %neg3A_3069, %abs3A_3067 : vector<16xf32>
        %exp3A_3071 = math.exp %neg3A_3070 : vector<16xf32>
        %mul3A_3072 = arith.mulf %exp3A_3071, %exp3A_3071 : vector<16xf32>
        %mul3A_3073 = arith.mulf %mul3A_3072, %mul3A_3072 : vector<16xf32>
        %mul3A_3074 = arith.mulf %mul3A_3073, %mul3A_3073 : vector<16xf32>
        %mul3A_3075 = arith.constant -0.333322316 : f32
        %mul3A_3076 = vector.broadcast %mul3A_3075 : f32 to vector<16xf32>
        %mul3A_3077 = arith.mulf %mul3A_3076, %mul3A_3072 : vector<16xf32>
        %add3A_3078 = arith.constant 0.99999994 : f32
        %add3A_3079 = vector.broadcast %add3A_3078 : f32 to vector<16xf32>
        %add3A_3080 = arith.addf %add3A_3079, %mul3A_3077 : vector<16xf32>
        %mul3A_3081 = arith.constant -0.140478209 : f32
        %mul3A_3082 = vector.broadcast %mul3A_3081 : f32 to vector<16xf32>
        %mul3A_3083 = arith.mulf %mul3A_3082, %mul3A_3072 : vector<16xf32>
        %add3A_3084 = arith.constant 0.199740291 : f32
        %add3A_3085 = vector.broadcast %add3A_3084 : f32 to vector<16xf32>
        %add3A_3086 = arith.addf %add3A_3085, %mul3A_3083 : vector<16xf32>
        %mul3A_3087 = arith.mulf %mul3A_3073, %add3A_3086 : vector<16xf32>
        %add3A_3088 = arith.addf %add3A_3080, %mul3A_3087 : vector<16xf32>
        %mul3A_3089 = arith.constant -0.0608744808 : f32
        %mul3A_3090 = vector.broadcast %mul3A_3089 : f32 to vector<16xf32>
        %mul3A_3091 = arith.mulf %mul3A_3090, %mul3A_3072 : vector<16xf32>
        %add3A_3092 = arith.constant 0.100022055 : f32
        %add3A_3093 = vector.broadcast %add3A_3092 : f32 to vector<16xf32>
        %add3A_3094 = arith.addf %add3A_3093, %mul3A_3091 : vector<16xf32>
        %mul3A_3095 = arith.constant -0.00502106408 : f32
        %mul3A_3096 = vector.broadcast %mul3A_3095 : f32 to vector<16xf32>
        %mul3A_3097 = arith.mulf %mul3A_3096, %mul3A_3072 : vector<16xf32>
        %add3A_3098 = arith.constant 2.533170e-02 : f32
        %add3A_3099 = vector.broadcast %add3A_3098 : f32 to vector<16xf32>
        %add3A_3100 = arith.addf %add3A_3099, %mul3A_3097 : vector<16xf32>
        %mul3A_3101 = arith.mulf %mul3A_3073, %add3A_3100 : vector<16xf32>
        %add3A_3102 = arith.addf %add3A_3094, %mul3A_3101 : vector<16xf32>
        %mul3A_3103 = arith.mulf %mul3A_3074, %add3A_3102 : vector<16xf32>
        %add3A_3104 = arith.addf %add3A_3088, %mul3A_3103 : vector<16xf32>
        %mul3A_3105 = arith.mulf %exp3A_3071, %add3A_3104 : vector<16xf32>
        %le3A_3106 = arith.constant 0.000000e+00 : f32
        %le3A_3107 = vector.broadcast %le3A_3106 : f32 to vector<16xf32>
        %le3A_3108 = arith.cmpf ole, %mul3A_3066, %le3A_3107 : vector<16xf32>
        %mul3A_3109 = arith.constant 2.000000e+00 : f32
        %mul3A_3110 = vector.broadcast %mul3A_3109 : f32 to vector<16xf32>
        %mul3A_3111 = arith.mulf %mul3A_3110, %mul3A_3105 : vector<16xf32>
        %mul3A_3112 = arith.constant 2.000000e+00 : f32
        %mul3A_3113 = vector.broadcast %mul3A_3112 : f32 to vector<16xf32>
        %mul3A_3114 = arith.mulf %mul3A_3113, %mul3A_3105 : vector<16xf32>
        %sub3A_3115 = arith.constant 3.14159274 : f32
        %sub3A_3116 = vector.broadcast %sub3A_3115 : f32 to vector<16xf32>
        %sub3A_3117 = arith.subf %sub3A_3116, %mul3A_3114 : vector<16xf32>
        %select_n3A_3118 = arith.select %le3A_3108, %mul3A_3111, %sub3A_3117 : vector<16xi1>, vector<16xf32>
        %jit3A_3119 = arith.constant 0.000000e+00 : f32
        %broadcast_in_dim3A_3120 = vector.broadcast %jit3A_3119 : f32 to vector<16xf32>
        %select_n3A_3121 = arith.select %lt3A_4, %select_n3A_3118, %broadcast_in_dim3A_3120 : vector<16xi1>, vector<16xf32>
        %add3A_3122 = arith.addf %broadcast_in_dim3A_5, %add3A_2760 : vector<16xf32>
        %sub3A_3123 = arith.subf %add3A_3122, %mul3A_965 : vector<16xf32>
        %mul3A_3124 = arith.constant 5.000000e-01 : f32
        %mul3A_3125 = vector.broadcast %mul3A_3124 : f32 to vector<16xf32>
        %mul3A_3126 = arith.mulf %mul3A_3125, %sub3A_3123 : vector<16xf32>
        %abs3A_3127 = math.absf %mul3A_3126 : vector<16xf32>
        %neg3A_3128 = arith.constant 0.000000e+00 : f32
        %neg3A_3129 = vector.broadcast %neg3A_3128 : f32 to vector<16xf32>
        %neg3A_3130 = arith.subf %neg3A_3129, %abs3A_3127 : vector<16xf32>
        %exp3A_3131 = math.exp %neg3A_3130 : vector<16xf32>
        %mul3A_3132 = arith.mulf %exp3A_3131, %exp3A_3131 : vector<16xf32>
        %mul3A_3133 = arith.mulf %mul3A_3132, %mul3A_3132 : vector<16xf32>
        %mul3A_3134 = arith.mulf %mul3A_3133, %mul3A_3133 : vector<16xf32>
        %mul3A_3135 = arith.constant -0.333322316 : f32
        %mul3A_3136 = vector.broadcast %mul3A_3135 : f32 to vector<16xf32>
        %mul3A_3137 = arith.mulf %mul3A_3136, %mul3A_3132 : vector<16xf32>
        %add3A_3138 = arith.constant 0.99999994 : f32
        %add3A_3139 = vector.broadcast %add3A_3138 : f32 to vector<16xf32>
        %add3A_3140 = arith.addf %add3A_3139, %mul3A_3137 : vector<16xf32>
        %mul3A_3141 = arith.constant -0.140478209 : f32
        %mul3A_3142 = vector.broadcast %mul3A_3141 : f32 to vector<16xf32>
        %mul3A_3143 = arith.mulf %mul3A_3142, %mul3A_3132 : vector<16xf32>
        %add3A_3144 = arith.constant 0.199740291 : f32
        %add3A_3145 = vector.broadcast %add3A_3144 : f32 to vector<16xf32>
        %add3A_3146 = arith.addf %add3A_3145, %mul3A_3143 : vector<16xf32>
        %mul3A_3147 = arith.mulf %mul3A_3133, %add3A_3146 : vector<16xf32>
        %add3A_3148 = arith.addf %add3A_3140, %mul3A_3147 : vector<16xf32>
        %mul3A_3149 = arith.constant -0.0608744808 : f32
        %mul3A_3150 = vector.broadcast %mul3A_3149 : f32 to vector<16xf32>
        %mul3A_3151 = arith.mulf %mul3A_3150, %mul3A_3132 : vector<16xf32>
        %add3A_3152 = arith.constant 0.100022055 : f32
        %add3A_3153 = vector.broadcast %add3A_3152 : f32 to vector<16xf32>
        %add3A_3154 = arith.addf %add3A_3153, %mul3A_3151 : vector<16xf32>
        %mul3A_3155 = arith.constant -0.00502106408 : f32
        %mul3A_3156 = vector.broadcast %mul3A_3155 : f32 to vector<16xf32>
        %mul3A_3157 = arith.mulf %mul3A_3156, %mul3A_3132 : vector<16xf32>
        %add3A_3158 = arith.constant 2.533170e-02 : f32
        %add3A_3159 = vector.broadcast %add3A_3158 : f32 to vector<16xf32>
        %add3A_3160 = arith.addf %add3A_3159, %mul3A_3157 : vector<16xf32>
        %mul3A_3161 = arith.mulf %mul3A_3133, %add3A_3160 : vector<16xf32>
        %add3A_3162 = arith.addf %add3A_3154, %mul3A_3161 : vector<16xf32>
        %mul3A_3163 = arith.mulf %mul3A_3134, %add3A_3162 : vector<16xf32>
        %add3A_3164 = arith.addf %add3A_3148, %mul3A_3163 : vector<16xf32>
        %mul3A_3165 = arith.mulf %exp3A_3131, %add3A_3164 : vector<16xf32>
        %le3A_3166 = arith.constant 0.000000e+00 : f32
        %le3A_3167 = vector.broadcast %le3A_3166 : f32 to vector<16xf32>
        %le3A_3168 = arith.cmpf ole, %mul3A_3126, %le3A_3167 : vector<16xf32>
        %mul3A_3169 = arith.constant 2.000000e+00 : f32
        %mul3A_3170 = vector.broadcast %mul3A_3169 : f32 to vector<16xf32>
        %mul3A_3171 = arith.mulf %mul3A_3170, %mul3A_3165 : vector<16xf32>
        %mul3A_3172 = arith.constant 2.000000e+00 : f32
        %mul3A_3173 = vector.broadcast %mul3A_3172 : f32 to vector<16xf32>
        %mul3A_3174 = arith.mulf %mul3A_3173, %mul3A_3165 : vector<16xf32>
        %sub3A_3175 = arith.constant 3.14159274 : f32
        %sub3A_3176 = vector.broadcast %sub3A_3175 : f32 to vector<16xf32>
        %sub3A_3177 = arith.subf %sub3A_3176, %mul3A_3174 : vector<16xf32>
        %select_n3A_3178 = arith.select %le3A_3168, %mul3A_3171, %sub3A_3177 : vector<16xi1>, vector<16xf32>
        %jit3A_3179 = arith.constant 0.000000e+00 : f32
        %broadcast_in_dim3A_3180 = vector.broadcast %jit3A_3179 : f32 to vector<16xf32>
        %select_n3A_3181 = arith.select %lt3A_4, %select_n3A_3178, %broadcast_in_dim3A_3180 : vector<16xi1>, vector<16xf32>
        %add3A_3182 = arith.addf %broadcast_in_dim3A_5, %add3A_3060 : vector<16xf32>
        %sub3A_3183 = arith.subf %add3A_3182, %mul3A_965 : vector<16xf32>
        %mul3A_3184 = arith.constant 5.000000e-01 : f32
        %mul3A_3185 = vector.broadcast %mul3A_3184 : f32 to vector<16xf32>
        %mul3A_3186 = arith.mulf %mul3A_3185, %sub3A_3183 : vector<16xf32>
        %abs3A_3187 = math.absf %mul3A_3186 : vector<16xf32>
        %neg3A_3188 = arith.constant 0.000000e+00 : f32
        %neg3A_3189 = vector.broadcast %neg3A_3188 : f32 to vector<16xf32>
        %neg3A_3190 = arith.subf %neg3A_3189, %abs3A_3187 : vector<16xf32>
        %exp3A_3191 = math.exp %neg3A_3190 : vector<16xf32>
        %mul3A_3192 = arith.mulf %exp3A_3191, %exp3A_3191 : vector<16xf32>
        %mul3A_3193 = arith.mulf %mul3A_3192, %mul3A_3192 : vector<16xf32>
        %mul3A_3194 = arith.mulf %mul3A_3193, %mul3A_3193 : vector<16xf32>
        %mul3A_3195 = arith.constant -0.333322316 : f32
        %mul3A_3196 = vector.broadcast %mul3A_3195 : f32 to vector<16xf32>
        %mul3A_3197 = arith.mulf %mul3A_3196, %mul3A_3192 : vector<16xf32>
        %add3A_3198 = arith.constant 0.99999994 : f32
        %add3A_3199 = vector.broadcast %add3A_3198 : f32 to vector<16xf32>
        %add3A_3200 = arith.addf %add3A_3199, %mul3A_3197 : vector<16xf32>
        %mul3A_3201 = arith.constant -0.140478209 : f32
        %mul3A_3202 = vector.broadcast %mul3A_3201 : f32 to vector<16xf32>
        %mul3A_3203 = arith.mulf %mul3A_3202, %mul3A_3192 : vector<16xf32>
        %add3A_3204 = arith.constant 0.199740291 : f32
        %add3A_3205 = vector.broadcast %add3A_3204 : f32 to vector<16xf32>
        %add3A_3206 = arith.addf %add3A_3205, %mul3A_3203 : vector<16xf32>
        %mul3A_3207 = arith.mulf %mul3A_3193, %add3A_3206 : vector<16xf32>
        %add3A_3208 = arith.addf %add3A_3200, %mul3A_3207 : vector<16xf32>
        %mul3A_3209 = arith.constant -0.0608744808 : f32
        %mul3A_3210 = vector.broadcast %mul3A_3209 : f32 to vector<16xf32>
        %mul3A_3211 = arith.mulf %mul3A_3210, %mul3A_3192 : vector<16xf32>
        %add3A_3212 = arith.constant 0.100022055 : f32
        %add3A_3213 = vector.broadcast %add3A_3212 : f32 to vector<16xf32>
        %add3A_3214 = arith.addf %add3A_3213, %mul3A_3211 : vector<16xf32>
        %mul3A_3215 = arith.constant -0.00502106408 : f32
        %mul3A_3216 = vector.broadcast %mul3A_3215 : f32 to vector<16xf32>
        %mul3A_3217 = arith.mulf %mul3A_3216, %mul3A_3192 : vector<16xf32>
        %add3A_3218 = arith.constant 2.533170e-02 : f32
        %add3A_3219 = vector.broadcast %add3A_3218 : f32 to vector<16xf32>
        %add3A_3220 = arith.addf %add3A_3219, %mul3A_3217 : vector<16xf32>
        %mul3A_3221 = arith.mulf %mul3A_3193, %add3A_3220 : vector<16xf32>
        %add3A_3222 = arith.addf %add3A_3214, %mul3A_3221 : vector<16xf32>
        %mul3A_3223 = arith.mulf %mul3A_3194, %add3A_3222 : vector<16xf32>
        %add3A_3224 = arith.addf %add3A_3208, %mul3A_3223 : vector<16xf32>
        %mul3A_3225 = arith.mulf %exp3A_3191, %add3A_3224 : vector<16xf32>
        %le3A_3226 = arith.constant 0.000000e+00 : f32
        %le3A_3227 = vector.broadcast %le3A_3226 : f32 to vector<16xf32>
        %le3A_3228 = arith.cmpf ole, %mul3A_3186, %le3A_3227 : vector<16xf32>
        %mul3A_3229 = arith.constant 2.000000e+00 : f32
        %mul3A_3230 = vector.broadcast %mul3A_3229 : f32 to vector<16xf32>
        %mul3A_3231 = arith.mulf %mul3A_3230, %mul3A_3225 : vector<16xf32>
        %mul3A_3232 = arith.constant 2.000000e+00 : f32
        %mul3A_3233 = vector.broadcast %mul3A_3232 : f32 to vector<16xf32>
        %mul3A_3234 = arith.mulf %mul3A_3233, %mul3A_3225 : vector<16xf32>
        %sub3A_3235 = arith.constant 3.14159274 : f32
        %sub3A_3236 = vector.broadcast %sub3A_3235 : f32 to vector<16xf32>
        %sub3A_3237 = arith.subf %sub3A_3236, %mul3A_3234 : vector<16xf32>
        %select_n3A_3238 = arith.select %le3A_3228, %mul3A_3231, %sub3A_3237 : vector<16xi1>, vector<16xf32>
        %jit3A_3239 = arith.constant 0.000000e+00 : f32
        %broadcast_in_dim3A_3240 = vector.broadcast %jit3A_3239 : f32 to vector<16xf32>
        %select_n3A_3241 = arith.select %lt3A_4, %select_n3A_3238, %broadcast_in_dim3A_3240 : vector<16xi1>, vector<16xf32>
        scf.yield %sub3A_763, %sub3A_823, %sub3A_883, %sub3A_943, %sub3A_782, %sub3A_842, %sub3A_902, %sub3A_962, %sub3A_801, %sub3A_861, %sub3A_921, %sub3A_981, %select_n3A_1154, %select_n3A_1243, %select_n3A_1304, %select_n3A_1365, %select_n3A_1426, %select_n3A_1486, %select_n3A_1546, %select_n3A_1719, %select_n3A_1780, %select_n3A_1869, %select_n3A_1930, %select_n3A_1991, %select_n3A_2051, %select_n3A_2111, %select_n3A_2284, %select_n3A_2345, %select_n3A_2406, %select_n3A_2495, %select_n3A_2556, %select_n3A_2616, %select_n3A_2676, %select_n3A_2849, %select_n3A_2910, %select_n3A_2971, %select_n3A_3032, %select_n3A_3121, %select_n3A_3181, %select_n3A_3241 : vector<16xf32>, vector<16xf32>, vector<16xf32>, vector<16xf32>, vector<16xf32>, vector<16xf32>, vector<16xf32>, vector<16xf32>, vector<16xf32>, vector<16xf32>, vector<16xf32>, vector<16xf32>, vector<16xf32>, vector<16xf32>, vector<16xf32>, vector<16xf32>, vector<16xf32>, vector<16xf32>, vector<16xf32>, vector<16xf32>, vector<16xf32>, vector<16xf32>, vector<16xf32>, vector<16xf32>, vector<16xf32>, vector<16xf32>, vector<16xf32>, vector<16xf32>, vector<16xf32>, vector<16xf32>, vector<16xf32>, vector<16xf32>, vector<16xf32>, vector<16xf32>, vector<16xf32>, vector<16xf32>, vector<16xf32>, vector<16xf32>, vector<16xf32>, vector<16xf32>
      }
      %broadcast_in_dim3A_92 = arith.constant 1.000000e+00 : f32
      %broadcast_in_dim3A_93 = vector.broadcast %broadcast_in_dim3A_92 : f32 to vector<16xf32>
      %mul3A_94 = arith.constant 5.000000e-01 : f32
      %mul3A_95 = vector.broadcast %mul3A_94 : f32 to vector<16xf32>
      %mul3A_96 = arith.mulf %mul3A_95, %while3A_91#12 : vector<16xf32>
      %mul3A_97 = arith.constant 2.000000e+00 : f32
      %mul3A_98 = vector.broadcast %mul3A_97 : f32 to vector<16xf32>
      %mul3A_99 = arith.mulf %mul3A_98, %mul3A_96 : vector<16xf32>
      %exp3A = math.exp %mul3A_99 : vector<16xf32>
      %add3A_100 = arith.constant 1.000000e+00 : f32
      %add3A_101 = vector.broadcast %add3A_100 : f32 to vector<16xf32>
      %add3A_102 = arith.addf %exp3A, %add3A_101 : vector<16xf32>
      %div3A = arith.constant 2.000000e+00 : f32
      %div3A_103 = vector.broadcast %div3A : f32 to vector<16xf32>
      %div3A_104 = arith.divf %div3A_103, %add3A_102 : vector<16xf32>
      %sub3A = arith.constant 1.000000e+00 : f32
      %sub3A_105 = vector.broadcast %sub3A : f32 to vector<16xf32>
      %sub3A_106 = arith.subf %sub3A_105, %div3A_104 : vector<16xf32>
      %jit3A_107 = arith.constant 1.000000e+00 : f32
      %broadcast_in_dim3A_108 = vector.broadcast %jit3A_107 : f32 to vector<16xf32>
      %select_n3A_109 = arith.select %lt3A_4, %sub3A_106, %broadcast_in_dim3A_108 : vector<16xi1>, vector<16xf32>
      %mul3A_110 = arith.mulf %broadcast_in_dim3A_93, %select_n3A_109 : vector<16xf32>
      %mul3A_111 = arith.constant 5.000000e-01 : f32
      %mul3A_112 = vector.broadcast %mul3A_111 : f32 to vector<16xf32>
      %mul3A_113 = arith.mulf %mul3A_112, %while3A_91#13 : vector<16xf32>
      %mul3A_114 = arith.constant 2.000000e+00 : f32
      %mul3A_115 = vector.broadcast %mul3A_114 : f32 to vector<16xf32>
      %mul3A_116 = arith.mulf %mul3A_115, %mul3A_113 : vector<16xf32>
      %exp3A_117 = math.exp %mul3A_116 : vector<16xf32>
      %add3A_118 = arith.constant 1.000000e+00 : f32
      %add3A_119 = vector.broadcast %add3A_118 : f32 to vector<16xf32>
      %add3A_120 = arith.addf %exp3A_117, %add3A_119 : vector<16xf32>
      %div3A_121 = arith.constant 2.000000e+00 : f32
      %div3A_122 = vector.broadcast %div3A_121 : f32 to vector<16xf32>
      %div3A_123 = arith.divf %div3A_122, %add3A_120 : vector<16xf32>
      %sub3A_124 = arith.constant 1.000000e+00 : f32
      %sub3A_125 = vector.broadcast %sub3A_124 : f32 to vector<16xf32>
      %sub3A_126 = arith.subf %sub3A_125, %div3A_123 : vector<16xf32>
      %jit3A_127 = arith.constant 1.000000e+00 : f32
      %broadcast_in_dim3A_128 = vector.broadcast %jit3A_127 : f32 to vector<16xf32>
      %select_n3A_129 = arith.select %lt3A_4, %sub3A_126, %broadcast_in_dim3A_128 : vector<16xi1>, vector<16xf32>
      %mul3A_130 = arith.mulf %mul3A_110, %select_n3A_129 : vector<16xf32>
      %mul3A_131 = arith.constant 5.000000e-01 : f32
      %mul3A_132 = vector.broadcast %mul3A_131 : f32 to vector<16xf32>
      %mul3A_133 = arith.mulf %mul3A_132, %while3A_91#14 : vector<16xf32>
      %mul3A_134 = arith.constant 2.000000e+00 : f32
      %mul3A_135 = vector.broadcast %mul3A_134 : f32 to vector<16xf32>
      %mul3A_136 = arith.mulf %mul3A_135, %mul3A_133 : vector<16xf32>
      %exp3A_137 = math.exp %mul3A_136 : vector<16xf32>
      %add3A_138 = arith.constant 1.000000e+00 : f32
      %add3A_139 = vector.broadcast %add3A_138 : f32 to vector<16xf32>
      %add3A_140 = arith.addf %exp3A_137, %add3A_139 : vector<16xf32>
      %div3A_141 = arith.constant 2.000000e+00 : f32
      %div3A_142 = vector.broadcast %div3A_141 : f32 to vector<16xf32>
      %div3A_143 = arith.divf %div3A_142, %add3A_140 : vector<16xf32>
      %sub3A_144 = arith.constant 1.000000e+00 : f32
      %sub3A_145 = vector.broadcast %sub3A_144 : f32 to vector<16xf32>
      %sub3A_146 = arith.subf %sub3A_145, %div3A_143 : vector<16xf32>
      %jit3A_147 = arith.constant 1.000000e+00 : f32
      %broadcast_in_dim3A_148 = vector.broadcast %jit3A_147 : f32 to vector<16xf32>
      %select_n3A_149 = arith.select %lt3A_4, %sub3A_146, %broadcast_in_dim3A_148 : vector<16xi1>, vector<16xf32>
      %mul3A_150 = arith.mulf %mul3A_130, %select_n3A_149 : vector<16xf32>
      %mul3A_151 = arith.constant 5.000000e-01 : f32
      %mul3A_152 = vector.broadcast %mul3A_151 : f32 to vector<16xf32>
      %mul3A_153 = arith.mulf %mul3A_152, %while3A_91#15 : vector<16xf32>
      %mul3A_154 = arith.constant 2.000000e+00 : f32
      %mul3A_155 = vector.broadcast %mul3A_154 : f32 to vector<16xf32>
      %mul3A_156 = arith.mulf %mul3A_155, %mul3A_153 : vector<16xf32>
      %exp3A_157 = math.exp %mul3A_156 : vector<16xf32>
      %add3A_158 = arith.constant 1.000000e+00 : f32
      %add3A_159 = vector.broadcast %add3A_158 : f32 to vector<16xf32>
      %add3A_160 = arith.addf %exp3A_157, %add3A_159 : vector<16xf32>
      %div3A_161 = arith.constant 2.000000e+00 : f32
      %div3A_162 = vector.broadcast %div3A_161 : f32 to vector<16xf32>
      %div3A_163 = arith.divf %div3A_162, %add3A_160 : vector<16xf32>
      %sub3A_164 = arith.constant 1.000000e+00 : f32
      %sub3A_165 = vector.broadcast %sub3A_164 : f32 to vector<16xf32>
      %sub3A_166 = arith.subf %sub3A_165, %div3A_163 : vector<16xf32>
      %jit3A_167 = arith.constant 1.000000e+00 : f32
      %broadcast_in_dim3A_168 = vector.broadcast %jit3A_167 : f32 to vector<16xf32>
      %select_n3A_169 = arith.select %lt3A_4, %sub3A_166, %broadcast_in_dim3A_168 : vector<16xi1>, vector<16xf32>
      %mul3A_170 = arith.mulf %mul3A_150, %select_n3A_169 : vector<16xf32>
      %mul3A_171 = arith.constant 5.000000e-01 : f32
      %mul3A_172 = vector.broadcast %mul3A_171 : f32 to vector<16xf32>
      %mul3A_173 = arith.mulf %mul3A_172, %while3A_91#16 : vector<16xf32>
      %mul3A_174 = arith.constant 2.000000e+00 : f32
      %mul3A_175 = vector.broadcast %mul3A_174 : f32 to vector<16xf32>
      %mul3A_176 = arith.mulf %mul3A_175, %mul3A_173 : vector<16xf32>
      %exp3A_177 = math.exp %mul3A_176 : vector<16xf32>
      %add3A_178 = arith.constant 1.000000e+00 : f32
      %add3A_179 = vector.broadcast %add3A_178 : f32 to vector<16xf32>
      %add3A_180 = arith.addf %exp3A_177, %add3A_179 : vector<16xf32>
      %div3A_181 = arith.constant 2.000000e+00 : f32
      %div3A_182 = vector.broadcast %div3A_181 : f32 to vector<16xf32>
      %div3A_183 = arith.divf %div3A_182, %add3A_180 : vector<16xf32>
      %sub3A_184 = arith.constant 1.000000e+00 : f32
      %sub3A_185 = vector.broadcast %sub3A_184 : f32 to vector<16xf32>
      %sub3A_186 = arith.subf %sub3A_185, %div3A_183 : vector<16xf32>
      %jit3A_187 = arith.constant 1.000000e+00 : f32
      %broadcast_in_dim3A_188 = vector.broadcast %jit3A_187 : f32 to vector<16xf32>
      %select_n3A_189 = arith.select %lt3A_4, %sub3A_186, %broadcast_in_dim3A_188 : vector<16xi1>, vector<16xf32>
      %mul3A_190 = arith.mulf %mul3A_170, %select_n3A_189 : vector<16xf32>
      %mul3A_191 = arith.constant 5.000000e-01 : f32
      %mul3A_192 = vector.broadcast %mul3A_191 : f32 to vector<16xf32>
      %mul3A_193 = arith.mulf %mul3A_192, %while3A_91#17 : vector<16xf32>
      %mul3A_194 = arith.constant 2.000000e+00 : f32
      %mul3A_195 = vector.broadcast %mul3A_194 : f32 to vector<16xf32>
      %mul3A_196 = arith.mulf %mul3A_195, %mul3A_193 : vector<16xf32>
      %exp3A_197 = math.exp %mul3A_196 : vector<16xf32>
      %add3A_198 = arith.constant 1.000000e+00 : f32
      %add3A_199 = vector.broadcast %add3A_198 : f32 to vector<16xf32>
      %add3A_200 = arith.addf %exp3A_197, %add3A_199 : vector<16xf32>
      %div3A_201 = arith.constant 2.000000e+00 : f32
      %div3A_202 = vector.broadcast %div3A_201 : f32 to vector<16xf32>
      %div3A_203 = arith.divf %div3A_202, %add3A_200 : vector<16xf32>
      %sub3A_204 = arith.constant 1.000000e+00 : f32
      %sub3A_205 = vector.broadcast %sub3A_204 : f32 to vector<16xf32>
      %sub3A_206 = arith.subf %sub3A_205, %div3A_203 : vector<16xf32>
      %jit3A_207 = arith.constant 1.000000e+00 : f32
      %broadcast_in_dim3A_208 = vector.broadcast %jit3A_207 : f32 to vector<16xf32>
      %select_n3A_209 = arith.select %lt3A_4, %sub3A_206, %broadcast_in_dim3A_208 : vector<16xi1>, vector<16xf32>
      %mul3A_210 = arith.mulf %mul3A_190, %select_n3A_209 : vector<16xf32>
      %mul3A_211 = arith.constant 5.000000e-01 : f32
      %mul3A_212 = vector.broadcast %mul3A_211 : f32 to vector<16xf32>
      %mul3A_213 = arith.mulf %mul3A_212, %while3A_91#18 : vector<16xf32>
      %mul3A_214 = arith.constant 2.000000e+00 : f32
      %mul3A_215 = vector.broadcast %mul3A_214 : f32 to vector<16xf32>
      %mul3A_216 = arith.mulf %mul3A_215, %mul3A_213 : vector<16xf32>
      %exp3A_217 = math.exp %mul3A_216 : vector<16xf32>
      %add3A_218 = arith.constant 1.000000e+00 : f32
      %add3A_219 = vector.broadcast %add3A_218 : f32 to vector<16xf32>
      %add3A_220 = arith.addf %exp3A_217, %add3A_219 : vector<16xf32>
      %div3A_221 = arith.constant 2.000000e+00 : f32
      %div3A_222 = vector.broadcast %div3A_221 : f32 to vector<16xf32>
      %div3A_223 = arith.divf %div3A_222, %add3A_220 : vector<16xf32>
      %sub3A_224 = arith.constant 1.000000e+00 : f32
      %sub3A_225 = vector.broadcast %sub3A_224 : f32 to vector<16xf32>
      %sub3A_226 = arith.subf %sub3A_225, %div3A_223 : vector<16xf32>
      %jit3A_227 = arith.constant 1.000000e+00 : f32
      %broadcast_in_dim3A_228 = vector.broadcast %jit3A_227 : f32 to vector<16xf32>
      %select_n3A_229 = arith.select %lt3A_4, %sub3A_226, %broadcast_in_dim3A_228 : vector<16xi1>, vector<16xf32>
      %mul3A_230 = arith.mulf %mul3A_210, %select_n3A_229 : vector<16xf32>
      %mul3A_231 = arith.constant 5.000000e-01 : f32
      %mul3A_232 = vector.broadcast %mul3A_231 : f32 to vector<16xf32>
      %mul3A_233 = arith.mulf %mul3A_232, %while3A_91#19 : vector<16xf32>
      %mul3A_234 = arith.constant 2.000000e+00 : f32
      %mul3A_235 = vector.broadcast %mul3A_234 : f32 to vector<16xf32>
      %mul3A_236 = arith.mulf %mul3A_235, %mul3A_233 : vector<16xf32>
      %exp3A_237 = math.exp %mul3A_236 : vector<16xf32>
      %add3A_238 = arith.constant 1.000000e+00 : f32
      %add3A_239 = vector.broadcast %add3A_238 : f32 to vector<16xf32>
      %add3A_240 = arith.addf %exp3A_237, %add3A_239 : vector<16xf32>
      %div3A_241 = arith.constant 2.000000e+00 : f32
      %div3A_242 = vector.broadcast %div3A_241 : f32 to vector<16xf32>
      %div3A_243 = arith.divf %div3A_242, %add3A_240 : vector<16xf32>
      %sub3A_244 = arith.constant 1.000000e+00 : f32
      %sub3A_245 = vector.broadcast %sub3A_244 : f32 to vector<16xf32>
      %sub3A_246 = arith.subf %sub3A_245, %div3A_243 : vector<16xf32>
      %jit3A_247 = arith.constant 1.000000e+00 : f32
      %broadcast_in_dim3A_248 = vector.broadcast %jit3A_247 : f32 to vector<16xf32>
      %select_n3A_249 = arith.select %lt3A_4, %sub3A_246, %broadcast_in_dim3A_248 : vector<16xi1>, vector<16xf32>
      %mul3A_250 = arith.mulf %mul3A_230, %select_n3A_249 : vector<16xf32>
      %mul3A_251 = arith.constant 5.000000e-01 : f32
      %mul3A_252 = vector.broadcast %mul3A_251 : f32 to vector<16xf32>
      %mul3A_253 = arith.mulf %mul3A_252, %while3A_91#20 : vector<16xf32>
      %mul3A_254 = arith.constant 2.000000e+00 : f32
      %mul3A_255 = vector.broadcast %mul3A_254 : f32 to vector<16xf32>
      %mul3A_256 = arith.mulf %mul3A_255, %mul3A_253 : vector<16xf32>
      %exp3A_257 = math.exp %mul3A_256 : vector<16xf32>
      %add3A_258 = arith.constant 1.000000e+00 : f32
      %add3A_259 = vector.broadcast %add3A_258 : f32 to vector<16xf32>
      %add3A_260 = arith.addf %exp3A_257, %add3A_259 : vector<16xf32>
      %div3A_261 = arith.constant 2.000000e+00 : f32
      %div3A_262 = vector.broadcast %div3A_261 : f32 to vector<16xf32>
      %div3A_263 = arith.divf %div3A_262, %add3A_260 : vector<16xf32>
      %sub3A_264 = arith.constant 1.000000e+00 : f32
      %sub3A_265 = vector.broadcast %sub3A_264 : f32 to vector<16xf32>
      %sub3A_266 = arith.subf %sub3A_265, %div3A_263 : vector<16xf32>
      %jit3A_267 = arith.constant 1.000000e+00 : f32
      %broadcast_in_dim3A_268 = vector.broadcast %jit3A_267 : f32 to vector<16xf32>
      %select_n3A_269 = arith.select %lt3A_4, %sub3A_266, %broadcast_in_dim3A_268 : vector<16xi1>, vector<16xf32>
      %mul3A_270 = arith.mulf %mul3A_250, %select_n3A_269 : vector<16xf32>
      %mul3A_271 = arith.constant 5.000000e-01 : f32
      %mul3A_272 = vector.broadcast %mul3A_271 : f32 to vector<16xf32>
      %mul3A_273 = arith.mulf %mul3A_272, %while3A_91#21 : vector<16xf32>
      %mul3A_274 = arith.constant 2.000000e+00 : f32
      %mul3A_275 = vector.broadcast %mul3A_274 : f32 to vector<16xf32>
      %mul3A_276 = arith.mulf %mul3A_275, %mul3A_273 : vector<16xf32>
      %exp3A_277 = math.exp %mul3A_276 : vector<16xf32>
      %add3A_278 = arith.constant 1.000000e+00 : f32
      %add3A_279 = vector.broadcast %add3A_278 : f32 to vector<16xf32>
      %add3A_280 = arith.addf %exp3A_277, %add3A_279 : vector<16xf32>
      %div3A_281 = arith.constant 2.000000e+00 : f32
      %div3A_282 = vector.broadcast %div3A_281 : f32 to vector<16xf32>
      %div3A_283 = arith.divf %div3A_282, %add3A_280 : vector<16xf32>
      %sub3A_284 = arith.constant 1.000000e+00 : f32
      %sub3A_285 = vector.broadcast %sub3A_284 : f32 to vector<16xf32>
      %sub3A_286 = arith.subf %sub3A_285, %div3A_283 : vector<16xf32>
      %jit3A_287 = arith.constant 1.000000e+00 : f32
      %broadcast_in_dim3A_288 = vector.broadcast %jit3A_287 : f32 to vector<16xf32>
      %select_n3A_289 = arith.select %lt3A_4, %sub3A_286, %broadcast_in_dim3A_288 : vector<16xi1>, vector<16xf32>
      %mul3A_290 = arith.mulf %mul3A_270, %select_n3A_289 : vector<16xf32>
      %mul3A_291 = arith.constant 5.000000e-01 : f32
      %mul3A_292 = vector.broadcast %mul3A_291 : f32 to vector<16xf32>
      %mul3A_293 = arith.mulf %mul3A_292, %while3A_91#22 : vector<16xf32>
      %mul3A_294 = arith.constant 2.000000e+00 : f32
      %mul3A_295 = vector.broadcast %mul3A_294 : f32 to vector<16xf32>
      %mul3A_296 = arith.mulf %mul3A_295, %mul3A_293 : vector<16xf32>
      %exp3A_297 = math.exp %mul3A_296 : vector<16xf32>
      %add3A_298 = arith.constant 1.000000e+00 : f32
      %add3A_299 = vector.broadcast %add3A_298 : f32 to vector<16xf32>
      %add3A_300 = arith.addf %exp3A_297, %add3A_299 : vector<16xf32>
      %div3A_301 = arith.constant 2.000000e+00 : f32
      %div3A_302 = vector.broadcast %div3A_301 : f32 to vector<16xf32>
      %div3A_303 = arith.divf %div3A_302, %add3A_300 : vector<16xf32>
      %sub3A_304 = arith.constant 1.000000e+00 : f32
      %sub3A_305 = vector.broadcast %sub3A_304 : f32 to vector<16xf32>
      %sub3A_306 = arith.subf %sub3A_305, %div3A_303 : vector<16xf32>
      %jit3A_307 = arith.constant 1.000000e+00 : f32
      %broadcast_in_dim3A_308 = vector.broadcast %jit3A_307 : f32 to vector<16xf32>
      %select_n3A_309 = arith.select %lt3A_4, %sub3A_306, %broadcast_in_dim3A_308 : vector<16xi1>, vector<16xf32>
      %mul3A_310 = arith.mulf %mul3A_290, %select_n3A_309 : vector<16xf32>
      %mul3A_311 = arith.constant 5.000000e-01 : f32
      %mul3A_312 = vector.broadcast %mul3A_311 : f32 to vector<16xf32>
      %mul3A_313 = arith.mulf %mul3A_312, %while3A_91#23 : vector<16xf32>
      %mul3A_314 = arith.constant 2.000000e+00 : f32
      %mul3A_315 = vector.broadcast %mul3A_314 : f32 to vector<16xf32>
      %mul3A_316 = arith.mulf %mul3A_315, %mul3A_313 : vector<16xf32>
      %exp3A_317 = math.exp %mul3A_316 : vector<16xf32>
      %add3A_318 = arith.constant 1.000000e+00 : f32
      %add3A_319 = vector.broadcast %add3A_318 : f32 to vector<16xf32>
      %add3A_320 = arith.addf %exp3A_317, %add3A_319 : vector<16xf32>
      %div3A_321 = arith.constant 2.000000e+00 : f32
      %div3A_322 = vector.broadcast %div3A_321 : f32 to vector<16xf32>
      %div3A_323 = arith.divf %div3A_322, %add3A_320 : vector<16xf32>
      %sub3A_324 = arith.constant 1.000000e+00 : f32
      %sub3A_325 = vector.broadcast %sub3A_324 : f32 to vector<16xf32>
      %sub3A_326 = arith.subf %sub3A_325, %div3A_323 : vector<16xf32>
      %jit3A_327 = arith.constant 1.000000e+00 : f32
      %broadcast_in_dim3A_328 = vector.broadcast %jit3A_327 : f32 to vector<16xf32>
      %select_n3A_329 = arith.select %lt3A_4, %sub3A_326, %broadcast_in_dim3A_328 : vector<16xi1>, vector<16xf32>
      %mul3A_330 = arith.mulf %mul3A_310, %select_n3A_329 : vector<16xf32>
      %mul3A_331 = arith.constant 5.000000e-01 : f32
      %mul3A_332 = vector.broadcast %mul3A_331 : f32 to vector<16xf32>
      %mul3A_333 = arith.mulf %mul3A_332, %while3A_91#24 : vector<16xf32>
      %mul3A_334 = arith.constant 2.000000e+00 : f32
      %mul3A_335 = vector.broadcast %mul3A_334 : f32 to vector<16xf32>
      %mul3A_336 = arith.mulf %mul3A_335, %mul3A_333 : vector<16xf32>
      %exp3A_337 = math.exp %mul3A_336 : vector<16xf32>
      %add3A_338 = arith.constant 1.000000e+00 : f32
      %add3A_339 = vector.broadcast %add3A_338 : f32 to vector<16xf32>
      %add3A_340 = arith.addf %exp3A_337, %add3A_339 : vector<16xf32>
      %div3A_341 = arith.constant 2.000000e+00 : f32
      %div3A_342 = vector.broadcast %div3A_341 : f32 to vector<16xf32>
      %div3A_343 = arith.divf %div3A_342, %add3A_340 : vector<16xf32>
      %sub3A_344 = arith.constant 1.000000e+00 : f32
      %sub3A_345 = vector.broadcast %sub3A_344 : f32 to vector<16xf32>
      %sub3A_346 = arith.subf %sub3A_345, %div3A_343 : vector<16xf32>
      %jit3A_347 = arith.constant 1.000000e+00 : f32
      %broadcast_in_dim3A_348 = vector.broadcast %jit3A_347 : f32 to vector<16xf32>
      %select_n3A_349 = arith.select %lt3A_4, %sub3A_346, %broadcast_in_dim3A_348 : vector<16xi1>, vector<16xf32>
      %mul3A_350 = arith.mulf %mul3A_330, %select_n3A_349 : vector<16xf32>
      %mul3A_351 = arith.constant 5.000000e-01 : f32
      %mul3A_352 = vector.broadcast %mul3A_351 : f32 to vector<16xf32>
      %mul3A_353 = arith.mulf %mul3A_352, %while3A_91#25 : vector<16xf32>
      %mul3A_354 = arith.constant 2.000000e+00 : f32
      %mul3A_355 = vector.broadcast %mul3A_354 : f32 to vector<16xf32>
      %mul3A_356 = arith.mulf %mul3A_355, %mul3A_353 : vector<16xf32>
      %exp3A_357 = math.exp %mul3A_356 : vector<16xf32>
      %add3A_358 = arith.constant 1.000000e+00 : f32
      %add3A_359 = vector.broadcast %add3A_358 : f32 to vector<16xf32>
      %add3A_360 = arith.addf %exp3A_357, %add3A_359 : vector<16xf32>
      %div3A_361 = arith.constant 2.000000e+00 : f32
      %div3A_362 = vector.broadcast %div3A_361 : f32 to vector<16xf32>
      %div3A_363 = arith.divf %div3A_362, %add3A_360 : vector<16xf32>
      %sub3A_364 = arith.constant 1.000000e+00 : f32
      %sub3A_365 = vector.broadcast %sub3A_364 : f32 to vector<16xf32>
      %sub3A_366 = arith.subf %sub3A_365, %div3A_363 : vector<16xf32>
      %jit3A_367 = arith.constant 1.000000e+00 : f32
      %broadcast_in_dim3A_368 = vector.broadcast %jit3A_367 : f32 to vector<16xf32>
      %select_n3A_369 = arith.select %lt3A_4, %sub3A_366, %broadcast_in_dim3A_368 : vector<16xi1>, vector<16xf32>
      %mul3A_370 = arith.mulf %mul3A_350, %select_n3A_369 : vector<16xf32>
      %mul3A_371 = arith.constant 5.000000e-01 : f32
      %mul3A_372 = vector.broadcast %mul3A_371 : f32 to vector<16xf32>
      %mul3A_373 = arith.mulf %mul3A_372, %while3A_91#26 : vector<16xf32>
      %mul3A_374 = arith.constant 2.000000e+00 : f32
      %mul3A_375 = vector.broadcast %mul3A_374 : f32 to vector<16xf32>
      %mul3A_376 = arith.mulf %mul3A_375, %mul3A_373 : vector<16xf32>
      %exp3A_377 = math.exp %mul3A_376 : vector<16xf32>
      %add3A_378 = arith.constant 1.000000e+00 : f32
      %add3A_379 = vector.broadcast %add3A_378 : f32 to vector<16xf32>
      %add3A_380 = arith.addf %exp3A_377, %add3A_379 : vector<16xf32>
      %div3A_381 = arith.constant 2.000000e+00 : f32
      %div3A_382 = vector.broadcast %div3A_381 : f32 to vector<16xf32>
      %div3A_383 = arith.divf %div3A_382, %add3A_380 : vector<16xf32>
      %sub3A_384 = arith.constant 1.000000e+00 : f32
      %sub3A_385 = vector.broadcast %sub3A_384 : f32 to vector<16xf32>
      %sub3A_386 = arith.subf %sub3A_385, %div3A_383 : vector<16xf32>
      %jit3A_387 = arith.constant 1.000000e+00 : f32
      %broadcast_in_dim3A_388 = vector.broadcast %jit3A_387 : f32 to vector<16xf32>
      %select_n3A_389 = arith.select %lt3A_4, %sub3A_386, %broadcast_in_dim3A_388 : vector<16xi1>, vector<16xf32>
      %mul3A_390 = arith.mulf %mul3A_370, %select_n3A_389 : vector<16xf32>
      %mul3A_391 = arith.constant 5.000000e-01 : f32
      %mul3A_392 = vector.broadcast %mul3A_391 : f32 to vector<16xf32>
      %mul3A_393 = arith.mulf %mul3A_392, %while3A_91#27 : vector<16xf32>
      %mul3A_394 = arith.constant 2.000000e+00 : f32
      %mul3A_395 = vector.broadcast %mul3A_394 : f32 to vector<16xf32>
      %mul3A_396 = arith.mulf %mul3A_395, %mul3A_393 : vector<16xf32>
      %exp3A_397 = math.exp %mul3A_396 : vector<16xf32>
      %add3A_398 = arith.constant 1.000000e+00 : f32
      %add3A_399 = vector.broadcast %add3A_398 : f32 to vector<16xf32>
      %add3A_400 = arith.addf %exp3A_397, %add3A_399 : vector<16xf32>
      %div3A_401 = arith.constant 2.000000e+00 : f32
      %div3A_402 = vector.broadcast %div3A_401 : f32 to vector<16xf32>
      %div3A_403 = arith.divf %div3A_402, %add3A_400 : vector<16xf32>
      %sub3A_404 = arith.constant 1.000000e+00 : f32
      %sub3A_405 = vector.broadcast %sub3A_404 : f32 to vector<16xf32>
      %sub3A_406 = arith.subf %sub3A_405, %div3A_403 : vector<16xf32>
      %jit3A_407 = arith.constant 1.000000e+00 : f32
      %broadcast_in_dim3A_408 = vector.broadcast %jit3A_407 : f32 to vector<16xf32>
      %select_n3A_409 = arith.select %lt3A_4, %sub3A_406, %broadcast_in_dim3A_408 : vector<16xi1>, vector<16xf32>
      %mul3A_410 = arith.mulf %mul3A_390, %select_n3A_409 : vector<16xf32>
      %mul3A_411 = arith.constant 5.000000e-01 : f32
      %mul3A_412 = vector.broadcast %mul3A_411 : f32 to vector<16xf32>
      %mul3A_413 = arith.mulf %mul3A_412, %while3A_91#28 : vector<16xf32>
      %mul3A_414 = arith.constant 2.000000e+00 : f32
      %mul3A_415 = vector.broadcast %mul3A_414 : f32 to vector<16xf32>
      %mul3A_416 = arith.mulf %mul3A_415, %mul3A_413 : vector<16xf32>
      %exp3A_417 = math.exp %mul3A_416 : vector<16xf32>
      %add3A_418 = arith.constant 1.000000e+00 : f32
      %add3A_419 = vector.broadcast %add3A_418 : f32 to vector<16xf32>
      %add3A_420 = arith.addf %exp3A_417, %add3A_419 : vector<16xf32>
      %div3A_421 = arith.constant 2.000000e+00 : f32
      %div3A_422 = vector.broadcast %div3A_421 : f32 to vector<16xf32>
      %div3A_423 = arith.divf %div3A_422, %add3A_420 : vector<16xf32>
      %sub3A_424 = arith.constant 1.000000e+00 : f32
      %sub3A_425 = vector.broadcast %sub3A_424 : f32 to vector<16xf32>
      %sub3A_426 = arith.subf %sub3A_425, %div3A_423 : vector<16xf32>
      %jit3A_427 = arith.constant 1.000000e+00 : f32
      %broadcast_in_dim3A_428 = vector.broadcast %jit3A_427 : f32 to vector<16xf32>
      %select_n3A_429 = arith.select %lt3A_4, %sub3A_426, %broadcast_in_dim3A_428 : vector<16xi1>, vector<16xf32>
      %mul3A_430 = arith.mulf %mul3A_410, %select_n3A_429 : vector<16xf32>
      %mul3A_431 = arith.constant 5.000000e-01 : f32
      %mul3A_432 = vector.broadcast %mul3A_431 : f32 to vector<16xf32>
      %mul3A_433 = arith.mulf %mul3A_432, %while3A_91#29 : vector<16xf32>
      %mul3A_434 = arith.constant 2.000000e+00 : f32
      %mul3A_435 = vector.broadcast %mul3A_434 : f32 to vector<16xf32>
      %mul3A_436 = arith.mulf %mul3A_435, %mul3A_433 : vector<16xf32>
      %exp3A_437 = math.exp %mul3A_436 : vector<16xf32>
      %add3A_438 = arith.constant 1.000000e+00 : f32
      %add3A_439 = vector.broadcast %add3A_438 : f32 to vector<16xf32>
      %add3A_440 = arith.addf %exp3A_437, %add3A_439 : vector<16xf32>
      %div3A_441 = arith.constant 2.000000e+00 : f32
      %div3A_442 = vector.broadcast %div3A_441 : f32 to vector<16xf32>
      %div3A_443 = arith.divf %div3A_442, %add3A_440 : vector<16xf32>
      %sub3A_444 = arith.constant 1.000000e+00 : f32
      %sub3A_445 = vector.broadcast %sub3A_444 : f32 to vector<16xf32>
      %sub3A_446 = arith.subf %sub3A_445, %div3A_443 : vector<16xf32>
      %jit3A_447 = arith.constant 1.000000e+00 : f32
      %broadcast_in_dim3A_448 = vector.broadcast %jit3A_447 : f32 to vector<16xf32>
      %select_n3A_449 = arith.select %lt3A_4, %sub3A_446, %broadcast_in_dim3A_448 : vector<16xi1>, vector<16xf32>
      %mul3A_450 = arith.mulf %mul3A_430, %select_n3A_449 : vector<16xf32>
      %mul3A_451 = arith.constant 5.000000e-01 : f32
      %mul3A_452 = vector.broadcast %mul3A_451 : f32 to vector<16xf32>
      %mul3A_453 = arith.mulf %mul3A_452, %while3A_91#30 : vector<16xf32>
      %mul3A_454 = arith.constant 2.000000e+00 : f32
      %mul3A_455 = vector.broadcast %mul3A_454 : f32 to vector<16xf32>
      %mul3A_456 = arith.mulf %mul3A_455, %mul3A_453 : vector<16xf32>
      %exp3A_457 = math.exp %mul3A_456 : vector<16xf32>
      %add3A_458 = arith.constant 1.000000e+00 : f32
      %add3A_459 = vector.broadcast %add3A_458 : f32 to vector<16xf32>
      %add3A_460 = arith.addf %exp3A_457, %add3A_459 : vector<16xf32>
      %div3A_461 = arith.constant 2.000000e+00 : f32
      %div3A_462 = vector.broadcast %div3A_461 : f32 to vector<16xf32>
      %div3A_463 = arith.divf %div3A_462, %add3A_460 : vector<16xf32>
      %sub3A_464 = arith.constant 1.000000e+00 : f32
      %sub3A_465 = vector.broadcast %sub3A_464 : f32 to vector<16xf32>
      %sub3A_466 = arith.subf %sub3A_465, %div3A_463 : vector<16xf32>
      %jit3A_467 = arith.constant 1.000000e+00 : f32
      %broadcast_in_dim3A_468 = vector.broadcast %jit3A_467 : f32 to vector<16xf32>
      %select_n3A_469 = arith.select %lt3A_4, %sub3A_466, %broadcast_in_dim3A_468 : vector<16xi1>, vector<16xf32>
      %mul3A_470 = arith.mulf %mul3A_450, %select_n3A_469 : vector<16xf32>
      %mul3A_471 = arith.constant 5.000000e-01 : f32
      %mul3A_472 = vector.broadcast %mul3A_471 : f32 to vector<16xf32>
      %mul3A_473 = arith.mulf %mul3A_472, %while3A_91#31 : vector<16xf32>
      %mul3A_474 = arith.constant 2.000000e+00 : f32
      %mul3A_475 = vector.broadcast %mul3A_474 : f32 to vector<16xf32>
      %mul3A_476 = arith.mulf %mul3A_475, %mul3A_473 : vector<16xf32>
      %exp3A_477 = math.exp %mul3A_476 : vector<16xf32>
      %add3A_478 = arith.constant 1.000000e+00 : f32
      %add3A_479 = vector.broadcast %add3A_478 : f32 to vector<16xf32>
      %add3A_480 = arith.addf %exp3A_477, %add3A_479 : vector<16xf32>
      %div3A_481 = arith.constant 2.000000e+00 : f32
      %div3A_482 = vector.broadcast %div3A_481 : f32 to vector<16xf32>
      %div3A_483 = arith.divf %div3A_482, %add3A_480 : vector<16xf32>
      %sub3A_484 = arith.constant 1.000000e+00 : f32
      %sub3A_485 = vector.broadcast %sub3A_484 : f32 to vector<16xf32>
      %sub3A_486 = arith.subf %sub3A_485, %div3A_483 : vector<16xf32>
      %jit3A_487 = arith.constant 1.000000e+00 : f32
      %broadcast_in_dim3A_488 = vector.broadcast %jit3A_487 : f32 to vector<16xf32>
      %select_n3A_489 = arith.select %lt3A_4, %sub3A_486, %broadcast_in_dim3A_488 : vector<16xi1>, vector<16xf32>
      %mul3A_490 = arith.mulf %mul3A_470, %select_n3A_489 : vector<16xf32>
      %mul3A_491 = arith.constant 5.000000e-01 : f32
      %mul3A_492 = vector.broadcast %mul3A_491 : f32 to vector<16xf32>
      %mul3A_493 = arith.mulf %mul3A_492, %while3A_91#32 : vector<16xf32>
      %mul3A_494 = arith.constant 2.000000e+00 : f32
      %mul3A_495 = vector.broadcast %mul3A_494 : f32 to vector<16xf32>
      %mul3A_496 = arith.mulf %mul3A_495, %mul3A_493 : vector<16xf32>
      %exp3A_497 = math.exp %mul3A_496 : vector<16xf32>
      %add3A_498 = arith.constant 1.000000e+00 : f32
      %add3A_499 = vector.broadcast %add3A_498 : f32 to vector<16xf32>
      %add3A_500 = arith.addf %exp3A_497, %add3A_499 : vector<16xf32>
      %div3A_501 = arith.constant 2.000000e+00 : f32
      %div3A_502 = vector.broadcast %div3A_501 : f32 to vector<16xf32>
      %div3A_503 = arith.divf %div3A_502, %add3A_500 : vector<16xf32>
      %sub3A_504 = arith.constant 1.000000e+00 : f32
      %sub3A_505 = vector.broadcast %sub3A_504 : f32 to vector<16xf32>
      %sub3A_506 = arith.subf %sub3A_505, %div3A_503 : vector<16xf32>
      %jit3A_507 = arith.constant 1.000000e+00 : f32
      %broadcast_in_dim3A_508 = vector.broadcast %jit3A_507 : f32 to vector<16xf32>
      %select_n3A_509 = arith.select %lt3A_4, %sub3A_506, %broadcast_in_dim3A_508 : vector<16xi1>, vector<16xf32>
      %mul3A_510 = arith.mulf %mul3A_490, %select_n3A_509 : vector<16xf32>
      %mul3A_511 = arith.constant 5.000000e-01 : f32
      %mul3A_512 = vector.broadcast %mul3A_511 : f32 to vector<16xf32>
      %mul3A_513 = arith.mulf %mul3A_512, %while3A_91#33 : vector<16xf32>
      %mul3A_514 = arith.constant 2.000000e+00 : f32
      %mul3A_515 = vector.broadcast %mul3A_514 : f32 to vector<16xf32>
      %mul3A_516 = arith.mulf %mul3A_515, %mul3A_513 : vector<16xf32>
      %exp3A_517 = math.exp %mul3A_516 : vector<16xf32>
      %add3A_518 = arith.constant 1.000000e+00 : f32
      %add3A_519 = vector.broadcast %add3A_518 : f32 to vector<16xf32>
      %add3A_520 = arith.addf %exp3A_517, %add3A_519 : vector<16xf32>
      %div3A_521 = arith.constant 2.000000e+00 : f32
      %div3A_522 = vector.broadcast %div3A_521 : f32 to vector<16xf32>
      %div3A_523 = arith.divf %div3A_522, %add3A_520 : vector<16xf32>
      %sub3A_524 = arith.constant 1.000000e+00 : f32
      %sub3A_525 = vector.broadcast %sub3A_524 : f32 to vector<16xf32>
      %sub3A_526 = arith.subf %sub3A_525, %div3A_523 : vector<16xf32>
      %jit3A_527 = arith.constant 1.000000e+00 : f32
      %broadcast_in_dim3A_528 = vector.broadcast %jit3A_527 : f32 to vector<16xf32>
      %select_n3A_529 = arith.select %lt3A_4, %sub3A_526, %broadcast_in_dim3A_528 : vector<16xi1>, vector<16xf32>
      %mul3A_530 = arith.mulf %mul3A_510, %select_n3A_529 : vector<16xf32>
      %mul3A_531 = arith.constant 5.000000e-01 : f32
      %mul3A_532 = vector.broadcast %mul3A_531 : f32 to vector<16xf32>
      %mul3A_533 = arith.mulf %mul3A_532, %while3A_91#34 : vector<16xf32>
      %mul3A_534 = arith.constant 2.000000e+00 : f32
      %mul3A_535 = vector.broadcast %mul3A_534 : f32 to vector<16xf32>
      %mul3A_536 = arith.mulf %mul3A_535, %mul3A_533 : vector<16xf32>
      %exp3A_537 = math.exp %mul3A_536 : vector<16xf32>
      %add3A_538 = arith.constant 1.000000e+00 : f32
      %add3A_539 = vector.broadcast %add3A_538 : f32 to vector<16xf32>
      %add3A_540 = arith.addf %exp3A_537, %add3A_539 : vector<16xf32>
      %div3A_541 = arith.constant 2.000000e+00 : f32
      %div3A_542 = vector.broadcast %div3A_541 : f32 to vector<16xf32>
      %div3A_543 = arith.divf %div3A_542, %add3A_540 : vector<16xf32>
      %sub3A_544 = arith.constant 1.000000e+00 : f32
      %sub3A_545 = vector.broadcast %sub3A_544 : f32 to vector<16xf32>
      %sub3A_546 = arith.subf %sub3A_545, %div3A_543 : vector<16xf32>
      %jit3A_547 = arith.constant 1.000000e+00 : f32
      %broadcast_in_dim3A_548 = vector.broadcast %jit3A_547 : f32 to vector<16xf32>
      %select_n3A_549 = arith.select %lt3A_4, %sub3A_546, %broadcast_in_dim3A_548 : vector<16xi1>, vector<16xf32>
      %mul3A_550 = arith.mulf %mul3A_530, %select_n3A_549 : vector<16xf32>
      %mul3A_551 = arith.constant 5.000000e-01 : f32
      %mul3A_552 = vector.broadcast %mul3A_551 : f32 to vector<16xf32>
      %mul3A_553 = arith.mulf %mul3A_552, %while3A_91#35 : vector<16xf32>
      %mul3A_554 = arith.constant 2.000000e+00 : f32
      %mul3A_555 = vector.broadcast %mul3A_554 : f32 to vector<16xf32>
      %mul3A_556 = arith.mulf %mul3A_555, %mul3A_553 : vector<16xf32>
      %exp3A_557 = math.exp %mul3A_556 : vector<16xf32>
      %add3A_558 = arith.constant 1.000000e+00 : f32
      %add3A_559 = vector.broadcast %add3A_558 : f32 to vector<16xf32>
      %add3A_560 = arith.addf %exp3A_557, %add3A_559 : vector<16xf32>
      %div3A_561 = arith.constant 2.000000e+00 : f32
      %div3A_562 = vector.broadcast %div3A_561 : f32 to vector<16xf32>
      %div3A_563 = arith.divf %div3A_562, %add3A_560 : vector<16xf32>
      %sub3A_564 = arith.constant 1.000000e+00 : f32
      %sub3A_565 = vector.broadcast %sub3A_564 : f32 to vector<16xf32>
      %sub3A_566 = arith.subf %sub3A_565, %div3A_563 : vector<16xf32>
      %jit3A_567 = arith.constant 1.000000e+00 : f32
      %broadcast_in_dim3A_568 = vector.broadcast %jit3A_567 : f32 to vector<16xf32>
      %select_n3A_569 = arith.select %lt3A_4, %sub3A_566, %broadcast_in_dim3A_568 : vector<16xi1>, vector<16xf32>
      %mul3A_570 = arith.mulf %mul3A_550, %select_n3A_569 : vector<16xf32>
      %mul3A_571 = arith.constant 5.000000e-01 : f32
      %mul3A_572 = vector.broadcast %mul3A_571 : f32 to vector<16xf32>
      %mul3A_573 = arith.mulf %mul3A_572, %while3A_91#36 : vector<16xf32>
      %mul3A_574 = arith.constant 2.000000e+00 : f32
      %mul3A_575 = vector.broadcast %mul3A_574 : f32 to vector<16xf32>
      %mul3A_576 = arith.mulf %mul3A_575, %mul3A_573 : vector<16xf32>
      %exp3A_577 = math.exp %mul3A_576 : vector<16xf32>
      %add3A_578 = arith.constant 1.000000e+00 : f32
      %add3A_579 = vector.broadcast %add3A_578 : f32 to vector<16xf32>
      %add3A_580 = arith.addf %exp3A_577, %add3A_579 : vector<16xf32>
      %div3A_581 = arith.constant 2.000000e+00 : f32
      %div3A_582 = vector.broadcast %div3A_581 : f32 to vector<16xf32>
      %div3A_583 = arith.divf %div3A_582, %add3A_580 : vector<16xf32>
      %sub3A_584 = arith.constant 1.000000e+00 : f32
      %sub3A_585 = vector.broadcast %sub3A_584 : f32 to vector<16xf32>
      %sub3A_586 = arith.subf %sub3A_585, %div3A_583 : vector<16xf32>
      %jit3A_587 = arith.constant 1.000000e+00 : f32
      %broadcast_in_dim3A_588 = vector.broadcast %jit3A_587 : f32 to vector<16xf32>
      %select_n3A_589 = arith.select %lt3A_4, %sub3A_586, %broadcast_in_dim3A_588 : vector<16xi1>, vector<16xf32>
      %mul3A_590 = arith.mulf %mul3A_570, %select_n3A_589 : vector<16xf32>
      %mul3A_591 = arith.constant 5.000000e-01 : f32
      %mul3A_592 = vector.broadcast %mul3A_591 : f32 to vector<16xf32>
      %mul3A_593 = arith.mulf %mul3A_592, %while3A_91#37 : vector<16xf32>
      %mul3A_594 = arith.constant 2.000000e+00 : f32
      %mul3A_595 = vector.broadcast %mul3A_594 : f32 to vector<16xf32>
      %mul3A_596 = arith.mulf %mul3A_595, %mul3A_593 : vector<16xf32>
      %exp3A_597 = math.exp %mul3A_596 : vector<16xf32>
      %add3A_598 = arith.constant 1.000000e+00 : f32
      %add3A_599 = vector.broadcast %add3A_598 : f32 to vector<16xf32>
      %add3A_600 = arith.addf %exp3A_597, %add3A_599 : vector<16xf32>
      %div3A_601 = arith.constant 2.000000e+00 : f32
      %div3A_602 = vector.broadcast %div3A_601 : f32 to vector<16xf32>
      %div3A_603 = arith.divf %div3A_602, %add3A_600 : vector<16xf32>
      %sub3A_604 = arith.constant 1.000000e+00 : f32
      %sub3A_605 = vector.broadcast %sub3A_604 : f32 to vector<16xf32>
      %sub3A_606 = arith.subf %sub3A_605, %div3A_603 : vector<16xf32>
      %jit3A_607 = arith.constant 1.000000e+00 : f32
      %broadcast_in_dim3A_608 = vector.broadcast %jit3A_607 : f32 to vector<16xf32>
      %select_n3A_609 = arith.select %lt3A_4, %sub3A_606, %broadcast_in_dim3A_608 : vector<16xi1>, vector<16xf32>
      %mul3A_610 = arith.mulf %mul3A_590, %select_n3A_609 : vector<16xf32>
      %mul3A_611 = arith.constant 5.000000e-01 : f32
      %mul3A_612 = vector.broadcast %mul3A_611 : f32 to vector<16xf32>
      %mul3A_613 = arith.mulf %mul3A_612, %while3A_91#38 : vector<16xf32>
      %mul3A_614 = arith.constant 2.000000e+00 : f32
      %mul3A_615 = vector.broadcast %mul3A_614 : f32 to vector<16xf32>
      %mul3A_616 = arith.mulf %mul3A_615, %mul3A_613 : vector<16xf32>
      %exp3A_617 = math.exp %mul3A_616 : vector<16xf32>
      %add3A_618 = arith.constant 1.000000e+00 : f32
      %add3A_619 = vector.broadcast %add3A_618 : f32 to vector<16xf32>
      %add3A_620 = arith.addf %exp3A_617, %add3A_619 : vector<16xf32>
      %div3A_621 = arith.constant 2.000000e+00 : f32
      %div3A_622 = vector.broadcast %div3A_621 : f32 to vector<16xf32>
      %div3A_623 = arith.divf %div3A_622, %add3A_620 : vector<16xf32>
      %sub3A_624 = arith.constant 1.000000e+00 : f32
      %sub3A_625 = vector.broadcast %sub3A_624 : f32 to vector<16xf32>
      %sub3A_626 = arith.subf %sub3A_625, %div3A_623 : vector<16xf32>
      %jit3A_627 = arith.constant 1.000000e+00 : f32
      %broadcast_in_dim3A_628 = vector.broadcast %jit3A_627 : f32 to vector<16xf32>
      %select_n3A_629 = arith.select %lt3A_4, %sub3A_626, %broadcast_in_dim3A_628 : vector<16xi1>, vector<16xf32>
      %mul3A_630 = arith.mulf %mul3A_610, %select_n3A_629 : vector<16xf32>
      %mul3A_631 = arith.constant 5.000000e-01 : f32
      %mul3A_632 = vector.broadcast %mul3A_631 : f32 to vector<16xf32>
      %mul3A_633 = arith.mulf %mul3A_632, %while3A_91#39 : vector<16xf32>
      %mul3A_634 = arith.constant 2.000000e+00 : f32
      %mul3A_635 = vector.broadcast %mul3A_634 : f32 to vector<16xf32>
      %mul3A_636 = arith.mulf %mul3A_635, %mul3A_633 : vector<16xf32>
      %exp3A_637 = math.exp %mul3A_636 : vector<16xf32>
      %add3A_638 = arith.constant 1.000000e+00 : f32
      %add3A_639 = vector.broadcast %add3A_638 : f32 to vector<16xf32>
      %add3A_640 = arith.addf %exp3A_637, %add3A_639 : vector<16xf32>
      %div3A_641 = arith.constant 2.000000e+00 : f32
      %div3A_642 = vector.broadcast %div3A_641 : f32 to vector<16xf32>
      %div3A_643 = arith.divf %div3A_642, %add3A_640 : vector<16xf32>
      %sub3A_644 = arith.constant 1.000000e+00 : f32
      %sub3A_645 = vector.broadcast %sub3A_644 : f32 to vector<16xf32>
      %sub3A_646 = arith.subf %sub3A_645, %div3A_643 : vector<16xf32>
      %jit3A_647 = arith.constant 1.000000e+00 : f32
      %broadcast_in_dim3A_648 = vector.broadcast %jit3A_647 : f32 to vector<16xf32>
      %select_n3A_649 = arith.select %lt3A_4, %sub3A_646, %broadcast_in_dim3A_648 : vector<16xi1>, vector<16xf32>
      %mul3A_650 = arith.mulf %mul3A_630, %select_n3A_649 : vector<16xf32>
      %xor3A = arith.constant 1 : i32
      %xor3A_651 = vector.broadcast %xor3A : i32 to vector<16xi32>
      %xor3A_652 = arith.xori %iota3A, %xor3A_651 : vector<16xi32>
      %broadcast_in_dim3A_653 = vector.shape_cast %xor3A_652 : vector<16xi32> to vector<16x1xi32>
      %gather3A = vector.shape_cast %broadcast_in_dim3A_653 : vector<16x1xi32> to vector<16xi32>
      %gather3A_654 = tpu.dynamic_gather %mul3A_650[%gather3A] in [0] : vector<16xf32>, vector<16xi32> -> vector<16xf32>
      %mul3A_655 = arith.mulf %mul3A_650, %gather3A_654 : vector<16xf32>
      %xor3A_656 = arith.constant 2 : i32
      %xor3A_657 = vector.broadcast %xor3A_656 : i32 to vector<16xi32>
      %xor3A_658 = arith.xori %iota3A, %xor3A_657 : vector<16xi32>
      %broadcast_in_dim3A_659 = vector.shape_cast %xor3A_658 : vector<16xi32> to vector<16x1xi32>
      %gather3A_660 = vector.shape_cast %broadcast_in_dim3A_659 : vector<16x1xi32> to vector<16xi32>
      %gather3A_661 = tpu.dynamic_gather %mul3A_655[%gather3A_660] in [0] : vector<16xf32>, vector<16xi32> -> vector<16xf32>
      %mul3A_662 = arith.mulf %mul3A_655, %gather3A_661 : vector<16xf32>
      %xor3A_663 = arith.constant 4 : i32
      %xor3A_664 = vector.broadcast %xor3A_663 : i32 to vector<16xi32>
      %xor3A_665 = arith.xori %iota3A, %xor3A_664 : vector<16xi32>
      %broadcast_in_dim3A_666 = vector.shape_cast %xor3A_665 : vector<16xi32> to vector<16x1xi32>
      %gather3A_667 = vector.shape_cast %broadcast_in_dim3A_666 : vector<16x1xi32> to vector<16xi32>
      %gather3A_668 = tpu.dynamic_gather %mul3A_662[%gather3A_667] in [0] : vector<16xf32>, vector<16xi32> -> vector<16xf32>
      %mul3A_669 = arith.mulf %mul3A_662, %gather3A_668 : vector<16xf32>
      %xor3A_670 = arith.constant 8 : i32
      %xor3A_671 = vector.broadcast %xor3A_670 : i32 to vector<16xi32>
      %xor3A_672 = arith.xori %iota3A, %xor3A_671 : vector<16xi32>
      %broadcast_in_dim3A_673 = vector.shape_cast %xor3A_672 : vector<16xi32> to vector<16x1xi32>
      %gather3A_674 = vector.shape_cast %broadcast_in_dim3A_673 : vector<16x1xi32> to vector<16xi32>
      %gather3A_675 = tpu.dynamic_gather %mul3A_669[%gather3A_674] in [0] : vector<16xf32>, vector<16xi32> -> vector<16xf32>
      %mul3A_676 = arith.mulf %mul3A_669, %gather3A_675 : vector<16xf32>
      %mul3A_677 = arith.mulf %sign3A_21, %mul3A_676 : vector<16xf32>
      %swap3A = arith.constant 0 : i32
      %swap3A_678 = arith.index_cast %swap3A : i32 to index
      %swap3A_679 = arith.constant 0 : index
      %swap3A_680 = tpu.vector_load %arg7[%swap3A_678, %swap3A_679] {strides = array<i32>} : memref<4x16xf32, #tpu.memory_space<vmem>>, vector<1x16xf32>,
      %swap3A_681 = vector.shape_cast %swap3A_680 : vector<1x16xf32> to vector<16xf32>
      %swap3A_682 = vector.shape_cast %mul3A_677 : vector<16xf32> to vector<1x16xf32>
      tpu.vector_store %arg7[%swap3A_678, %swap3A_679], %swap3A_682 {strides = array<i32>} : memref<4x16xf32, #tpu.memory_space<vmem>>, vector<1x16xf32>,
      %mul3A_683 = arith.mulf %sign3A_39, %mul3A_676 : vector<16xf32>
      %swap3A_684 = arith.constant 1 : i32
      %swap3A_685 = arith.index_cast %swap3A_684 : i32 to index
      %swap3A_686 = arith.constant 0 : index
      %swap3A_687 = tpu.vector_load %arg7[%swap3A_685, %swap3A_686] {strides = array<i32>} : memref<4x16xf32, #tpu.memory_space<vmem>>, vector<1x16xf32>,
      %swap3A_688 = vector.shape_cast %swap3A_687 : vector<1x16xf32> to vector<16xf32>
      %swap3A_689 = vector.shape_cast %mul3A_683 : vector<16xf32> to vector<1x16xf32>
      tpu.vector_store %arg7[%swap3A_685, %swap3A_686], %swap3A_689 {strides = array<i32>} : memref<4x16xf32, #tpu.memory_space<vmem>>, vector<1x16xf32>,
      %mul3A_690 = arith.mulf %sign3A_57, %mul3A_676 : vector<16xf32>
      %swap3A_691 = arith.constant 2 : i32
      %swap3A_692 = arith.index_cast %swap3A_691 : i32 to index
      %swap3A_693 = arith.constant 0 : index
      %swap3A_694 = tpu.vector_load %arg7[%swap3A_692, %swap3A_693] {strides = array<i32>} : memref<4x16xf32, #tpu.memory_space<vmem>>, vector<1x16xf32>,
      %swap3A_695 = vector.shape_cast %swap3A_694 : vector<1x16xf32> to vector<16xf32>
      %swap3A_696 = vector.shape_cast %mul3A_690 : vector<16xf32> to vector<1x16xf32>
      tpu.vector_store %arg7[%swap3A_692, %swap3A_693], %swap3A_696 {strides = array<i32>} : memref<4x16xf32, #tpu.memory_space<vmem>>, vector<1x16xf32>,
      %mul3A_697 = arith.mulf %sign3A_75, %mul3A_676 : vector<16xf32>
      %swap3A_698 = arith.constant 3 : i32
      %swap3A_699 = arith.index_cast %swap3A_698 : i32 to index
      %swap3A_700 = arith.constant 0 : index
      %swap3A_701 = tpu.vector_load %arg7[%swap3A_699, %swap3A_700] {strides = array<i32>} : memref<4x16xf32, #tpu.memory_space<vmem>>, vector<1x16xf32>,
      %swap3A_702 = vector.shape_cast %swap3A_701 : vector<1x16xf32> to vector<16xf32>
      %swap3A_703 = vector.shape_cast %mul3A_697 : vector<16xf32> to vector<1x16xf32>
      tpu.vector_store %arg7[%swap3A_699, %swap3A_700], %swap3A_703 {strides = array<i32>} : memref<4x16xf32, #tpu.memory_space<vmem>>, vector<1x16xf32>,
      "tpu.region"() ({
        %run_scoped3A = tpu.sem_alloc : memref<!tpu.dma_semaphore, #tpu.memory_space<semaphore_mem>>
        tpu.enqueue_dma source(%arg7 : memref<4x16xf32, #tpu.memory_space<vmem>>) target(%arg4 : memref<4x16xf32, #tpu.memory_space<hbm>>) target_semaphore(%run_scoped3A : memref<!tpu.dma_semaphore, #tpu.memory_space<semaphore_mem>>)
        tpu.wait_dma2 semaphore(%run_scoped3A : memref<!tpu.dma_semaphore, #tpu.memory_space<semaphore_mem>>) src(%arg7 : memref<4x16xf32, #tpu.memory_space<vmem>>) dst(%arg4 : memref<4x16xf32, #tpu.memory_space<hbm>>)
        tpu.yield
      }) : () -> ()
    } else {
    }
    return
  }
}

</mosaic_0001>

<sc_bundles>
// kernel: kernel.3.cloned.1.call-start
scs
__scs_entry_jumppad:
0x0: {  	(pc) =	sbr.rel $0x88, $3  }
0x1: {  	(tag) =	ssettag $0x0;
	lr =	simm.s32 $0x1  }
0x2: {  	[smem:$0x3F9F] =	sst lr;
	_ =	strace $0xD0000000  }
0x3: {  	_ = 	snop  }
0x4: {  	_ = 	snop  }
0x5: {  	_ = 	snop  }
0x6: {  	_ = 	snop  }
0x7: {  	_ = 	snop  }
__scs_overlays_trampoline_lowered:
0x8: {  	[smem:$0x3FAE] =	sst s0  }
0x9: {  	[smem:$0x3FAF] =	sst s1  }
0xa: {  	[smem:$0x3FB0] =	sst s2  }
0xb: {  	[smem:$0x3FB1] =	sst s3  }
0xc: {  	[smem:$0x3FB2] =	sst s4  }
0xd: {  	[smem:$0x3FB3] =	sst s5  }
0xe: {  	[smem:$0x3FB4] =	sst s6  }
0xf: {  	[smem:$0x3FB5] =	sst s7  }
0x10: {  	[smem:$0x3FB6] =	sst s8  }
0x11: {  	[smem:$0x3FB7] =	sst s9;
	s0 =	simm.s32 @!p0 $0x0  }
0x12: {  	s1 =	sld [smem:$0x3F9D];
	s0 =	simm.s32 @p0 $0x1  }
0x13: {  	[smem:$0x3FB8] =	sst s0;
	s0 =	simm.s32 @!p1 $0x0  }
0x14: {  	s2 =	sld [smem:$0x3F9C];
	s0 =	simm.s32 @p1 $0x1  }
0x15: {  	[smem:$0x3FB9] =	sst s0;
	s0 =	simm.s32 @!p2 $0x0  }
0x16: {  	s3 =	sld [smem:$0x3FDB];
	s0 =	simm.s32 @p2 $0x1  }
0x17: {  	s4 =	simm.s32 $0x1BF5;
	[smem:$0x3FBB] =	sst s0  }
0x18: {  	s0 =	sld [smem:$0x3F9E];
	_ =	swait.ge [sflag:s4], $0x0  }
0x19: {  	s7 =	sld [smem:$0x3F9F]  }
0x1a: {  	s8 =	sadd.s32 $0xFFFFE003, lr  }
0x1b: {  	s9 =	sadd.s32 $0xFFFFFEF7, lr;
	s5 =	simm.s32 $0xFFFFFFFF;
	p2 =	slt.u32 s8, $0xFFFFF086  }
0x1c: {  	p1 =	slt.u32 s9, $0xF7A;
	s5 =	simm.s32 @!p2 $0x0  }
0x1d: {  	s5 =	simm.s32 @p1 $0x1;
	p0 =	seq.s32 s7, s2  }
0x1e: {  	s7 =	smul.u32 @!p0 $0xF7A, s2;
	p2 =	seq.s32 @!p0 s5, $0x0  }
0x1f: {  	s9 =	smul.u32 $0xF7A, s1;
	s8 =	simm.s32 @!p0 $0x1BF5;
	p2 =	por !p2, p0  }
0x20: {  	[sflag:s8] =	ssyncset.s32 @!p0 $0xFFFFF086;
	s6 =	sadd.s32 @!p0 s3, s7;
	s7 =	simm.s32 @!p0 $0x108  }
0x21: {  	s3 =	sadd.s32 s3, s9;
	s6 =	sadd.s32 @!p0 $0x88, s6;
	s7 =	simm.s32 @p2 $0x1082  }
0x22: {  	[simem:s7], [sflag:s8] =	dma.local @!p0 [hbm:s6], $0xF7A  }
0x23: {  	s9 =	sor.u32 $0xD0000000, s2;
	s6 =	simm.s32 $0x108;
	_ =	swait.ge @!p0 [sflag:s8], $0x0  }
0x24: {  	s3 =	sadd.s32 $0x88, s3;
	s6 =	simm.s32 @!p1 $0x1082;
	[sflag:s4] =	ssyncset.s32 $0xFFFFF086  }
0x25: {  	[simem:s6], [sflag:s4] =	dma.local [hbm:s3], $0xF7A  }
0x26: {  	[smem:$0x3F9F] =	sst s1;
	(tag) =	ssettag s2;
	_ =	strace s9  }
0x27: {  	s1 =	sld [smem:$0x3FAF]  }
0x28: {  	s2 =	sld [smem:$0x3FB0]  }
0x29: {  	s4 =	sld [smem:$0x3FB2]  }
0x2a: {  	p0 =	seq.s32 s5, $0x0;
	s5 =	sld [smem:$0x3FB3]  }
0x2b: {  	s6 =	sld [smem:$0x3FB4]  }
0x2c: {  	s7 =	sld [smem:$0x3FB5]  }
0x2d: {  	s3 =	simm.s32 $0x108;
	s8 =	sld [smem:$0x3FB6]  }
0x2e: {  	s3 =	simm.s32 @!p0 $0x1082;
	s9 =	sld [smem:$0x3FB7]  }
0x2f: {  	lr =	sadd.s32 s0, s3;
	s0 =	sld [smem:$0x3FAE]  }
0x30: {  	s3 =	sld [smem:$0x3FB1]  }
0x31: {  	[smem:$0x3FBA] =	sst s10  }
0x32: {  	s10 =	sld [smem:$0x3FB8];
	_ =	sdelay $0x3  }
0x33: {  	p0 =	seq.s32 s10, $0x1;
	s10 =	sld [smem:$0x3FBA];
	_ =	sdelay $0x3  }
0x34: {  	[smem:$0x3FBA] =	sst s10  }
0x35: {  	s10 =	sld [smem:$0x3FB9];
	_ =	sdelay $0x3  }
0x36: {  	p1 =	seq.s32 s10, $0x1;
	s10 =	sld [smem:$0x3FBA];
	_ =	sdelay $0x3  }
0x37: {  	[smem:$0x3FBA] =	sst s10  }
0x38: {  	s10 =	sld [smem:$0x3FBB]  }
0x39: {  	_ = 	snop;
	(pc) =	sbr.ind lr, $3  }
0x3a: {  	_ = 	snop  }
0x3b: {  	_ = 	snop  }
0x3c: {  	p2 =	seq.s32 s10, $0x1;
	s10 =	sld [smem:$0x3FBA]  }
0x3d: {  	_ =	shalt  }
0x3e: {  	_ =	shalt  }
0x3f: {  	_ =	shalt  }
0x40: {  	_ =	shalt  }
0x41: {  	_ =	shalt  }
0x42: {  	_ =	shalt  }
0x43: {  	_ =	shalt  }
0x44: {  	_ =	shalt  }
0x45: {  	_ =	shalt  }
0x46: {  	_ =	shalt  }
0x47: {  	_ =	shalt  }
0x48: {  	_ =	shalt  }
0x49: {  	_ =	shalt  }
0x4a: {  	_ =	shalt  }
0x4b: {  	_ =	shalt  }
0x4c: {  	_ =	shalt  }
0x4d: {  	_ =	shalt  }
0x4e: {  	_ =	shalt  }
0x4f: {  	_ =	shalt  }
0x50: {  	_ =	shalt  }
0x51: {  	_ =	shalt  }
0x52: {  	_ =	shalt  }
0x53: {  	_ =	shalt  }
0x54: {  	_ =	shalt  }
0x55: {  	_ =	shalt  }
0x56: {  	_ =	shalt  }
0x57: {  	_ =	shalt  }
0x58: {  	_ =	shalt  }
0x59: {  	_ =	shalt  }
0x5a: {  	_ =	shalt  }
0x5b: {  	_ =	shalt  }
0x5c: {  	_ =	shalt  }
0x5d: {  	_ =	shalt  }
0x5e: {  	_ =	shalt  }
0x5f: {  	_ =	shalt  }
0x60: {  	_ =	shalt  }
0x61: {  	_ =	shalt  }
0x62: {  	_ =	shalt  }
0x63: {  	_ =	shalt  }
0x64: {  	_ =	shalt  }
0x65: {  	_ =	shalt  }
0x66: {  	_ =	shalt  }
0x67: {  	_ =	shalt  }
0x68: {  	_ =	shalt  }
0x69: {  	_ =	shalt  }
0x6a: {  	_ =	shalt  }
0x6b: {  	_ =	shalt  }
0x6c: {  	_ =	shalt  }
0x6d: {  	_ =	shalt  }
0x6e: {  	_ =	shalt  }
0x6f: {  	_ =	shalt  }
0x70: {  	_ =	shalt  }
0x71: {  	_ =	shalt  }
0x72: {  	_ =	shalt  }
0x73: {  	_ =	shalt  }
0x74: {  	_ =	shalt  }
0x75: {  	_ =	shalt  }
0x76: {  	_ =	shalt  }
0x77: {  	_ =	shalt  }
0x78: {  	_ =	shalt  }
0x79: {  	_ =	shalt  }
0x7a: {  	_ =	shalt  }
0x7b: {  	_ =	shalt  }
0x7c: {  	_ =	shalt  }
0x7d: {  	_ =	shalt  }
0x7e: {  	_ =	shalt  }
0x7f: {  	_ =	shalt  }
0x80: {  	_ =	shalt  }
0x81: {  	_ =	shalt  }
0x82: {  	_ =	shalt  }
0x83: {  	_ =	shalt  }
0x84: {  	_ =	shalt  }
0x85: {  	_ =	shalt  }
0x86: {  	_ =	shalt  }
0x87: {  	_ =	shalt  }
.Lfunc_end0:
.L_simem_size_0:
called_computation_lowered:
.L_overlay_start_0:
0x88: {  	s2 =	sld [smem:$0x3FD9]  }
0x89: {  	s3 =	sld [smem:$0x3FFE];
	_ =	sdelay $0x1  }
0x8a: {  	s1 =	srdreg.scid  }
0x8b: {  	s0 =	sand.u32 $0x1, s1  }
0x8c: {  	s17 =	sshll.u32 s0, $0xA;
	s2 =	sadd.s32 s3, s2  }
0x8d: {  	s2 =	sadd.s32 s2, s17  }
0x8e: {  	[smem:$0x3FC6] =	sst s2  }
0x8f: {  	_ = 	snop  }
0x90: {  	s2 =	sld [smem:$0x3FD0];
	(tm) =	ssettm $0x1  }
0x91: {  	s18 =	sld [smem:$0x3FFB];
	_ =	sdelay $0x3  }
0x92: {  	_ =	strace s18  }
0x93: {  	s3 =	sld [smem:$0x3FFC];
	_ =	sdelay $0x3  }
0x94: {  	_ =	strace s3  }
0x95: {  	s3 =	sld [smem:$0x3FFD];
	_ =	sdelay $0x3  }
0x96: {  	_ =	strace s3  }
0x97: {  	_ =	strace $0x8FFFFFFF  }
0x98: {  	s19 =	sld [smem:$0x3FDB];
	_ =	sdelay $0x1  }
0x99: {  	s4 =	simm.s32 $_scs_section_size  }
0x9a: {  	s5 =	simm.s32 $_size__tile_overlayer_lowered;
	s6 =	simm.s32 $_tile_overlayer_lowered  }
0x9b: {  	s22 =	simm.s32 $0x1BFF;
	s21 =	sshll.u32 s6, $0x1;
	s3 =	sadd.s32 s4, s19  }
0x9c: {  	s7 =	simm.s32 $0x0;
	s20 =	sshll.u32 s5, $0x1;
	s5 =	sadd.s32 s21, s3  }
0x9d: {  	[timem:s7], [sflag:s22] =	dma.local [hbm:s5], s20  }
0x9e: {  	_ =	swait.ge [sflag:s22], s20  }
0x9f: {  	s4 =	ssub.s32 $0x0, s20;
	[sflag:s22] =	ssyncset.done $0x0  }
0xa0: {  	[sflag:s22] =	ssyncadd.s32 s4;
	_ =	sdelay $0x1  }
0xa1: {  	s23 =	simm.s32 $0x1B8B  }
0xa2: {  	_ =	swait.ge [sflag:s23], $0x1  }
0xa3: {  	[sflag:s23] =	ssyncset.done $0x0  }
0xa4: {  	s25 =	simm.s32 $0x1B8E;
	s24 =	sld [smem:$0x3FFE];
	[sflag:s23] =	ssyncadd.s32 $0xFFFFFFFF  }
0xa5: {  	s26 =	simm.s32 $execute0_lowered;
	[smem:$0x3FD2] =	sst s25  }
0xa6: {  	s5 =	sshll.u32 s26, $0x1;
	_ =	strace $0x80000046;
	[dreg:$0x1] =	wrdreg $0xFFFFFFFF  }
0xa7: {  	s28 =	simm.s32 $_size_execute0_lowered;
	s3 =	sadd.s32 s3, s5;
	[dreg:$0x0] =	wrdreg $0x0  }
0xa8: {  	s5 =	sshll.u32 s28, $0x1;
	[dreg:$0x2] =	wrdreg s3  }
0xa9: {  	[dreg:$0x3] =	wrdreg s5  }
0xaa: {  	[dreg:$0x4] =	wrdreg $0xC0  }
0xab: {  	_ =	task [dreg:s7], $0x5FFFF  }
0xac: {  	[dreg:$0x1] =	wrdreg $0xFFFFFFFF  }
0xad: {  	[dreg:$0x0] =	wrdreg $0x60  }
0xae: {  	[dreg:$0x2] =	wrdreg s24  }
0xaf: {  	[dreg:$0x3] =	wrdreg s2  }
0xb0: {  	[dreg:$0x4] =	wrdreg $0x9  }
0xb1: {  	_ =	task.clear_ibuf [dreg:s7], $0x5FFFF;
	_ =	strace $0x90000046  }
0xb2: {  	s29 =	simm.s32 $0x9;
	_ =	strace $0x80000048  }
0xb3: {  	_ =	swait.ge [sflag:s29], $0x1  }
0xb4: {  	[sflag:s29] =	ssyncadd.s32 $0xFFFFFFFF  }
0xb5: {  	_ =	strace $0x90000048  }
0xb6: {  	_ =	sfence  }
0xb7: {  	s30 =	sld [smem:$0x0];
	_ =	sdelay $0x2  }
0xb8: {  	s31 =	sshll.u32 s1, $0xD;
	s1 =	sshrl.u32 s1, $0x2  }
0xb9: {  	s3 =	sand.u32 $0x4000, s31;
	s1 =	sadd.s32 s1, s30  }
0xba: {  	s0 =	sor.u32 s3, s0;
	s1 =	sshll.u32 s1, $0x11  }
0xbb: {  	s0 =	sor.u32 s1, s0  }
0xbc: {  	s0 =	sadd.s32 $0x8F2B, s0  }
0xbd: {  	[sflag:s0] =	ssyncadd.remote.s32 $0x1  }
0xbe: {  	_ =	sfence.sel $0xFFFF  }
0xbf: {  	[dreg:$0x0] =	wrdreg $0xFFFFFFFF;
	(pc) =	sbr.abs _section_cstart, $3  }
0xc0: {  	[dreg:$0x1] =	wrdreg $0xFFFFFFFF  }
0xc1: {  	_ =	task.clear_ibuf [dreg:s7], $0x2FFFF;
	_ =	strace $0x9FFFFFFF  }
0xc2: {  	(tm) =	ssettm $0x7FFFFFFF  }
0xc3: {  	_ =	shalt  }
tec
execute0_lowered:
.L_overlay_start_1:
0x0: {  	(tag) =	ssettag $0x1  }
0x1: {  	s0 =	srdreg.scid  }
0x2: {  	s3 =	sand.u32 $0x1, s0;
	s0 =	stileid.u32  }
0x3: {  	s5 =	sshll.u32 s0, $0x1;
	s6 =	ssub.s32 $0x0, s3  }
0x4: {  	p0 =	sne.s32 s5, s6  }
.Ltmp0:
0x5: {  	_ = 	snop;
	(pc) =	sbr.rel @p0 .LBB2_8-.Ltmp0, $4  }
0x6: {  	_ = 	snop  }
0x7: {  	s4 =	rddreg [dreg:$0x0]  }
0x8: {  	s2 =	rddreg [dreg:$0x1]  }
0x9: {  	s1 =	rddreg [dreg:$0x2];
	_ =	strace $0x80000047  }
0xa: {  	v0 =	vimm.s32 $0xEFCDAB89;
	v59 =	vimm.s32 $0x67452301  }
0xb: {  	v2 =	vimm.s32 $0xDCFE98BA;
	v3 =	vimm.f32 $1.000000000e+00;
	v5 =	vimm.s32 $0xBA98FEDC  }
0xc: {  	v6 =	vimm.s32 $0x32107654;
	v7 =	vimm.s32 $0xFEDCBA98;
	v8 =	vimm.s32 $0x76543210  }
0xd: {  	v1 =	vunpack.c.l.s4.s8 v0;
	v4 =	vunpack.c.l.s4.s8 v59;
	v2 =	vunpack.c.l.s4.s8 v2  }
0xe: {  	v60 =	vand.u32 $0x7FFFFFFF, v3;
	v5 =	vunpack.c.l.s4.s8 v5;
	v6 =	vunpack.c.l.s4.s8 v6  }
0xf: {  	v7 =	vunpack.c.l.s4.s8 v7;
	v3 =	vunpack.c.0.s8.s32 v4;
	v4 =	vimm.s32 $0x54761032  }
0x10: {  	v8 =	vunpack.c.l.s4.s8 v8;
	v1 =	vunpack.c.0.s8.s32 v1;
	v4 =	vunpack.c.l.s4.s8 v4  }
0x11: {  	v2 =	vunpack.c.0.s8.s32 v2;
	v5 =	vunpack.c.0.s8.s32 v5;
	v6 =	vunpack.c.0.s8.s32 v6  }
.Ltmp1:
0x12: {  	v7 =	vunpack.c.0.s8.s32 v7;
	v61 =	vcombine.low v3, v1;
	v4 =	vunpack.c.0.s8.s32 v4;
	(pc) =	sbr.rel .LBB2_2-.Ltmp1, $4  }
0x13: {  	s5 =	ssub.s32 $0x2, s3;
	s3 =	sadd.s32 $0x600, s4;
	[tilespmem:$0x1FFC0] =	vst v60;
	v8 =	vunpack.c.0.s8.s32 v8;
	v63 =	vcombine.low v6, v5  }
0x14: {  	s4 =	sadd.s32 $0x800, s4;
	s7 =	simm.s32 $0x1;
	s6 =	sshrl.u32 s5, $0x1;
	v7 =	vand.u32 $0xF, v7;
	[tilespmem:$0x1FFD0] =	vst v61;
	v62 =	vcombine.low v4, v2  }
0x15: {  	vm0 =	vcmask $0x1B00;
	s8 =	simm.s32 $0x200;
	vm1 =	vmmov $0x7f;
	s9 =	simm.s32 $0x280;
	s5 =	ssub.s32 s5, s6;
	v7 =	vcombine.low v7, v8;
	[tilespmem:$0x1FFF0] =	vst v63  }
0x16: {  	s10 =	simm.s32 $0x0;
	s6 =	simm.s32 $0x0;
	s5 =	smax.u32 s5, $0x1;
	v6 =	vand.u32 $0xF, v63;
	v4 =	vand.u32 $0xF, v61;
	[tilespmem:$0x1FFE0] =	vst v62;
	v5 =	vand.u32 $0xF, v62  }
.LBB2_3:
0x17: {  	v40 =	vimm.f32 $0.0e+00;
	v33 =	vimm.f32 $0.0e+00;
	v27 =	vimm.f32 $0.0e+00  }
0x18: {  	v43 =	vimm.f32 $0.0e+00;
	v42 =	vimm.f32 $0.0e+00;
	v37 =	vimm.f32 $0.0e+00  }
0x19: {  	v30 =	vimm.f32 $0.0e+00;
	v29 =	vimm.f32 $0.0e+00;
	v25 =	vimm.f32 $0.0e+00  }
0x1a: {  	v35 =	vimm.f32 $0.0e+00;
	v31 =	vimm.f32 $0.0e+00;
	v32 =	vimm.f32 $0.0e+00  }
0x1b: {  	v26 =	vimm.f32 $0.0e+00;
	v22 =	vimm.f32 $0.0e+00;
	v19 =	vimm.f32 $0.0e+00  }
0x1c: {  	v36 =	vimm.f32 $0.0e+00;
	v28 =	vimm.f32 $0.0e+00;
	v24 =	vimm.f32 $0.0e+00  }
0x1d: {  	v20 =	vimm.f32 $0.0e+00;
	v18 =	vimm.f32 $0.0e+00;
	v17 =	vimm.f32 $0.0e+00  }
0x1e: {  	v23 =	vimm.f32 $0.0e+00;
	v21 =	vimm.f32 $0.0e+00;
	v16 =	vimm.f32 $0.0e+00  }
0x1f: {  	v15 =	vimm.f32 $0.0e+00;
	v14 =	vimm.f32 $0.0e+00;
	v12 =	vimm.f32 $0.0e+00  }
.LBB2_7:
0x20: {  	(erf) = vpow2.f32 v13;
	_ =	sdelay $0x8  }
0x21: {  	v0 =	vpop (erf)  }
0x22: {  	v0 =	vadd.f32 $1.000000000e+00, v0;
	_ =	sdelay $0x1  }
0x23: {  	(erf) = vrcp.f32 v0  }
0x24: {  	(erf) = vpow2.f32 v40;
	_ =	sdelay $0x7  }
0x25: {  	v0 =	vpop (erf)  }
0x26: {  	v1 =	vpop (erf)  }
0x27: {  	v1 =	vadd.f32 $1.000000000e+00, v1;
	_ =	sdelay $0x1  }
0x28: {  	(erf) = vrcp.f32 v1  }
0x29: {  	(erf) = vpow2.f32 v33;
	_ =	sdelay $0x7  }
0x2a: {  	v1 =	vpop (erf)  }
0x2b: {  	v2 =	vpop (erf)  }
0x2c: {  	v2 =	vadd.f32 $1.000000000e+00, v2;
	_ =	sdelay $0x1  }
0x2d: {  	(erf) = vrcp.f32 v2  }
0x2e: {  	(erf) = vpow2.f32 v27;
	_ =	sdelay $0x7  }
0x2f: {  	v2 =	vpop (erf)  }
0x30: {  	v3 =	vpop (erf)  }
0x31: {  	v3 =	vadd.f32 $1.000000000e+00, v3;
	_ =	sdelay $0x1  }
0x32: {  	(erf) = vrcp.f32 v3  }
0x33: {  	(erf) = vpow2.f32 v43;
	_ =	sdelay $0x7  }
0x34: {  	v3 =	vpop (erf)  }
0x35: {  	v8 =	vpop (erf)  }
0x36: {  	v8 =	vadd.f32 $1.000000000e+00, v8;
	_ =	sdelay $0x1  }
0x37: {  	(erf) = vrcp.f32 v8  }
0x38: {  	(erf) = vpow2.f32 v42;
	_ =	sdelay $0x7  }
0x39: {  	v8 =	vpop (erf)  }
0x3a: {  	v9 =	vpop (erf)  }
0x3b: {  	v9 =	vadd.f32 $1.000000000e+00, v9;
	_ =	sdelay $0x1  }
0x3c: {  	(erf) = vrcp.f32 v9  }
0x3d: {  	(erf) = vpow2.f32 v37;
	_ =	sdelay $0x7  }
0x3e: {  	v9 =	vpop (erf)  }
0x3f: {  	v10 =	vpop (erf)  }
0x40: {  	v10 =	vadd.f32 $1.000000000e+00, v10;
	_ =	sdelay $0x1  }
0x41: {  	(erf) = vrcp.f32 v10  }
0x42: {  	(erf) = vpow2.f32 v30;
	_ =	sdelay $0x7  }
0x43: {  	v10 =	vpop (erf)  }
0x44: {  	v11 =	vpop (erf)  }
0x45: {  	v11 =	vadd.f32 $1.000000000e+00, v11;
	_ =	sdelay $0x1  }
0x46: {  	(erf) = vrcp.f32 v11  }
0x47: {  	(erf) = vpow2.f32 v29;
	_ =	sdelay $0x7  }
0x48: {  	v11 =	vpop (erf)  }
0x49: {  	v54 =	vpop (erf)  }
0x4a: {  	v13 =	vadd.f32 $1.000000000e+00, v54;
	_ =	sdelay $0x1  }
0x4b: {  	(erf) = vrcp.f32 v13  }
0x4c: {  	(erf) = vpow2.f32 v25;
	_ =	sdelay $0x7  }
0x4d: {  	v13 =	vpop (erf)  }
0x4e: {  	v25 =	vpop (erf)  }
0x4f: {  	v25 =	vadd.f32 $1.000000000e+00, v25;
	_ =	sdelay $0x1  }
0x50: {  	(erf) = vrcp.f32 v25  }
0x51: {  	(erf) = vpow2.f32 v35;
	_ =	sdelay $0x7  }
0x52: {  	v25 =	vpop (erf)  }
0x53: {  	v55 =	vpop (erf)  }
0x54: {  	v27 =	vadd.f32 $1.000000000e+00, v55;
	_ =	sdelay $0x1  }
0x55: {  	(erf) = vrcp.f32 v27  }
0x56: {  	(erf) = vpow2.f32 v31;
	_ =	sdelay $0x7  }
0x57: {  	v27 =	vpop (erf)  }
0x58: {  	v56 =	vpop (erf)  }
0x59: {  	v29 =	vadd.f32 $1.000000000e+00, v56;
	_ =	sdelay $0x1  }
0x5a: {  	(erf) = vrcp.f32 v29  }
0x5b: {  	(erf) = vpow2.f32 v32;
	_ =	sdelay $0x7  }
0x5c: {  	v29 =	vpop (erf)  }
0x5d: {  	v57 =	vpop (erf)  }
0x5e: {  	v30 =	vadd.f32 $1.000000000e+00, v57;
	_ =	sdelay $0x1  }
0x5f: {  	(erf) = vrcp.f32 v30  }
0x60: {  	(erf) = vpow2.f32 v26;
	_ =	sdelay $0x7  }
0x61: {  	v26 =	vpop (erf)  }
0x62: {  	v61 =	vpop (erf)  }
0x63: {  	v30 =	vadd.f32 $1.000000000e+00, v61;
	_ =	sdelay $0x1  }
0x64: {  	(erf) = vrcp.f32 v30  }
0x65: {  	(erf) = vpow2.f32 v22;
	_ =	sdelay $0x7  }
0x66: {  	v22 =	vpop (erf)  }
0x67: {  	v62 =	vpop (erf)  }
0x68: {  	v30 =	vadd.f32 $1.000000000e+00, v62;
	_ =	sdelay $0x1  }
0x69: {  	(erf) = vrcp.f32 v30  }
0x6a: {  	(erf) = vpow2.f32 v19;
	_ =	sdelay $0x7  }
0x6b: {  	v19 =	vpop (erf)  }
0x6c: {  	v63 =	vpop (erf)  }
0x6d: {  	v30 =	vadd.f32 $1.000000000e+00, v63;
	_ =	sdelay $0x1  }
0x6e: {  	(erf) = vrcp.f32 v30  }
0x6f: {  	(erf) = vpow2.f32 v36;
	_ =	sdelay $0x7  }
0x70: {  	v30 =	vpop (erf)  }
0x71: {  	v33 =	vpop (erf)  }
0x72: {  	v31 =	vadd.f32 $1.000000000e+00, v33;
	_ =	sdelay $0x1  }
0x73: {  	(erf) = vrcp.f32 v31  }
0x74: {  	(erf) = vpow2.f32 v28;
	_ =	sdelay $0x7  }
0x75: {  	v34 =	vpop (erf)  }
0x76: {  	v35 =	vpop (erf)  }
0x77: {  	v31 =	vadd.f32 $1.000000000e+00, v35;
	_ =	sdelay $0x1  }
0x78: {  	(erf) = vrcp.f32 v31  }
0x79: {  	(erf) = vpow2.f32 v24;
	_ =	sdelay $0x7  }
0x7a: {  	v36 =	vpop (erf)  }
0x7b: {  	v37 =	vpop (erf)  }
0x7c: {  	v31 =	vadd.f32 $1.000000000e+00, v37;
	_ =	sdelay $0x1  }
0x7d: {  	(erf) = vrcp.f32 v31  }
0x7e: {  	(erf) = vpow2.f32 v20;
	_ =	sdelay $0x7  }
0x7f: {  	v38 =	vpop (erf)  }
0x80: {  	v39 =	vpop (erf)  }
0x81: {  	v31 =	vadd.f32 $1.000000000e+00, v39;
	_ =	sdelay $0x1  }
0x82: {  	(erf) = vrcp.f32 v31  }
0x83: {  	(erf) = vpow2.f32 v18;
	_ =	sdelay $0x7  }
0x84: {  	v18 =	vpop (erf)  }
0x85: {  	v40 =	vpop (erf)  }
0x86: {  	v31 =	vadd.f32 $1.000000000e+00, v40;
	_ =	sdelay $0x1  }
0x87: {  	(erf) = vrcp.f32 v31  }
0x88: {  	(erf) = vpow2.f32 v17;
	_ =	sdelay $0x7  }
0x89: {  	v41 =	vpop (erf)  }
0x8a: {  	v42 =	vpop (erf)  }
0x8b: {  	v31 =	vadd.f32 $1.000000000e+00, v42;
	_ =	sdelay $0x1  }
0x8c: {  	(erf) = vrcp.f32 v31  }
0x8d: {  	(erf) = vpow2.f32 v23;
	_ =	sdelay $0x7  }
0x8e: {  	v43 =	vpop (erf)  }
0x8f: {  	v44 =	vpop (erf)  }
0x90: {  	v31 =	vadd.f32 $1.000000000e+00, v44;
	_ =	sdelay $0x1  }
0x91: {  	(erf) = vrcp.f32 v31  }
0x92: {  	(erf) = vpow2.f32 v21;
	_ =	sdelay $0x7  }
0x93: {  	v45 =	vpop (erf)  }
0x94: {  	v46 =	vpop (erf)  }
0x95: {  	v31 =	vadd.f32 $1.000000000e+00, v46;
	_ =	sdelay $0x1  }
0x96: {  	(erf) = vrcp.f32 v31  }
0x97: {  	(erf) = vpow2.f32 v16;
	_ =	sdelay $0x6  }
0x98: {  	v0 =	vadd.f32 v0, v0  }
0x99: {  	v1 =	vadd.f32 v1, v1;
	v47 =	vpop (erf)  }
0x9a: {  	v0 =	vsub.f32 $1.000000000e+00, v0;
	v48 =	vpop (erf)  }
0x9b: {  	v1 =	vsub.f32 $1.000000000e+00, v1;
	v31 =	vadd.f32 $1.000000000e+00, v48  }
0x9c: {  	v2 =	vadd.f32 v2, v2  }
0x9d: {  	v0 =	vnsel vm1, $0x3F800000, v0;
	v1 =	vnsel vm1, $0x3F800000, v1;
	(erf) = vrcp.f32 v31  }
0x9e: {  	v2 =	vsub.f32 $1.000000000e+00, v2;
	v3 =	vadd.f32 v3, v3;
	(erf) = vpow2.f32 v15  }
0x9f: {  	v0 =	vmul.f32 v1, v0  }
0xa0: {  	v49 =	vnsel vm1, $0x3F800000, v2;
	v50 =	vsub.f32 $1.000000000e+00, v3;
	v3 =	vadd.f32 v8, v8  }
0xa1: {  	v0 =	vmul.f32 v49, v0  }
0xa2: {  	v52 =	vnsel vm1, $0x3F800000, v50;
	v53 =	vsub.f32 $1.000000000e+00, v3;
	v3 =	vadd.f32 v9, v9  }
0xa3: {  	v0 =	vmul.f32 v52, v0  }
0xa4: {  	v54 =	vnsel vm1, $0x3F800000, v53;
	v55 =	vsub.f32 $1.000000000e+00, v3;
	v3 =	vadd.f32 v10, v10  }
0xa5: {  	v0 =	vmul.f32 v54, v0;
	v56 =	vadd.f32 v11, v11  }
0xa6: {  	v2 =	vnsel vm1, $0x3F800000, v55;
	v3 =	vsub.f32 $1.000000000e+00, v3;
	v8 =	vpop (erf)  }
0xa7: {  	v0 =	vmul.f32 v2, v0;
	v1 =	vsub.f32 $1.000000000e+00, v56;
	v57 =	vpop (erf)  }
0xa8: {  	v3 =	vnsel vm1, $0x3F800000, v3;
	v61 =	vadd.f32 v13, v13;
	v2 =	vadd.f32 $1.000000000e+00, v57  }
0xa9: {  	v0 =	vmul.f32 v3, v0;
	v1 =	vnsel vm1, $0x3F800000, v1  }
0xaa: {  	v3 =	vsub.f32 $1.000000000e+00, v61;
	v62 =	vadd.f32 v25, v25;
	(erf) = vrcp.f32 v2  }
0xab: {  	v0 =	vmul.f32 v1, v0;
	(erf) = vpow2.f32 v14  }
0xac: {  	v9 =	vsub.f32 $1.000000000e+00, v62;
	v63 =	vnsel vm1, $0x3F800000, v3;
	v3 =	vadd.f32 v27, v27  }
0xad: {  	v0 =	vmul.f32 v63, v0  }
0xae: {  	v10 =	vnsel vm1, $0x3F800000, v9;
	v11 =	vsub.f32 $1.000000000e+00, v3;
	v3 =	vadd.f32 v29, v29  }
0xaf: {  	v0 =	vmul.f32 v10, v0  }
0xb0: {  	v13 =	vnsel vm1, $0x3F800000, v11;
	v14 =	vsub.f32 $1.000000000e+00, v3;
	v3 =	vadd.f32 v26, v26  }
0xb1: {  	v0 =	vmul.f32 v13, v0  }
0xb2: {  	v15 =	vnsel vm1, $0x3F800000, v14;
	v25 =	vsub.f32 $1.000000000e+00, v3;
	v3 =	vadd.f32 v22, v22  }
0xb3: {  	v0 =	vmul.f32 v15, v0;
	v27 =	vpop (erf)  }
0xb4: {  	v26 =	vadd.f32 v19, v19;
	v2 =	vnsel vm1, $0x3F800000, v25;
	v3 =	vsub.f32 $1.000000000e+00, v3;
	v29 =	vpop (erf)  }
0xb5: {  	v32 =	vadd.f32 v30, v30;
	v0 =	vmul.f32 v2, v0;
	v31 =	vadd.f32 $1.000000000e+00, v29  }
0xb6: {  	v1 =	vsub.f32 $1.000000000e+00, v26;
	v3 =	vnsel vm1, $0x3F800000, v3  }
0xb7: {  	v33 =	vsub.f32 $1.000000000e+00, v32;
	v0 =	vmul.f32 v3, v0;
	(erf) = vrcp.f32 v31  }
0xb8: {  	v1 =	vnsel vm1, $0x3F800000, v1;
	v3 =	vadd.f32 v34, v34;
	(erf) = vpow2.f32 v12  }
0xb9: {  	v0 =	vmul.f32 v1, v0  }
0xba: {  	v34 =	vnsel vm1, $0x3F800000, v33;
	v35 =	vsub.f32 $1.000000000e+00, v3;
	v3 =	vadd.f32 v36, v36  }
0xbb: {  	v0 =	vmul.f32 v34, v0  }
0xbc: {  	v36 =	vnsel vm1, $0x3F800000, v35;
	v37 =	vsub.f32 $1.000000000e+00, v3;
	v3 =	vadd.f32 v38, v38  }
0xbd: {  	v0 =	vmul.f32 v36, v0  }
0xbe: {  	v38 =	vnsel vm1, $0x3F800000, v37;
	v39 =	vsub.f32 $1.000000000e+00, v3;
	v3 =	vadd.f32 v18, v18  }
0xbf: {  	v0 =	vmul.f32 v38, v0  }
0xc0: {  	v40 =	vadd.f32 v41, v41;
	v2 =	vnsel vm1, $0x3F800000, v39;
	v3 =	vsub.f32 $1.000000000e+00, v3;
	v41 =	vpop (erf)  }
0xc1: {  	v43 =	vadd.f32 v43, v43;
	v0 =	vmul.f32 v2, v0;
	v42 =	vpop (erf)  }
0xc2: {  	v1 =	vsub.f32 $1.000000000e+00, v40;
	v3 =	vnsel vm1, $0x3F800000, v3;
	v2 =	vadd.f32 $1.000000000e+00, v42  }
0xc3: {  	v44 =	vadd.f32 v45, v45;
	v0 =	vmul.f32 v3, v0  }
0xc4: {  	v1 =	vnsel vm1, $0x3F800000, v1;
	v3 =	vsub.f32 $1.000000000e+00, v43;
	(erf) = vrcp.f32 v2  }
0xc5: {  	v0 =	vmul.f32 v1, v0  }
0xc6: {  	v46 =	vsub.f32 $1.000000000e+00, v44;
	v45 =	vnsel vm1, $0x3F800000, v3;
	v3 =	vadd.f32 v47, v47  }
0xc7: {  	v0 =	vmul.f32 v45, v0  }
0xc8: {  	v47 =	vnsel vm1, $0x3F800000, v46;
	v48 =	vsub.f32 $1.000000000e+00, v3;
	v3 =	vadd.f32 v8, v8  }
0xc9: {  	v0 =	vmul.f32 v47, v0  }
0xca: {  	v49 =	vnsel vm1, $0x3F800000, v48;
	v50 =	vsub.f32 $1.000000000e+00, v3;
	v3 =	vadd.f32 v27, v27  }
0xcb: {  	v0 =	vmul.f32 v49, v0  }
0xcc: {  	v52 =	vnsel vm1, $0x3F800000, v50;
	v53 =	vsub.f32 $1.000000000e+00, v3;
	v3 =	vadd.f32 v41, v41  }
0xcd: {  	v0 =	vmul.f32 v52, v0;
	v54 =	vpop (erf)  }
0xce: {  	v2 =	vnsel vm1, $0x3F800000, v53;
	v3 =	vsub.f32 $1.000000000e+00, v3;
	v1 =	vadd.f32 v54, v54  }
0xcf: {  	v0 =	vmul.f32 v2, v0  }
0xd0: {  	v56 =	vld [tilespmem:$0x1FFD0];
	v55 =	vnsel vm1, $0x3F800000, v3;
	v1 =	vsub.f32 $1.000000000e+00, v1  }
0xd1: {  	v0 =	vmul.f32 v55, v0  }
0xd2: {  	v1 =	vnsel vm1, $0x3F800000, v1  }
0xd3: {  	v0 =	vmul.f32 v1, v0  }
0xd4: {  	v57 =	vld [tilespmem:$0x1FFE0]  }
0xd5: {  	v1 =	vperm.xlane v0, v56;
	_ =	sdelay $0x1  }
0xd6: {  	v0 =	vmul.f32 v1, v0  }
0xd7: {  	v61 =	vld [tilespmem:$0x1FFF0]  }
0xd8: {  	v1 =	vperm.xlane v0, v57;
	_ =	sdelay $0x1  }
0xd9: {  	v0 =	vmul.f32 v1, v0;
	_ =	sdelay $0x1  }
0xda: {  	v1 =	vperm.xlane v0, v61;
	_ =	sdelay $0x1  }
0xdb: {  	v0 =	vmul.f32 v1, v0;
	_ =	sdelay $0x1  }
0xdc: {  	v1 =	vperm.xlane v0, v7;
	_ =	sdelay $0x1  }
0xdd: {  	v0 =	vmul.f32 v1, v0;
	_ =	sdelay $0x1  }
0xde: {  	v1 =	vmul.f32 v0, v58  }
0xdf: {  	v62 =	vmul.f32 v0, v51  }
0xe0: {  	v63 =	vmul.f32 v0, v60;
	[tilespmem:$0x280] =	vst v1  }
0xe1: {  	s10 =	sadd.s32 $0x1, s10;
	v0 =	vmul.f32 v0, v59;
	[tilespmem:$0x300] =	vst v62  }
0xe2: {  	p0 =	sne.s32 s10, s5;
	[tilespmem:$0x380] =	vst v63  }
.Ltmp2:
0xe3: {  	[tilespmem:$0x400] =	vst v0;
	(pc) =	sbr.rel @!p0 .LBB2_8-.Ltmp2, $4  }
0xe4: {  	[hbm4b:s2+s6] =	stream.linear.scatter [tilespmem:s9], [sflag:$0x1], $0x200, $0x38;
	[tilespmem:$0x480] =	vst v63  }
0xe5: {  	_ =	swait.ge [sflag:s7], $0x200  }
0xe6: {  	[sflag:s7] =	ssyncset.done $0x0  }
0xe7: {  	[sflag:s7] =	ssyncadd.s32 $0xFFFFFE00  }
.LBB2_2:
0xe8: {  	[tilespmem:s6], [sflag:$0x1] =	stream.linear.gather [hbm4b:s3+s6], $0x200, $0x38;
	[tilespmem:$0x480] =	vst v63  }
0xe9: {  	_ =	swait.ge [sflag:s7], $0x200  }
0xea: {  	[sflag:s7] =	ssyncset.done $0x0  }
0xeb: {  	[sflag:s7] =	ssyncadd.s32 $0xFFFFFE00  }
0xec: {  	[tilespmem:s8], [sflag:$0x1] =	stream.linear.gather [hbm4b:s4+s6], $0x80, $0x38;
	[tilespmem:$0x480] =	vst v63  }
0xed: {  	_ =	swait.ge [sflag:s7], $0x80  }
0xee: {  	[sflag:s7] =	ssyncset.done $0x0  }
0xef: {  	[sflag:s7] =	ssyncadd.s32 $0xFFFFFF80  }
0xf0: {  	v8 =	vld [tilespmem:$0x200];
	_ =	sdelay $0x4  }
0xf1: {  	(v2sf) =	vpush v8, $0x0;
	_ =	sdelay $0x6  }
0xf2: {  	v9 =	vld [tilespmem:$0x80]  }
0xf3: {  	v10 =	vld [tilespmem:$0x100]  }
0xf4: {  	v12 =	vld [tilespmem:$0x180]  }
0xf5: {  	v8 =	vld [tilespmem:$0x0]  }
0xf6: {  	v0 =	vld [tilespmem:$0x1FFC0];
	_ =	sdelay $0x1  }
0xf7: {  	v62 =	vand.u32 $0x80000000, v9  }
0xf8: {  	vm4 =	vgt.f32 v10, $0.0e+00;
	v63 =	vand.u32 $0x80000000, v10;
	v13 =	vand.u32 $0x80000000, v12  }
0xf9: {  	v11 =	vand.u32 $0x80000000, v8;
	vm2 =	vlt.f32 v8, $0.0e+00;
	vm3 =	vgt.f32 v8, $0.0e+00;
	s11 =	spop (v2sf)  }
0xfa: {  	vm15 =	vgt.f32 v12, $0.0e+00;
	v11 =	vor.u32 v11, v0;
	vm2 =	vmor vm3, vm2;
	p0 =	slt.s32 s11, $0x1  }
.Ltmp3:
0xfb: {  	vm3 =	vgt.f32 v9, $0.0e+00;
	v58 =	vsel vm2, v11, v8;
	vm2 =	vlt.f32 v9, $0.0e+00;
	(pc) =	sbr.rel @p0 .LBB2_3-.Ltmp3, $4  }
0xfc: {  	v11 =	vor.u32 v62, v0;
	vm2 =	vmor vm3, vm2;
	vm3 =	vlt.f32 v10, $0.0e+00  }
0xfd: {  	v51 =	vsel vm2, v11, v9;
	vm2 =	vmor vm4, vm3;
	vm3 =	vlt.f32 v12, $0.0e+00  }
0xfe: {  	v13 =	vor.u32 v13, v0;
	v11 =	vor.u32 v63, v0;
	vm3 =	vmor vm15, vm3  }
0xff: {  	v60 =	vsel vm2, v11, v10;
	v59 =	vsel vm3, v13, v12;
	v13 =	vimm.f32 $0.0e+00  }
0x100: {  	v57 =	vsel vm0, $0x3EEC9A9F, v13;
	v16 =	vimm.f32 $0.0e+00;
	v34 =	vimm.f32 $0.0e+00  }
0x101: {  	v45 =	vimm.f32 $0.0e+00;
	v18 =	vimm.f32 $0.0e+00;
	v35 =	vimm.f32 $0.0e+00  }
0x102: {  	v39 =	vimm.f32 $0.0e+00;
	v36 =	vimm.f32 $0.0e+00;
	v12 =	vimm.f32 $0.0e+00;
	v42 =	vmovc v57  }
0x103: {  	[tilespmem:$0x1FFA0] =	vst v51;
	v37 =	vmovc v57;
	v49 =	vmovc v57;
	v22 =	vmov v57;
	v23 =	vmov v57;
	v24 =	vmov v57  }
0x104: {  	[tilespmem:$0x1FFB0] =	vst v59;
	v25 =	vmovc v57;
	v28 =	vmovc v57;
	v29 =	vmov v57;
	v31 =	vmov v57;
	v27 =	vmov v57  }
.LBB2_5:
0x105: {  	v14 =	vmul.f32 v25, v27;
	_ =	sdelay $0x1  }
0x106: {  	v14 =	vmul.f32 v49, v14;
	_ =	sdelay $0x1  }
0x107: {  	v44 =	vmul.f32 v14, v58;
	_ =	sdelay $0x1  }
0x108: {  	v14 =	vmul.f32 $5.000000000e-01, v44;
	_ =	sdelay $0x1  }
0x109: {  	v14 =	vadd.f32 v14, v14;
	_ =	sdelay $0x1  }
0x10a: {  	v14 =	vmul.f32 $1.442695020e+00, v14;
	_ =	sdelay $0x1  }
0x10b: {  	(erf) = vpow2.f32 v14;
	_ =	sdelay $0x8  }
0x10c: {  	v14 =	vpop (erf)  }
0x10d: {  	v14 =	vadd.f32 $1.000000000e+00, v14;
	_ =	sdelay $0x1  }
0x10e: {  	(erf) = vrcp.f32 v14;
	_ =	sdelay $0x8  }
0x10f: {  	v14 =	vpop (erf)  }
0x110: {  	v14 =	vadd.f32 v14, v14;
	_ =	sdelay $0x1  }
0x111: {  	v27 =	vsub.f32 $1.000000000e+00, v14;
	_ =	sdelay $0x1  }
0x112: {  	v14 =	vmul.f32 v27, v25;
	_ =	sdelay $0x1  }
0x113: {  	v14 =	vmul.f32 v14, v49;
	_ =	sdelay $0x1  }
0x114: {  	v15 =	vmul.f32 v14, v58;
	_ =	sdelay $0x1  }
0x115: {  	v14 =	vmul.f32 $5.000000000e-01, v15;
	_ =	sdelay $0x1  }
0x116: {  	v14 =	vadd.f32 v14, v14;
	_ =	sdelay $0x1  }
0x117: {  	v14 =	vmul.f32 $1.442695020e+00, v14;
	_ =	sdelay $0x1  }
0x118: {  	(erf) = vpow2.f32 v14;
	_ =	sdelay $0x8  }
0x119: {  	v14 =	vpop (erf)  }
0x11a: {  	v14 =	vadd.f32 $1.000000000e+00, v14;
	_ =	sdelay $0x1  }
0x11b: {  	(erf) = vrcp.f32 v14;
	_ =	sdelay $0x8  }
0x11c: {  	v14 =	vpop (erf)  }
0x11d: {  	v14 =	vadd.f32 v14, v14;
	_ =	sdelay $0x1  }
0x11e: {  	v25 =	vsub.f32 $1.000000000e+00, v14;
	_ =	sdelay $0x1  }
0x11f: {  	v30 =	vmul.f32 v25, v27;
	_ =	sdelay $0x1  }
0x120: {  	v14 =	vmul.f32 v30, v49;
	_ =	sdelay $0x1  }
0x121: {  	v19 =	vmul.f32 v14, v58;
	_ =	sdelay $0x1  }
0x122: {  	v14 =	vmul.f32 $5.000000000e-01, v19;
	_ =	sdelay $0x1  }
0x123: {  	v14 =	vadd.f32 v14, v14;
	_ =	sdelay $0x1  }
0x124: {  	v14 =	vmul.f32 $1.442695020e+00, v14;
	_ =	sdelay $0x1  }
0x125: {  	(erf) = vpow2.f32 v14  }
0x126: {  	v14 =	vmul.f32 v24, v31;
	_ =	sdelay $0x1  }
0x127: {  	v14 =	vmul.f32 v37, v14;
	_ =	sdelay $0x1  }
0x128: {  	v21 =	vmul.f32 v14, v51;
	_ =	sdelay $0x1  }
0x129: {  	v14 =	vmul.f32 $5.000000000e-01, v21;
	_ =	sdelay $0x1  }
0x12a: {  	v14 =	vadd.f32 v14, v14;
	v17 =	vpop (erf)  }
0x12b: {  	v17 =	vadd.f32 $1.000000000e+00, v17  }
0x12c: {  	v14 =	vmul.f32 $1.442695020e+00, v14  }
0x12d: {  	(erf) = vrcp.f32 v17  }
0x12e: {  	(erf) = vpow2.f32 v14;
	_ =	sdelay $0x7  }
0x12f: {  	v43 =	vpop (erf)  }
0x130: {  	v14 =	vpop (erf)  }
0x131: {  	v14 =	vadd.f32 $1.000000000e+00, v14;
	_ =	sdelay $0x1  }
0x132: {  	(erf) = vrcp.f32 v14;
	_ =	sdelay $0x8  }
0x133: {  	v14 =	vpop (erf)  }
0x134: {  	v14 =	vadd.f32 v14, v14;
	_ =	sdelay $0x1  }
0x135: {  	v31 =	vsub.f32 $1.000000000e+00, v14;
	_ =	sdelay $0x1  }
0x136: {  	v14 =	vmul.f32 v31, v24;
	_ =	sdelay $0x1  }
0x137: {  	v14 =	vmul.f32 v14, v37;
	_ =	sdelay $0x1  }
0x138: {  	v38 =	vmul.f32 v14, v51;
	_ =	sdelay $0x1  }
0x139: {  	v14 =	vmul.f32 $5.000000000e-01, v38;
	_ =	sdelay $0x1  }
0x13a: {  	v14 =	vadd.f32 v14, v14;
	_ =	sdelay $0x1  }
0x13b: {  	v14 =	vmul.f32 $1.442695020e+00, v14;
	_ =	sdelay $0x1  }
0x13c: {  	(erf) = vpow2.f32 v14;
	_ =	sdelay $0x8  }
0x13d: {  	v14 =	vpop (erf)  }
0x13e: {  	v14 =	vadd.f32 $1.000000000e+00, v14;
	_ =	sdelay $0x1  }
0x13f: {  	(erf) = vrcp.f32 v14;
	_ =	sdelay $0x8  }
0x140: {  	v14 =	vpop (erf)  }
0x141: {  	v14 =	vadd.f32 v14, v14;
	_ =	sdelay $0x1  }
0x142: {  	v24 =	vsub.f32 $1.000000000e+00, v14;
	_ =	sdelay $0x1  }
0x143: {  	v0 =	vmul.f32 v24, v31;
	_ =	sdelay $0x1  }
0x144: {  	v14 =	vmul.f32 v0, v37;
	_ =	sdelay $0x1  }
0x145: {  	[tilespmem:$0x1FF40] =	vst v0;
	v0 =	vmul.f32 v14, v51;
	_ =	sdelay $0x1  }
0x146: {  	v14 =	vmul.f32 $5.000000000e-01, v0;
	_ =	sdelay $0x1  }
0x147: {  	v14 =	vadd.f32 v14, v14;
	_ =	sdelay $0x1  }
0x148: {  	v14 =	vmul.f32 $1.442695020e+00, v14;
	_ =	sdelay $0x1  }
0x149: {  	(erf) = vpow2.f32 v14  }
0x14a: {  	v14 =	vmul.f32 v23, v29;
	_ =	sdelay $0x1  }
0x14b: {  	v14 =	vmul.f32 v42, v14;
	_ =	sdelay $0x1  }
0x14c: {  	v41 =	vmul.f32 v14, v60;
	_ =	sdelay $0x1  }
0x14d: {  	v14 =	vmul.f32 $5.000000000e-01, v41;
	_ =	sdelay $0x1  }
0x14e: {  	v14 =	vadd.f32 v14, v14;
	v17 =	vpop (erf)  }
0x14f: {  	v17 =	vadd.f32 $1.000000000e+00, v17  }
0x150: {  	v14 =	vmul.f32 $1.442695020e+00, v14  }
0x151: {  	(erf) = vrcp.f32 v17  }
0x152: {  	(erf) = vpow2.f32 v14;
	_ =	sdelay $0x7  }
0x153: {  	v55 =	vpop (erf)  }
0x154: {  	v14 =	vpop (erf)  }
0x155: {  	v14 =	vadd.f32 $1.000000000e+00, v14;
	_ =	sdelay $0x1  }
0x156: {  	(erf) = vrcp.f32 v14;
	_ =	sdelay $0x8  }
0x157: {  	v14 =	vpop (erf)  }
0x158: {  	v14 =	vadd.f32 v14, v14;
	_ =	sdelay $0x1  }
0x159: {  	v29 =	vsub.f32 $1.000000000e+00, v14;
	_ =	sdelay $0x1  }
0x15a: {  	v14 =	vmul.f32 v29, v23;
	_ =	sdelay $0x1  }
0x15b: {  	v14 =	vmul.f32 v14, v42;
	_ =	sdelay $0x1  }
0x15c: {  	v20 =	vmul.f32 v14, v60;
	_ =	sdelay $0x1  }
0x15d: {  	v14 =	vmul.f32 $5.000000000e-01, v20;
	_ =	sdelay $0x1  }
0x15e: {  	v14 =	vadd.f32 v14, v14;
	_ =	sdelay $0x1  }
0x15f: {  	v14 =	vmul.f32 $1.442695020e+00, v14;
	_ =	sdelay $0x1  }
0x160: {  	(erf) = vpow2.f32 v14;
	_ =	sdelay $0x8  }
0x161: {  	v14 =	vpop (erf)  }
0x162: {  	v14 =	vadd.f32 $1.000000000e+00, v14;
	_ =	sdelay $0x1  }
0x163: {  	(erf) = vrcp.f32 v14;
	_ =	sdelay $0x8  }
0x164: {  	v14 =	vpop (erf)  }
0x165: {  	v14 =	vadd.f32 v14, v14;
	_ =	sdelay $0x1  }
0x166: {  	v23 =	vsub.f32 $1.000000000e+00, v14;
	_ =	sdelay $0x1  }
0x167: {  	v33 =	vmul.f32 v23, v29;
	_ =	sdelay $0x1  }
0x168: {  	v14 =	vmul.f32 v33, v42;
	_ =	sdelay $0x1  }
0x169: {  	v56 =	vmul.f32 v14, v60;
	_ =	sdelay $0x1  }
0x16a: {  	v14 =	vmul.f32 $5.000000000e-01, v56;
	_ =	sdelay $0x1  }
0x16b: {  	v14 =	vadd.f32 v14, v14;
	_ =	sdelay $0x1  }
0x16c: {  	v14 =	vmul.f32 $1.442695020e+00, v14;
	_ =	sdelay $0x1  }
0x16d: {  	(erf) = vpow2.f32 v14  }
0x16e: {  	v14 =	vmul.f32 v22, v28;
	_ =	sdelay $0x1  }
0x16f: {  	v14 =	vmul.f32 v57, v14;
	_ =	sdelay $0x1  }
0x170: {  	v54 =	vmul.f32 v14, v59;
	_ =	sdelay $0x1  }
0x171: {  	v14 =	vmul.f32 $5.000000000e-01, v54;
	_ =	sdelay $0x1  }
0x172: {  	v14 =	vadd.f32 v14, v14;
	v28 =	vpop (erf)  }
0x173: {  	v28 =	vadd.f32 $1.000000000e+00, v28  }
0x174: {  	v14 =	vmul.f32 $1.442695020e+00, v14  }
0x175: {  	(erf) = vrcp.f32 v28  }
0x176: {  	(erf) = vpow2.f32 v14;
	_ =	sdelay $0x7  }
0x177: {  	v37 =	vpop (erf)  }
0x178: {  	v14 =	vpop (erf)  }
0x179: {  	v14 =	vadd.f32 $1.000000000e+00, v14;
	_ =	sdelay $0x1  }
0x17a: {  	(erf) = vrcp.f32 v14;
	_ =	sdelay $0x8  }
0x17b: {  	v14 =	vpop (erf)  }
0x17c: {  	v14 =	vadd.f32 v14, v14;
	_ =	sdelay $0x1  }
0x17d: {  	v28 =	vsub.f32 $1.000000000e+00, v14;
	_ =	sdelay $0x1  }
0x17e: {  	v14 =	vmul.f32 v28, v22;
	_ =	sdelay $0x1  }
0x17f: {  	v14 =	vmul.f32 v14, v57;
	_ =	sdelay $0x1  }
0x180: {  	v51 =	vmul.f32 v14, v59;
	_ =	sdelay $0x1  }
0x181: {  	v14 =	vmul.f32 $5.000000000e-01, v51;
	_ =	sdelay $0x1  }
0x182: {  	v14 =	vadd.f32 v14, v14;
	_ =	sdelay $0x1  }
0x183: {  	v14 =	vmul.f32 $1.442695020e+00, v14;
	_ =	sdelay $0x1  }
0x184: {  	(erf) = vpow2.f32 v14;
	_ =	sdelay $0x8  }
0x185: {  	v14 =	vpop (erf)  }
0x186: {  	v14 =	vadd.f32 $1.000000000e+00, v14;
	_ =	sdelay $0x1  }
0x187: {  	(erf) = vrcp.f32 v14;
	_ =	sdelay $0x8  }
0x188: {  	v14 =	vpop (erf)  }
0x189: {  	v40 =	vperm.xlane v12, v4;
	v14 =	vadd.f32 v14, v14;
	_ =	sdelay $0x1  }
0x18a: {  	v12 =	vadd.f32 v40, v12;
	v22 =	vsub.f32 $1.000000000e+00, v14;
	v14 =	vperm.xlane v45, v4;
	_ =	sdelay $0x1  }
0x18b: {  	v46 =	vperm.xlane v12, v5;
	v61 =	vmul.f32 v22, v28;
	v45 =	vadd.f32 v14, v45;
	_ =	sdelay $0x1  }
0x18c: {  	v12 =	vadd.f32 v46, v12;
	v14 =	vmul.f32 v61, v57;
	v62 =	vperm.xlane v45, v5;
	_ =	sdelay $0x1  }
0x18d: {  	v46 =	vperm.xlane v12, v6;
	v63 =	vmul.f32 v14, v59;
	v40 =	vadd.f32 v62, v45;
	_ =	sdelay $0x1  }
0x18e: {  	v12 =	vadd.f32 v46, v12;
	v1 =	vmul.f32 $5.000000000e-01, v63;
	v2 =	vperm.xlane v40, v6;
	_ =	sdelay $0x1  }
0x18f: {  	v47 =	vperm.xlane v12, v7;
	v45 =	vadd.f32 v1, v1;
	v40 =	vadd.f32 v2, v40;
	_ =	sdelay $0x1  }
0x190: {  	v12 =	vadd.f32 v47, v12;
	v45 =	vmul.f32 $1.442695020e+00, v45;
	v46 =	vperm.xlane v40, v7;
	_ =	sdelay $0x1  }
0x191: {  	v12 =	vadd.f32 $0.0e+00, v12;
	(erf) = vpow2.f32 v45;
	v40 =	vadd.f32 v46, v40;
	_ =	sdelay $0x1  }
0x192: {  	v12 =	vadd.f32 v40, v12;
	_ =	sdelay $0x1  }
0x193: {  	v12 =	vsub.f32 v12, v44;
	_ =	sdelay $0x1  }
0x194: {  	v12 =	vmul.f32 $5.000000000e-01, v12;
	_ =	sdelay $0x1  }
0x195: {  	v9 =	vand.u32 $0x7FFFFFFF, v12  }
0x196: {  	v45 =	vpop (erf);
	v44 =	vsub.f32 $0.0e+00, v9  }
0x197: {  	v45 =	vadd.f32 $1.000000000e+00, v45  }
0x198: {  	v44 =	vmul.f32 $1.442695020e+00, v44  }
0x199: {  	(erf) = vrcp.f32 v45  }
0x19a: {  	(erf) = vpow2.f32 v44;
	_ =	sdelay $0x7  }
0x19b: {  	v10 =	vpop (erf)  }
0x19c: {  	v44 =	vpop (erf)  }
0x19d: {  	v11 =	vmul.f32 v44, v44;
	_ =	sdelay $0x1  }
0x19e: {  	v32 =	vmul.f32 $5.021064080e-03, v11  }
0x19f: {  	v48 =	vmul.f32 v11, v11  }
0x1a0: {  	v42 =	vmul.f32 $1.404782090e-01, v11;
	v50 =	vmul.f32 $6.087448080e-02, v11;
	v47 =	vsub.f32 $2.533170020e-02, v32  }
0x1a1: {  	v46 =	vmul.f32 $3.333223160e-01, v11  }
0x1a2: {  	v49 =	vsub.f32 $1.997402910e-01, v42;
	v50 =	vsub.f32 $1.000220550e-01, v50;
	v47 =	vmul.f32 v47, v48  }
0x1a3: {  	v52 =	vmul.f32 v48, v48  }
0x1a4: {  	v46 =	vsub.f32 $9.999999400e-01, v46;
	v48 =	vmul.f32 v49, v48;
	v47 =	vadd.f32 v47, v50;
	_ =	sdelay $0x1  }
0x1a5: {  	v46 =	vadd.f32 v48, v46;
	v47 =	vmul.f32 v47, v52;
	_ =	sdelay $0x1  }
0x1a6: {  	v46 =	vadd.f32 v47, v46;
	_ =	sdelay $0x1  }
0x1a7: {  	v44 =	vmul.f32 v46, v44;
	_ =	sdelay $0x1  }
0x1a8: {  	v44 =	vadd.f32 v44, v44;
	_ =	sdelay $0x1  }
0x1a9: {  	v52 =	vsub.f32 $3.141592740e+00, v44  }
0x1aa: {  	vm2 =	vle.f32 v12, $0.0e+00  }
0x1ab: {  	v12 =	vsel vm2, v44, v52  }
0x1ac: {  	v12 =	vnsel vm1, $0x0, v12  }
0x1ad: {  	v53 =	vperm.xlane v12, v4;
	_ =	sdelay $0x1  }
0x1ae: {  	[tilespmem:$0x1FF80] =	vst v55;
	v55 =	vperm.xlane v39, v4;
	v44 =	vadd.f32 v12, v53;
	_ =	sdelay $0x1  }
0x1af: {  	v39 =	vadd.f32 v55, v39;
	[tilespmem:$0x1FF60] =	vst v56;
	v56 =	vperm.xlane v44, v5;
	_ =	sdelay $0x1  }
0x1b0: {  	v57 =	vperm.xlane v39, v5;
	v44 =	vadd.f32 v44, v56;
	_ =	sdelay $0x1  }
0x1b1: {  	v39 =	vadd.f32 v57, v39;
	v46 =	vperm.xlane v44, v6;
	_ =	sdelay $0x1  }
0x1b2: {  	v47 =	vperm.xlane v39, v6;
	v44 =	vadd.f32 v44, v46;
	_ =	sdelay $0x1  }
0x1b3: {  	v39 =	vadd.f32 v47, v39;
	v46 =	vperm.xlane v44, v7;
	_ =	sdelay $0x1  }
0x1b4: {  	v47 =	vperm.xlane v39, v7;
	v44 =	vadd.f32 v44, v46;
	_ =	sdelay $0x1  }
0x1b5: {  	v47 =	vadd.f32 v47, v39;
	v39 =	vadd.f32 $0.0e+00, v44;
	_ =	sdelay $0x1  }
0x1b6: {  	v44 =	vadd.f32 v39, v47;
	_ =	sdelay $0x1  }
0x1b7: {  	v15 =	vsub.f32 v44, v15;
	_ =	sdelay $0x1  }
0x1b8: {  	v15 =	vmul.f32 $5.000000000e-01, v15;
	_ =	sdelay $0x1  }
0x1b9: {  	v59 =	vand.u32 $0x7FFFFFFF, v15  }
0x1ba: {  	v44 =	vsub.f32 $0.0e+00, v59;
	_ =	sdelay $0x1  }
0x1bb: {  	v44 =	vmul.f32 $1.442695020e+00, v44;
	_ =	sdelay $0x1  }
0x1bc: {  	(erf) = vpow2.f32 v44;
	_ =	sdelay $0x8  }
0x1bd: {  	v44 =	vpop (erf)  }
0x1be: {  	v61 =	vmul.f32 v44, v44;
	_ =	sdelay $0x1  }
0x1bf: {  	[tilespmem:$0x1FF50] =	vst v0;
	v62 =	vmul.f32 $5.021064080e-03, v61  }
0x1c0: {  	[tilespmem:$0x1FF70] =	vst v63;
	v63 =	vmul.f32 v61, v61  }
0x1c1: {  	v0 =	vmul.f32 $1.404782090e-01, v61;
	v1 =	vmul.f32 $6.087448080e-02, v61;
	v48 =	vsub.f32 $2.533170020e-02, v62  }
0x1c2: {  	v46 =	vmul.f32 $3.333223160e-01, v61  }
0x1c3: {  	v50 =	vsub.f32 $1.997402910e-01, v0;
	v52 =	vsub.f32 $1.000220550e-01, v1;
	v48 =	vmul.f32 v48, v63  }
0x1c4: {  	v53 =	vmul.f32 v63, v63  }
0x1c5: {  	v46 =	vsub.f32 $9.999999400e-01, v46;
	v49 =	vmul.f32 v50, v63;
	v48 =	vadd.f32 v48, v52;
	_ =	sdelay $0x1  }
0x1c6: {  	v46 =	vadd.f32 v49, v46;
	v48 =	vmul.f32 v48, v53;
	_ =	sdelay $0x1  }
0x1c7: {  	v46 =	vadd.f32 v48, v46;
	_ =	sdelay $0x1  }
0x1c8: {  	v44 =	vmul.f32 v46, v44;
	_ =	sdelay $0x1  }
0x1c9: {  	v44 =	vadd.f32 v44, v44;
	_ =	sdelay $0x1  }
0x1ca: {  	v2 =	vsub.f32 $3.141592740e+00, v44  }
0x1cb: {  	vm2 =	vle.f32 v15, $0.0e+00  }
0x1cc: {  	v15 =	vsel vm2, v44, v2  }
0x1cd: {  	v9 =	vperm.xlane v36, v4;
	v15 =	vnsel vm1, $0x0, v15  }
0x1ce: {  	[tilespmem:$0x1FF90] =	vst v10;
	v10 =	vperm.xlane v15, v4  }
0x1cf: {  	v36 =	vadd.f32 v9, v36  }
0x1d0: {  	v42 =	vperm.xlane v34, v4;
	v11 =	vadd.f32 v15, v10  }
0x1d1: {  	v52 =	vperm.xlane v36, v5;
	v53 =	vperm.xlane v35, v4  }
0x1d2: {  	v34 =	vadd.f32 v42, v34;
	v55 =	vperm.xlane v11, v5  }
0x1d3: {  	v36 =	vadd.f32 v52, v36;
	v35 =	vadd.f32 v53, v35  }
0x1d4: {  	v46 =	vperm.xlane v34, v5;
	v44 =	vadd.f32 v11, v55  }
0x1d5: {  	v48 =	vperm.xlane v36, v6;
	v49 =	vperm.xlane v35, v5  }
0x1d6: {  	v34 =	vadd.f32 v46, v34;
	v50 =	vperm.xlane v44, v6  }
0x1d7: {  	v36 =	vadd.f32 v48, v36;
	v35 =	vadd.f32 v49, v35  }
0x1d8: {  	v43 =	vadd.f32 v43, v43;
	v46 =	vperm.xlane v34, v6;
	v44 =	vadd.f32 v44, v50  }
0x1d9: {  	v48 =	vperm.xlane v36, v7;
	v56 =	vperm.xlane v35, v6  }
0x1da: {  	v49 =	vsub.f32 $1.000000000e+00, v43;
	v34 =	vadd.f32 v46, v34;
	v57 =	vperm.xlane v44, v7  }
0x1db: {  	v36 =	vadd.f32 v48, v36;
	v35 =	vadd.f32 v56, v35  }
0x1dc: {  	v30 =	vmul.f32 v49, v30;
	v59 =	vperm.xlane v34, v7;
	v44 =	vadd.f32 v44, v57  }
0x1dd: {  	v39 =	vadd.f32 v39, v36;
	v52 =	vadd.f32 $0.0e+00, v36;
	v61 =	vperm.xlane v35, v7  }
0x1de: {  	v43 =	vadd.f32 v59, v34;
	v48 =	vadd.f32 $0.0e+00, v44  }
0x1df: {  	v46 =	vadd.f32 v61, v35;
	v50 =	vmul.f32 v30, v58;
	v30 =	vadd.f32 v40, v52  }
0x1e0: {  	v19 =	vsub.f32 v39, v19;
	v34 =	vadd.f32 v48, v43  }
0x1e1: {  	v30 =	vsub.f32 v30, v50;
	v36 =	vadd.f32 v48, v46  }
0x1e2: {  	v53 =	vmul.f32 $5.000000000e-01, v19;
	v19 =	vsub.f32 v34, v21  }
0x1e3: {  	v35 =	vmul.f32 $5.000000000e-01, v30;
	v30 =	vsub.f32 v36, v21  }
0x1e4: {  	v62 =	vand.u32 $0x7FFFFFFF, v53;
	v34 =	vmul.f32 $5.000000000e-01, v19  }
0x1e5: {  	v63 =	vand.u32 $0x7FFFFFFF, v35;
	v19 =	vsub.f32 $0.0e+00, v62;
	v30 =	vmul.f32 $5.000000000e-01, v30  }
0x1e6: {  	v36 =	vsub.f32 $0.0e+00, v63;
	v0 =	vand.u32 $0x7FFFFFFF, v34  }
0x1e7: {  	v19 =	vmul.f32 $1.442695020e+00, v19;
	v1 =	vand.u32 $0x7FFFFFFF, v30;
	v39 =	vsub.f32 $0.0e+00, v0  }
0x1e8: {  	v36 =	vmul.f32 $1.442695020e+00, v36;
	v44 =	vsub.f32 $0.0e+00, v1  }
0x1e9: {  	(erf) = vpow2.f32 v19;
	v19 =	vmul.f32 $1.442695020e+00, v39  }
0x1ea: {  	(erf) = vpow2.f32 v36;
	v2 =	vmul.f32 $1.442695020e+00, v44  }
0x1eb: {  	(erf) = vpow2.f32 v19  }
0x1ec: {  	(erf) = vpow2.f32 v2;
	_ =	sdelay $0x5  }
0x1ed: {  	v36 =	vpop (erf)  }
0x1ee: {  	v44 =	vpop (erf)  }
0x1ef: {  	v39 =	vpop (erf)  }
0x1f0: {  	v19 =	vpop (erf)  }
0x1f1: {  	v55 =	vmul.f32 v19, v19;
	_ =	sdelay $0x1  }
0x1f2: {  	v56 =	vmul.f32 $5.021064080e-03, v55  }
0x1f3: {  	v9 =	vmul.f32 v55, v55  }
0x1f4: {  	v10 =	vmul.f32 $1.404782090e-01, v55;
	v11 =	vmul.f32 $6.087448080e-02, v55;
	v56 =	vsub.f32 $2.533170020e-02, v56  }
0x1f5: {  	v55 =	vmul.f32 $3.333223160e-01, v55  }
0x1f6: {  	v42 =	vmovc v58;
	v58 =	vsub.f32 $1.997402910e-01, v10;
	v59 =	vsub.f32 $1.000220550e-01, v11;
	v56 =	vmul.f32 v56, v9  }
0x1f7: {  	v32 =	vmul.f32 v9, v9  }
0x1f8: {  	v55 =	vsub.f32 $9.999999400e-01, v55;
	v57 =	vmul.f32 v58, v9;
	v56 =	vadd.f32 v56, v59;
	_ =	sdelay $0x1  }
0x1f9: {  	v55 =	vadd.f32 v57, v55;
	v56 =	vmul.f32 v56, v32;
	_ =	sdelay $0x1  }
0x1fa: {  	v55 =	vadd.f32 v56, v55;
	_ =	sdelay $0x1  }
0x1fb: {  	v19 =	vmul.f32 v55, v19;
	_ =	sdelay $0x1  }
0x1fc: {  	v19 =	vadd.f32 v19, v19;
	_ =	sdelay $0x1  }
0x1fd: {  	v0 =	vsub.f32 $3.141592740e+00, v19  }
0x1fe: {  	vm2 =	vle.f32 v30, $0.0e+00  }
0x1ff: {  	v19 =	vsel vm2, v19, v0  }
0x200: {  	v19 =	vnsel vm1, $0x0, v19  }
0x201: {  	v30 =	vperm.xlane v19, v4;
	_ =	sdelay $0x1  }
0x202: {  	v30 =	vadd.f32 v19, v30;
	_ =	sdelay $0x1  }
0x203: {  	v1 =	vperm.xlane v30, v5;
	_ =	sdelay $0x1  }
0x204: {  	v30 =	vadd.f32 v30, v1;
	_ =	sdelay $0x1  }
0x205: {  	v55 =	vperm.xlane v30, v6;
	_ =	sdelay $0x1  }
0x206: {  	v30 =	vadd.f32 v30, v55;
	_ =	sdelay $0x1  }
0x207: {  	v55 =	vperm.xlane v30, v7;
	_ =	sdelay $0x1  }
0x208: {  	v55 =	vadd.f32 v30, v55;
	_ =	sdelay $0x1  }
0x209: {  	v30 =	vadd.f32 v55, v48;
	_ =	sdelay $0x1  }
0x20a: {  	v21 =	vsub.f32 v30, v21;
	_ =	sdelay $0x1  }
0x20b: {  	v21 =	vmul.f32 $5.000000000e-01, v21;
	_ =	sdelay $0x1  }
0x20c: {  	v30 =	vand.u32 $0x7FFFFFFF, v21  }
0x20d: {  	v30 =	vsub.f32 $0.0e+00, v30;
	_ =	sdelay $0x1  }
0x20e: {  	v30 =	vmul.f32 $1.442695020e+00, v30;
	_ =	sdelay $0x1  }
0x20f: {  	(erf) = vpow2.f32 v30;
	_ =	sdelay $0x4  }
0x210: {  	v30 =	vmul.f32 v36, v36;
	_ =	sdelay $0x1  }
0x211: {  	v9 =	vmul.f32 $5.021064080e-03, v30  }
0x212: {  	v48 =	vmul.f32 v30, v30;
	v2 =	vmul.f32 $3.333223160e-01, v30  }
0x213: {  	v10 =	vmul.f32 $1.404782090e-01, v30;
	v30 =	vmul.f32 $6.087448080e-02, v30;
	v57 =	vsub.f32 $2.533170020e-02, v9;
	v58 =	vpop (erf)  }
0x214: {  	v11 =	vmul.f32 v58, v58  }
0x215: {  	v59 =	vsub.f32 $1.997402910e-01, v10;
	v30 =	vsub.f32 $1.000220550e-01, v30;
	v57 =	vmul.f32 v57, v48  }
0x216: {  	v61 =	vmul.f32 v48, v48;
	v56 =	vsub.f32 $9.999999400e-01, v2;
	v62 =	vmul.f32 $5.021064080e-03, v11  }
0x217: {  	v48 =	vmul.f32 v59, v48;
	v30 =	vadd.f32 v57, v30;
	v63 =	vmul.f32 v11, v11  }
0x218: {  	v1 =	vmul.f32 $1.404782090e-01, v11;
	v2 =	vmul.f32 $6.087448080e-02, v11;
	v62 =	vsub.f32 $2.533170020e-02, v62  }
0x219: {  	v48 =	vadd.f32 v48, v56;
	v30 =	vmul.f32 v30, v61;
	v9 =	vmul.f32 $3.333223160e-01, v11  }
0x21a: {  	v1 =	vsub.f32 $1.997402910e-01, v1;
	v2 =	vsub.f32 $1.000220550e-01, v2;
	v10 =	vmul.f32 v62, v63  }
0x21b: {  	v30 =	vadd.f32 v30, v48;
	v11 =	vmul.f32 v63, v63  }
0x21c: {  	v57 =	vsub.f32 $9.999999400e-01, v9;
	v1 =	vmul.f32 v1, v63;
	v2 =	vadd.f32 v10, v2  }
0x21d: {  	v30 =	vmul.f32 v30, v36  }
0x21e: {  	v1 =	vadd.f32 v1, v57;
	v2 =	vmul.f32 v2, v11  }
0x21f: {  	v48 =	vadd.f32 v30, v30  }
0x220: {  	v1 =	vadd.f32 v2, v1  }
0x221: {  	v30 =	vsub.f32 $3.141592740e+00, v48  }
0x222: {  	vm2 =	vle.f32 v53, $0.0e+00;
	v1 =	vmul.f32 v1, v58  }
0x223: {  	v2 =	vsel vm2, v48, v30  }
0x224: {  	v30 =	vnsel vm1, $0x0, v2;
	v1 =	vadd.f32 v1, v1  }
0x225: {  	v56 =	vperm.xlane v30, v4  }
0x226: {  	v53 =	vsub.f32 $3.141592740e+00, v1  }
0x227: {  	vm2 =	vle.f32 v21, $0.0e+00;
	v58 =	vperm.xlane v16, v4;
	v57 =	vadd.f32 v30, v56  }
0x228: {  	v45 =	vmov v60;
	v60 =	vperm.xlane v18, v4;
	v1 =	vsel vm2, v1, v53  }
0x229: {  	v2 =	vadd.f32 v58, v16;
	v61 =	vperm.xlane v57, v5;
	v21 =	vnsel vm1, $0x0, v1  }
0x22a: {  	v18 =	vadd.f32 v60, v18;
	v59 =	vperm.xlane v21, v4  }
0x22b: {  	v62 =	vperm.xlane v2, v5;
	v1 =	vadd.f32 v57, v61  }
0x22c: {  	v9 =	vperm.xlane v18, v5;
	v16 =	vadd.f32 v21, v59  }
0x22d: {  	v2 =	vadd.f32 v62, v2;
	v10 =	vperm.xlane v1, v6  }
0x22e: {  	v18 =	vadd.f32 v9, v18;
	v63 =	vperm.xlane v16, v5  }
0x22f: {  	v11 =	vperm.xlane v2, v6;
	v1 =	vadd.f32 v1, v10  }
0x230: {  	v60 =	vperm.xlane v18, v6;
	v16 =	vadd.f32 v16, v63  }
0x231: {  	v2 =	vadd.f32 v11, v2;
	v61 =	vperm.xlane v1, v7  }
0x232: {  	v55 =	vadd.f32 $0.0e+00, v55;
	v18 =	vadd.f32 v60, v18;
	v32 =	vperm.xlane v16, v6  }
0x233: {  	v36 =	vmul.f32 v44, v44;
	v48 =	vperm.xlane v2, v7;
	v1 =	vadd.f32 v1, v61  }
0x234: {  	v9 =	vperm.xlane v18, v7;
	v62 =	vadd.f32 v55, v43;
	v16 =	vadd.f32 v16, v32  }
0x235: {  	v48 =	vadd.f32 v48, v2;
	v1 =	vadd.f32 $0.0e+00, v1  }
0x236: {  	v18 =	vadd.f32 v9, v18;
	v56 =	vmul.f32 v36, v36;
	v63 =	vperm.xlane v16, v7  }
0x237: {  	v60 =	vmul.f32 $6.087448080e-02, v36;
	v38 =	vsub.f32 v62, v38;
	v10 =	vadd.f32 v1, v48  }
0x238: {  	v58 =	vmul.f32 $1.404782090e-01, v36;
	v59 =	vmul.f32 v56, v56;
	v16 =	vadd.f32 v16, v63  }
0x239: {  	v38 =	vmul.f32 $5.000000000e-01, v38;
	v18 =	vadd.f32 v1, v18;
	v11 =	vsub.f32 v10, v41  }
0x23a: {  	v2 =	vmul.f32 $3.333223160e-01, v36;
	v53 =	vadd.f32 $0.0e+00, v16;
	v1 =	vadd.f32 v16, v1  }
0x23b: {  	v61 =	vmul.f32 $5.021064080e-03, v36;
	v32 =	vand.u32 $0x7FFFFFFF, v38;
	v16 =	vsub.f32 v18, v41  }
0x23c: {  	v57 =	vmul.f32 $5.000000000e-01, v11;
	v18 =	vadd.f32 v53, v48;
	v1 =	vsub.f32 v1, v20  }
0x23d: {  	v61 =	vsub.f32 $2.533170020e-02, v61;
	v62 =	vsub.f32 $0.0e+00, v32;
	v36 =	vmul.f32 $5.000000000e-01, v16  }
0x23e: {  	v0 =	vand.u32 $0x7FFFFFFF, v57;
	v18 =	vsub.f32 v18, v20;
	v16 =	vmul.f32 $5.000000000e-01, v1  }
0x23f: {  	v41 =	vmul.f32 v39, v39;
	v9 =	vsub.f32 $0.0e+00, v0;
	v10 =	vand.u32 $0x7FFFFFFF, v36  }
0x240: {  	v3 =	vmul.f32 $5.000000000e-01, v18;
	v18 =	vmul.f32 $1.442695020e+00, v62;
	v32 =	vand.u32 $0x7FFFFFFF, v16  }
0x241: {  	v1 =	vmul.f32 $1.442695020e+00, v9;
	v11 =	vsub.f32 $0.0e+00, v10;
	v63 =	vsub.f32 $0.0e+00, v32  }
0x242: {  	v32 =	vmul.f32 $5.021064080e-03, v41;
	v9 =	vand.u32 $0x7FFFFFFF, v3;
	(erf) = vpow2.f32 v18  }
0x243: {  	v18 =	vmul.f32 $1.442695020e+00, v11;
	v11 =	vmul.f32 v61, v56;
	v0 =	vsub.f32 $0.0e+00, v9  }
0x244: {  	v58 =	vsub.f32 $1.997402910e-01, v58;
	(erf) = vpow2.f32 v1;
	v10 =	vmul.f32 $1.442695020e+00, v63  }
0x245: {  	(erf) = vpow2.f32 v18;
	v18 =	vsub.f32 $1.000220550e-01, v60;
	v0 =	vmul.f32 $1.442695020e+00, v0  }
0x246: {  	v1 =	vsub.f32 $9.999999400e-01, v2;
	v9 =	vmul.f32 v58, v56;
	(erf) = vpow2.f32 v10  }
0x247: {  	v58 =	vmul.f32 v41, v41;
	v18 =	vadd.f32 v11, v18;
	(erf) = vpow2.f32 v0  }
0x248: {  	v2 =	vsub.f32 $2.533170020e-02, v32;
	v10 =	vmul.f32 $1.404782090e-01, v41;
	v11 =	vmul.f32 $6.087448080e-02, v41  }
0x249: {  	v0 =	vadd.f32 v9, v1;
	v32 =	vmul.f32 v18, v59;
	v18 =	vmul.f32 $3.333223160e-01, v41  }
0x24a: {  	v2 =	vmul.f32 v2, v58;
	v9 =	vsub.f32 $1.997402910e-01, v10;
	v10 =	vsub.f32 $1.000220550e-01, v11  }
0x24b: {  	v11 =	vmul.f32 v58, v58;
	v18 =	vsub.f32 $9.999999400e-01, v18  }
0x24c: {  	v41 =	vmul.f32 v9, v58;
	v0 =	vadd.f32 v32, v0;
	v2 =	vadd.f32 v2, v10;
	v60 =	vpop (erf)  }
0x24d: {  	v56 =	vpop (erf);
	v59 =	vmul.f32 v60, v60  }
0x24e: {  	v0 =	vmul.f32 v0, v44;
	v41 =	vadd.f32 v41, v18;
	v1 =	vmul.f32 v2, v11;
	v58 =	vpop (erf)  }
0x24f: {  	v2 =	vmul.f32 v59, v59;
	v18 =	vpop (erf);
	v61 =	vmul.f32 $5.021064080e-03, v59  }
0x250: {  	v0 =	vadd.f32 v0, v0;
	v1 =	vadd.f32 v1, v41;
	v41 =	vmul.f32 $1.404782090e-01, v59;
	v62 =	vpop (erf)  }
0x251: {  	v44 =	vmul.f32 $3.333223160e-01, v59;
	v61 =	vsub.f32 $2.533170020e-02, v61;
	v32 =	vmul.f32 v62, v62  }
0x252: {  	v59 =	vmul.f32 $6.087448080e-02, v59;
	v10 =	vmul.f32 v2, v2;
	v41 =	vsub.f32 $1.997402910e-01, v41  }
0x253: {  	v44 =	vsub.f32 $9.999999400e-01, v44;
	v61 =	vmul.f32 v61, v2;
	v9 =	vmul.f32 $5.021064080e-03, v32  }
0x254: {  	v59 =	vsub.f32 $1.000220550e-01, v59;
	v2 =	vmul.f32 v41, v2;
	v11 =	vmul.f32 v32, v32  }
0x255: {  	v8 =	vmul.f32 $1.404782090e-01, v32;
	v14 =	vmul.f32 $6.087448080e-02, v32;
	v9 =	vsub.f32 $2.533170020e-02, v9  }
0x256: {  	v32 =	vmul.f32 $3.333223160e-01, v32;
	v61 =	vadd.f32 v61, v59;
	v2 =	vadd.f32 v2, v44  }
0x257: {  	v8 =	vsub.f32 $1.997402910e-01, v8;
	v14 =	vsub.f32 $1.000220550e-01, v14;
	v9 =	vmul.f32 v9, v11  }
0x258: {  	v63 =	vsub.f32 $9.999999400e-01, v32;
	v32 =	vsub.f32 $3.141592740e+00, v0;
	v10 =	vmul.f32 v61, v10  }
0x259: {  	v61 =	vmul.f32 v11, v11;
	v8 =	vmul.f32 v8, v11;
	v9 =	vadd.f32 v9, v14  }
0x25a: {  	vm2 =	vle.f32 v35, $0.0e+00;
	v2 =	vadd.f32 v10, v2  }
0x25b: {  	v0 =	vsel vm2, v0, v32;
	v8 =	vadd.f32 v8, v63;
	v9 =	vmul.f32 v9, v61  }
0x25c: {  	v1 =	vmul.f32 v1, v39;
	v44 =	vnsel vm1, $0x0, v0;
	v2 =	vmul.f32 v2, v60  }
0x25d: {  	v41 =	vperm.xlane v13, v4;
	v35 =	vadd.f32 v9, v8;
	v8 =	vperm.xlane v44, v4  }
0x25e: {  	vm2 =	vle.f32 v38, $0.0e+00;
	v14 =	vmul.f32 v56, v56;
	v2 =	vadd.f32 v2, v2  }
0x25f: {  	v0 =	vadd.f32 v1, v1;
	v1 =	vmul.f32 v35, v62;
	v8 =	vadd.f32 v8, v44  }
0x260: {  	v11 =	vadd.f32 v41, v13;
	v60 =	vmul.f32 $3.333223160e-01, v14;
	v39 =	vsub.f32 $3.141592740e+00, v2  }
0x261: {  	v63 =	vmul.f32 $1.404782090e-01, v14;
	v1 =	vadd.f32 v1, v1;
	v59 =	vperm.xlane v8, v5  }
0x262: {  	v9 =	vsub.f32 $3.141592740e+00, v0;
	v2 =	vsel vm2, v2, v39;
	vm2 =	vle.f32 v3, $0.0e+00  }
0x263: {  	v13 =	vsub.f32 $3.141592740e+00, v1;
	v3 =	vadd.f32 v59, v8;
	v8 =	vperm.xlane v11, v5  }
0x264: {  	v39 =	vsub.f32 $1.997402910e-01, v63;
	v41 =	vnsel vm1, $0x0, v2;
	v2 =	vmul.f32 v14, v14  }
0x265: {  	v1 =	vsel vm2, v1, v13;
	v61 =	vperm.xlane v3, v6;
	v8 =	vadd.f32 v8, v11  }
0x266: {  	v10 =	vmul.f32 v2, v2;
	v13 =	vmul.f32 $5.021064080e-03, v14;
	v38 =	vnsel vm1, $0x0, v1  }
0x267: {  	v62 =	vperm.xlane v38, v4;
	v1 =	vadd.f32 v61, v3;
	v3 =	vperm.xlane v8, v6  }
0x268: {  	v11 =	vsub.f32 $9.999999400e-01, v60;
	v14 =	vmul.f32 $6.087448080e-02, v14;
	v13 =	vsub.f32 $2.533170020e-02, v13  }
0x269: {  	v60 =	vmul.f32 v58, v58;
	v35 =	vadd.f32 v38, v62;
	v3 =	vadd.f32 v3, v8  }
0x26a: {  	v32 =	vperm.xlane v1, v7;
	v8 =	vsub.f32 $1.000220550e-01, v14;
	v13 =	vmul.f32 v13, v2  }
0x26b: {  	vm2 =	vle.f32 v34, $0.0e+00;
	v14 =	vperm.xlane v35, v5;
	v63 =	vperm.xlane v3, v7  }
0x26c: {  	v1 =	vadd.f32 v32, v1;
	v8 =	vadd.f32 v13, v8;
	v13 =	vperm.xlane v41, v4  }
0x26d: {  	v2 =	vmul.f32 v39, v2;
	v14 =	vadd.f32 v35, v14;
	v3 =	vadd.f32 v63, v3  }
0x26e: {  	v1 =	vadd.f32 $0.0e+00, v1;
	v8 =	vmul.f32 v8, v10;
	v10 =	vadd.f32 v41, v13  }
0x26f: {  	v0 =	vsel vm2, v0, v9;
	v9 =	vmul.f32 v18, v18;
	v13 =	vperm.xlane v14, v6  }
0x270: {  	v2 =	vadd.f32 v2, v11;
	v59 =	vadd.f32 v3, v1;
	v61 =	vperm.xlane v10, v5  }
0x271: {  	v11 =	vmul.f32 $3.333223160e-01, v60;
	v32 =	vmul.f32 $1.404782090e-01, v60;
	v14 =	vadd.f32 v14, v13  }
0x272: {  	v13 =	vsub.f32 v59, v54;
	v54 =	vmul.f32 $6.087448080e-02, v60;
	v10 =	vadd.f32 v10, v61  }
0x273: {  	v2 =	vadd.f32 v8, v2;
	v59 =	vmul.f32 $5.021064080e-03, v60;
	v8 =	vperm.xlane v14, v7  }
0x274: {  	v32 =	vsub.f32 $1.997402910e-01, v32;
	v13 =	vmul.f32 $5.000000000e-01, v13;
	v61 =	vperm.xlane v10, v6  }
0x275: {  	v35 =	vmul.f32 v60, v60;
	v59 =	vsub.f32 $2.533170020e-02, v59;
	v62 =	vsub.f32 $1.000220550e-01, v54  }
0x276: {  	v54 =	vadd.f32 v14, v8;
	v8 =	vand.u32 $0x7FFFFFFF, v13;
	v10 =	vadd.f32 v10, v61  }
0x277: {  	v39 =	vmul.f32 v35, v35;
	v14 =	vmul.f32 v59, v35;
	v8 =	vsub.f32 $0.0e+00, v8  }
0x278: {  	v35 =	vmul.f32 v32, v35;
	v32 =	vadd.f32 v54, v1;
	v60 =	vperm.xlane v10, v7  }
0x279: {  	v11 =	vsub.f32 $9.999999400e-01, v11;
	v14 =	vadd.f32 v14, v62;
	v8 =	vmul.f32 $1.442695020e+00, v8  }
0x27a: {  	v2 =	vmul.f32 v2, v56;
	v59 =	vsub.f32 v32, v51;
	v10 =	vadd.f32 v10, v60  }
0x27b: {  	v11 =	vadd.f32 v35, v11;
	v14 =	vmul.f32 v14, v39;
	(erf) = vpow2.f32 v8  }
0x27c: {  	v2 =	vadd.f32 v2, v2;
	v34 =	vmul.f32 $5.000000000e-01, v59;
	v56 =	vadd.f32 $0.0e+00, v10  }
0x27d: {  	v60 =	vmul.f32 $6.087448080e-02, v9;
	v8 =	vadd.f32 v14, v11;
	v1 =	vadd.f32 v10, v1  }
0x27e: {  	v14 =	vmul.f32 $1.404782090e-01, v9;
	v61 =	vand.u32 $0x7FFFFFFF, v34;
	v3 =	vadd.f32 v56, v3  }
0x27f: {  	v11 =	vmul.f32 v9, v9;
	v1 =	vsub.f32 v1, v51;
	v62 =	vsub.f32 $0.0e+00, v61  }
0x280: {  	v8 =	vmul.f32 v8, v58;
	v14 =	vsub.f32 $1.997402910e-01, v14;
	v3 =	vsub.f32 v3, v51  }
0x281: {  	vm2 =	vle.f32 v57, $0.0e+00;
	v35 =	vmul.f32 $5.000000000e-01, v1;
	v10 =	vmul.f32 $1.442695020e+00, v62  }
0x282: {  	v39 =	vmul.f32 v11, v11;
	v1 =	vsub.f32 $3.141592740e+00, v2;
	v51 =	vmul.f32 $5.000000000e-01, v3  }
0x283: {  	v3 =	vmul.f32 $3.333223160e-01, v9;
	v63 =	vand.u32 $0x7FFFFFFF, v35;
	(erf) = vpow2.f32 v10  }
0x284: {  	v9 =	vmul.f32 $5.021064080e-03, v9;
	v10 =	vmul.f32 v14, v11;
	v57 =	vsub.f32 $0.0e+00, v63;
	v14 =	vpop (erf)  }
0x285: {  	v8 =	vadd.f32 v8, v8;
	v1 =	vsel vm2, v2, v1;
	v58 =	vmul.f32 v14, v14  }
0x286: {  	v32 =	vand.u32 $0x7FFFFFFF, v51;
	v9 =	vsub.f32 $2.533170020e-02, v9;
	v57 =	vmul.f32 $1.442695020e+00, v57  }
0x287: {  	vm2 =	vle.f32 v36, $0.0e+00;
	v59 =	vsub.f32 $0.0e+00, v32;
	v32 =	vmul.f32 $5.021064080e-03, v58  }
0x288: {  	v3 =	vsub.f32 $9.999999400e-01, v3;
	v9 =	vmul.f32 v9, v11;
	(erf) = vpow2.f32 v57  }
0x289: {  	v2 =	vmul.f32 v58, v58;
	v57 =	vmul.f32 $6.087448080e-02, v58;
	v61 =	vsub.f32 $2.533170020e-02, v32  }
0x28a: {  	v59 =	vmul.f32 $1.442695020e+00, v59;
	v62 =	vmul.f32 $1.404782090e-01, v58;
	v32 =	vsub.f32 $1.000220550e-01, v60  }
0x28b: {  	v11 =	vmul.f32 $3.333223160e-01, v58;
	v57 =	vsub.f32 $1.000220550e-01, v57;
	v61 =	vmul.f32 v61, v2  }
0x28c: {  	(erf) = vpow2.f32 v59;
	v60 =	vsub.f32 $1.997402910e-01, v62;
	v9 =	vadd.f32 v9, v32;
	v58 =	vpop (erf)  }
0x28d: {  	v32 =	vmul.f32 v2, v2;
	v62 =	vmul.f32 v58, v58;
	v57 =	vadd.f32 v61, v57  }
0x28e: {  	v3 =	vadd.f32 v10, v3;
	v2 =	vmul.f32 v60, v2;
	v9 =	vmul.f32 v9, v39  }
0x28f: {  	v11 =	vsub.f32 $9.999999400e-01, v11;
	v60 =	vmul.f32 $1.404782090e-01, v62;
	v61 =	vmul.f32 v57, v32  }
0x290: {  	v36 =	vmul.f32 v62, v62;
	v3 =	vadd.f32 v9, v3;
	v9 =	vmul.f32 $5.021064080e-03, v62  }
0x291: {  	v2 =	vadd.f32 v2, v11;
	v63 =	vmul.f32 $3.333223160e-01, v62;
	v57 =	vmul.f32 $6.087448080e-02, v62;
	v59 =	vpop (erf)  }
0x292: {  	v10 =	vsub.f32 $1.997402910e-01, v60;
	v39 =	vmul.f32 v59, v59;
	v9 =	vsub.f32 $2.533170020e-02, v9  }
0x293: {  	v2 =	vadd.f32 v61, v2;
	v62 =	vmul.f32 v36, v36;
	v3 =	vmul.f32 v3, v18  }
0x294: {  	v32 =	vsub.f32 $9.999999400e-01, v63;
	v10 =	vmul.f32 v10, v36;
	v9 =	vmul.f32 v9, v36  }
0x295: {  	v57 =	vsub.f32 $1.000220550e-01, v57;
	v60 =	vpop (erf);
	v63 =	vmul.f32 v39, v39;
	v17 =	vmul.f32 $6.087448080e-02, v39  }
0x296: {  	v2 =	vmul.f32 v2, v14;
	v3 =	vadd.f32 v3, v3;
	v61 =	vmul.f32 v60, v60  }
0x297: {  	v14 =	vld [tilespmem:$0x1FF90];
	v10 =	vadd.f32 v10, v32;
	v32 =	vmul.f32 $5.021064080e-03, v39;
	v9 =	vadd.f32 v9, v57  }
0x298: {  	v17 =	vsub.f32 $1.000220550e-01, v17;
	v57 =	vmul.f32 $1.404782090e-01, v39;
	v36 =	vmul.f32 $5.021064080e-03, v61  }
0x299: {  	v2 =	vadd.f32 v2, v2;
	v26 =	vmul.f32 v61, v61;
	v11 =	vsub.f32 $2.533170020e-02, v32  }
0x29a: {  	v32 =	vmul.f32 $6.087448080e-02, v61;
	v9 =	vmul.f32 v9, v62;
	v36 =	vsub.f32 $2.533170020e-02, v36  }
0x29b: {  	v62 =	vsub.f32 $1.997402910e-01, v57;
	v57 =	vmul.f32 $3.333223160e-01, v61;
	v11 =	vmul.f32 v11, v63  }
0x29c: {  	v14 =	vadd.f32 v14, v14;
	v32 =	vsub.f32 $1.000220550e-01, v32;
	v36 =	vmul.f32 v36, v26  }
0x29d: {  	v9 =	vadd.f32 v9, v10;
	v11 =	vadd.f32 v11, v17;
	v17 =	vmul.f32 $1.404782090e-01, v61  }
0x29e: {  	v57 =	vsub.f32 $9.999999400e-01, v57;
	v32 =	vadd.f32 v36, v32;
	v36 =	vmul.f32 $3.333223160e-01, v39  }
0x29f: {  	v61 =	vmul.f32 v63, v63;
	v9 =	vmul.f32 v9, v58;
	v17 =	vsub.f32 $1.997402910e-01, v17  }
0x2a0: {  	v39 =	vmul.f32 v62, v63;
	v62 =	vsub.f32 $3.141592740e+00, v8;
	v36 =	vsub.f32 $9.999999400e-01, v36  }
0x2a1: {  	v9 =	vadd.f32 v9, v9;
	v17 =	vmul.f32 v17, v26;
	v26 =	vmul.f32 v26, v26  }
0x2a2: {  	v11 =	vmul.f32 v11, v61;
	v8 =	vsel vm2, v8, v62;
	v36 =	vadd.f32 v39, v36  }
0x2a3: {  	v61 =	vsub.f32 $3.141592740e+00, v9;
	v63 =	vadd.f32 v17, v57;
	v17 =	vmul.f32 v32, v26  }
0x2a4: {  	vm2 =	vle.f32 v16, $0.0e+00;
	v57 =	vsub.f32 $1.000000000e+00, v14;
	v11 =	vadd.f32 v11, v36  }
0x2a5: {  	v39 =	vnsel vm1, $0x0, v1;
	v26 =	vld [tilespmem:$0x1FF80];
	v32 =	vsub.f32 $3.141592740e+00, v3;
	v10 =	vadd.f32 v17, v63  }
0x2a6: {  	v36 =	vnsel vm1, $0x0, v0;
	v17 =	vadd.f32 v37, v37;
	v0 =	vmul.f32 v11, v59  }
0x2a7: {  	v1 =	vsel vm2, v3, v32;
	v3 =	vsub.f32 $3.141592740e+00, v2;
	v10 =	vmul.f32 v10, v60  }
0x2a8: {  	vm2 =	vle.f32 v13, $0.0e+00;
	v18 =	vnsel vm1, $0x0, v1;
	v0 =	vadd.f32 v0, v0  }
0x2a9: {  	p0 =	sne.s32 s11, $0x1;
	v58 =	vmovc v42;
	v42 =	vsub.f32 $1.000000000e+00, v17;
	v2 =	vsel vm2, v2, v3;
	v10 =	vadd.f32 v10, v10  }
.Ltmp4:
0x2aa: {  	vm2 =	vle.f32 v34, $0.0e+00;
	v26 =	vadd.f32 v26, v26;
	v3 =	vsub.f32 $3.141592740e+00, v0;
	(pc) =	sbr.rel @p0 .LBB2_5-.Ltmp4, $4  }
0x2ab: {  	v9 =	vsel vm2, v9, v61;
	vm2 =	vle.f32 v35, $0.0e+00;
	v62 =	vsub.f32 $3.141592740e+00, v10  }
0x2ac: {  	v35 =	vnsel vm1, $0x0, v8;
	v0 =	vsel vm2, v0, v3;
	vm2 =	vle.f32 v51, $0.0e+00  }
0x2ad: {  	v59 =	vld [tilespmem:$0x1FFB0];
	v60 =	vmovc v45;
	v45 =	vnsel vm1, $0x0, v2;
	v34 =	vnsel vm1, $0x0, v9;
	v63 =	vsel vm2, v10, v62  }
0x2ae: {  	s11 =	sadd.s32 $0xFFFFFFFF, s11;
	v37 =	vsub.f32 $1.000000000e+00, v26;
	v51 =	vld [tilespmem:$0x1FFA0];
	v16 =	vnsel vm1, $0x0, v0;
	v13 =	vnsel vm1, $0x0, v63  }
0x2af: {  	v0 =	vadd.f32 v47, v52;
	_ =	sdelay $0x1  }
0x2b0: {  	v2 =	vadd.f32 $0.0e+00, v47;
	v0 =	vsub.f32 v0, v50;
	_ =	sdelay $0x1  }
0x2b1: {  	v2 =	vsub.f32 v2, v50;
	v0 =	vmul.f32 $5.000000000e-01, v0;
	_ =	sdelay $0x1  }
0x2b2: {  	v52 =	vmul.f32 $5.000000000e-01, v2;
	v1 =	vand.u32 $0x7FFFFFFF, v0  }
0x2b3: {  	v1 =	vsub.f32 $0.0e+00, v1  }
0x2b4: {  	v3 =	vperm.xlane v18, v4;
	v8 =	vand.u32 $0x7FFFFFFF, v52  }
0x2b5: {  	v8 =	vsub.f32 $0.0e+00, v8;
	v1 =	vmul.f32 $1.442695020e+00, v1  }
0x2b6: {  	v3 =	vadd.f32 v18, v3  }
0x2b7: {  	v8 =	vmul.f32 $1.442695020e+00, v8;
	(erf) = vpow2.f32 v1  }
0x2b8: {  	v57 =	vperm.xlane v3, v5  }
0x2b9: {  	v9 =	vperm.xlane v13, v4;
	(erf) = vpow2.f32 v8;
	v8 =	vadd.f32 $0.0e+00, v40  }
0x2ba: {  	v2 =	vadd.f32 v3, v57  }
0x2bb: {  	v3 =	vadd.f32 v13, v9;
	v8 =	vsub.f32 v8, v50;
	_ =	sdelay $0x1  }
0x2bc: {  	v10 =	vperm.xlane v3, v5;
	v28 =	vmul.f32 $5.000000000e-01, v8;
	v8 =	vld [tilespmem:$0x1FF40];
	_ =	sdelay $0x1  }
0x2bd: {  	v3 =	vadd.f32 v3, v10  }
0x2be: {  	v24 =	vand.u32 $0x7FFFFFFF, v28;
	v62 =	vpop (erf)  }
0x2bf: {  	v14 =	vperm.xlane v3, v6;
	v27 =	vsub.f32 $0.0e+00, v24;
	v63 =	vmul.f32 v62, v62  }
0x2c0: {  	v8 =	vmul.f32 v37, v8  }
0x2c1: {  	v24 =	vadd.f32 v3, v14;
	v31 =	vpop (erf);
	v14 =	vmul.f32 $1.442695020e+00, v27;
	v17 =	vmul.f32 $1.404782090e-01, v63  }
0x2c2: {  	v32 =	vld [tilespmem:$0x1FF50];
	v3 =	vmul.f32 v31, v31;
	v23 =	vmul.f32 $5.021064080e-03, v63  }
0x2c3: {  	v22 =	vmul.f32 v63, v63;
	v29 =	vmul.f32 $3.333223160e-01, v63;
	v17 =	vsub.f32 $1.997402910e-01, v17  }
0x2c4: {  	v10 =	vmul.f32 $6.087448080e-02, v63;
	(erf) = vpow2.f32 v14;
	v23 =	vsub.f32 $2.533170020e-02, v23  }
0x2c5: {  	v14 =	vadd.f32 v55, v46;
	v25 =	vmul.f32 v22, v22;
	v17 =	vmul.f32 v17, v22  }
0x2c6: {  	v27 =	vsub.f32 $9.999999400e-01, v29;
	v22 =	vmul.f32 v23, v22;
	v23 =	vmul.f32 $5.021064080e-03, v3  }
0x2c7: {  	v37 =	vmul.f32 $6.087448080e-02, v3;
	v29 =	vmul.f32 $1.404782090e-01, v3;
	v14 =	vsub.f32 v14, v32  }
0x2c8: {  	v17 =	vadd.f32 v17, v27;
	v27 =	vmul.f32 v3, v3;
	v23 =	vsub.f32 $2.533170020e-02, v23  }
0x2c9: {  	v10 =	vsub.f32 $1.000220550e-01, v10;
	v29 =	vsub.f32 $1.997402910e-01, v29;
	v14 =	vmul.f32 $5.000000000e-01, v14  }
0x2ca: {  	v32 =	vsub.f32 $1.000220550e-01, v37;
	v3 =	vmul.f32 $3.333223160e-01, v3;
	v23 =	vmul.f32 v23, v27  }
0x2cb: {  	v10 =	vadd.f32 v22, v10;
	v22 =	vmul.f32 v29, v27;
	v27 =	vmul.f32 v27, v27  }
0x2cc: {  	v3 =	vsub.f32 $9.999999400e-01, v3;
	v29 =	vand.u32 $0x7FFFFFFF, v14;
	v23 =	vadd.f32 v23, v32  }
0x2cd: {  	v10 =	vmul.f32 v10, v25;
	v29 =	vsub.f32 $0.0e+00, v29  }
0x2ce: {  	v3 =	vadd.f32 v22, v3;
	v22 =	vmul.f32 v23, v27  }
0x2cf: {  	v8 =	vmul.f32 v8, v51;
	v10 =	vadd.f32 v10, v17;
	v17 =	vpop (erf);
	v23 =	vmul.f32 $1.442695020e+00, v29  }
0x2d0: {  	v27 =	vadd.f32 $0.0e+00, v46;
	v3 =	vadd.f32 v22, v3;
	v22 =	vmul.f32 v17, v17  }
0x2d1: {  	v9 =	vmul.f32 v10, v62  }
0x2d2: {  	(erf) = vpow2.f32 v23;
	v40 =	vsub.f32 v27, v8;
	v23 =	vmul.f32 $5.021064080e-03, v22  }
0x2d3: {  	v26 =	vmul.f32 v42, v33;
	v9 =	vadd.f32 v9, v9;
	v27 =	vmul.f32 $1.404782090e-01, v22  }
0x2d4: {  	v10 =	vmul.f32 $5.000000000e-01, v40;
	v29 =	vmul.f32 v22, v22;
	v23 =	vsub.f32 $2.533170020e-02, v23  }
0x2d5: {  	v3 =	vmul.f32 v3, v31;
	v31 =	vmul.f32 $6.087448080e-02, v22;
	v27 =	vsub.f32 $1.997402910e-01, v27  }
0x2d6: {  	v22 =	vmul.f32 $3.333223160e-01, v22;
	v42 =	vand.u32 $0x7FFFFFFF, v10;
	v23 =	vmul.f32 v23, v29  }
0x2d7: {  	v31 =	vsub.f32 $1.000220550e-01, v31;
	v27 =	vmul.f32 v27, v29;
	v29 =	vmul.f32 v29, v29  }
0x2d8: {  	v22 =	vsub.f32 $9.999999400e-01, v22;
	v32 =	vsub.f32 $0.0e+00, v42  }
0x2d9: {  	vm2 =	vle.f32 v0, $0.0e+00;
	v3 =	vadd.f32 v3, v3;
	v23 =	vadd.f32 v23, v31  }
0x2da: {  	v31 =	vmul.f32 $1.442695020e+00, v32;
	v46 =	vadd.f32 v27, v22;
	v22 =	vsub.f32 $3.141592740e+00, v9  }
0x2db: {  	v61 =	vperm.xlane v2, v6;
	v47 =	vsub.f32 $3.141592740e+00, v3;
	v23 =	vmul.f32 v23, v29;
	v29 =	vpop (erf)  }
0x2dc: {  	(erf) = vpow2.f32 v31;
	v9 =	vsel vm2, v9, v22;
	v27 =	vmul.f32 v29, v29  }
0x2dd: {  	v31 =	vadd.f32 $0.0e+00, v43;
	vm2 =	vle.f32 v52, $0.0e+00;
	v0 =	vadd.f32 v23, v46  }
0x2de: {  	v2 =	vadd.f32 v2, v61;
	v3 =	vsel vm2, v3, v47;
	v49 =	vmul.f32 $5.021064080e-03, v27  }
0x2df: {  	v8 =	vsub.f32 v31, v8;
	v0 =	vmul.f32 v0, v17;
	v17 =	vmul.f32 $6.087448080e-02, v27  }
0x2e0: {  	v23 =	vnsel vm1, $0x0, v3;
	v50 =	vmul.f32 v27, v27;
	v3 =	vmul.f32 $1.404782090e-01, v27  }
0x2e1: {  	v8 =	vmul.f32 $5.000000000e-01, v8;
	v1 =	vsub.f32 $2.533170020e-02, v49;
	v17 =	vsub.f32 $1.000220550e-01, v17  }
0x2e2: {  	v11 =	vperm.xlane v2, v7  }
0x2e3: {  	v3 =	vsub.f32 $1.997402910e-01, v3;
	v31 =	vand.u32 $0x7FFFFFFF, v8;
	v1 =	vmul.f32 v1, v50  }
0x2e4: {  	v19 =	vmul.f32 $5.000000000e-01, v19;
	v55 =	vmul.f32 $3.333223160e-01, v27;
	v31 =	vsub.f32 $0.0e+00, v31  }
0x2e5: {  	v2 =	vadd.f32 v2, v11;
	v3 =	vmul.f32 v3, v50;
	v1 =	vadd.f32 v1, v17;
	v17 =	vpop (erf)  }
0x2e6: {  	v11 =	vsub.f32 $9.999999400e-01, v55;
	v27 =	vmul.f32 $1.442695020e+00, v31;
	v57 =	vmul.f32 v17, v17  }
0x2e7: {  	v22 =	vnsel vm1, $0x0, v9;
	v52 =	vmul.f32 v50, v50;
	v31 =	vadd.f32 v2, v53  }
0x2e8: {  	v3 =	vadd.f32 v3, v11;
	(erf) = vpow2.f32 v27;
	v61 =	vmul.f32 $5.021064080e-03, v57  }
0x2e9: {  	v1 =	vmul.f32 v1, v52;
	v20 =	vsub.f32 v31, v20;
	v62 =	vmul.f32 v57, v57  }
0x2ea: {  	v31 =	vmul.f32 $1.404782090e-01, v57;
	v63 =	vmul.f32 $6.087448080e-02, v57;
	v9 =	vsub.f32 $2.533170020e-02, v61  }
0x2eb: {  	v27 =	vmul.f32 $5.000000000e-01, v20;
	v1 =	vadd.f32 v1, v3;
	v3 =	vmul.f32 $3.333223160e-01, v57  }
0x2ec: {  	v20 =	vsub.f32 $1.997402910e-01, v31;
	v31 =	vsub.f32 $1.000220550e-01, v63;
	v9 =	vmul.f32 v9, v62  }
0x2ed: {  	v37 =	vand.u32 $0x7FFFFFFF, v27;
	v1 =	vmul.f32 v1, v29;
	v29 =	vmul.f32 v62, v62  }
0x2ee: {  	v3 =	vsub.f32 $9.999999400e-01, v3;
	v11 =	vmul.f32 v20, v62;
	v9 =	vadd.f32 v9, v31  }
0x2ef: {  	v26 =	vmul.f32 v26, v60;
	v25 =	vperm.xlane v24, v7;
	v32 =	vsub.f32 $0.0e+00, v37  }
0x2f0: {  	v43 =	vld [tilespmem:$0x1FF60];
	v0 =	vadd.f32 v0, v0;
	v3 =	vadd.f32 v11, v3;
	v9 =	vmul.f32 v9, v29  }
0x2f1: {  	vm2 =	vle.f32 v28, $0.0e+00;
	v2 =	vadd.f32 $0.0e+00, v2;
	v28 =	vmul.f32 $1.442695020e+00, v32;
	v40 =	vpop (erf)  }
0x2f2: {  	v20 =	vsub.f32 $3.141592740e+00, v0;
	v42 =	vmul.f32 v40, v40;
	v3 =	vadd.f32 v9, v3  }
0x2f3: {  	v1 =	vadd.f32 v1, v1;
	v62 =	vadd.f32 v54, v56;
	(erf) = vpow2.f32 v28  }
0x2f4: {  	v0 =	vsel vm2, v0, v20;
	v46 =	vmul.f32 v3, v17;
	v3 =	vmul.f32 $5.021064080e-03, v42  }
0x2f5: {  	v28 =	vsub.f32 $3.141592740e+00, v1;
	v20 =	vnsel vm1, $0x0, v0;
	v0 =	vsub.f32 v2, v43  }
0x2f6: {  	vm2 =	vle.f32 v14, $0.0e+00;
	v49 =	vmul.f32 v42, v42;
	v3 =	vsub.f32 $2.533170020e-02, v3  }
0x2f7: {  	v20 =	vmul.f32 $5.000000000e-01, v20;
	v1 =	vsel vm2, v1, v28;
	v29 =	vmul.f32 $5.000000000e-01, v0  }
0x2f8: {  	vm2 =	vle.f32 v10, $0.0e+00;
	v14 =	vmul.f32 $6.087448080e-02, v42;
	v3 =	vmul.f32 v3, v49  }
0x2f9: {  	v47 =	vmul.f32 $1.404782090e-01, v42;
	v20 =	vadd.f32 v20, v20;
	v28 =	vand.u32 $0x7FFFFFFF, v29  }
0x2fa: {  	v9 =	vmul.f32 $3.333223160e-01, v42;
	v14 =	vsub.f32 $1.000220550e-01, v14;
	v28 =	vsub.f32 $0.0e+00, v28  }
0x2fb: {  	v17 =	vnsel vm1, $0x0, v1;
	v1 =	vsub.f32 $1.997402910e-01, v47;
	v31 =	vmul.f32 v49, v49  }
0x2fc: {  	v50 =	vadd.f32 v3, v14;
	v14 =	vmul.f32 $1.442695020e+00, v28;
	v28 =	vadd.f32 $0.0e+00, v48;
	v3 =	vpop (erf)  }
0x2fd: {  	v9 =	vsub.f32 $9.999999400e-01, v9;
	v0 =	vmul.f32 v1, v49;
	v52 =	vmul.f32 v3, v3  }
0x2fe: {  	v2 =	vadd.f32 v46, v46;
	(erf) = vpow2.f32 v14;
	v14 =	vsub.f32 v28, v26  }
0x2ff: {  	v0 =	vadd.f32 v0, v9;
	v1 =	vmul.f32 v50, v31;
	v26 =	vmul.f32 $5.021064080e-03, v52  }
0x300: {  	v53 =	vsub.f32 $3.141592740e+00, v2;
	v31 =	vmul.f32 $5.000000000e-01, v14;
	v55 =	vmul.f32 $1.404782090e-01, v52  }
0x301: {  	v63 =	vld [tilespmem:$0x1FF70];
	v14 =	vmul.f32 v52, v52;
	v28 =	vmul.f32 $6.087448080e-02, v52;
	v26 =	vsub.f32 $2.533170020e-02, v26  }
0x302: {  	v49 =	vadd.f32 $0.0e+00, v54;
	v0 =	vadd.f32 v1, v0;
	v57 =	vand.u32 $0x7FFFFFFF, v31  }
0x303: {  	v1 =	vsub.f32 $1.997402910e-01, v55;
	v28 =	vsub.f32 $1.000220550e-01, v28;
	v26 =	vmul.f32 v26, v14  }
0x304: {  	v9 =	vmul.f32 $3.333223160e-01, v52;
	v0 =	vmul.f32 v0, v40;
	v32 =	vsub.f32 $0.0e+00, v57  }
0x305: {  	v61 =	vmul.f32 v14, v14;
	v1 =	vmul.f32 v1, v14;
	v14 =	vadd.f32 v26, v28  }
0x306: {  	v9 =	vsub.f32 $9.999999400e-01, v9;
	v26 =	vmul.f32 $1.442695020e+00, v32;
	v32 =	vsub.f32 v62, v63  }
0x307: {  	v2 =	vsel vm2, v2, v53;
	v0 =	vadd.f32 v0, v0;
	v11 =	vpop (erf);
	v37 =	vmul.f32 v14, v61  }
0x308: {  	v1 =	vadd.f32 v1, v9;
	v14 =	vmul.f32 v11, v11;
	v10 =	vmul.f32 $5.000000000e-01, v32  }
0x309: {  	vm2 =	vle.f32 v8, $0.0e+00;
	v42 =	vsub.f32 $3.141592740e+00, v0;
	(erf) = vpow2.f32 v26  }
0x30a: {  	v1 =	vadd.f32 v37, v1;
	v8 =	vmul.f32 $5.021064080e-03, v14;
	v43 =	vand.u32 $0x7FFFFFFF, v10  }
0x30b: {  	v28 =	vmul.f32 $1.404782090e-01, v14;
	v46 =	vmul.f32 $6.087448080e-02, v14;
	v9 =	vsub.f32 $0.0e+00, v43  }
0x30c: {  	v1 =	vmul.f32 v1, v3;
	v3 =	vmul.f32 v14, v14;
	v8 =	vsub.f32 $2.533170020e-02, v8  }
0x30d: {  	v26 =	vnsel vm1, $0x0, v2;
	v47 =	vmul.f32 $3.333223160e-01, v14;
	v14 =	vsub.f32 $1.997402910e-01, v28  }
0x30e: {  	v32 =	vsub.f32 $1.000220550e-01, v46;
	v9 =	vmul.f32 $1.442695020e+00, v9;
	v8 =	vmul.f32 v8, v3  }
0x30f: {  	v2 =	vsub.f32 $9.999999400e-01, v47;
	v48 =	vmul.f32 v3, v3;
	v3 =	vmul.f32 v14, v3  }
0x310: {  	v21 =	vmul.f32 $5.000000000e-01, v21;
	v1 =	vadd.f32 v1, v1;
	v8 =	vadd.f32 v8, v32  }
0x311: {  	(erf) = vpow2.f32 v9;
	v2 =	vadd.f32 v3, v2;
	v3 =	vadd.f32 v24, v25  }
0x312: {  	v0 =	vsel vm2, v0, v42;
	v25 =	vsub.f32 v49, v63;
	v49 =	vsub.f32 $3.141592740e+00, v1;
	v9 =	vpop (erf)  }
0x313: {  	vm2 =	vle.f32 v27, $0.0e+00;
	v28 =	vnsel vm1, $0x0, v0;
	v14 =	vmul.f32 v9, v9  }
0x314: {  	v0 =	vmul.f32 v8, v48;
	v3 =	vadd.f32 $0.0e+00, v3;
	v1 =	vsel vm2, v1, v49  }
0x315: {  	vm2 =	vle.f32 v29, $0.0e+00;
	v1 =	vnsel vm1, $0x0, v1;
	v8 =	vmul.f32 v14, v14  }
0x316: {  	v24 =	vmul.f32 $1.404782090e-01, v14;
	v0 =	vadd.f32 v0, v2;
	v50 =	vmul.f32 $3.333223160e-01, v14  }
0x317: {  	v3 =	vsub.f32 v3, v63;
	v54 =	vmul.f32 $6.087448080e-02, v14;
	v1 =	vmul.f32 $5.000000000e-01, v1  }
0x318: {  	v53 =	vsub.f32 $1.997402910e-01, v24;
	v24 =	vmul.f32 $5.000000000e-01, v25;
	v25 =	vmul.f32 $5.021064080e-03, v14  }
0x319: {  	v52 =	vmul.f32 v8, v8;
	v2 =	vsub.f32 $9.999999400e-01, v50;
	v0 =	vmul.f32 v0, v11  }
0x31a: {  	v33 =	vmul.f32 v53, v8;
	v14 =	vand.u32 $0x7FFFFFFF, v24;
	v25 =	vsub.f32 $2.533170020e-02, v25;
	v55 =	vpop (erf)  }
0x31b: {  	v0 =	vadd.f32 v0, v0;
	v56 =	vsub.f32 $0.0e+00, v14;
	v57 =	vmul.f32 v55, v55  }
0x31c: {  	v14 =	vmul.f32 $5.000000000e-01, v3;
	v3 =	vsub.f32 $1.000220550e-01, v54;
	v8 =	vmul.f32 v25, v8  }
0x31d: {  	v2 =	vadd.f32 v33, v2;
	v25 =	vmul.f32 $1.442695020e+00, v56;
	v62 =	vmul.f32 v57, v57  }
0x31e: {  	v61 =	vand.u32 $0x7FFFFFFF, v14;
	v63 =	vmul.f32 $5.021064080e-03, v57;
	v46 =	vmul.f32 $3.333223160e-01, v57  }
0x31f: {  	v37 =	vsub.f32 $0.0e+00, v61;
	v3 =	vadd.f32 v8, v3;
	(erf) = vpow2.f32 v25  }
0x320: {  	v8 =	vmul.f32 $1.404782090e-01, v57;
	v25 =	vmul.f32 $6.087448080e-02, v57;
	v43 =	vsub.f32 $2.533170020e-02, v63  }
0x321: {  	v50 =	vsub.f32 $3.141592740e+00, v0;
	v37 =	vmul.f32 $1.442695020e+00, v37;
	v3 =	vmul.f32 v3, v52  }
0x322: {  	v8 =	vsub.f32 $1.997402910e-01, v8;
	v25 =	vsub.f32 $1.000220550e-01, v25;
	v47 =	vmul.f32 v43, v62  }
0x323: {  	v48 =	vsub.f32 $9.999999400e-01, v46;
	(erf) = vpow2.f32 v37;
	v2 =	vadd.f32 v3, v2  }
0x324: {  	v3 =	vmul.f32 v62, v62;
	v8 =	vmul.f32 v8, v62;
	v25 =	vadd.f32 v47, v25  }
0x325: {  	v1 =	vadd.f32 v1, v1;
	v0 =	vsel vm2, v0, v50;
	v2 =	vmul.f32 v2, v9  }
0x326: {  	vm2 =	vle.f32 v31, $0.0e+00;
	v8 =	vadd.f32 v8, v48;
	v3 =	vmul.f32 v25, v3  }
0x327: {  	v0 =	vnsel vm1, $0x0, v0;
	v46 =	vadd.f32 v21, v21;
	v2 =	vadd.f32 v2, v2  }
0x328: {  	v0 =	vmul.f32 $5.000000000e-01, v0;
	v47 =	vmul.f32 $5.000000000e-01, v41;
	v3 =	vadd.f32 v3, v8;
	v52 =	vpop (erf)  }
0x329: {  	v48 =	vmul.f32 $5.000000000e-01, v17;
	v8 =	vsub.f32 $3.141592740e+00, v2;
	v53 =	vmul.f32 v52, v52  }
0x32a: {  	v0 =	vadd.f32 v0, v0;
	v17 =	vmul.f32 $5.000000000e-01, v28;
	v3 =	vmul.f32 v3, v55  }
0x32b: {  	v2 =	vsel vm2, v2, v8;
	v8 =	vmul.f32 v53, v53;
	v25 =	vmul.f32 $3.333223160e-01, v53  }
0x32c: {  	vm2 =	vle.f32 v10, $0.0e+00;
	v29 =	vmul.f32 $1.404782090e-01, v53;
	v55 =	vmul.f32 $5.021064080e-03, v53  }
0x32d: {  	v27 =	vpop (erf);
	v2 =	vnsel vm1, $0x0, v2;
	v9 =	vmul.f32 $6.087448080e-02, v53;
	v53 =	vmul.f32 $5.000000000e-01, v18  }
0x32e: {  	v3 =	vadd.f32 v3, v3;
	v31 =	vmul.f32 v27, v27;
	v2 =	vmul.f32 $5.000000000e-01, v2  }
0x32f: {  	v54 =	vmul.f32 v8, v8;
	v25 =	vsub.f32 $9.999999400e-01, v25;
	v29 =	vsub.f32 $1.997402910e-01, v29  }
0x330: {  	v33 =	vsub.f32 $2.533170020e-02, v55;
	v9 =	vsub.f32 $1.000220550e-01, v9;
	v56 =	vmul.f32 $5.021064080e-03, v31  }
0x331: {  	v32 =	vsub.f32 $3.141592740e+00, v3;
	v57 =	vmul.f32 v31, v31;
	v61 =	vmul.f32 $1.404782090e-01, v31  }
0x332: {  	v62 =	vmul.f32 $6.087448080e-02, v31;
	v31 =	vmul.f32 $3.333223160e-01, v31;
	v2 =	vadd.f32 v2, v2  }
0x333: {  	v33 =	vmul.f32 v33, v8;
	v8 =	vmul.f32 v29, v8;
	v3 =	vsel vm2, v3, v32  }
0x334: {  	vm2 =	vle.f32 v24, $0.0e+00;
	v24 =	vmul.f32 $1.442695020e+00, v1;
	v37 =	vsub.f32 $2.533170020e-02, v56  }
0x335: {  	v42 =	vsub.f32 $1.997402910e-01, v61;
	v43 =	vsub.f32 $1.000220550e-01, v62;
	v29 =	vmul.f32 v57, v57  }
0x336: {  	v3 =	vnsel vm1, $0x0, v3;
	v18 =	vmul.f32 $1.442695020e+00, v2;
	v56 =	vmul.f32 $5.000000000e-01, v34  }
0x337: {  	v31 =	vsub.f32 $9.999999400e-01, v31;
	v61 =	vmul.f32 $5.000000000e-01, v13;
	v3 =	vmul.f32 $5.000000000e-01, v3  }
0x338: {  	v9 =	vadd.f32 v33, v9;
	v37 =	vmul.f32 v37, v57;
	v63 =	vmul.f32 v42, v57  }
0x339: {  	v8 =	vadd.f32 v8, v25;
	v42 =	vmul.f32 $5.000000000e-01, v22;
	v22 =	vmul.f32 $5.000000000e-01, v36  }
0x33a: {  	v57 =	vmul.f32 $5.000000000e-01, v16;
	v2 =	vadd.f32 v56, v56;
	v62 =	vadd.f32 v61, v61  }
0x33b: {  	v9 =	vmul.f32 v9, v54;
	v3 =	vadd.f32 v3, v3;
	v37 =	vadd.f32 v37, v43  }
0x33c: {  	v25 =	vadd.f32 v63, v31;
	v43 =	vmul.f32 $5.000000000e-01, v23;
	v10 =	vadd.f32 v42, v42  }
0x33d: {  	v22 =	vadd.f32 v22, v22;
	v23 =	vmul.f32 $1.442695020e+00, v2;
	v16 =	vmul.f32 $1.442695020e+00, v62  }
0x33e: {  	v8 =	vadd.f32 v9, v8;
	v29 =	vmul.f32 v37, v29;
	v37 =	vmul.f32 $5.000000000e-01, v12  }
0x33f: {  	v12 =	vmul.f32 $5.000000000e-01, v15;
	v11 =	vadd.f32 v43, v43;
	v43 =	vmul.f32 $1.442695020e+00, v10  }
0x340: {  	v10 =	vadd.f32 v47, v47;
	v8 =	vmul.f32 v8, v52;
	v15 =	vadd.f32 v29, v25  }
0x341: {  	v25 =	vmul.f32 $5.000000000e-01, v30;
	v29 =	vmul.f32 $5.000000000e-01, v44;
	v9 =	vadd.f32 v37, v37  }
0x342: {  	v40 =	vadd.f32 v12, v12;
	v42 =	vmul.f32 $1.442695020e+00, v11;
	v37 =	vmul.f32 $1.442695020e+00, v20  }
0x343: {  	v44 =	vadd.f32 v19, v19;
	v30 =	vmul.f32 $1.442695020e+00, v22;
	v19 =	vmul.f32 $5.000000000e-01, v39  }
0x344: {  	v11 =	vadd.f32 v48, v48;
	v20 =	vmul.f32 $5.000000000e-01, v35;
	v35 =	vmul.f32 $1.442695020e+00, v10  }
0x345: {  	v8 =	vadd.f32 v8, v8;
	v12 =	vmul.f32 v15, v27;
	v15 =	vadd.f32 v25, v25  }
0x346: {  	v25 =	vadd.f32 v29, v29;
	v9 =	vmul.f32 $1.442695020e+00, v9;
	v40 =	vmul.f32 $1.442695020e+00, v40  }
0x347: {  	v29 =	vmul.f32 $1.442695020e+00, v44;
	v31 =	vmul.f32 $1.442695020e+00, v11;
	v50 =	vadd.f32 v19, v19  }
0x348: {  	v11 =	vadd.f32 v53, v53;
	v33 =	vmul.f32 $1.442695020e+00, v15;
	v15 =	vsub.f32 $3.141592740e+00, v8  }
0x349: {  	v27 =	vmul.f32 $1.442695020e+00, v25;
	v25 =	vmul.f32 $1.442695020e+00, v46;
	v52 =	vadd.f32 v12, v12  }
0x34a: {  	v12 =	vmul.f32 $5.000000000e-01, v38;
	v8 =	vsel vm2, v8, v15;
	v15 =	vmul.f32 $5.000000000e-01, v26  }
0x34b: {  	v22 =	vmul.f32 $1.442695020e+00, v50;
	vm2 =	vle.f32 v14, $0.0e+00;
	v14 =	vsub.f32 $3.141592740e+00, v52  }
0x34c: {  	v36 =	vmul.f32 $1.442695020e+00, v11;
	v12 =	vadd.f32 v12, v12;
	v49 =	vadd.f32 v15, v15  }
0x34d: {  	v8 =	vnsel vm1, $0x0, v8;
	v15 =	vadd.f32 v17, v17;
	v17 =	vadd.f32 v20, v20  }
0x34e: {  	v28 =	vmul.f32 $1.442695020e+00, v12;
	v20 =	vmul.f32 $1.442695020e+00, v0;
	v55 =	vsel vm2, v52, v14  }
0x34f: {  	v8 =	vmul.f32 $5.000000000e-01, v8;
	v1 =	vnsel vm1, $0x0, v55;
	v26 =	vmul.f32 $1.442695020e+00, v15  }
.Ltmp5:
0x350: {  	v0 =	vadd.f32 v57, v57;
	v15 =	vmul.f32 $5.000000000e-01, v45;
	v1 =	vmul.f32 $5.000000000e-01, v1;
	(pc) =	sbr.rel .LBB2_7-.Ltmp5, $4  }
0x351: {  	v32 =	vmul.f32 $1.442695020e+00, v49;
	v19 =	vmul.f32 $1.442695020e+00, v17;
	v63 =	vadd.f32 v8, v8  }
0x352: {  	v21 =	vmul.f32 $1.442695020e+00, v0;
	v54 =	vadd.f32 v15, v15;
	v1 =	vadd.f32 v1, v1  }
0x353: {  	v15 =	vmul.f32 $1.442695020e+00, v3;
	v14 =	vmul.f32 $1.442695020e+00, v63  }
0x354: {  	v13 =	vmov v9;
	v17 =	vmul.f32 $1.442695020e+00, v54;
	v12 =	vmul.f32 $1.442695020e+00, v1  }
.LBB2_8:
0x355: {  	_ =	sfence.sel $0x180000  }
0x356: {  	[bflag:$0x0] =	sbarrier.arrive $0xFFFF  }
0x357: {  	p0 =	sne.s32 s0, $0x0;
	_ =	strace $0x90000047  }
0x358: {  	s0 =	sadd.s32 @!p0 $0x100000, s1;
	[bflag:$0x2] =	sbarrier.arrive $0xFFFF  }
0x359: {  	[sflag:s0] =	ssyncadd.tile.s32 @!p0 $0x1;
	_ =	shalt  }
.Lfunc_end2:
_tile_overlayer_lowered:
.L_overlay_start_2:
0x35a: {  	(tag) =	ssettag $0x2  }
0x35b: {  	s0 =	rddreg [dreg:$0x0];
	s2 =	stileid.u32  }
0x35c: {  	s1 =	rddreg [dreg:$0x1];
	p0 =	sne.s32 s2, $0x0  }
0x35d: {  	s3 =	rddreg [dreg:$0x2];
	[bflag:$0x3] =	sbarrier.arrive $0xFFFF;
	s2 =	simm.s32 @!p0 $0x1C01  }
0x35e: {  	[timem:s3], [sflag:s2] =	dma.local @!p0 [hbm:s0], s1  }
0x35f: {  	s0 =	simm.s32 @!p0 $0x1  }
0x360: {  	_ =	swait.ge @!p0 [sflag:s0], s1  }
0x361: {  	s1 =	ssub.s32 @!p0 $0x0, s1;
	[sflag:s0] =	ssyncset.done @!p0 $0x0  }
0x362: {  	[sflag:s0] =	ssyncadd.s32 @!p0 s1  }
0x363: {  	[bflag:$0x3] =	sbarrier.arrive $0xFFFF  }
0x364: {  	_ =	shalt  }

</sc_bundles>
